<compile_context>
chip_gen: v7x
topology: tpu7x:2x2x1
jax: 0.10.2.dev20260603
libtpu: 0.0.44.dev20260713+nightly
codegen_flags: <defaults>
</compile_context>

<pallas_src>
import functools

import jax
import jax.numpy as jnp
from jax import lax
from jax.experimental import pallas as pl
from jax.experimental.pallas import tpu as pltpu
from jax.experimental.pallas import tpu_sc as plsc

CNT_E = 50000
CNT_R = 256
DIM = 512
MAX_NEIGHBOR = 16
NUM_NEG = 2
B = 1024
MARGIN = 1.0

NW = 32
N_ENC = 3 * B * 2
N_T2 = 9 * B
N_R1 = 3 * B
ENC_PER = N_ENC // NW
T2_PER = N_T2 // NW
R1_PER = N_R1 // NW
CH_A = 48
GE = 4
ACC_N = 48
GW = ACC_N // GE
NWIN = ENC_PER // ACC_N


def _sc_rows_body(ids_t2, ids_r1, e_emb, r_emb, rows_t2_o, rows_r1_o,
                  idx0, idx1, row0, row1, sem0, sem1):
    wid = lax.axis_index("s") * 2 + lax.axis_index("c")
    idxb = (idx0, idx1)
    rowb = (row0, row1)
    semb = (sem0, sem1)
    t2_base = wid * T2_PER
    r1_base = wid * R1_PER
    chunks = []
    for c in range(T2_PER // CH_A):
        chunks.append((ids_t2, e_emb, rows_t2_o, t2_base + c * CH_A))
    for c in range(R1_PER // CH_A):
        chunks.append((ids_r1, r_emb, rows_r1_o, r1_base + c * CH_A))
    descs = []
    for c, (src_ids, table, dst, base) in enumerate(chunks):
        p = c & 1
        pltpu.sync_copy(src_ids.at[pl.ds(base, CH_A)], idxb[p])
        descs.append(pltpu.async_copy(table.at[idxb[p]], rowb[p], semb[p]))
        if c > 0:
            descs[c - 1].wait()
            _, _, pdst, pbase = chunks[c - 1]
            pltpu.sync_copy(rowb[1 - p], pdst.at[pl.ds(pbase, CH_A)])
    descs[-1].wait()
    _, _, pdst, pbase = chunks[-1]
    pltpu.sync_copy(rowb[(len(chunks) - 1) & 1], pdst.at[pl.ds(pbase, CH_A)])


def _sc_rows(ids_t2, ids_r1, e_emb, r_emb):
    mesh = plsc.VectorSubcoreMesh(core_axis_name="c", subcore_axis_name="s")
    f = pl.kernel(
        _sc_rows_body,
        out_type=(
            jax.ShapeDtypeStruct((N_T2, DIM), jnp.float32),
            jax.ShapeDtypeStruct((N_R1, DIM), jnp.float32),
        ),
        mesh=mesh,
        scratch_types=[
            pltpu.VMEM((CH_A,), jnp.int32),
            pltpu.VMEM((CH_A,), jnp.int32),
            pltpu.VMEM((CH_A, DIM), jnp.float32),
            pltpu.VMEM((CH_A, DIM), jnp.float32),
            pltpu.SemaphoreType.DMA,
            pltpu.SemaphoreType.DMA,
        ],
    )
    return f(ids_t2, ids_r1, e_emb, r_emb)


def _sc_enc_body(ids_enc, e_emb, nei_pack,
                 e_sum_o, rids_o,
                 idx0, idx1, row0, row1, acc_v, prow_v, rids_v, pidx_v,
                 sem0, sem1):
    wid = lax.axis_index("s") * 2 + lax.axis_index("c")
    idxb = (idx0, idx1)
    rowb = (row0, row1)
    semb = (sem0, sem1)
    enc_base = wid * ENC_PER


    def reduce_group(buf, g2):
        for k in range(GE):
            slot = g2 * GE + k

            def col_body(c, cc, k=k, slot=slot):
                vals = [buf[k * 16 + r, pl.ds(c * 16, 16)] for r in range(16)]
                while len(vals) > 1:
                    vals = [vals[i] + vals[i + 1]
                            for i in range(0, len(vals), 2)]
                acc_v[slot, pl.ds(c * 16, 16)] = vals[0]
                return cc

            lax.fori_loop(0, DIM // 16, col_body, 0)

    def start_group(w, g2, p):
        for k in range(GE):
            e = g2 * GE + k
            idxb[p][pl.ds(k * 16, 16)] = prow_v[e, pl.ds(0, 16)]
        return pltpu.async_copy(e_emb.at[idxb[p]], rowb[p], semb[p])

    def win_body(w, carry):
        base = enc_base + w * ACC_N
        pltpu.sync_copy(ids_enc.at[pl.ds(base, ACC_N)], pidx_v)
        pltpu.async_copy(nei_pack.at[pidx_v], prow_v, sem0).wait()

        def rid_body(e, c):
            rids_v[e] = prow_v[e, pl.ds(16, 16)]
            return c

        lax.fori_loop(0, ACC_N, rid_body, 0)
        pltpu.sync_copy(rids_v, rids_o.at[pl.ds(base, ACC_N)])

        d0 = start_group(w, 0, 0)
        d1 = start_group(w, 1, 1)

        def pair_body(j, cc):
            d0.wait()
            reduce_group(rowb[0], 2 * j)
            start_group(w, 2 * j + 2, 0)
            d1.wait()
            reduce_group(rowb[1], 2 * j + 1)
            start_group(w, 2 * j + 3, 1)
            return cc

        lax.fori_loop(0, GW // 2 - 1, pair_body, 0)
        d0.wait()
        reduce_group(rowb[0], GW - 2)
        d1.wait()
        reduce_group(rowb[1], GW - 1)
        pltpu.sync_copy(acc_v, e_sum_o.at[pl.ds(base, ACC_N)])
        return carry

    lax.fori_loop(0, NWIN, win_body, 0)


def _sc_enc(ids_enc, e_emb, nei_pack):
    mesh = plsc.VectorSubcoreMesh(core_axis_name="c", subcore_axis_name="s")
    f = pl.kernel(
        _sc_enc_body,
        out_type=(
            jax.ShapeDtypeStruct((N_ENC, DIM), jnp.float32),
            jax.ShapeDtypeStruct((N_ENC, MAX_NEIGHBOR), jnp.int32),
        ),
        mesh=mesh,
        scratch_types=[
            pltpu.VMEM((GE * 16,), jnp.int32),
            pltpu.VMEM((GE * 16,), jnp.int32),
            pltpu.VMEM((GE * 16, DIM), jnp.float32),
            pltpu.VMEM((GE * 16, DIM), jnp.float32),
            pltpu.VMEM((ACC_N, DIM), jnp.float32),
            pltpu.VMEM((ACC_N, 128), jnp.int32),
            pltpu.VMEM((ACC_N, MAX_NEIGHBOR), jnp.int32),
            pltpu.VMEM((ACC_N,), jnp.int32),
            pltpu.SemaphoreType.DMA,
            pltpu.SemaphoreType.DMA,
        ],
    )
    return f(ids_enc, e_emb, nei_pack)



_ABLK = 512


def _enc_body(es_ref, rid_ref, er_ref, w_ref, b_ref, o_ref):
    rids = rid_ref[...]
    iot = lax.broadcasted_iota(jnp.int32, (_ABLK, CNT_R), 1)
    cnt = jnp.zeros((_ABLK, CNT_R), jnp.float32)
    for j in range(MAX_NEIGHBOR):
        cnt = cnt + (rids[:, j:j + 1] == iot).astype(jnp.float32)
    enc = jnp.dot(cnt, er_ref[...], preferred_element_type=jnp.float32)
    agg = (es_ref[...] + enc) * (1.0 / MAX_NEIGHBOR)
    z = jnp.tanh(jnp.dot(agg, w_ref[...], preferred_element_type=jnp.float32)
                 + b_ref[...])
    n = jnp.sqrt(jnp.sum(z * z, axis=1, keepdims=True))
    o_ref[...] = z / jnp.maximum(n, 1e-12)


def _enc_tc(e_sum, rids, enc_r_emb, w_enc, b_enc):
    grid = (N_ENC // _ABLK,)
    return pl.pallas_call(
        _enc_body,
        grid=grid,
        in_specs=[
            pl.BlockSpec((_ABLK, DIM), lambda i: (i, 0)),
            pl.BlockSpec((_ABLK, MAX_NEIGHBOR), lambda i: (i, 0)),
            pl.BlockSpec((CNT_R, DIM), lambda i: (0, 0)),
            pl.BlockSpec((DIM, DIM), lambda i: (0, 0)),
            pl.BlockSpec((1, DIM), lambda i: (0, 0)),
        ],
        out_specs=pl.BlockSpec((_ABLK, DIM), lambda i: (i, 0)),
        out_shape=jax.ShapeDtypeStruct((N_ENC, DIM), jnp.float32),
    )(e_sum, rids, enc_r_emb, w_enc, b_enc)



_BBLK = 256


def _nrm(x):
    n = jnp.sqrt(jnp.sum(x * x, axis=1, keepdims=True))
    return x / jnp.maximum(n, 1e-12)


def _score(h, r, t):
    return -jnp.sum(jnp.abs(h + r - t), axis=1)


def _loss_body(eh, et, ehn0, ehn1, etn0, etn1,
               rp, rn0, rn1,
               h2, r2, t2, hn20, hn21, rn20, rn21, tn20, tn21,
               o_ref):
    pos1 = _score(eh[...], _nrm(rp[...]), et[...])
    neg1 = (_score(ehn0[...], _nrm(rn0[...]), etn0[...])
            + _score(ehn1[...], _nrm(rn1[...]), etn1[...]))
    l1 = jnp.sum(jnp.maximum(neg1 - pos1 + MARGIN, 0.0))
    pos2 = _score(_nrm(h2[...]), _nrm(r2[...]), _nrm(t2[...]))
    neg2 = (_score(_nrm(hn20[...]), _nrm(rn20[...]), _nrm(tn20[...]))
            + _score(_nrm(hn21[...]), _nrm(rn21[...]), _nrm(tn21[...])))
    l2 = jnp.sum(jnp.maximum(neg2 - pos2 + MARGIN, 0.0))

    @pl.when(pl.program_id(0) == 0)
    def _():
        o_ref[...] = jnp.zeros_like(o_ref)

    o_ref[...] += (l1 + l2)[None, None]


def _loss_tc(enc_out, rows_r1, rows_t2):
    grid = (B // _BBLK,)
    nb = B // _BBLK

    def spec(off):
        return pl.BlockSpec((_BBLK, DIM), lambda i, off=off: (off * nb + i, 0))

    in_specs = ([spec(m) for m in range(6)]
                + [spec(m) for m in range(3)]
                + [spec(m) for m in range(9)])
    args = [enc_out] * 6 + [rows_r1] * 3 + [rows_t2] * 9
    return pl.pallas_call(
        _loss_body,
        grid=grid,
        in_specs=in_specs,
        out_specs=pl.BlockSpec((1, 1), lambda i: (0, 0)),
        out_shape=jax.ShapeDtypeStruct((1, 1), jnp.float32),
    )(*args)


def kernel(hp, rp, tp, hn, rn, tn, e_emb, r_emb, enc_r_emb, W_enc, b_enc,
           train_g, train_w, corr):
    del train_w, corr
    i32 = jnp.int32
    hp = hp.astype(i32); rp = rp.astype(i32); tp = tp.astype(i32)
    hn = hn.astype(i32); rn = rn.astype(i32); tn = tn.astype(i32)
    hn0, hn1 = hn[0::2], hn[1::2]
    rn0, rn1 = rn[0::2], rn[1::2]
    tn0, tn1 = tn[0::2], tn[1::2]

    ids_enc = jnp.concatenate([hp, tp, hn0, hn1, tn0, tn1])
    ids_t2 = jnp.concatenate([hp, rp, tp, hn0, hn1, rn0, rn1, tn0, tn1])
    ids_r1 = jnp.concatenate([rp, rn0, rn1])

    tg = train_g.astype(i32)
    nei_pack = jnp.pad(
        jnp.concatenate([tg[:, :, 1], tg[:, :, 0]], axis=1),
        ((0, 0), (0, 128 - 2 * MAX_NEIGHBOR)))
    e_sum, rids = _sc_enc(ids_enc, e_emb, nei_pack)
    rows_t2, rows_r1 = _sc_rows(ids_t2, ids_r1, e_emb, r_emb)

    enc_out = _enc_tc(e_sum, rids, enc_r_emb, W_enc,
                      b_enc.reshape(1, DIM))

    out = _loss_tc(enc_out, rows_r1, rows_t2)
    return out[0, 0]

# --- scband reference (transcript-rebuilt; emitter-appended) ---
"""Pipeline reference for scband-framework-32693291057819 (READ-ONLY COPY).

The authoritative reference and input builder live on the scoring server;
editing this copy changes nothing except your own understanding.
"""

import jax, jax.numpy as jnp
import numpy as np

CNT_E = 50000
CNT_R = 256
DIM = 512
MAX_NEIGHBOR = 16
NUM_NEG = 2
B = 1024
MARGIN = 1.0


def setup_inputs(seed: int = 0):
    key = jax.random.key(seed)
    ks = jax.random.split(key, 14)
    hp = jax.random.randint(ks[0], (B,), 0, CNT_E)
    rp = jax.random.randint(ks[1], (B,), 0, CNT_R)
    tp = jax.random.randint(ks[2], (B,), 0, CNT_E)
    hn = jax.random.randint(ks[3], (B * NUM_NEG,), 0, CNT_E)
    rn = jax.random.randint(ks[4], (B * NUM_NEG,), 0, CNT_R)
    tn = jax.random.randint(ks[5], (B * NUM_NEG,), 0, CNT_E)
    e_emb = jax.random.normal(ks[6], (CNT_E + 1, DIM), jnp.float32) * 0.02
    r_emb = jax.random.normal(ks[7], (CNT_R, DIM), jnp.float32) * 0.02
    enc_r_emb = jax.random.normal(ks[8], (CNT_R, DIM), jnp.float32) * 0.02
    W_enc = jax.random.normal(ks[9], (DIM, DIM), jnp.float32) * (1.0 / np.sqrt(DIM))
    b_enc = jnp.zeros((DIM,), jnp.float32)
    nei_rid = jax.random.randint(ks[10], (CNT_E, MAX_NEIGHBOR), 0, CNT_R)
    nei_eid = jax.random.randint(ks[11], (CNT_E, MAX_NEIGHBOR), 0, CNT_E)
    train_g = jnp.stack([nei_rid, nei_eid], axis=-1)
    train_w = jax.random.uniform(ks[12], (CNT_E, MAX_NEIGHBOR), jnp.float32, 0.0, 10.0)
    corr = jax.random.uniform(ks[13], (2 * CNT_R, CNT_R), jnp.float32)
    return {"hp": hp, "rp": rp, "tp": tp, "hn": hn, "rn": rn, "tn": tn,
            "e_emb": e_emb, "r_emb": r_emb, "enc_r_emb": enc_r_emb,
            "W_enc": W_enc, "b_enc": b_enc, "train_g": train_g,
            "train_w": train_w, "corr": corr}


def _normalize(x):
    n = jnp.sqrt(jnp.sum(x * x, axis=1, keepdims=True))
    return x / jnp.maximum(n, 1e-12)


def _get_score(h, r, t):
    return -jnp.sum(jnp.abs(_normalize(h) + _normalize(r) - _normalize(t)), axis=1)


def reference(hp, rp, tp, hn, rn, tn, e_emb, r_emb, enc_r_emb, W_enc, b_enc, train_g, train_w, corr):
    def encoder_eout(e_id, q_rid):
        nei = train_g[e_id]
        nei_rid = nei[:, :, 0]
        nei_eid = nei[:, :, 1]
        nei_e = e_emb[nei_eid]
        denom = train_w[e_id]
        q = jnp.tile(q_rid[:, None], (1, MAX_NEIGHBOR))
        numer = corr[q, nei_rid]
        rw = numer / (denom + 1.0)  # computed in original encoder_eout; only consumed by attention encoder
        msg = nei_e + enc_r_emb[nei_rid]
        agg = jnp.mean(msg, axis=1)
        return jnp.tanh(agg @ W_enc + b_enc)

    def task1_score(h, r, t):
        h_out = encoder_eout(h, r)
        t_out = encoder_eout(t, r + CNT_R)
        return _get_score(h_out, r_emb[r], t_out)

    pos1 = task1_score(hp, rp, tp)
    neg1 = task1_score(hn, rn, tn).reshape(-1, NUM_NEG).sum(axis=-1)
    loss1 = jnp.sum(jnp.maximum(neg1 - pos1 + MARGIN, 0.0))

    def task2_score(h, r, t):
        return _get_score(e_emb[h], e_emb[r], e_emb[t])

    pos2 = task2_score(hp, rp, tp)
    neg2 = task2_score(hn, rn, tn).reshape(-1, NUM_NEG).sum(axis=-1)
    loss2 = jnp.sum(jnp.maximum(neg2 - pos2 + MARGIN, 0.0))
    return loss1 + loss2

if __name__ == "__main__":
    import jax
    _d = setup_inputs()
    print(jax.jit(kernel)(*tuple(_d.values())))

</pallas_src>

<mosaic_0001>
#map = affine_map<(d0, d1) -> (0)>
#map1 = affine_map<(d0, d1) -> (0, 0)>
module attributes {stable_mosaic.version = 14 : i64} {
  func.func @_sc_enc_body(%arg0: i32, %arg1: i32, %arg2: memref<6144xi32, #tpu.memory_space<hbm>>, %arg3: memref<50001x512xf32, #tpu.memory_space<hbm>>, %arg4: memref<50000x128xi32, #tpu.memory_space<hbm>>, %arg5: memref<6144x512xf32, #tpu.memory_space<hbm>>, %arg6: memref<6144x16xi32, #tpu.memory_space<hbm>>, %arg7: memref<64xi32, #tpu.memory_space<vmem>>, %arg8: memref<64xi32, #tpu.memory_space<vmem>>, %arg9: memref<64x512xf32, #tpu.memory_space<vmem>>, %arg10: memref<64x512xf32, #tpu.memory_space<vmem>>, %arg11: memref<48x512xf32, #tpu.memory_space<vmem>>, %arg12: memref<48x128xi32, #tpu.memory_space<vmem>>, %arg13: memref<48x16xi32, #tpu.memory_space<vmem>>, %arg14: memref<48xi32, #tpu.memory_space<vmem>>, %arg15: memref<!tpu.dma_semaphore, #tpu.memory_space<semaphore_mem>>, %arg16: memref<!tpu.dma_semaphore, #tpu.memory_space<semaphore_mem>>) attributes {dimension_semantics = [#tpu.dimension_semantics<core_parallel>, #tpu.dimension_semantics<subcore_parallel>], iteration_bounds = array<i64: 2, 16>, scalar_prefetch = 0 : i64, scratch_operands = 10 : i64, tpu.core_type = #tpu.core_type<sc_vector_subcore>, window_params = [{transform_indices = #map}, {transform_indices = #map1}, {transform_indices = #map1}, {transform_indices = #map1}, {transform_indices = #map1}]} {
    %mul3A = arith.constant 2 : i32
    %mul3A_0 = arith.muli %arg1, %mul3A : i32
    %add3A = arith.addi %mul3A_0, %arg0 : i32
    %mul3A_1 = arith.constant 192 : i32
    %mul3A_2 = arith.muli %add3A, %mul3A_1 : i32
    %scan3A = arith.constant 0 : i32
    %scan3A_3 = arith.constant 0 : i32
    %scan3A_4 = arith.constant 4 : i32
    %scan3A_5 = arith.addi %scan3A_3, %scan3A_4 : i32
    %scan3A_6 = arith.constant 1 : i32
    scf.for %scan3A_8 = %scan3A_3 to %scan3A_5 step %scan3A_6  : i32 {
      %mul3A_9 = arith.constant 48 : i32
      %mul3A_10 = arith.muli %scan3A_8, %mul3A_9 : i32
      %add3A_11 = arith.addi %mul3A_2, %mul3A_10 : i32
      "tpu.region"() ({
        %run_scoped3A = tpu.sem_alloc : memref<!tpu.dma_semaphore, #tpu.memory_space<semaphore_mem>>
        %dma_start3A_158 = tpu.memref_slice %arg2[%add3A_11] : memref<6144xi32, #tpu.memory_space<hbm>> -> memref<48xi32, #tpu.memory_space<hbm>>
        %dma_start3A_159 = tpu.memref_slice %arg2[%add3A_11] : memref<6144xi32, #tpu.memory_space<hbm>> -> memref<48xi32, #tpu.memory_space<hbm>>
        tpu.enqueue_dma source(%dma_start3A_159 : memref<48xi32, #tpu.memory_space<hbm>>) target(%arg14 : memref<48xi32, #tpu.memory_space<vmem>>) target_semaphore(%run_scoped3A : memref<!tpu.dma_semaphore, #tpu.memory_space<semaphore_mem>>)
        %dma_wait3A_160 = tpu.memref_slice %arg2[%add3A_11] : memref<6144xi32, #tpu.memory_space<hbm>> -> memref<48xi32, #tpu.memory_space<hbm>>
        %dma_wait3A_161 = tpu.memref_slice %arg2[%add3A_11] : memref<6144xi32, #tpu.memory_space<hbm>> -> memref<48xi32, #tpu.memory_space<hbm>>
        tpu.wait_dma2 semaphore(%run_scoped3A : memref<!tpu.dma_semaphore, #tpu.memory_space<semaphore_mem>>) src(%dma_wait3A_161 : memref<48xi32, #tpu.memory_space<hbm>>) dst(%arg14 : memref<48xi32, #tpu.memory_space<vmem>>)
        tpu.yield
      }) : () -> ()
      %dma_start3A = arith.constant 0 : i32
      %dma_start3A_12 = arith.constant 0 : i32
      %dma_start3A_13 = tpu.memref_slice %arg4[%dma_start3A, %dma_start3A_12] : memref<50000x128xi32, #tpu.memory_space<hbm>> -> memref<50000x128xi32, #tpu.memory_space<hbm>>
      tpu.enqueue_indirect_dma source(%dma_start3A_13 : memref<50000x128xi32, #tpu.memory_space<hbm>>) target(%arg12 : memref<48x128xi32, #tpu.memory_space<vmem>>) offsets(%arg14 : memref<48xi32, #tpu.memory_space<vmem>>) semaphore(%arg15 : memref<!tpu.dma_semaphore, #tpu.memory_space<semaphore_mem>>)
      %dma_wait3A = arith.constant 0 : i32
      %dma_wait3A_14 = arith.constant 0 : i32
      %dma_wait3A_15 = tpu.memref_slice %arg4[%dma_wait3A, %dma_wait3A_14] : memref<50000x128xi32, #tpu.memory_space<hbm>> -> memref<50000x128xi32, #tpu.memory_space<hbm>>
      tpu.wait_indirect_dma semaphore(%arg15 : memref<!tpu.dma_semaphore, #tpu.memory_space<semaphore_mem>>) src(%dma_wait3A_15 : memref<50000x128xi32, #tpu.memory_space<hbm>>) dst(%arg12 : memref<48x128xi32, #tpu.memory_space<vmem>>)
      %scan3A_16 = arith.constant 0 : i32
      %scan3A_17 = arith.constant 0 : i32
      %scan3A_18 = arith.constant 48 : i32
      %scan3A_19 = arith.addi %scan3A_17, %scan3A_18 : i32
      %scan3A_20 = arith.constant 1 : i32
      scf.for %scan3A_158 = %scan3A_17 to %scan3A_19 step %scan3A_20  : i32 {
        %get3A_159 = arith.index_cast %scan3A_158 : i32 to index
        %get3A_160 = arith.constant 16 : index
        %get3A_161 = tpu.vector_load %arg12[%get3A_159, %get3A_160] {strides = array<i32>} : memref<48x128xi32, #tpu.memory_space<vmem>>, vector<1x16xi32>,
        %get3A_162 = vector.shape_cast %get3A_161 : vector<1x16xi32> to vector<16xi32>
        %swap3A_163 = arith.index_cast %scan3A_158 : i32 to index
        %swap3A_164 = arith.constant 0 : index
        %swap3A_165 = tpu.vector_load %arg13[%swap3A_163, %swap3A_164] {strides = array<i32>} : memref<48x16xi32, #tpu.memory_space<vmem>>, vector<1x16xi32>,
        %swap3A_166 = vector.shape_cast %swap3A_165 : vector<1x16xi32> to vector<16xi32>
        %swap3A_167 = vector.shape_cast %get3A_162 : vector<16xi32> to vector<1x16xi32>
        tpu.vector_store %arg13[%swap3A_163, %swap3A_164], %swap3A_167 {strides = array<i32>} : memref<48x16xi32, #tpu.memory_space<vmem>>, vector<1x16xi32>,
      }
      %scan3A_21 = arith.constant 48 : i32
      "tpu.region"() ({
        %run_scoped3A = tpu.sem_alloc : memref<!tpu.dma_semaphore, #tpu.memory_space<semaphore_mem>>
        %dma_start3A_158 = arith.constant 0 : i32
        %dma_start3A_159 = tpu.memref_slice %arg6[%add3A_11, %dma_start3A_158] : memref<6144x16xi32, #tpu.memory_space<hbm>> -> memref<48x16xi32, #tpu.memory_space<hbm>>
        %dma_start3A_160 = arith.constant 0 : i32
        %dma_start3A_161 = tpu.memref_slice %arg6[%add3A_11, %dma_start3A_160] : memref<6144x16xi32, #tpu.memory_space<hbm>> -> memref<48x16xi32, #tpu.memory_space<hbm>>
        tpu.enqueue_dma source(%arg13 : memref<48x16xi32, #tpu.memory_space<vmem>>) target(%dma_start3A_161 : memref<48x16xi32, #tpu.memory_space<hbm>>) target_semaphore(%run_scoped3A : memref<!tpu.dma_semaphore, #tpu.memory_space<semaphore_mem>>)
        %dma_wait3A_162 = arith.constant 0 : i32
        %dma_wait3A_163 = tpu.memref_slice %arg6[%add3A_11, %dma_wait3A_162] : memref<6144x16xi32, #tpu.memory_space<hbm>> -> memref<48x16xi32, #tpu.memory_space<hbm>>
        %dma_wait3A_164 = arith.constant 0 : i32
        %dma_wait3A_165 = tpu.memref_slice %arg6[%add3A_11, %dma_wait3A_164] : memref<6144x16xi32, #tpu.memory_space<hbm>> -> memref<48x16xi32, #tpu.memory_space<hbm>>
        tpu.wait_dma2 semaphore(%run_scoped3A : memref<!tpu.dma_semaphore, #tpu.memory_space<semaphore_mem>>) src(%arg13 : memref<48x16xi32, #tpu.memory_space<vmem>>) dst(%dma_wait3A_165 : memref<48x16xi32, #tpu.memory_space<hbm>>)
        tpu.yield
      }) : () -> ()
      %get3A = arith.constant 0 : i32
      %get3A_22 = arith.index_cast %get3A : i32 to index
      %get3A_23 = arith.constant 0 : index
      %get3A_24 = tpu.vector_load %arg12[%get3A_22, %get3A_23] {strides = array<i32>} : memref<48x128xi32, #tpu.memory_space<vmem>>, vector<1x16xi32>,
      %get3A_25 = vector.shape_cast %get3A_24 : vector<1x16xi32> to vector<16xi32>
      %swap3A = arith.constant 0 : index
      %swap3A_26 = tpu.vector_load %arg7[%swap3A] {strides = array<i32>} : memref<64xi32, #tpu.memory_space<vmem>>, vector<16xi32>,
      %swap3A_27 = vector.shape_cast %swap3A_26 : vector<16xi32> to vector<16xi32>
      %swap3A_28 = vector.shape_cast %get3A_25 : vector<16xi32> to vector<16xi32>
      tpu.vector_store %arg7[%swap3A], %swap3A_28 {strides = array<i32>} : memref<64xi32, #tpu.memory_space<vmem>>, vector<16xi32>,
      %get3A_29 = arith.constant 1 : i32
      %get3A_30 = arith.index_cast %get3A_29 : i32 to index
      %get3A_31 = arith.constant 0 : index
      %get3A_32 = tpu.vector_load %arg12[%get3A_30, %get3A_31] {strides = array<i32>} : memref<48x128xi32, #tpu.memory_space<vmem>>, vector<1x16xi32>,
      %get3A_33 = vector.shape_cast %get3A_32 : vector<1x16xi32> to vector<16xi32>
      %swap3A_34 = arith.constant 16 : index
      %swap3A_35 = tpu.vector_load %arg7[%swap3A_34] {strides = array<i32>} : memref<64xi32, #tpu.memory_space<vmem>>, vector<16xi32>,
      %swap3A_36 = vector.shape_cast %swap3A_35 : vector<16xi32> to vector<16xi32>
      %swap3A_37 = vector.shape_cast %get3A_33 : vector<16xi32> to vector<16xi32>
      tpu.vector_store %arg7[%swap3A_34], %swap3A_37 {strides = array<i32>} : memref<64xi32, #tpu.memory_space<vmem>>, vector<16xi32>,
      %get3A_38 = arith.constant 2 : i32
      %get3A_39 = arith.index_cast %get3A_38 : i32 to index
      %get3A_40 = arith.constant 0 : index
      %get3A_41 = tpu.vector_load %arg12[%get3A_39, %get3A_40] {strides = array<i32>} : memref<48x128xi32, #tpu.memory_space<vmem>>, vector<1x16xi32>,
      %get3A_42 = vector.shape_cast %get3A_41 : vector<1x16xi32> to vector<16xi32>
      %swap3A_43 = arith.constant 32 : index
      %swap3A_44 = tpu.vector_load %arg7[%swap3A_43] {strides = array<i32>} : memref<64xi32, #tpu.memory_space<vmem>>, vector<16xi32>,
      %swap3A_45 = vector.shape_cast %swap3A_44 : vector<16xi32> to vector<16xi32>
      %swap3A_46 = vector.shape_cast %get3A_42 : vector<16xi32> to vector<16xi32>
      tpu.vector_store %arg7[%swap3A_43], %swap3A_46 {strides = array<i32>} : memref<64xi32, #tpu.memory_space<vmem>>, vector<16xi32>,
      %get3A_47 = arith.constant 3 : i32
      %get3A_48 = arith.index_cast %get3A_47 : i32 to index
      %get3A_49 = arith.constant 0 : index
      %get3A_50 = tpu.vector_load %arg12[%get3A_48, %get3A_49] {strides = array<i32>} : memref<48x128xi32, #tpu.memory_space<vmem>>, vector<1x16xi32>,
      %get3A_51 = vector.shape_cast %get3A_50 : vector<1x16xi32> to vector<16xi32>
      %swap3A_52 = arith.constant 48 : index
      %swap3A_53 = tpu.vector_load %arg7[%swap3A_52] {strides = array<i32>} : memref<64xi32, #tpu.memory_space<vmem>>, vector<16xi32>,
      %swap3A_54 = vector.shape_cast %swap3A_53 : vector<16xi32> to vector<16xi32>
      %swap3A_55 = vector.shape_cast %get3A_51 : vector<16xi32> to vector<16xi32>
      tpu.vector_store %arg7[%swap3A_52], %swap3A_55 {strides = array<i32>} : memref<64xi32, #tpu.memory_space<vmem>>, vector<16xi32>,
      %dma_start3A_56 = arith.constant 0 : i32
      %dma_start3A_57 = arith.constant 0 : i32
      %dma_start3A_58 = tpu.memref_slice %arg3[%dma_start3A_56, %dma_start3A_57] : memref<50001x512xf32, #tpu.memory_space<hbm>> -> memref<50001x512xf32, #tpu.memory_space<hbm>>
      tpu.enqueue_indirect_dma source(%dma_start3A_58 : memref<50001x512xf32, #tpu.memory_space<hbm>>) target(%arg9 : memref<64x512xf32, #tpu.memory_space<vmem>>) offsets(%arg7 : memref<64xi32, #tpu.memory_space<vmem>>) semaphore(%arg15 : memref<!tpu.dma_semaphore, #tpu.memory_space<semaphore_mem>>)
      %get3A_59 = arith.constant 4 : i32
      %get3A_60 = arith.index_cast %get3A_59 : i32 to index
      %get3A_61 = arith.constant 0 : index
      %get3A_62 = tpu.vector_load %arg12[%get3A_60, %get3A_61] {strides = array<i32>} : memref<48x128xi32, #tpu.memory_space<vmem>>, vector<1x16xi32>,
      %get3A_63 = vector.shape_cast %get3A_62 : vector<1x16xi32> to vector<16xi32>
      %swap3A_64 = arith.constant 0 : index
      %swap3A_65 = tpu.vector_load %arg8[%swap3A_64] {strides = array<i32>} : memref<64xi32, #tpu.memory_space<vmem>>, vector<16xi32>,
      %swap3A_66 = vector.shape_cast %swap3A_65 : vector<16xi32> to vector<16xi32>
      %swap3A_67 = vector.shape_cast %get3A_63 : vector<16xi32> to vector<16xi32>
      tpu.vector_store %arg8[%swap3A_64], %swap3A_67 {strides = array<i32>} : memref<64xi32, #tpu.memory_space<vmem>>, vector<16xi32>,
      %get3A_68 = arith.constant 5 : i32
      %get3A_69 = arith.index_cast %get3A_68 : i32 to index
      %get3A_70 = arith.constant 0 : index
      %get3A_71 = tpu.vector_load %arg12[%get3A_69, %get3A_70] {strides = array<i32>} : memref<48x128xi32, #tpu.memory_space<vmem>>, vector<1x16xi32>,
      %get3A_72 = vector.shape_cast %get3A_71 : vector<1x16xi32> to vector<16xi32>
      %swap3A_73 = arith.constant 16 : index
      %swap3A_74 = tpu.vector_load %arg8[%swap3A_73] {strides = array<i32>} : memref<64xi32, #tpu.memory_space<vmem>>, vector<16xi32>,
      %swap3A_75 = vector.shape_cast %swap3A_74 : vector<16xi32> to vector<16xi32>
      %swap3A_76 = vector.shape_cast %get3A_72 : vector<16xi32> to vector<16xi32>
      tpu.vector_store %arg8[%swap3A_73], %swap3A_76 {strides = array<i32>} : memref<64xi32, #tpu.memory_space<vmem>>, vector<16xi32>,
      %get3A_77 = arith.constant 6 : i32
      %get3A_78 = arith.index_cast %get3A_77 : i32 to index
      %get3A_79 = arith.constant 0 : index
      %get3A_80 = tpu.vector_load %arg12[%get3A_78, %get3A_79] {strides = array<i32>} : memref<48x128xi32, #tpu.memory_space<vmem>>, vector<1x16xi32>,
      %get3A_81 = vector.shape_cast %get3A_80 : vector<1x16xi32> to vector<16xi32>
      %swap3A_82 = arith.constant 32 : index
      %swap3A_83 = tpu.vector_load %arg8[%swap3A_82] {strides = array<i32>} : memref<64xi32, #tpu.memory_space<vmem>>, vector<16xi32>,
      %swap3A_84 = vector.shape_cast %swap3A_83 : vector<16xi32> to vector<16xi32>
      %swap3A_85 = vector.shape_cast %get3A_81 : vector<16xi32> to vector<16xi32>
      tpu.vector_store %arg8[%swap3A_82], %swap3A_85 {strides = array<i32>} : memref<64xi32, #tpu.memory_space<vmem>>, vector<16xi32>,
      %get3A_86 = arith.constant 7 : i32
      %get3A_87 = arith.index_cast %get3A_86 : i32 to index
      %get3A_88 = arith.constant 0 : index
      %get3A_89 = tpu.vector_load %arg12[%get3A_87, %get3A_88] {strides = array<i32>} : memref<48x128xi32, #tpu.memory_space<vmem>>, vector<1x16xi32>,
      %get3A_90 = vector.shape_cast %get3A_89 : vector<1x16xi32> to vector<16xi32>
      %swap3A_91 = arith.constant 48 : index
      %swap3A_92 = tpu.vector_load %arg8[%swap3A_91] {strides = array<i32>} : memref<64xi32, #tpu.memory_space<vmem>>, vector<16xi32>,
      %swap3A_93 = vector.shape_cast %swap3A_92 : vector<16xi32> to vector<16xi32>
      %swap3A_94 = vector.shape_cast %get3A_90 : vector<16xi32> to vector<16xi32>
      tpu.vector_store %arg8[%swap3A_91], %swap3A_94 {strides = array<i32>} : memref<64xi32, #tpu.memory_space<vmem>>, vector<16xi32>,
      %dma_start3A_95 = arith.constant 0 : i32
      %dma_start3A_96 = arith.constant 0 : i32
      %dma_start3A_97 = tpu.memref_slice %arg3[%dma_start3A_95, %dma_start3A_96] : memref<50001x512xf32, #tpu.memory_space<hbm>> -> memref<50001x512xf32, #tpu.memory_space<hbm>>
      tpu.enqueue_indirect_dma source(%dma_start3A_97 : memref<50001x512xf32, #tpu.memory_space<hbm>>) target(%arg10 : memref<64x512xf32, #tpu.memory_space<vmem>>) offsets(%arg8 : memref<64xi32, #tpu.memory_space<vmem>>) semaphore(%arg16 : memref<!tpu.dma_semaphore, #tpu.memory_space<semaphore_mem>>)
      %scan3A_98 = arith.constant 0 : i32
      %scan3A_99 = arith.constant 0 : i32
      %scan3A_100 = arith.constant 5 : i32
      %scan3A_101 = arith.addi %scan3A_99, %scan3A_100 : i32
      %scan3A_102 = arith.constant 1 : i32
      scf.for %scan3A_158 = %scan3A_99 to %scan3A_101 step %scan3A_102  : i32 {
        %dma_wait3A_159 = arith.constant 0 : i32
        %dma_wait3A_160 = arith.constant 0 : i32
        %dma_wait3A_161 = tpu.memref_slice %arg3[%dma_wait3A_159, %dma_wait3A_160] : memref<50001x512xf32, #tpu.memory_space<hbm>> -> memref<50001x512xf32, #tpu.memory_space<hbm>>
        tpu.wait_indirect_dma semaphore(%arg15 : memref<!tpu.dma_semaphore, #tpu.memory_space<semaphore_mem>>) src(%dma_wait3A_161 : memref<50001x512xf32, #tpu.memory_space<hbm>>) dst(%arg9 : memref<64x512xf32, #tpu.memory_space<vmem>>)
        %mul3A_162 = arith.constant 2 : i32
        %mul3A_163 = arith.muli %mul3A_162, %scan3A_158 : i32
        %mul3A_164 = arith.constant 4 : i32
        %mul3A_165 = arith.muli %mul3A_163, %mul3A_164 : i32
        %add3A_166 = arith.constant 0 : i32
        %add3A_167 = arith.addi %mul3A_165, %add3A_166 : i32
        %scan3A_168 = arith.constant 0 : i32
        %scan3A_169 = arith.constant 0 : i32
        %scan3A_170 = arith.constant 32 : i32
        %scan3A_171 = arith.addi %scan3A_169, %scan3A_170 : i32
        %scan3A_172 = arith.constant 1 : i32
        scf.for %scan3A_361 = %scan3A_169 to %scan3A_171 step %scan3A_172  : i32 {
          %mul3A_362 = arith.constant 16 : i32
          %mul3A_363 = arith.muli %scan3A_361, %mul3A_362 : i32
          %get3A_364 = arith.constant 0 : i32
          %get3A_365 = arith.index_cast %get3A_364 : i32 to index
          %get3A_366 = arith.index_cast %mul3A_363 : i32 to index
          %get3A_367 = tpu.vector_load %arg9[%get3A_365, %get3A_366] {strides = array<i32>} : memref<64x512xf32, #tpu.memory_space<vmem>>, vector<1x16xf32>,
          %get3A_368 = vector.shape_cast %get3A_367 : vector<1x16xf32> to vector<16xf32>
          %mul3A_369 = arith.constant 16 : i32
          %mul3A_370 = arith.muli %scan3A_361, %mul3A_369 : i32
          %get3A_371 = arith.constant 1 : i32
          %get3A_372 = arith.index_cast %get3A_371 : i32 to index
          %get3A_373 = arith.index_cast %mul3A_370 : i32 to index
          %get3A_374 = tpu.vector_load %arg9[%get3A_372, %get3A_373] {strides = array<i32>} : memref<64x512xf32, #tpu.memory_space<vmem>>, vector<1x16xf32>,
          %get3A_375 = vector.shape_cast %get3A_374 : vector<1x16xf32> to vector<16xf32>
          %mul3A_376 = arith.constant 16 : i32
          %mul3A_377 = arith.muli %scan3A_361, %mul3A_376 : i32
          %get3A_378 = arith.constant 2 : i32
          %get3A_379 = arith.index_cast %get3A_378 : i32 to index
          %get3A_380 = arith.index_cast %mul3A_377 : i32 to index
          %get3A_381 = tpu.vector_load %arg9[%get3A_379, %get3A_380] {strides = array<i32>} : memref<64x512xf32, #tpu.memory_space<vmem>>, vector<1x16xf32>,
          %get3A_382 = vector.shape_cast %get3A_381 : vector<1x16xf32> to vector<16xf32>
          %mul3A_383 = arith.constant 16 : i32
          %mul3A_384 = arith.muli %scan3A_361, %mul3A_383 : i32
          %get3A_385 = arith.constant 3 : i32
          %get3A_386 = arith.index_cast %get3A_385 : i32 to index
          %get3A_387 = arith.index_cast %mul3A_384 : i32 to index
          %get3A_388 = tpu.vector_load %arg9[%get3A_386, %get3A_387] {strides = array<i32>} : memref<64x512xf32, #tpu.memory_space<vmem>>, vector<1x16xf32>,
          %get3A_389 = vector.shape_cast %get3A_388 : vector<1x16xf32> to vector<16xf32>
          %mul3A_390 = arith.constant 16 : i32
          %mul3A_391 = arith.muli %scan3A_361, %mul3A_390 : i32
          %get3A_392 = arith.constant 4 : i32
          %get3A_393 = arith.index_cast %get3A_392 : i32 to index
          %get3A_394 = arith.index_cast %mul3A_391 : i32 to index
          %get3A_395 = tpu.vector_load %arg9[%get3A_393, %get3A_394] {strides = array<i32>} : memref<64x512xf32, #tpu.memory_space<vmem>>, vector<1x16xf32>,
          %get3A_396 = vector.shape_cast %get3A_395 : vector<1x16xf32> to vector<16xf32>
          %mul3A_397 = arith.constant 16 : i32
          %mul3A_398 = arith.muli %scan3A_361, %mul3A_397 : i32
          %get3A_399 = arith.constant 5 : i32
          %get3A_400 = arith.index_cast %get3A_399 : i32 to index
          %get3A_401 = arith.index_cast %mul3A_398 : i32 to index
          %get3A_402 = tpu.vector_load %arg9[%get3A_400, %get3A_401] {strides = array<i32>} : memref<64x512xf32, #tpu.memory_space<vmem>>, vector<1x16xf32>,
          %get3A_403 = vector.shape_cast %get3A_402 : vector<1x16xf32> to vector<16xf32>
          %mul3A_404 = arith.constant 16 : i32
          %mul3A_405 = arith.muli %scan3A_361, %mul3A_404 : i32
          %get3A_406 = arith.constant 6 : i32
          %get3A_407 = arith.index_cast %get3A_406 : i32 to index
          %get3A_408 = arith.index_cast %mul3A_405 : i32 to index
          %get3A_409 = tpu.vector_load %arg9[%get3A_407, %get3A_408] {strides = array<i32>} : memref<64x512xf32, #tpu.memory_space<vmem>>, vector<1x16xf32>,
          %get3A_410 = vector.shape_cast %get3A_409 : vector<1x16xf32> to vector<16xf32>
          %mul3A_411 = arith.constant 16 : i32
          %mul3A_412 = arith.muli %scan3A_361, %mul3A_411 : i32
          %get3A_413 = arith.constant 7 : i32
          %get3A_414 = arith.index_cast %get3A_413 : i32 to index
          %get3A_415 = arith.index_cast %mul3A_412 : i32 to index
          %get3A_416 = tpu.vector_load %arg9[%get3A_414, %get3A_415] {strides = array<i32>} : memref<64x512xf32, #tpu.memory_space<vmem>>, vector<1x16xf32>,
          %get3A_417 = vector.shape_cast %get3A_416 : vector<1x16xf32> to vector<16xf32>
          %mul3A_418 = arith.constant 16 : i32
          %mul3A_419 = arith.muli %scan3A_361, %mul3A_418 : i32
          %get3A_420 = arith.constant 8 : i32
          %get3A_421 = arith.index_cast %get3A_420 : i32 to index
          %get3A_422 = arith.index_cast %mul3A_419 : i32 to index
          %get3A_423 = tpu.vector_load %arg9[%get3A_421, %get3A_422] {strides = array<i32>} : memref<64x512xf32, #tpu.memory_space<vmem>>, vector<1x16xf32>,
          %get3A_424 = vector.shape_cast %get3A_423 : vector<1x16xf32> to vector<16xf32>
          %mul3A_425 = arith.constant 16 : i32
          %mul3A_426 = arith.muli %scan3A_361, %mul3A_425 : i32
          %get3A_427 = arith.constant 9 : i32
          %get3A_428 = arith.index_cast %get3A_427 : i32 to index
          %get3A_429 = arith.index_cast %mul3A_426 : i32 to index
          %get3A_430 = tpu.vector_load %arg9[%get3A_428, %get3A_429] {strides = array<i32>} : memref<64x512xf32, #tpu.memory_space<vmem>>, vector<1x16xf32>,
          %get3A_431 = vector.shape_cast %get3A_430 : vector<1x16xf32> to vector<16xf32>
          %mul3A_432 = arith.constant 16 : i32
          %mul3A_433 = arith.muli %scan3A_361, %mul3A_432 : i32
          %get3A_434 = arith.constant 10 : i32
          %get3A_435 = arith.index_cast %get3A_434 : i32 to index
          %get3A_436 = arith.index_cast %mul3A_433 : i32 to index
          %get3A_437 = tpu.vector_load %arg9[%get3A_435, %get3A_436] {strides = array<i32>} : memref<64x512xf32, #tpu.memory_space<vmem>>, vector<1x16xf32>,
          %get3A_438 = vector.shape_cast %get3A_437 : vector<1x16xf32> to vector<16xf32>
          %mul3A_439 = arith.constant 16 : i32
          %mul3A_440 = arith.muli %scan3A_361, %mul3A_439 : i32
          %get3A_441 = arith.constant 11 : i32
          %get3A_442 = arith.index_cast %get3A_441 : i32 to index
          %get3A_443 = arith.index_cast %mul3A_440 : i32 to index
          %get3A_444 = tpu.vector_load %arg9[%get3A_442, %get3A_443] {strides = array<i32>} : memref<64x512xf32, #tpu.memory_space<vmem>>, vector<1x16xf32>,
          %get3A_445 = vector.shape_cast %get3A_444 : vector<1x16xf32> to vector<16xf32>
          %mul3A_446 = arith.constant 16 : i32
          %mul3A_447 = arith.muli %scan3A_361, %mul3A_446 : i32
          %get3A_448 = arith.constant 12 : i32
          %get3A_449 = arith.index_cast %get3A_448 : i32 to index
          %get3A_450 = arith.index_cast %mul3A_447 : i32 to index
          %get3A_451 = tpu.vector_load %arg9[%get3A_449, %get3A_450] {strides = array<i32>} : memref<64x512xf32, #tpu.memory_space<vmem>>, vector<1x16xf32>,
          %get3A_452 = vector.shape_cast %get3A_451 : vector<1x16xf32> to vector<16xf32>
          %mul3A_453 = arith.constant 16 : i32
          %mul3A_454 = arith.muli %scan3A_361, %mul3A_453 : i32
          %get3A_455 = arith.constant 13 : i32
          %get3A_456 = arith.index_cast %get3A_455 : i32 to index
          %get3A_457 = arith.index_cast %mul3A_454 : i32 to index
          %get3A_458 = tpu.vector_load %arg9[%get3A_456, %get3A_457] {strides = array<i32>} : memref<64x512xf32, #tpu.memory_space<vmem>>, vector<1x16xf32>,
          %get3A_459 = vector.shape_cast %get3A_458 : vector<1x16xf32> to vector<16xf32>
          %mul3A_460 = arith.constant 16 : i32
          %mul3A_461 = arith.muli %scan3A_361, %mul3A_460 : i32
          %get3A_462 = arith.constant 14 : i32
          %get3A_463 = arith.index_cast %get3A_462 : i32 to index
          %get3A_464 = arith.index_cast %mul3A_461 : i32 to index
          %get3A_465 = tpu.vector_load %arg9[%get3A_463, %get3A_464] {strides = array<i32>} : memref<64x512xf32, #tpu.memory_space<vmem>>, vector<1x16xf32>,
          %get3A_466 = vector.shape_cast %get3A_465 : vector<1x16xf32> to vector<16xf32>
          %mul3A_467 = arith.constant 16 : i32
          %mul3A_468 = arith.muli %scan3A_361, %mul3A_467 : i32
          %get3A_469 = arith.constant 15 : i32
          %get3A_470 = arith.index_cast %get3A_469 : i32 to index
          %get3A_471 = arith.index_cast %mul3A_468 : i32 to index
          %get3A_472 = tpu.vector_load %arg9[%get3A_470, %get3A_471] {strides = array<i32>} : memref<64x512xf32, #tpu.memory_space<vmem>>, vector<1x16xf32>,
          %get3A_473 = vector.shape_cast %get3A_472 : vector<1x16xf32> to vector<16xf32>
          %add3A_474 = arith.addf %get3A_368, %get3A_375 : vector<16xf32>
          %add3A_475 = arith.addf %get3A_382, %get3A_389 : vector<16xf32>
          %add3A_476 = arith.addf %get3A_396, %get3A_403 : vector<16xf32>
          %add3A_477 = arith.addf %get3A_410, %get3A_417 : vector<16xf32>
          %add3A_478 = arith.addf %get3A_424, %get3A_431 : vector<16xf32>
          %add3A_479 = arith.addf %get3A_438, %get3A_445 : vector<16xf32>
          %add3A_480 = arith.addf %get3A_452, %get3A_459 : vector<16xf32>
          %add3A_481 = arith.addf %get3A_466, %get3A_473 : vector<16xf32>
          %add3A_482 = arith.addf %add3A_474, %add3A_475 : vector<16xf32>
          %add3A_483 = arith.addf %add3A_476, %add3A_477 : vector<16xf32>
          %add3A_484 = arith.addf %add3A_478, %add3A_479 : vector<16xf32>
          %add3A_485 = arith.addf %add3A_480, %add3A_481 : vector<16xf32>
          %add3A_486 = arith.addf %add3A_482, %add3A_483 : vector<16xf32>
          %add3A_487 = arith.addf %add3A_484, %add3A_485 : vector<16xf32>
          %add3A_488 = arith.addf %add3A_486, %add3A_487 : vector<16xf32>
          %mul3A_489 = arith.constant 16 : i32
          %mul3A_490 = arith.muli %scan3A_361, %mul3A_489 : i32
          %swap3A_491 = arith.index_cast %add3A_167 : i32 to index
          %swap3A_492 = arith.index_cast %mul3A_490 : i32 to index
          %swap3A_493 = tpu.vector_load %arg11[%swap3A_491, %swap3A_492] {strides = array<i32>} : memref<48x512xf32, #tpu.memory_space<vmem>>, vector<1x16xf32>,
          %swap3A_494 = vector.shape_cast %swap3A_493 : vector<1x16xf32> to vector<16xf32>
          %swap3A_495 = vector.shape_cast %add3A_488 : vector<16xf32> to vector<1x16xf32>
          tpu.vector_store %arg11[%swap3A_491, %swap3A_492], %swap3A_495 {strides = array<i32>} : memref<48x512xf32, #tpu.memory_space<vmem>>, vector<1x16xf32>,
        }
        %scan3A_173 = arith.constant 32 : i32
        %mul3A_174 = arith.constant 4 : i32
        %mul3A_175 = arith.muli %mul3A_163, %mul3A_174 : i32
        %add3A_176 = arith.constant 1 : i32
        %add3A_177 = arith.addi %mul3A_175, %add3A_176 : i32
        %scan3A_178 = arith.constant 0 : i32
        %scan3A_179 = arith.constant 0 : i32
        %scan3A_180 = arith.constant 32 : i32
        %scan3A_181 = arith.addi %scan3A_179, %scan3A_180 : i32
        %scan3A_182 = arith.constant 1 : i32
        scf.for %scan3A_361 = %scan3A_179 to %scan3A_181 step %scan3A_182  : i32 {
          %mul3A_362 = arith.constant 16 : i32
          %mul3A_363 = arith.muli %scan3A_361, %mul3A_362 : i32
          %get3A_364 = arith.constant 16 : i32
          %get3A_365 = arith.index_cast %get3A_364 : i32 to index
          %get3A_366 = arith.index_cast %mul3A_363 : i32 to index
          %get3A_367 = tpu.vector_load %arg9[%get3A_365, %get3A_366] {strides = array<i32>} : memref<64x512xf32, #tpu.memory_space<vmem>>, vector<1x16xf32>,
          %get3A_368 = vector.shape_cast %get3A_367 : vector<1x16xf32> to vector<16xf32>
          %mul3A_369 = arith.constant 16 : i32
          %mul3A_370 = arith.muli %scan3A_361, %mul3A_369 : i32
          %get3A_371 = arith.constant 17 : i32
          %get3A_372 = arith.index_cast %get3A_371 : i32 to index
          %get3A_373 = arith.index_cast %mul3A_370 : i32 to index
          %get3A_374 = tpu.vector_load %arg9[%get3A_372, %get3A_373] {strides = array<i32>} : memref<64x512xf32, #tpu.memory_space<vmem>>, vector<1x16xf32>,
          %get3A_375 = vector.shape_cast %get3A_374 : vector<1x16xf32> to vector<16xf32>
          %mul3A_376 = arith.constant 16 : i32
          %mul3A_377 = arith.muli %scan3A_361, %mul3A_376 : i32
          %get3A_378 = arith.constant 18 : i32
          %get3A_379 = arith.index_cast %get3A_378 : i32 to index
          %get3A_380 = arith.index_cast %mul3A_377 : i32 to index
          %get3A_381 = tpu.vector_load %arg9[%get3A_379, %get3A_380] {strides = array<i32>} : memref<64x512xf32, #tpu.memory_space<vmem>>, vector<1x16xf32>,
          %get3A_382 = vector.shape_cast %get3A_381 : vector<1x16xf32> to vector<16xf32>
          %mul3A_383 = arith.constant 16 : i32
          %mul3A_384 = arith.muli %scan3A_361, %mul3A_383 : i32
          %get3A_385 = arith.constant 19 : i32
          %get3A_386 = arith.index_cast %get3A_385 : i32 to index
          %get3A_387 = arith.index_cast %mul3A_384 : i32 to index
          %get3A_388 = tpu.vector_load %arg9[%get3A_386, %get3A_387] {strides = array<i32>} : memref<64x512xf32, #tpu.memory_space<vmem>>, vector<1x16xf32>,
          %get3A_389 = vector.shape_cast %get3A_388 : vector<1x16xf32> to vector<16xf32>
          %mul3A_390 = arith.constant 16 : i32
          %mul3A_391 = arith.muli %scan3A_361, %mul3A_390 : i32
          %get3A_392 = arith.constant 20 : i32
          %get3A_393 = arith.index_cast %get3A_392 : i32 to index
          %get3A_394 = arith.index_cast %mul3A_391 : i32 to index
          %get3A_395 = tpu.vector_load %arg9[%get3A_393, %get3A_394] {strides = array<i32>} : memref<64x512xf32, #tpu.memory_space<vmem>>, vector<1x16xf32>,
          %get3A_396 = vector.shape_cast %get3A_395 : vector<1x16xf32> to vector<16xf32>
          %mul3A_397 = arith.constant 16 : i32
          %mul3A_398 = arith.muli %scan3A_361, %mul3A_397 : i32
          %get3A_399 = arith.constant 21 : i32
          %get3A_400 = arith.index_cast %get3A_399 : i32 to index
          %get3A_401 = arith.index_cast %mul3A_398 : i32 to index
          %get3A_402 = tpu.vector_load %arg9[%get3A_400, %get3A_401] {strides = array<i32>} : memref<64x512xf32, #tpu.memory_space<vmem>>, vector<1x16xf32>,
          %get3A_403 = vector.shape_cast %get3A_402 : vector<1x16xf32> to vector<16xf32>
          %mul3A_404 = arith.constant 16 : i32
          %mul3A_405 = arith.muli %scan3A_361, %mul3A_404 : i32
          %get3A_406 = arith.constant 22 : i32
          %get3A_407 = arith.index_cast %get3A_406 : i32 to index
          %get3A_408 = arith.index_cast %mul3A_405 : i32 to index
          %get3A_409 = tpu.vector_load %arg9[%get3A_407, %get3A_408] {strides = array<i32>} : memref<64x512xf32, #tpu.memory_space<vmem>>, vector<1x16xf32>,
          %get3A_410 = vector.shape_cast %get3A_409 : vector<1x16xf32> to vector<16xf32>
          %mul3A_411 = arith.constant 16 : i32
          %mul3A_412 = arith.muli %scan3A_361, %mul3A_411 : i32
          %get3A_413 = arith.constant 23 : i32
          %get3A_414 = arith.index_cast %get3A_413 : i32 to index
          %get3A_415 = arith.index_cast %mul3A_412 : i32 to index
          %get3A_416 = tpu.vector_load %arg9[%get3A_414, %get3A_415] {strides = array<i32>} : memref<64x512xf32, #tpu.memory_space<vmem>>, vector<1x16xf32>,
          %get3A_417 = vector.shape_cast %get3A_416 : vector<1x16xf32> to vector<16xf32>
          %mul3A_418 = arith.constant 16 : i32
          %mul3A_419 = arith.muli %scan3A_361, %mul3A_418 : i32
          %get3A_420 = arith.constant 24 : i32
          %get3A_421 = arith.index_cast %get3A_420 : i32 to index
          %get3A_422 = arith.index_cast %mul3A_419 : i32 to index
          %get3A_423 = tpu.vector_load %arg9[%get3A_421, %get3A_422] {strides = array<i32>} : memref<64x512xf32, #tpu.memory_space<vmem>>, vector<1x16xf32>,
          %get3A_424 = vector.shape_cast %get3A_423 : vector<1x16xf32> to vector<16xf32>
          %mul3A_425 = arith.constant 16 : i32
          %mul3A_426 = arith.muli %scan3A_361, %mul3A_425 : i32
          %get3A_427 = arith.constant 25 : i32
          %get3A_428 = arith.index_cast %get3A_427 : i32 to index
          %get3A_429 = arith.index_cast %mul3A_426 : i32 to index
          %get3A_430 = tpu.vector_load %arg9[%get3A_428, %get3A_429] {strides = array<i32>} : memref<64x512xf32, #tpu.memory_space<vmem>>, vector<1x16xf32>,
          %get3A_431 = vector.shape_cast %get3A_430 : vector<1x16xf32> to vector<16xf32>
          %mul3A_432 = arith.constant 16 : i32
          %mul3A_433 = arith.muli %scan3A_361, %mul3A_432 : i32
          %get3A_434 = arith.constant 26 : i32
          %get3A_435 = arith.index_cast %get3A_434 : i32 to index
          %get3A_436 = arith.index_cast %mul3A_433 : i32 to index
          %get3A_437 = tpu.vector_load %arg9[%get3A_435, %get3A_436] {strides = array<i32>} : memref<64x512xf32, #tpu.memory_space<vmem>>, vector<1x16xf32>,
          %get3A_438 = vector.shape_cast %get3A_437 : vector<1x16xf32> to vector<16xf32>
          %mul3A_439 = arith.constant 16 : i32
          %mul3A_440 = arith.muli %scan3A_361, %mul3A_439 : i32
          %get3A_441 = arith.constant 27 : i32
          %get3A_442 = arith.index_cast %get3A_441 : i32 to index
          %get3A_443 = arith.index_cast %mul3A_440 : i32 to index
          %get3A_444 = tpu.vector_load %arg9[%get3A_442, %get3A_443] {strides = array<i32>} : memref<64x512xf32, #tpu.memory_space<vmem>>, vector<1x16xf32>,
          %get3A_445 = vector.shape_cast %get3A_444 : vector<1x16xf32> to vector<16xf32>
          %mul3A_446 = arith.constant 16 : i32
          %mul3A_447 = arith.muli %scan3A_361, %mul3A_446 : i32
          %get3A_448 = arith.constant 28 : i32
          %get3A_449 = arith.index_cast %get3A_448 : i32 to index
          %get3A_450 = arith.index_cast %mul3A_447 : i32 to index
          %get3A_451 = tpu.vector_load %arg9[%get3A_449, %get3A_450] {strides = array<i32>} : memref<64x512xf32, #tpu.memory_space<vmem>>, vector<1x16xf32>,
          %get3A_452 = vector.shape_cast %get3A_451 : vector<1x16xf32> to vector<16xf32>
          %mul3A_453 = arith.constant 16 : i32
          %mul3A_454 = arith.muli %scan3A_361, %mul3A_453 : i32
          %get3A_455 = arith.constant 29 : i32
          %get3A_456 = arith.index_cast %get3A_455 : i32 to index
          %get3A_457 = arith.index_cast %mul3A_454 : i32 to index
          %get3A_458 = tpu.vector_load %arg9[%get3A_456, %get3A_457] {strides = array<i32>} : memref<64x512xf32, #tpu.memory_space<vmem>>, vector<1x16xf32>,
          %get3A_459 = vector.shape_cast %get3A_458 : vector<1x16xf32> to vector<16xf32>
          %mul3A_460 = arith.constant 16 : i32
          %mul3A_461 = arith.muli %scan3A_361, %mul3A_460 : i32
          %get3A_462 = arith.constant 30 : i32
          %get3A_463 = arith.index_cast %get3A_462 : i32 to index
          %get3A_464 = arith.index_cast %mul3A_461 : i32 to index
          %get3A_465 = tpu.vector_load %arg9[%get3A_463, %get3A_464] {strides = array<i32>} : memref<64x512xf32, #tpu.memory_space<vmem>>, vector<1x16xf32>,
          %get3A_466 = vector.shape_cast %get3A_465 : vector<1x16xf32> to vector<16xf32>
          %mul3A_467 = arith.constant 16 : i32
          %mul3A_468 = arith.muli %scan3A_361, %mul3A_467 : i32
          %get3A_469 = arith.constant 31 : i32
          %get3A_470 = arith.index_cast %get3A_469 : i32 to index
          %get3A_471 = arith.index_cast %mul3A_468 : i32 to index
          %get3A_472 = tpu.vector_load %arg9[%get3A_470, %get3A_471] {strides = array<i32>} : memref<64x512xf32, #tpu.memory_space<vmem>>, vector<1x16xf32>,
          %get3A_473 = vector.shape_cast %get3A_472 : vector<1x16xf32> to vector<16xf32>
          %add3A_474 = arith.addf %get3A_368, %get3A_375 : vector<16xf32>
          %add3A_475 = arith.addf %get3A_382, %get3A_389 : vector<16xf32>
          %add3A_476 = arith.addf %get3A_396, %get3A_403 : vector<16xf32>
          %add3A_477 = arith.addf %get3A_410, %get3A_417 : vector<16xf32>
          %add3A_478 = arith.addf %get3A_424, %get3A_431 : vector<16xf32>
          %add3A_479 = arith.addf %get3A_438, %get3A_445 : vector<16xf32>
          %add3A_480 = arith.addf %get3A_452, %get3A_459 : vector<16xf32>
          %add3A_481 = arith.addf %get3A_466, %get3A_473 : vector<16xf32>
          %add3A_482 = arith.addf %add3A_474, %add3A_475 : vector<16xf32>
          %add3A_483 = arith.addf %add3A_476, %add3A_477 : vector<16xf32>
          %add3A_484 = arith.addf %add3A_478, %add3A_479 : vector<16xf32>
          %add3A_485 = arith.addf %add3A_480, %add3A_481 : vector<16xf32>
          %add3A_486 = arith.addf %add3A_482, %add3A_483 : vector<16xf32>
          %add3A_487 = arith.addf %add3A_484, %add3A_485 : vector<16xf32>
          %add3A_488 = arith.addf %add3A_486, %add3A_487 : vector<16xf32>
          %mul3A_489 = arith.constant 16 : i32
          %mul3A_490 = arith.muli %scan3A_361, %mul3A_489 : i32
          %swap3A_491 = arith.index_cast %add3A_177 : i32 to index
          %swap3A_492 = arith.index_cast %mul3A_490 : i32 to index
          %swap3A_493 = tpu.vector_load %arg11[%swap3A_491, %swap3A_492] {strides = array<i32>} : memref<48x512xf32, #tpu.memory_space<vmem>>, vector<1x16xf32>,
          %swap3A_494 = vector.shape_cast %swap3A_493 : vector<1x16xf32> to vector<16xf32>
          %swap3A_495 = vector.shape_cast %add3A_488 : vector<16xf32> to vector<1x16xf32>
          tpu.vector_store %arg11[%swap3A_491, %swap3A_492], %swap3A_495 {strides = array<i32>} : memref<48x512xf32, #tpu.memory_space<vmem>>, vector<1x16xf32>,
        }
        %scan3A_183 = arith.constant 32 : i32
        %mul3A_184 = arith.constant 4 : i32
        %mul3A_185 = arith.muli %mul3A_163, %mul3A_184 : i32
        %add3A_186 = arith.constant 2 : i32
        %add3A_187 = arith.addi %mul3A_185, %add3A_186 : i32
        %scan3A_188 = arith.constant 0 : i32
        %scan3A_189 = arith.constant 0 : i32
        %scan3A_190 = arith.constant 32 : i32
        %scan3A_191 = arith.addi %scan3A_189, %scan3A_190 : i32
        %scan3A_192 = arith.constant 1 : i32
        scf.for %scan3A_361 = %scan3A_189 to %scan3A_191 step %scan3A_192  : i32 {
          %mul3A_362 = arith.constant 16 : i32
          %mul3A_363 = arith.muli %scan3A_361, %mul3A_362 : i32
          %get3A_364 = arith.constant 32 : i32
          %get3A_365 = arith.index_cast %get3A_364 : i32 to index
          %get3A_366 = arith.index_cast %mul3A_363 : i32 to index
          %get3A_367 = tpu.vector_load %arg9[%get3A_365, %get3A_366] {strides = array<i32>} : memref<64x512xf32, #tpu.memory_space<vmem>>, vector<1x16xf32>,
          %get3A_368 = vector.shape_cast %get3A_367 : vector<1x16xf32> to vector<16xf32>
          %mul3A_369 = arith.constant 16 : i32
          %mul3A_370 = arith.muli %scan3A_361, %mul3A_369 : i32
          %get3A_371 = arith.constant 33 : i32
          %get3A_372 = arith.index_cast %get3A_371 : i32 to index
          %get3A_373 = arith.index_cast %mul3A_370 : i32 to index
          %get3A_374 = tpu.vector_load %arg9[%get3A_372, %get3A_373] {strides = array<i32>} : memref<64x512xf32, #tpu.memory_space<vmem>>, vector<1x16xf32>,
          %get3A_375 = vector.shape_cast %get3A_374 : vector<1x16xf32> to vector<16xf32>
          %mul3A_376 = arith.constant 16 : i32
          %mul3A_377 = arith.muli %scan3A_361, %mul3A_376 : i32
          %get3A_378 = arith.constant 34 : i32
          %get3A_379 = arith.index_cast %get3A_378 : i32 to index
          %get3A_380 = arith.index_cast %mul3A_377 : i32 to index
          %get3A_381 = tpu.vector_load %arg9[%get3A_379, %get3A_380] {strides = array<i32>} : memref<64x512xf32, #tpu.memory_space<vmem>>, vector<1x16xf32>,
          %get3A_382 = vector.shape_cast %get3A_381 : vector<1x16xf32> to vector<16xf32>
          %mul3A_383 = arith.constant 16 : i32
          %mul3A_384 = arith.muli %scan3A_361, %mul3A_383 : i32
          %get3A_385 = arith.constant 35 : i32
          %get3A_386 = arith.index_cast %get3A_385 : i32 to index
          %get3A_387 = arith.index_cast %mul3A_384 : i32 to index
          %get3A_388 = tpu.vector_load %arg9[%get3A_386, %get3A_387] {strides = array<i32>} : memref<64x512xf32, #tpu.memory_space<vmem>>, vector<1x16xf32>,
          %get3A_389 = vector.shape_cast %get3A_388 : vector<1x16xf32> to vector<16xf32>
          %mul3A_390 = arith.constant 16 : i32
          %mul3A_391 = arith.muli %scan3A_361, %mul3A_390 : i32
          %get3A_392 = arith.constant 36 : i32
          %get3A_393 = arith.index_cast %get3A_392 : i32 to index
          %get3A_394 = arith.index_cast %mul3A_391 : i32 to index
          %get3A_395 = tpu.vector_load %arg9[%get3A_393, %get3A_394] {strides = array<i32>} : memref<64x512xf32, #tpu.memory_space<vmem>>, vector<1x16xf32>,
          %get3A_396 = vector.shape_cast %get3A_395 : vector<1x16xf32> to vector<16xf32>
          %mul3A_397 = arith.constant 16 : i32
          %mul3A_398 = arith.muli %scan3A_361, %mul3A_397 : i32
          %get3A_399 = arith.constant 37 : i32
          %get3A_400 = arith.index_cast %get3A_399 : i32 to index
          %get3A_401 = arith.index_cast %mul3A_398 : i32 to index
          %get3A_402 = tpu.vector_load %arg9[%get3A_400, %get3A_401] {strides = array<i32>} : memref<64x512xf32, #tpu.memory_space<vmem>>, vector<1x16xf32>,
          %get3A_403 = vector.shape_cast %get3A_402 : vector<1x16xf32> to vector<16xf32>
          %mul3A_404 = arith.constant 16 : i32
          %mul3A_405 = arith.muli %scan3A_361, %mul3A_404 : i32
          %get3A_406 = arith.constant 38 : i32
          %get3A_407 = arith.index_cast %get3A_406 : i32 to index
          %get3A_408 = arith.index_cast %mul3A_405 : i32 to index
          %get3A_409 = tpu.vector_load %arg9[%get3A_407, %get3A_408] {strides = array<i32>} : memref<64x512xf32, #tpu.memory_space<vmem>>, vector<1x16xf32>,
          %get3A_410 = vector.shape_cast %get3A_409 : vector<1x16xf32> to vector<16xf32>
          %mul3A_411 = arith.constant 16 : i32
          %mul3A_412 = arith.muli %scan3A_361, %mul3A_411 : i32
          %get3A_413 = arith.constant 39 : i32
          %get3A_414 = arith.index_cast %get3A_413 : i32 to index
          %get3A_415 = arith.index_cast %mul3A_412 : i32 to index
          %get3A_416 = tpu.vector_load %arg9[%get3A_414, %get3A_415] {strides = array<i32>} : memref<64x512xf32, #tpu.memory_space<vmem>>, vector<1x16xf32>,
          %get3A_417 = vector.shape_cast %get3A_416 : vector<1x16xf32> to vector<16xf32>
          %mul3A_418 = arith.constant 16 : i32
          %mul3A_419 = arith.muli %scan3A_361, %mul3A_418 : i32
          %get3A_420 = arith.constant 40 : i32
          %get3A_421 = arith.index_cast %get3A_420 : i32 to index
          %get3A_422 = arith.index_cast %mul3A_419 : i32 to index
          %get3A_423 = tpu.vector_load %arg9[%get3A_421, %get3A_422] {strides = array<i32>} : memref<64x512xf32, #tpu.memory_space<vmem>>, vector<1x16xf32>,
          %get3A_424 = vector.shape_cast %get3A_423 : vector<1x16xf32> to vector<16xf32>
          %mul3A_425 = arith.constant 16 : i32
          %mul3A_426 = arith.muli %scan3A_361, %mul3A_425 : i32
          %get3A_427 = arith.constant 41 : i32
          %get3A_428 = arith.index_cast %get3A_427 : i32 to index
          %get3A_429 = arith.index_cast %mul3A_426 : i32 to index
          %get3A_430 = tpu.vector_load %arg9[%get3A_428, %get3A_429] {strides = array<i32>} : memref<64x512xf32, #tpu.memory_space<vmem>>, vector<1x16xf32>,
          %get3A_431 = vector.shape_cast %get3A_430 : vector<1x16xf32> to vector<16xf32>
          %mul3A_432 = arith.constant 16 : i32
          %mul3A_433 = arith.muli %scan3A_361, %mul3A_432 : i32
          %get3A_434 = arith.constant 42 : i32
          %get3A_435 = arith.index_cast %get3A_434 : i32 to index
          %get3A_436 = arith.index_cast %mul3A_433 : i32 to index
          %get3A_437 = tpu.vector_load %arg9[%get3A_435, %get3A_436] {strides = array<i32>} : memref<64x512xf32, #tpu.memory_space<vmem>>, vector<1x16xf32>,
          %get3A_438 = vector.shape_cast %get3A_437 : vector<1x16xf32> to vector<16xf32>
          %mul3A_439 = arith.constant 16 : i32
          %mul3A_440 = arith.muli %scan3A_361, %mul3A_439 : i32
          %get3A_441 = arith.constant 43 : i32
          %get3A_442 = arith.index_cast %get3A_441 : i32 to index
          %get3A_443 = arith.index_cast %mul3A_440 : i32 to index
          %get3A_444 = tpu.vector_load %arg9[%get3A_442, %get3A_443] {strides = array<i32>} : memref<64x512xf32, #tpu.memory_space<vmem>>, vector<1x16xf32>,
          %get3A_445 = vector.shape_cast %get3A_444 : vector<1x16xf32> to vector<16xf32>
          %mul3A_446 = arith.constant 16 : i32
          %mul3A_447 = arith.muli %scan3A_361, %mul3A_446 : i32
          %get3A_448 = arith.constant 44 : i32
          %get3A_449 = arith.index_cast %get3A_448 : i32 to index
          %get3A_450 = arith.index_cast %mul3A_447 : i32 to index
          %get3A_451 = tpu.vector_load %arg9[%get3A_449, %get3A_450] {strides = array<i32>} : memref<64x512xf32, #tpu.memory_space<vmem>>, vector<1x16xf32>,
          %get3A_452 = vector.shape_cast %get3A_451 : vector<1x16xf32> to vector<16xf32>
          %mul3A_453 = arith.constant 16 : i32
          %mul3A_454 = arith.muli %scan3A_361, %mul3A_453 : i32
          %get3A_455 = arith.constant 45 : i32
          %get3A_456 = arith.index_cast %get3A_455 : i32 to index
          %get3A_457 = arith.index_cast %mul3A_454 : i32 to index
          %get3A_458 = tpu.vector_load %arg9[%get3A_456, %get3A_457] {strides = array<i32>} : memref<64x512xf32, #tpu.memory_space<vmem>>, vector<1x16xf32>,
          %get3A_459 = vector.shape_cast %get3A_458 : vector<1x16xf32> to vector<16xf32>
          %mul3A_460 = arith.constant 16 : i32
          %mul3A_461 = arith.muli %scan3A_361, %mul3A_460 : i32
          %get3A_462 = arith.constant 46 : i32
          %get3A_463 = arith.index_cast %get3A_462 : i32 to index
          %get3A_464 = arith.index_cast %mul3A_461 : i32 to index
          %get3A_465 = tpu.vector_load %arg9[%get3A_463, %get3A_464] {strides = array<i32>} : memref<64x512xf32, #tpu.memory_space<vmem>>, vector<1x16xf32>,
          %get3A_466 = vector.shape_cast %get3A_465 : vector<1x16xf32> to vector<16xf32>
          %mul3A_467 = arith.constant 16 : i32
          %mul3A_468 = arith.muli %scan3A_361, %mul3A_467 : i32
          %get3A_469 = arith.constant 47 : i32
          %get3A_470 = arith.index_cast %get3A_469 : i32 to index
          %get3A_471 = arith.index_cast %mul3A_468 : i32 to index
          %get3A_472 = tpu.vector_load %arg9[%get3A_470, %get3A_471] {strides = array<i32>} : memref<64x512xf32, #tpu.memory_space<vmem>>, vector<1x16xf32>,
          %get3A_473 = vector.shape_cast %get3A_472 : vector<1x16xf32> to vector<16xf32>
          %add3A_474 = arith.addf %get3A_368, %get3A_375 : vector<16xf32>
          %add3A_475 = arith.addf %get3A_382, %get3A_389 : vector<16xf32>
          %add3A_476 = arith.addf %get3A_396, %get3A_403 : vector<16xf32>
          %add3A_477 = arith.addf %get3A_410, %get3A_417 : vector<16xf32>
          %add3A_478 = arith.addf %get3A_424, %get3A_431 : vector<16xf32>
          %add3A_479 = arith.addf %get3A_438, %get3A_445 : vector<16xf32>
          %add3A_480 = arith.addf %get3A_452, %get3A_459 : vector<16xf32>
          %add3A_481 = arith.addf %get3A_466, %get3A_473 : vector<16xf32>
          %add3A_482 = arith.addf %add3A_474, %add3A_475 : vector<16xf32>
          %add3A_483 = arith.addf %add3A_476, %add3A_477 : vector<16xf32>
          %add3A_484 = arith.addf %add3A_478, %add3A_479 : vector<16xf32>
          %add3A_485 = arith.addf %add3A_480, %add3A_481 : vector<16xf32>
          %add3A_486 = arith.addf %add3A_482, %add3A_483 : vector<16xf32>
          %add3A_487 = arith.addf %add3A_484, %add3A_485 : vector<16xf32>
          %add3A_488 = arith.addf %add3A_486, %add3A_487 : vector<16xf32>
          %mul3A_489 = arith.constant 16 : i32
          %mul3A_490 = arith.muli %scan3A_361, %mul3A_489 : i32
          %swap3A_491 = arith.index_cast %add3A_187 : i32 to index
          %swap3A_492 = arith.index_cast %mul3A_490 : i32 to index
          %swap3A_493 = tpu.vector_load %arg11[%swap3A_491, %swap3A_492] {strides = array<i32>} : memref<48x512xf32, #tpu.memory_space<vmem>>, vector<1x16xf32>,
          %swap3A_494 = vector.shape_cast %swap3A_493 : vector<1x16xf32> to vector<16xf32>
          %swap3A_495 = vector.shape_cast %add3A_488 : vector<16xf32> to vector<1x16xf32>
          tpu.vector_store %arg11[%swap3A_491, %swap3A_492], %swap3A_495 {strides = array<i32>} : memref<48x512xf32, #tpu.memory_space<vmem>>, vector<1x16xf32>,
        }
        %scan3A_193 = arith.constant 32 : i32
        %mul3A_194 = arith.constant 4 : i32
        %mul3A_195 = arith.muli %mul3A_163, %mul3A_194 : i32
        %add3A_196 = arith.constant 3 : i32
        %add3A_197 = arith.addi %mul3A_195, %add3A_196 : i32
        %scan3A_198 = arith.constant 0 : i32
        %scan3A_199 = arith.constant 0 : i32
        %scan3A_200 = arith.constant 32 : i32
        %scan3A_201 = arith.addi %scan3A_199, %scan3A_200 : i32
        %scan3A_202 = arith.constant 1 : i32
        scf.for %scan3A_361 = %scan3A_199 to %scan3A_201 step %scan3A_202  : i32 {
          %mul3A_362 = arith.constant 16 : i32
          %mul3A_363 = arith.muli %scan3A_361, %mul3A_362 : i32
          %get3A_364 = arith.constant 48 : i32
          %get3A_365 = arith.index_cast %get3A_364 : i32 to index
          %get3A_366 = arith.index_cast %mul3A_363 : i32 to index
          %get3A_367 = tpu.vector_load %arg9[%get3A_365, %get3A_366] {strides = array<i32>} : memref<64x512xf32, #tpu.memory_space<vmem>>, vector<1x16xf32>,
          %get3A_368 = vector.shape_cast %get3A_367 : vector<1x16xf32> to vector<16xf32>
          %mul3A_369 = arith.constant 16 : i32
          %mul3A_370 = arith.muli %scan3A_361, %mul3A_369 : i32
          %get3A_371 = arith.constant 49 : i32
          %get3A_372 = arith.index_cast %get3A_371 : i32 to index
          %get3A_373 = arith.index_cast %mul3A_370 : i32 to index
          %get3A_374 = tpu.vector_load %arg9[%get3A_372, %get3A_373] {strides = array<i32>} : memref<64x512xf32, #tpu.memory_space<vmem>>, vector<1x16xf32>,
          %get3A_375 = vector.shape_cast %get3A_374 : vector<1x16xf32> to vector<16xf32>
          %mul3A_376 = arith.constant 16 : i32
          %mul3A_377 = arith.muli %scan3A_361, %mul3A_376 : i32
          %get3A_378 = arith.constant 50 : i32
          %get3A_379 = arith.index_cast %get3A_378 : i32 to index
          %get3A_380 = arith.index_cast %mul3A_377 : i32 to index
          %get3A_381 = tpu.vector_load %arg9[%get3A_379, %get3A_380] {strides = array<i32>} : memref<64x512xf32, #tpu.memory_space<vmem>>, vector<1x16xf32>,
          %get3A_382 = vector.shape_cast %get3A_381 : vector<1x16xf32> to vector<16xf32>
          %mul3A_383 = arith.constant 16 : i32
          %mul3A_384 = arith.muli %scan3A_361, %mul3A_383 : i32
          %get3A_385 = arith.constant 51 : i32
          %get3A_386 = arith.index_cast %get3A_385 : i32 to index
          %get3A_387 = arith.index_cast %mul3A_384 : i32 to index
          %get3A_388 = tpu.vector_load %arg9[%get3A_386, %get3A_387] {strides = array<i32>} : memref<64x512xf32, #tpu.memory_space<vmem>>, vector<1x16xf32>,
          %get3A_389 = vector.shape_cast %get3A_388 : vector<1x16xf32> to vector<16xf32>
          %mul3A_390 = arith.constant 16 : i32
          %mul3A_391 = arith.muli %scan3A_361, %mul3A_390 : i32
          %get3A_392 = arith.constant 52 : i32
          %get3A_393 = arith.index_cast %get3A_392 : i32 to index
          %get3A_394 = arith.index_cast %mul3A_391 : i32 to index
          %get3A_395 = tpu.vector_load %arg9[%get3A_393, %get3A_394] {strides = array<i32>} : memref<64x512xf32, #tpu.memory_space<vmem>>, vector<1x16xf32>,
          %get3A_396 = vector.shape_cast %get3A_395 : vector<1x16xf32> to vector<16xf32>
          %mul3A_397 = arith.constant 16 : i32
          %mul3A_398 = arith.muli %scan3A_361, %mul3A_397 : i32
          %get3A_399 = arith.constant 53 : i32
          %get3A_400 = arith.index_cast %get3A_399 : i32 to index
          %get3A_401 = arith.index_cast %mul3A_398 : i32 to index
          %get3A_402 = tpu.vector_load %arg9[%get3A_400, %get3A_401] {strides = array<i32>} : memref<64x512xf32, #tpu.memory_space<vmem>>, vector<1x16xf32>,
          %get3A_403 = vector.shape_cast %get3A_402 : vector<1x16xf32> to vector<16xf32>
          %mul3A_404 = arith.constant 16 : i32
          %mul3A_405 = arith.muli %scan3A_361, %mul3A_404 : i32
          %get3A_406 = arith.constant 54 : i32
          %get3A_407 = arith.index_cast %get3A_406 : i32 to index
          %get3A_408 = arith.index_cast %mul3A_405 : i32 to index
          %get3A_409 = tpu.vector_load %arg9[%get3A_407, %get3A_408] {strides = array<i32>} : memref<64x512xf32, #tpu.memory_space<vmem>>, vector<1x16xf32>,
          %get3A_410 = vector.shape_cast %get3A_409 : vector<1x16xf32> to vector<16xf32>
          %mul3A_411 = arith.constant 16 : i32
          %mul3A_412 = arith.muli %scan3A_361, %mul3A_411 : i32
          %get3A_413 = arith.constant 55 : i32
          %get3A_414 = arith.index_cast %get3A_413 : i32 to index
          %get3A_415 = arith.index_cast %mul3A_412 : i32 to index
          %get3A_416 = tpu.vector_load %arg9[%get3A_414, %get3A_415] {strides = array<i32>} : memref<64x512xf32, #tpu.memory_space<vmem>>, vector<1x16xf32>,
          %get3A_417 = vector.shape_cast %get3A_416 : vector<1x16xf32> to vector<16xf32>
          %mul3A_418 = arith.constant 16 : i32
          %mul3A_419 = arith.muli %scan3A_361, %mul3A_418 : i32
          %get3A_420 = arith.constant 56 : i32
          %get3A_421 = arith.index_cast %get3A_420 : i32 to index
          %get3A_422 = arith.index_cast %mul3A_419 : i32 to index
          %get3A_423 = tpu.vector_load %arg9[%get3A_421, %get3A_422] {strides = array<i32>} : memref<64x512xf32, #tpu.memory_space<vmem>>, vector<1x16xf32>,
          %get3A_424 = vector.shape_cast %get3A_423 : vector<1x16xf32> to vector<16xf32>
          %mul3A_425 = arith.constant 16 : i32
          %mul3A_426 = arith.muli %scan3A_361, %mul3A_425 : i32
          %get3A_427 = arith.constant 57 : i32
          %get3A_428 = arith.index_cast %get3A_427 : i32 to index
          %get3A_429 = arith.index_cast %mul3A_426 : i32 to index
          %get3A_430 = tpu.vector_load %arg9[%get3A_428, %get3A_429] {strides = array<i32>} : memref<64x512xf32, #tpu.memory_space<vmem>>, vector<1x16xf32>,
          %get3A_431 = vector.shape_cast %get3A_430 : vector<1x16xf32> to vector<16xf32>
          %mul3A_432 = arith.constant 16 : i32
          %mul3A_433 = arith.muli %scan3A_361, %mul3A_432 : i32
          %get3A_434 = arith.constant 58 : i32
          %get3A_435 = arith.index_cast %get3A_434 : i32 to index
          %get3A_436 = arith.index_cast %mul3A_433 : i32 to index
          %get3A_437 = tpu.vector_load %arg9[%get3A_435, %get3A_436] {strides = array<i32>} : memref<64x512xf32, #tpu.memory_space<vmem>>, vector<1x16xf32>,
          %get3A_438 = vector.shape_cast %get3A_437 : vector<1x16xf32> to vector<16xf32>
          %mul3A_439 = arith.constant 16 : i32
          %mul3A_440 = arith.muli %scan3A_361, %mul3A_439 : i32
          %get3A_441 = arith.constant 59 : i32
          %get3A_442 = arith.index_cast %get3A_441 : i32 to index
          %get3A_443 = arith.index_cast %mul3A_440 : i32 to index
          %get3A_444 = tpu.vector_load %arg9[%get3A_442, %get3A_443] {strides = array<i32>} : memref<64x512xf32, #tpu.memory_space<vmem>>, vector<1x16xf32>,
          %get3A_445 = vector.shape_cast %get3A_444 : vector<1x16xf32> to vector<16xf32>
          %mul3A_446 = arith.constant 16 : i32
          %mul3A_447 = arith.muli %scan3A_361, %mul3A_446 : i32
          %get3A_448 = arith.constant 60 : i32
          %get3A_449 = arith.index_cast %get3A_448 : i32 to index
          %get3A_450 = arith.index_cast %mul3A_447 : i32 to index
          %get3A_451 = tpu.vector_load %arg9[%get3A_449, %get3A_450] {strides = array<i32>} : memref<64x512xf32, #tpu.memory_space<vmem>>, vector<1x16xf32>,
          %get3A_452 = vector.shape_cast %get3A_451 : vector<1x16xf32> to vector<16xf32>
          %mul3A_453 = arith.constant 16 : i32
          %mul3A_454 = arith.muli %scan3A_361, %mul3A_453 : i32
          %get3A_455 = arith.constant 61 : i32
          %get3A_456 = arith.index_cast %get3A_455 : i32 to index
          %get3A_457 = arith.index_cast %mul3A_454 : i32 to index
          %get3A_458 = tpu.vector_load %arg9[%get3A_456, %get3A_457] {strides = array<i32>} : memref<64x512xf32, #tpu.memory_space<vmem>>, vector<1x16xf32>,
          %get3A_459 = vector.shape_cast %get3A_458 : vector<1x16xf32> to vector<16xf32>
          %mul3A_460 = arith.constant 16 : i32
          %mul3A_461 = arith.muli %scan3A_361, %mul3A_460 : i32
          %get3A_462 = arith.constant 62 : i32
          %get3A_463 = arith.index_cast %get3A_462 : i32 to index
          %get3A_464 = arith.index_cast %mul3A_461 : i32 to index
          %get3A_465 = tpu.vector_load %arg9[%get3A_463, %get3A_464] {strides = array<i32>} : memref<64x512xf32, #tpu.memory_space<vmem>>, vector<1x16xf32>,
          %get3A_466 = vector.shape_cast %get3A_465 : vector<1x16xf32> to vector<16xf32>
          %mul3A_467 = arith.constant 16 : i32
          %mul3A_468 = arith.muli %scan3A_361, %mul3A_467 : i32
          %get3A_469 = arith.constant 63 : i32
          %get3A_470 = arith.index_cast %get3A_469 : i32 to index
          %get3A_471 = arith.index_cast %mul3A_468 : i32 to index
          %get3A_472 = tpu.vector_load %arg9[%get3A_470, %get3A_471] {strides = array<i32>} : memref<64x512xf32, #tpu.memory_space<vmem>>, vector<1x16xf32>,
          %get3A_473 = vector.shape_cast %get3A_472 : vector<1x16xf32> to vector<16xf32>
          %add3A_474 = arith.addf %get3A_368, %get3A_375 : vector<16xf32>
          %add3A_475 = arith.addf %get3A_382, %get3A_389 : vector<16xf32>
          %add3A_476 = arith.addf %get3A_396, %get3A_403 : vector<16xf32>
          %add3A_477 = arith.addf %get3A_410, %get3A_417 : vector<16xf32>
          %add3A_478 = arith.addf %get3A_424, %get3A_431 : vector<16xf32>
          %add3A_479 = arith.addf %get3A_438, %get3A_445 : vector<16xf32>
          %add3A_480 = arith.addf %get3A_452, %get3A_459 : vector<16xf32>
          %add3A_481 = arith.addf %get3A_466, %get3A_473 : vector<16xf32>
          %add3A_482 = arith.addf %add3A_474, %add3A_475 : vector<16xf32>
          %add3A_483 = arith.addf %add3A_476, %add3A_477 : vector<16xf32>
          %add3A_484 = arith.addf %add3A_478, %add3A_479 : vector<16xf32>
          %add3A_485 = arith.addf %add3A_480, %add3A_481 : vector<16xf32>
          %add3A_486 = arith.addf %add3A_482, %add3A_483 : vector<16xf32>
          %add3A_487 = arith.addf %add3A_484, %add3A_485 : vector<16xf32>
          %add3A_488 = arith.addf %add3A_486, %add3A_487 : vector<16xf32>
          %mul3A_489 = arith.constant 16 : i32
          %mul3A_490 = arith.muli %scan3A_361, %mul3A_489 : i32
          %swap3A_491 = arith.index_cast %add3A_197 : i32 to index
          %swap3A_492 = arith.index_cast %mul3A_490 : i32 to index
          %swap3A_493 = tpu.vector_load %arg11[%swap3A_491, %swap3A_492] {strides = array<i32>} : memref<48x512xf32, #tpu.memory_space<vmem>>, vector<1x16xf32>,
          %swap3A_494 = vector.shape_cast %swap3A_493 : vector<1x16xf32> to vector<16xf32>
          %swap3A_495 = vector.shape_cast %add3A_488 : vector<16xf32> to vector<1x16xf32>
          tpu.vector_store %arg11[%swap3A_491, %swap3A_492], %swap3A_495 {strides = array<i32>} : memref<48x512xf32, #tpu.memory_space<vmem>>, vector<1x16xf32>,
        }
        %scan3A_203 = arith.constant 32 : i32
        %mul3A_204 = arith.constant 2 : i32
        %mul3A_205 = arith.muli %mul3A_204, %scan3A_158 : i32
        %add3A_206 = arith.constant 2 : i32
        %add3A_207 = arith.addi %mul3A_205, %add3A_206 : i32
        %mul3A_208 = arith.constant 4 : i32
        %mul3A_209 = arith.muli %add3A_207, %mul3A_208 : i32
        %add3A_210 = arith.constant 0 : i32
        %add3A_211 = arith.addi %mul3A_209, %add3A_210 : i32
        %get3A_212 = arith.index_cast %add3A_211 : i32 to index
        %get3A_213 = arith.constant 0 : index
        %get3A_214 = tpu.vector_load %arg12[%get3A_212, %get3A_213] {strides = array<i32>} : memref<48x128xi32, #tpu.memory_space<vmem>>, vector<1x16xi32>,
        %get3A_215 = vector.shape_cast %get3A_214 : vector<1x16xi32> to vector<16xi32>
        %swap3A_216 = arith.constant 0 : index
        %swap3A_217 = tpu.vector_load %arg7[%swap3A_216] {strides = array<i32>} : memref<64xi32, #tpu.memory_space<vmem>>, vector<16xi32>,
        %swap3A_218 = vector.shape_cast %swap3A_217 : vector<16xi32> to vector<16xi32>
        %swap3A_219 = vector.shape_cast %get3A_215 : vector<16xi32> to vector<16xi32>
        tpu.vector_store %arg7[%swap3A_216], %swap3A_219 {strides = array<i32>} : memref<64xi32, #tpu.memory_space<vmem>>, vector<16xi32>,
        %mul3A_220 = arith.constant 4 : i32
        %mul3A_221 = arith.muli %add3A_207, %mul3A_220 : i32
        %add3A_222 = arith.constant 1 : i32
        %add3A_223 = arith.addi %mul3A_221, %add3A_222 : i32
        %get3A_224 = arith.index_cast %add3A_223 : i32 to index
        %get3A_225 = arith.constant 0 : index
        %get3A_226 = tpu.vector_load %arg12[%get3A_224, %get3A_225] {strides = array<i32>} : memref<48x128xi32, #tpu.memory_space<vmem>>, vector<1x16xi32>,
        %get3A_227 = vector.shape_cast %get3A_226 : vector<1x16xi32> to vector<16xi32>
        %swap3A_228 = arith.constant 16 : index
        %swap3A_229 = tpu.vector_load %arg7[%swap3A_228] {strides = array<i32>} : memref<64xi32, #tpu.memory_space<vmem>>, vector<16xi32>,
        %swap3A_230 = vector.shape_cast %swap3A_229 : vector<16xi32> to vector<16xi32>
        %swap3A_231 = vector.shape_cast %get3A_227 : vector<16xi32> to vector<16xi32>
        tpu.vector_store %arg7[%swap3A_228], %swap3A_231 {strides = array<i32>} : memref<64xi32, #tpu.memory_space<vmem>>, vector<16xi32>,
        %mul3A_232 = arith.constant 4 : i32
        %mul3A_233 = arith.muli %add3A_207, %mul3A_232 : i32
        %add3A_234 = arith.constant 2 : i32
        %add3A_235 = arith.addi %mul3A_233, %add3A_234 : i32
        %get3A_236 = arith.index_cast %add3A_235 : i32 to index
        %get3A_237 = arith.constant 0 : index
        %get3A_238 = tpu.vector_load %arg12[%get3A_236, %get3A_237] {strides = array<i32>} : memref<48x128xi32, #tpu.memory_space<vmem>>, vector<1x16xi32>,
        %get3A_239 = vector.shape_cast %get3A_238 : vector<1x16xi32> to vector<16xi32>
        %swap3A_240 = arith.constant 32 : index
        %swap3A_241 = tpu.vector_load %arg7[%swap3A_240] {strides = array<i32>} : memref<64xi32, #tpu.memory_space<vmem>>, vector<16xi32>,
        %swap3A_242 = vector.shape_cast %swap3A_241 : vector<16xi32> to vector<16xi32>
        %swap3A_243 = vector.shape_cast %get3A_239 : vector<16xi32> to vector<16xi32>
        tpu.vector_store %arg7[%swap3A_240], %swap3A_243 {strides = array<i32>} : memref<64xi32, #tpu.memory_space<vmem>>, vector<16xi32>,
        %mul3A_244 = arith.constant 4 : i32
        %mul3A_245 = arith.muli %add3A_207, %mul3A_244 : i32
        %add3A_246 = arith.constant 3 : i32
        %add3A_247 = arith.addi %mul3A_245, %add3A_246 : i32
        %get3A_248 = arith.index_cast %add3A_247 : i32 to index
        %get3A_249 = arith.constant 0 : index
        %get3A_250 = tpu.vector_load %arg12[%get3A_248, %get3A_249] {strides = array<i32>} : memref<48x128xi32, #tpu.memory_space<vmem>>, vector<1x16xi32>,
        %get3A_251 = vector.shape_cast %get3A_250 : vector<1x16xi32> to vector<16xi32>
        %swap3A_252 = arith.constant 48 : index
        %swap3A_253 = tpu.vector_load %arg7[%swap3A_252] {strides = array<i32>} : memref<64xi32, #tpu.memory_space<vmem>>, vector<16xi32>,
        %swap3A_254 = vector.shape_cast %swap3A_253 : vector<16xi32> to vector<16xi32>
        %swap3A_255 = vector.shape_cast %get3A_251 : vector<16xi32> to vector<16xi32>
        tpu.vector_store %arg7[%swap3A_252], %swap3A_255 {strides = array<i32>} : memref<64xi32, #tpu.memory_space<vmem>>, vector<16xi32>,
        %dma_start3A_256 = arith.constant 0 : i32
        %dma_start3A_257 = arith.constant 0 : i32
        %dma_start3A_258 = tpu.memref_slice %arg3[%dma_start3A_256, %dma_start3A_257] : memref<50001x512xf32, #tpu.memory_space<hbm>> -> memref<50001x512xf32, #tpu.memory_space<hbm>>
        tpu.enqueue_indirect_dma source(%dma_start3A_258 : memref<50001x512xf32, #tpu.memory_space<hbm>>) target(%arg9 : memref<64x512xf32, #tpu.memory_space<vmem>>) offsets(%arg7 : memref<64xi32, #tpu.memory_space<vmem>>) semaphore(%arg15 : memref<!tpu.dma_semaphore, #tpu.memory_space<semaphore_mem>>)
        %dma_wait3A_259 = arith.constant 0 : i32
        %dma_wait3A_260 = arith.constant 0 : i32
        %dma_wait3A_261 = tpu.memref_slice %arg3[%dma_wait3A_259, %dma_wait3A_260] : memref<50001x512xf32, #tpu.memory_space<hbm>> -> memref<50001x512xf32, #tpu.memory_space<hbm>>
        tpu.wait_indirect_dma semaphore(%arg16 : memref<!tpu.dma_semaphore, #tpu.memory_space<semaphore_mem>>) src(%dma_wait3A_261 : memref<50001x512xf32, #tpu.memory_space<hbm>>) dst(%arg10 : memref<64x512xf32, #tpu.memory_space<vmem>>)
        %mul3A_262 = arith.constant 2 : i32
        %mul3A_263 = arith.muli %mul3A_262, %scan3A_158 : i32
        %add3A_264 = arith.constant 1 : i32
        %add3A_265 = arith.addi %mul3A_263, %add3A_264 : i32
        %mul3A_266 = arith.constant 4 : i32
        %mul3A_267 = arith.muli %add3A_265, %mul3A_266 : i32
        %add3A_268 = arith.constant 0 : i32
        %add3A_269 = arith.addi %mul3A_267, %add3A_268 : i32
        %scan3A_270 = arith.constant 0 : i32
        %scan3A_271 = arith.constant 0 : i32
        %scan3A_272 = arith.constant 32 : i32
        %scan3A_273 = arith.addi %scan3A_271, %scan3A_272 : i32
        %scan3A_274 = arith.constant 1 : i32
        scf.for %scan3A_361 = %scan3A_271 to %scan3A_273 step %scan3A_274  : i32 {
          %mul3A_362 = arith.constant 16 : i32
          %mul3A_363 = arith.muli %scan3A_361, %mul3A_362 : i32
          %get3A_364 = arith.constant 0 : i32
          %get3A_365 = arith.index_cast %get3A_364 : i32 to index
          %get3A_366 = arith.index_cast %mul3A_363 : i32 to index
          %get3A_367 = tpu.vector_load %arg10[%get3A_365, %get3A_366] {strides = array<i32>} : memref<64x512xf32, #tpu.memory_space<vmem>>, vector<1x16xf32>,
          %get3A_368 = vector.shape_cast %get3A_367 : vector<1x16xf32> to vector<16xf32>
          %mul3A_369 = arith.constant 16 : i32
          %mul3A_370 = arith.muli %scan3A_361, %mul3A_369 : i32
          %get3A_371 = arith.constant 1 : i32
          %get3A_372 = arith.index_cast %get3A_371 : i32 to index
          %get3A_373 = arith.index_cast %mul3A_370 : i32 to index
          %get3A_374 = tpu.vector_load %arg10[%get3A_372, %get3A_373] {strides = array<i32>} : memref<64x512xf32, #tpu.memory_space<vmem>>, vector<1x16xf32>,
          %get3A_375 = vector.shape_cast %get3A_374 : vector<1x16xf32> to vector<16xf32>
          %mul3A_376 = arith.constant 16 : i32
          %mul3A_377 = arith.muli %scan3A_361, %mul3A_376 : i32
          %get3A_378 = arith.constant 2 : i32
          %get3A_379 = arith.index_cast %get3A_378 : i32 to index
          %get3A_380 = arith.index_cast %mul3A_377 : i32 to index
          %get3A_381 = tpu.vector_load %arg10[%get3A_379, %get3A_380] {strides = array<i32>} : memref<64x512xf32, #tpu.memory_space<vmem>>, vector<1x16xf32>,
          %get3A_382 = vector.shape_cast %get3A_381 : vector<1x16xf32> to vector<16xf32>
          %mul3A_383 = arith.constant 16 : i32
          %mul3A_384 = arith.muli %scan3A_361, %mul3A_383 : i32
          %get3A_385 = arith.constant 3 : i32
          %get3A_386 = arith.index_cast %get3A_385 : i32 to index
          %get3A_387 = arith.index_cast %mul3A_384 : i32 to index
          %get3A_388 = tpu.vector_load %arg10[%get3A_386, %get3A_387] {strides = array<i32>} : memref<64x512xf32, #tpu.memory_space<vmem>>, vector<1x16xf32>,
          %get3A_389 = vector.shape_cast %get3A_388 : vector<1x16xf32> to vector<16xf32>
          %mul3A_390 = arith.constant 16 : i32
          %mul3A_391 = arith.muli %scan3A_361, %mul3A_390 : i32
          %get3A_392 = arith.constant 4 : i32
          %get3A_393 = arith.index_cast %get3A_392 : i32 to index
          %get3A_394 = arith.index_cast %mul3A_391 : i32 to index
          %get3A_395 = tpu.vector_load %arg10[%get3A_393, %get3A_394] {strides = array<i32>} : memref<64x512xf32, #tpu.memory_space<vmem>>, vector<1x16xf32>,
          %get3A_396 = vector.shape_cast %get3A_395 : vector<1x16xf32> to vector<16xf32>
          %mul3A_397 = arith.constant 16 : i32
          %mul3A_398 = arith.muli %scan3A_361, %mul3A_397 : i32
          %get3A_399 = arith.constant 5 : i32
          %get3A_400 = arith.index_cast %get3A_399 : i32 to index
          %get3A_401 = arith.index_cast %mul3A_398 : i32 to index
          %get3A_402 = tpu.vector_load %arg10[%get3A_400, %get3A_401] {strides = array<i32>} : memref<64x512xf32, #tpu.memory_space<vmem>>, vector<1x16xf32>,
          %get3A_403 = vector.shape_cast %get3A_402 : vector<1x16xf32> to vector<16xf32>
          %mul3A_404 = arith.constant 16 : i32
          %mul3A_405 = arith.muli %scan3A_361, %mul3A_404 : i32
          %get3A_406 = arith.constant 6 : i32
          %get3A_407 = arith.index_cast %get3A_406 : i32 to index
          %get3A_408 = arith.index_cast %mul3A_405 : i32 to index
          %get3A_409 = tpu.vector_load %arg10[%get3A_407, %get3A_408] {strides = array<i32>} : memref<64x512xf32, #tpu.memory_space<vmem>>, vector<1x16xf32>,
          %get3A_410 = vector.shape_cast %get3A_409 : vector<1x16xf32> to vector<16xf32>
          %mul3A_411 = arith.constant 16 : i32
          %mul3A_412 = arith.muli %scan3A_361, %mul3A_411 : i32
          %get3A_413 = arith.constant 7 : i32
          %get3A_414 = arith.index_cast %get3A_413 : i32 to index
          %get3A_415 = arith.index_cast %mul3A_412 : i32 to index
          %get3A_416 = tpu.vector_load %arg10[%get3A_414, %get3A_415] {strides = array<i32>} : memref<64x512xf32, #tpu.memory_space<vmem>>, vector<1x16xf32>,
          %get3A_417 = vector.shape_cast %get3A_416 : vector<1x16xf32> to vector<16xf32>
          %mul3A_418 = arith.constant 16 : i32
          %mul3A_419 = arith.muli %scan3A_361, %mul3A_418 : i32
          %get3A_420 = arith.constant 8 : i32
          %get3A_421 = arith.index_cast %get3A_420 : i32 to index
          %get3A_422 = arith.index_cast %mul3A_419 : i32 to index
          %get3A_423 = tpu.vector_load %arg10[%get3A_421, %get3A_422] {strides = array<i32>} : memref<64x512xf32, #tpu.memory_space<vmem>>, vector<1x16xf32>,
          %get3A_424 = vector.shape_cast %get3A_423 : vector<1x16xf32> to vector<16xf32>
          %mul3A_425 = arith.constant 16 : i32
          %mul3A_426 = arith.muli %scan3A_361, %mul3A_425 : i32
          %get3A_427 = arith.constant 9 : i32
          %get3A_428 = arith.index_cast %get3A_427 : i32 to index
          %get3A_429 = arith.index_cast %mul3A_426 : i32 to index
          %get3A_430 = tpu.vector_load %arg10[%get3A_428, %get3A_429] {strides = array<i32>} : memref<64x512xf32, #tpu.memory_space<vmem>>, vector<1x16xf32>,
          %get3A_431 = vector.shape_cast %get3A_430 : vector<1x16xf32> to vector<16xf32>
          %mul3A_432 = arith.constant 16 : i32
          %mul3A_433 = arith.muli %scan3A_361, %mul3A_432 : i32
          %get3A_434 = arith.constant 10 : i32
          %get3A_435 = arith.index_cast %get3A_434 : i32 to index
          %get3A_436 = arith.index_cast %mul3A_433 : i32 to index
          %get3A_437 = tpu.vector_load %arg10[%get3A_435, %get3A_436] {strides = array<i32>} : memref<64x512xf32, #tpu.memory_space<vmem>>, vector<1x16xf32>,
          %get3A_438 = vector.shape_cast %get3A_437 : vector<1x16xf32> to vector<16xf32>
          %mul3A_439 = arith.constant 16 : i32
          %mul3A_440 = arith.muli %scan3A_361, %mul3A_439 : i32
          %get3A_441 = arith.constant 11 : i32
          %get3A_442 = arith.index_cast %get3A_441 : i32 to index
          %get3A_443 = arith.index_cast %mul3A_440 : i32 to index
          %get3A_444 = tpu.vector_load %arg10[%get3A_442, %get3A_443] {strides = array<i32>} : memref<64x512xf32, #tpu.memory_space<vmem>>, vector<1x16xf32>,
          %get3A_445 = vector.shape_cast %get3A_444 : vector<1x16xf32> to vector<16xf32>
          %mul3A_446 = arith.constant 16 : i32
          %mul3A_447 = arith.muli %scan3A_361, %mul3A_446 : i32
          %get3A_448 = arith.constant 12 : i32
          %get3A_449 = arith.index_cast %get3A_448 : i32 to index
          %get3A_450 = arith.index_cast %mul3A_447 : i32 to index
          %get3A_451 = tpu.vector_load %arg10[%get3A_449, %get3A_450] {strides = array<i32>} : memref<64x512xf32, #tpu.memory_space<vmem>>, vector<1x16xf32>,
          %get3A_452 = vector.shape_cast %get3A_451 : vector<1x16xf32> to vector<16xf32>
          %mul3A_453 = arith.constant 16 : i32
          %mul3A_454 = arith.muli %scan3A_361, %mul3A_453 : i32
          %get3A_455 = arith.constant 13 : i32
          %get3A_456 = arith.index_cast %get3A_455 : i32 to index
          %get3A_457 = arith.index_cast %mul3A_454 : i32 to index
          %get3A_458 = tpu.vector_load %arg10[%get3A_456, %get3A_457] {strides = array<i32>} : memref<64x512xf32, #tpu.memory_space<vmem>>, vector<1x16xf32>,
          %get3A_459 = vector.shape_cast %get3A_458 : vector<1x16xf32> to vector<16xf32>
          %mul3A_460 = arith.constant 16 : i32
          %mul3A_461 = arith.muli %scan3A_361, %mul3A_460 : i32
          %get3A_462 = arith.constant 14 : i32
          %get3A_463 = arith.index_cast %get3A_462 : i32 to index
          %get3A_464 = arith.index_cast %mul3A_461 : i32 to index
          %get3A_465 = tpu.vector_load %arg10[%get3A_463, %get3A_464] {strides = array<i32>} : memref<64x512xf32, #tpu.memory_space<vmem>>, vector<1x16xf32>,
          %get3A_466 = vector.shape_cast %get3A_465 : vector<1x16xf32> to vector<16xf32>
          %mul3A_467 = arith.constant 16 : i32
          %mul3A_468 = arith.muli %scan3A_361, %mul3A_467 : i32
          %get3A_469 = arith.constant 15 : i32
          %get3A_470 = arith.index_cast %get3A_469 : i32 to index
          %get3A_471 = arith.index_cast %mul3A_468 : i32 to index
          %get3A_472 = tpu.vector_load %arg10[%get3A_470, %get3A_471] {strides = array<i32>} : memref<64x512xf32, #tpu.memory_space<vmem>>, vector<1x16xf32>,
          %get3A_473 = vector.shape_cast %get3A_472 : vector<1x16xf32> to vector<16xf32>
          %add3A_474 = arith.addf %get3A_368, %get3A_375 : vector<16xf32>
          %add3A_475 = arith.addf %get3A_382, %get3A_389 : vector<16xf32>
          %add3A_476 = arith.addf %get3A_396, %get3A_403 : vector<16xf32>
          %add3A_477 = arith.addf %get3A_410, %get3A_417 : vector<16xf32>
          %add3A_478 = arith.addf %get3A_424, %get3A_431 : vector<16xf32>
          %add3A_479 = arith.addf %get3A_438, %get3A_445 : vector<16xf32>
          %add3A_480 = arith.addf %get3A_452, %get3A_459 : vector<16xf32>
          %add3A_481 = arith.addf %get3A_466, %get3A_473 : vector<16xf32>
          %add3A_482 = arith.addf %add3A_474, %add3A_475 : vector<16xf32>
          %add3A_483 = arith.addf %add3A_476, %add3A_477 : vector<16xf32>
          %add3A_484 = arith.addf %add3A_478, %add3A_479 : vector<16xf32>
          %add3A_485 = arith.addf %add3A_480, %add3A_481 : vector<16xf32>
          %add3A_486 = arith.addf %add3A_482, %add3A_483 : vector<16xf32>
          %add3A_487 = arith.addf %add3A_484, %add3A_485 : vector<16xf32>
          %add3A_488 = arith.addf %add3A_486, %add3A_487 : vector<16xf32>
          %mul3A_489 = arith.constant 16 : i32
          %mul3A_490 = arith.muli %scan3A_361, %mul3A_489 : i32
          %swap3A_491 = arith.index_cast %add3A_269 : i32 to index
          %swap3A_492 = arith.index_cast %mul3A_490 : i32 to index
          %swap3A_493 = tpu.vector_load %arg11[%swap3A_491, %swap3A_492] {strides = array<i32>} : memref<48x512xf32, #tpu.memory_space<vmem>>, vector<1x16xf32>,
          %swap3A_494 = vector.shape_cast %swap3A_493 : vector<1x16xf32> to vector<16xf32>
          %swap3A_495 = vector.shape_cast %add3A_488 : vector<16xf32> to vector<1x16xf32>
          tpu.vector_store %arg11[%swap3A_491, %swap3A_492], %swap3A_495 {strides = array<i32>} : memref<48x512xf32, #tpu.memory_space<vmem>>, vector<1x16xf32>,
        }
        %scan3A_275 = arith.constant 32 : i32
        %mul3A_276 = arith.constant 4 : i32
        %mul3A_277 = arith.muli %add3A_265, %mul3A_276 : i32
        %add3A_278 = arith.constant 1 : i32
        %add3A_279 = arith.addi %mul3A_277, %add3A_278 : i32
        %scan3A_280 = arith.constant 0 : i32
        %scan3A_281 = arith.constant 0 : i32
        %scan3A_282 = arith.constant 32 : i32
        %scan3A_283 = arith.addi %scan3A_281, %scan3A_282 : i32
        %scan3A_284 = arith.constant 1 : i32
        scf.for %scan3A_361 = %scan3A_281 to %scan3A_283 step %scan3A_284  : i32 {
          %mul3A_362 = arith.constant 16 : i32
          %mul3A_363 = arith.muli %scan3A_361, %mul3A_362 : i32
          %get3A_364 = arith.constant 16 : i32
          %get3A_365 = arith.index_cast %get3A_364 : i32 to index
          %get3A_366 = arith.index_cast %mul3A_363 : i32 to index
          %get3A_367 = tpu.vector_load %arg10[%get3A_365, %get3A_366] {strides = array<i32>} : memref<64x512xf32, #tpu.memory_space<vmem>>, vector<1x16xf32>,
          %get3A_368 = vector.shape_cast %get3A_367 : vector<1x16xf32> to vector<16xf32>
          %mul3A_369 = arith.constant 16 : i32
          %mul3A_370 = arith.muli %scan3A_361, %mul3A_369 : i32
          %get3A_371 = arith.constant 17 : i32
          %get3A_372 = arith.index_cast %get3A_371 : i32 to index
          %get3A_373 = arith.index_cast %mul3A_370 : i32 to index
          %get3A_374 = tpu.vector_load %arg10[%get3A_372, %get3A_373] {strides = array<i32>} : memref<64x512xf32, #tpu.memory_space<vmem>>, vector<1x16xf32>,
          %get3A_375 = vector.shape_cast %get3A_374 : vector<1x16xf32> to vector<16xf32>
          %mul3A_376 = arith.constant 16 : i32
          %mul3A_377 = arith.muli %scan3A_361, %mul3A_376 : i32
          %get3A_378 = arith.constant 18 : i32
          %get3A_379 = arith.index_cast %get3A_378 : i32 to index
          %get3A_380 = arith.index_cast %mul3A_377 : i32 to index
          %get3A_381 = tpu.vector_load %arg10[%get3A_379, %get3A_380] {strides = array<i32>} : memref<64x512xf32, #tpu.memory_space<vmem>>, vector<1x16xf32>,
          %get3A_382 = vector.shape_cast %get3A_381 : vector<1x16xf32> to vector<16xf32>
          %mul3A_383 = arith.constant 16 : i32
          %mul3A_384 = arith.muli %scan3A_361, %mul3A_383 : i32
          %get3A_385 = arith.constant 19 : i32
          %get3A_386 = arith.index_cast %get3A_385 : i32 to index
          %get3A_387 = arith.index_cast %mul3A_384 : i32 to index
          %get3A_388 = tpu.vector_load %arg10[%get3A_386, %get3A_387] {strides = array<i32>} : memref<64x512xf32, #tpu.memory_space<vmem>>, vector<1x16xf32>,
          %get3A_389 = vector.shape_cast %get3A_388 : vector<1x16xf32> to vector<16xf32>
          %mul3A_390 = arith.constant 16 : i32
          %mul3A_391 = arith.muli %scan3A_361, %mul3A_390 : i32
          %get3A_392 = arith.constant 20 : i32
          %get3A_393 = arith.index_cast %get3A_392 : i32 to index
          %get3A_394 = arith.index_cast %mul3A_391 : i32 to index
          %get3A_395 = tpu.vector_load %arg10[%get3A_393, %get3A_394] {strides = array<i32>} : memref<64x512xf32, #tpu.memory_space<vmem>>, vector<1x16xf32>,
          %get3A_396 = vector.shape_cast %get3A_395 : vector<1x16xf32> to vector<16xf32>
          %mul3A_397 = arith.constant 16 : i32
          %mul3A_398 = arith.muli %scan3A_361, %mul3A_397 : i32
          %get3A_399 = arith.constant 21 : i32
          %get3A_400 = arith.index_cast %get3A_399 : i32 to index
          %get3A_401 = arith.index_cast %mul3A_398 : i32 to index
          %get3A_402 = tpu.vector_load %arg10[%get3A_400, %get3A_401] {strides = array<i32>} : memref<64x512xf32, #tpu.memory_space<vmem>>, vector<1x16xf32>,
          %get3A_403 = vector.shape_cast %get3A_402 : vector<1x16xf32> to vector<16xf32>
          %mul3A_404 = arith.constant 16 : i32
          %mul3A_405 = arith.muli %scan3A_361, %mul3A_404 : i32
          %get3A_406 = arith.constant 22 : i32
          %get3A_407 = arith.index_cast %get3A_406 : i32 to index
          %get3A_408 = arith.index_cast %mul3A_405 : i32 to index
          %get3A_409 = tpu.vector_load %arg10[%get3A_407, %get3A_408] {strides = array<i32>} : memref<64x512xf32, #tpu.memory_space<vmem>>, vector<1x16xf32>,
          %get3A_410 = vector.shape_cast %get3A_409 : vector<1x16xf32> to vector<16xf32>
          %mul3A_411 = arith.constant 16 : i32
          %mul3A_412 = arith.muli %scan3A_361, %mul3A_411 : i32
          %get3A_413 = arith.constant 23 : i32
          %get3A_414 = arith.index_cast %get3A_413 : i32 to index
          %get3A_415 = arith.index_cast %mul3A_412 : i32 to index
          %get3A_416 = tpu.vector_load %arg10[%get3A_414, %get3A_415] {strides = array<i32>} : memref<64x512xf32, #tpu.memory_space<vmem>>, vector<1x16xf32>,
          %get3A_417 = vector.shape_cast %get3A_416 : vector<1x16xf32> to vector<16xf32>
          %mul3A_418 = arith.constant 16 : i32
          %mul3A_419 = arith.muli %scan3A_361, %mul3A_418 : i32
          %get3A_420 = arith.constant 24 : i32
          %get3A_421 = arith.index_cast %get3A_420 : i32 to index
          %get3A_422 = arith.index_cast %mul3A_419 : i32 to index
          %get3A_423 = tpu.vector_load %arg10[%get3A_421, %get3A_422] {strides = array<i32>} : memref<64x512xf32, #tpu.memory_space<vmem>>, vector<1x16xf32>,
          %get3A_424 = vector.shape_cast %get3A_423 : vector<1x16xf32> to vector<16xf32>
          %mul3A_425 = arith.constant 16 : i32
          %mul3A_426 = arith.muli %scan3A_361, %mul3A_425 : i32
          %get3A_427 = arith.constant 25 : i32
          %get3A_428 = arith.index_cast %get3A_427 : i32 to index
          %get3A_429 = arith.index_cast %mul3A_426 : i32 to index
          %get3A_430 = tpu.vector_load %arg10[%get3A_428, %get3A_429] {strides = array<i32>} : memref<64x512xf32, #tpu.memory_space<vmem>>, vector<1x16xf32>,
          %get3A_431 = vector.shape_cast %get3A_430 : vector<1x16xf32> to vector<16xf32>
          %mul3A_432 = arith.constant 16 : i32
          %mul3A_433 = arith.muli %scan3A_361, %mul3A_432 : i32
          %get3A_434 = arith.constant 26 : i32
          %get3A_435 = arith.index_cast %get3A_434 : i32 to index
          %get3A_436 = arith.index_cast %mul3A_433 : i32 to index
          %get3A_437 = tpu.vector_load %arg10[%get3A_435, %get3A_436] {strides = array<i32>} : memref<64x512xf32, #tpu.memory_space<vmem>>, vector<1x16xf32>,
          %get3A_438 = vector.shape_cast %get3A_437 : vector<1x16xf32> to vector<16xf32>
          %mul3A_439 = arith.constant 16 : i32
          %mul3A_440 = arith.muli %scan3A_361, %mul3A_439 : i32
          %get3A_441 = arith.constant 27 : i32
          %get3A_442 = arith.index_cast %get3A_441 : i32 to index
          %get3A_443 = arith.index_cast %mul3A_440 : i32 to index
          %get3A_444 = tpu.vector_load %arg10[%get3A_442, %get3A_443] {strides = array<i32>} : memref<64x512xf32, #tpu.memory_space<vmem>>, vector<1x16xf32>,
          %get3A_445 = vector.shape_cast %get3A_444 : vector<1x16xf32> to vector<16xf32>
          %mul3A_446 = arith.constant 16 : i32
          %mul3A_447 = arith.muli %scan3A_361, %mul3A_446 : i32
          %get3A_448 = arith.constant 28 : i32
          %get3A_449 = arith.index_cast %get3A_448 : i32 to index
          %get3A_450 = arith.index_cast %mul3A_447 : i32 to index
          %get3A_451 = tpu.vector_load %arg10[%get3A_449, %get3A_450] {strides = array<i32>} : memref<64x512xf32, #tpu.memory_space<vmem>>, vector<1x16xf32>,
          %get3A_452 = vector.shape_cast %get3A_451 : vector<1x16xf32> to vector<16xf32>
          %mul3A_453 = arith.constant 16 : i32
          %mul3A_454 = arith.muli %scan3A_361, %mul3A_453 : i32
          %get3A_455 = arith.constant 29 : i32
          %get3A_456 = arith.index_cast %get3A_455 : i32 to index
          %get3A_457 = arith.index_cast %mul3A_454 : i32 to index
          %get3A_458 = tpu.vector_load %arg10[%get3A_456, %get3A_457] {strides = array<i32>} : memref<64x512xf32, #tpu.memory_space<vmem>>, vector<1x16xf32>,
          %get3A_459 = vector.shape_cast %get3A_458 : vector<1x16xf32> to vector<16xf32>
          %mul3A_460 = arith.constant 16 : i32
          %mul3A_461 = arith.muli %scan3A_361, %mul3A_460 : i32
          %get3A_462 = arith.constant 30 : i32
          %get3A_463 = arith.index_cast %get3A_462 : i32 to index
          %get3A_464 = arith.index_cast %mul3A_461 : i32 to index
          %get3A_465 = tpu.vector_load %arg10[%get3A_463, %get3A_464] {strides = array<i32>} : memref<64x512xf32, #tpu.memory_space<vmem>>, vector<1x16xf32>,
          %get3A_466 = vector.shape_cast %get3A_465 : vector<1x16xf32> to vector<16xf32>
          %mul3A_467 = arith.constant 16 : i32
          %mul3A_468 = arith.muli %scan3A_361, %mul3A_467 : i32
          %get3A_469 = arith.constant 31 : i32
          %get3A_470 = arith.index_cast %get3A_469 : i32 to index
          %get3A_471 = arith.index_cast %mul3A_468 : i32 to index
          %get3A_472 = tpu.vector_load %arg10[%get3A_470, %get3A_471] {strides = array<i32>} : memref<64x512xf32, #tpu.memory_space<vmem>>, vector<1x16xf32>,
          %get3A_473 = vector.shape_cast %get3A_472 : vector<1x16xf32> to vector<16xf32>
          %add3A_474 = arith.addf %get3A_368, %get3A_375 : vector<16xf32>
          %add3A_475 = arith.addf %get3A_382, %get3A_389 : vector<16xf32>
          %add3A_476 = arith.addf %get3A_396, %get3A_403 : vector<16xf32>
          %add3A_477 = arith.addf %get3A_410, %get3A_417 : vector<16xf32>
          %add3A_478 = arith.addf %get3A_424, %get3A_431 : vector<16xf32>
          %add3A_479 = arith.addf %get3A_438, %get3A_445 : vector<16xf32>
          %add3A_480 = arith.addf %get3A_452, %get3A_459 : vector<16xf32>
          %add3A_481 = arith.addf %get3A_466, %get3A_473 : vector<16xf32>
          %add3A_482 = arith.addf %add3A_474, %add3A_475 : vector<16xf32>
          %add3A_483 = arith.addf %add3A_476, %add3A_477 : vector<16xf32>
          %add3A_484 = arith.addf %add3A_478, %add3A_479 : vector<16xf32>
          %add3A_485 = arith.addf %add3A_480, %add3A_481 : vector<16xf32>
          %add3A_486 = arith.addf %add3A_482, %add3A_483 : vector<16xf32>
          %add3A_487 = arith.addf %add3A_484, %add3A_485 : vector<16xf32>
          %add3A_488 = arith.addf %add3A_486, %add3A_487 : vector<16xf32>
          %mul3A_489 = arith.constant 16 : i32
          %mul3A_490 = arith.muli %scan3A_361, %mul3A_489 : i32
          %swap3A_491 = arith.index_cast %add3A_279 : i32 to index
          %swap3A_492 = arith.index_cast %mul3A_490 : i32 to index
          %swap3A_493 = tpu.vector_load %arg11[%swap3A_491, %swap3A_492] {strides = array<i32>} : memref<48x512xf32, #tpu.memory_space<vmem>>, vector<1x16xf32>,
          %swap3A_494 = vector.shape_cast %swap3A_493 : vector<1x16xf32> to vector<16xf32>
          %swap3A_495 = vector.shape_cast %add3A_488 : vector<16xf32> to vector<1x16xf32>
          tpu.vector_store %arg11[%swap3A_491, %swap3A_492], %swap3A_495 {strides = array<i32>} : memref<48x512xf32, #tpu.memory_space<vmem>>, vector<1x16xf32>,
        }
        %scan3A_285 = arith.constant 32 : i32
        %mul3A_286 = arith.constant 4 : i32
        %mul3A_287 = arith.muli %add3A_265, %mul3A_286 : i32
        %add3A_288 = arith.constant 2 : i32
        %add3A_289 = arith.addi %mul3A_287, %add3A_288 : i32
        %scan3A_290 = arith.constant 0 : i32
        %scan3A_291 = arith.constant 0 : i32
        %scan3A_292 = arith.constant 32 : i32
        %scan3A_293 = arith.addi %scan3A_291, %scan3A_292 : i32
        %scan3A_294 = arith.constant 1 : i32
        scf.for %scan3A_361 = %scan3A_291 to %scan3A_293 step %scan3A_294  : i32 {
          %mul3A_362 = arith.constant 16 : i32
          %mul3A_363 = arith.muli %scan3A_361, %mul3A_362 : i32
          %get3A_364 = arith.constant 32 : i32
          %get3A_365 = arith.index_cast %get3A_364 : i32 to index
          %get3A_366 = arith.index_cast %mul3A_363 : i32 to index
          %get3A_367 = tpu.vector_load %arg10[%get3A_365, %get3A_366] {strides = array<i32>} : memref<64x512xf32, #tpu.memory_space<vmem>>, vector<1x16xf32>,
          %get3A_368 = vector.shape_cast %get3A_367 : vector<1x16xf32> to vector<16xf32>
          %mul3A_369 = arith.constant 16 : i32
          %mul3A_370 = arith.muli %scan3A_361, %mul3A_369 : i32
          %get3A_371 = arith.constant 33 : i32
          %get3A_372 = arith.index_cast %get3A_371 : i32 to index
          %get3A_373 = arith.index_cast %mul3A_370 : i32 to index
          %get3A_374 = tpu.vector_load %arg10[%get3A_372, %get3A_373] {strides = array<i32>} : memref<64x512xf32, #tpu.memory_space<vmem>>, vector<1x16xf32>,
          %get3A_375 = vector.shape_cast %get3A_374 : vector<1x16xf32> to vector<16xf32>
          %mul3A_376 = arith.constant 16 : i32
          %mul3A_377 = arith.muli %scan3A_361, %mul3A_376 : i32
          %get3A_378 = arith.constant 34 : i32
          %get3A_379 = arith.index_cast %get3A_378 : i32 to index
          %get3A_380 = arith.index_cast %mul3A_377 : i32 to index
          %get3A_381 = tpu.vector_load %arg10[%get3A_379, %get3A_380] {strides = array<i32>} : memref<64x512xf32, #tpu.memory_space<vmem>>, vector<1x16xf32>,
          %get3A_382 = vector.shape_cast %get3A_381 : vector<1x16xf32> to vector<16xf32>
          %mul3A_383 = arith.constant 16 : i32
          %mul3A_384 = arith.muli %scan3A_361, %mul3A_383 : i32
          %get3A_385 = arith.constant 35 : i32
          %get3A_386 = arith.index_cast %get3A_385 : i32 to index
          %get3A_387 = arith.index_cast %mul3A_384 : i32 to index
          %get3A_388 = tpu.vector_load %arg10[%get3A_386, %get3A_387] {strides = array<i32>} : memref<64x512xf32, #tpu.memory_space<vmem>>, vector<1x16xf32>,
          %get3A_389 = vector.shape_cast %get3A_388 : vector<1x16xf32> to vector<16xf32>
          %mul3A_390 = arith.constant 16 : i32
          %mul3A_391 = arith.muli %scan3A_361, %mul3A_390 : i32
          %get3A_392 = arith.constant 36 : i32
          %get3A_393 = arith.index_cast %get3A_392 : i32 to index
          %get3A_394 = arith.index_cast %mul3A_391 : i32 to index
          %get3A_395 = tpu.vector_load %arg10[%get3A_393, %get3A_394] {strides = array<i32>} : memref<64x512xf32, #tpu.memory_space<vmem>>, vector<1x16xf32>,
          %get3A_396 = vector.shape_cast %get3A_395 : vector<1x16xf32> to vector<16xf32>
          %mul3A_397 = arith.constant 16 : i32
          %mul3A_398 = arith.muli %scan3A_361, %mul3A_397 : i32
          %get3A_399 = arith.constant 37 : i32
          %get3A_400 = arith.index_cast %get3A_399 : i32 to index
          %get3A_401 = arith.index_cast %mul3A_398 : i32 to index
          %get3A_402 = tpu.vector_load %arg10[%get3A_400, %get3A_401] {strides = array<i32>} : memref<64x512xf32, #tpu.memory_space<vmem>>, vector<1x16xf32>,
          %get3A_403 = vector.shape_cast %get3A_402 : vector<1x16xf32> to vector<16xf32>
          %mul3A_404 = arith.constant 16 : i32
          %mul3A_405 = arith.muli %scan3A_361, %mul3A_404 : i32
          %get3A_406 = arith.constant 38 : i32
          %get3A_407 = arith.index_cast %get3A_406 : i32 to index
          %get3A_408 = arith.index_cast %mul3A_405 : i32 to index
          %get3A_409 = tpu.vector_load %arg10[%get3A_407, %get3A_408] {strides = array<i32>} : memref<64x512xf32, #tpu.memory_space<vmem>>, vector<1x16xf32>,
          %get3A_410 = vector.shape_cast %get3A_409 : vector<1x16xf32> to vector<16xf32>
          %mul3A_411 = arith.constant 16 : i32
          %mul3A_412 = arith.muli %scan3A_361, %mul3A_411 : i32
          %get3A_413 = arith.constant 39 : i32
          %get3A_414 = arith.index_cast %get3A_413 : i32 to index
          %get3A_415 = arith.index_cast %mul3A_412 : i32 to index
          %get3A_416 = tpu.vector_load %arg10[%get3A_414, %get3A_415] {strides = array<i32>} : memref<64x512xf32, #tpu.memory_space<vmem>>, vector<1x16xf32>,
          %get3A_417 = vector.shape_cast %get3A_416 : vector<1x16xf32> to vector<16xf32>
          %mul3A_418 = arith.constant 16 : i32
          %mul3A_419 = arith.muli %scan3A_361, %mul3A_418 : i32
          %get3A_420 = arith.constant 40 : i32
          %get3A_421 = arith.index_cast %get3A_420 : i32 to index
          %get3A_422 = arith.index_cast %mul3A_419 : i32 to index
          %get3A_423 = tpu.vector_load %arg10[%get3A_421, %get3A_422] {strides = array<i32>} : memref<64x512xf32, #tpu.memory_space<vmem>>, vector<1x16xf32>,
          %get3A_424 = vector.shape_cast %get3A_423 : vector<1x16xf32> to vector<16xf32>
          %mul3A_425 = arith.constant 16 : i32
          %mul3A_426 = arith.muli %scan3A_361, %mul3A_425 : i32
          %get3A_427 = arith.constant 41 : i32
          %get3A_428 = arith.index_cast %get3A_427 : i32 to index
          %get3A_429 = arith.index_cast %mul3A_426 : i32 to index
          %get3A_430 = tpu.vector_load %arg10[%get3A_428, %get3A_429] {strides = array<i32>} : memref<64x512xf32, #tpu.memory_space<vmem>>, vector<1x16xf32>,
          %get3A_431 = vector.shape_cast %get3A_430 : vector<1x16xf32> to vector<16xf32>
          %mul3A_432 = arith.constant 16 : i32
          %mul3A_433 = arith.muli %scan3A_361, %mul3A_432 : i32
          %get3A_434 = arith.constant 42 : i32
          %get3A_435 = arith.index_cast %get3A_434 : i32 to index
          %get3A_436 = arith.index_cast %mul3A_433 : i32 to index
          %get3A_437 = tpu.vector_load %arg10[%get3A_435, %get3A_436] {strides = array<i32>} : memref<64x512xf32, #tpu.memory_space<vmem>>, vector<1x16xf32>,
          %get3A_438 = vector.shape_cast %get3A_437 : vector<1x16xf32> to vector<16xf32>
          %mul3A_439 = arith.constant 16 : i32
          %mul3A_440 = arith.muli %scan3A_361, %mul3A_439 : i32
          %get3A_441 = arith.constant 43 : i32
          %get3A_442 = arith.index_cast %get3A_441 : i32 to index
          %get3A_443 = arith.index_cast %mul3A_440 : i32 to index
          %get3A_444 = tpu.vector_load %arg10[%get3A_442, %get3A_443] {strides = array<i32>} : memref<64x512xf32, #tpu.memory_space<vmem>>, vector<1x16xf32>,
          %get3A_445 = vector.shape_cast %get3A_444 : vector<1x16xf32> to vector<16xf32>
          %mul3A_446 = arith.constant 16 : i32
          %mul3A_447 = arith.muli %scan3A_361, %mul3A_446 : i32
          %get3A_448 = arith.constant 44 : i32
          %get3A_449 = arith.index_cast %get3A_448 : i32 to index
          %get3A_450 = arith.index_cast %mul3A_447 : i32 to index
          %get3A_451 = tpu.vector_load %arg10[%get3A_449, %get3A_450] {strides = array<i32>} : memref<64x512xf32, #tpu.memory_space<vmem>>, vector<1x16xf32>,
          %get3A_452 = vector.shape_cast %get3A_451 : vector<1x16xf32> to vector<16xf32>
          %mul3A_453 = arith.constant 16 : i32
          %mul3A_454 = arith.muli %scan3A_361, %mul3A_453 : i32
          %get3A_455 = arith.constant 45 : i32
          %get3A_456 = arith.index_cast %get3A_455 : i32 to index
          %get3A_457 = arith.index_cast %mul3A_454 : i32 to index
          %get3A_458 = tpu.vector_load %arg10[%get3A_456, %get3A_457] {strides = array<i32>} : memref<64x512xf32, #tpu.memory_space<vmem>>, vector<1x16xf32>,
          %get3A_459 = vector.shape_cast %get3A_458 : vector<1x16xf32> to vector<16xf32>
          %mul3A_460 = arith.constant 16 : i32
          %mul3A_461 = arith.muli %scan3A_361, %mul3A_460 : i32
          %get3A_462 = arith.constant 46 : i32
          %get3A_463 = arith.index_cast %get3A_462 : i32 to index
          %get3A_464 = arith.index_cast %mul3A_461 : i32 to index
          %get3A_465 = tpu.vector_load %arg10[%get3A_463, %get3A_464] {strides = array<i32>} : memref<64x512xf32, #tpu.memory_space<vmem>>, vector<1x16xf32>,
          %get3A_466 = vector.shape_cast %get3A_465 : vector<1x16xf32> to vector<16xf32>
          %mul3A_467 = arith.constant 16 : i32
          %mul3A_468 = arith.muli %scan3A_361, %mul3A_467 : i32
          %get3A_469 = arith.constant 47 : i32
          %get3A_470 = arith.index_cast %get3A_469 : i32 to index
          %get3A_471 = arith.index_cast %mul3A_468 : i32 to index
          %get3A_472 = tpu.vector_load %arg10[%get3A_470, %get3A_471] {strides = array<i32>} : memref<64x512xf32, #tpu.memory_space<vmem>>, vector<1x16xf32>,
          %get3A_473 = vector.shape_cast %get3A_472 : vector<1x16xf32> to vector<16xf32>
          %add3A_474 = arith.addf %get3A_368, %get3A_375 : vector<16xf32>
          %add3A_475 = arith.addf %get3A_382, %get3A_389 : vector<16xf32>
          %add3A_476 = arith.addf %get3A_396, %get3A_403 : vector<16xf32>
          %add3A_477 = arith.addf %get3A_410, %get3A_417 : vector<16xf32>
          %add3A_478 = arith.addf %get3A_424, %get3A_431 : vector<16xf32>
          %add3A_479 = arith.addf %get3A_438, %get3A_445 : vector<16xf32>
          %add3A_480 = arith.addf %get3A_452, %get3A_459 : vector<16xf32>
          %add3A_481 = arith.addf %get3A_466, %get3A_473 : vector<16xf32>
          %add3A_482 = arith.addf %add3A_474, %add3A_475 : vector<16xf32>
          %add3A_483 = arith.addf %add3A_476, %add3A_477 : vector<16xf32>
          %add3A_484 = arith.addf %add3A_478, %add3A_479 : vector<16xf32>
          %add3A_485 = arith.addf %add3A_480, %add3A_481 : vector<16xf32>
          %add3A_486 = arith.addf %add3A_482, %add3A_483 : vector<16xf32>
          %add3A_487 = arith.addf %add3A_484, %add3A_485 : vector<16xf32>
          %add3A_488 = arith.addf %add3A_486, %add3A_487 : vector<16xf32>
          %mul3A_489 = arith.constant 16 : i32
          %mul3A_490 = arith.muli %scan3A_361, %mul3A_489 : i32
          %swap3A_491 = arith.index_cast %add3A_289 : i32 to index
          %swap3A_492 = arith.index_cast %mul3A_490 : i32 to index
          %swap3A_493 = tpu.vector_load %arg11[%swap3A_491, %swap3A_492] {strides = array<i32>} : memref<48x512xf32, #tpu.memory_space<vmem>>, vector<1x16xf32>,
          %swap3A_494 = vector.shape_cast %swap3A_493 : vector<1x16xf32> to vector<16xf32>
          %swap3A_495 = vector.shape_cast %add3A_488 : vector<16xf32> to vector<1x16xf32>
          tpu.vector_store %arg11[%swap3A_491, %swap3A_492], %swap3A_495 {strides = array<i32>} : memref<48x512xf32, #tpu.memory_space<vmem>>, vector<1x16xf32>,
        }
        %scan3A_295 = arith.constant 32 : i32
        %mul3A_296 = arith.constant 4 : i32
        %mul3A_297 = arith.muli %add3A_265, %mul3A_296 : i32
        %add3A_298 = arith.constant 3 : i32
        %add3A_299 = arith.addi %mul3A_297, %add3A_298 : i32
        %scan3A_300 = arith.constant 0 : i32
        %scan3A_301 = arith.constant 0 : i32
        %scan3A_302 = arith.constant 32 : i32
        %scan3A_303 = arith.addi %scan3A_301, %scan3A_302 : i32
        %scan3A_304 = arith.constant 1 : i32
        scf.for %scan3A_361 = %scan3A_301 to %scan3A_303 step %scan3A_304  : i32 {
          %mul3A_362 = arith.constant 16 : i32
          %mul3A_363 = arith.muli %scan3A_361, %mul3A_362 : i32
          %get3A_364 = arith.constant 48 : i32
          %get3A_365 = arith.index_cast %get3A_364 : i32 to index
          %get3A_366 = arith.index_cast %mul3A_363 : i32 to index
          %get3A_367 = tpu.vector_load %arg10[%get3A_365, %get3A_366] {strides = array<i32>} : memref<64x512xf32, #tpu.memory_space<vmem>>, vector<1x16xf32>,
          %get3A_368 = vector.shape_cast %get3A_367 : vector<1x16xf32> to vector<16xf32>
          %mul3A_369 = arith.constant 16 : i32
          %mul3A_370 = arith.muli %scan3A_361, %mul3A_369 : i32
          %get3A_371 = arith.constant 49 : i32
          %get3A_372 = arith.index_cast %get3A_371 : i32 to index
          %get3A_373 = arith.index_cast %mul3A_370 : i32 to index
          %get3A_374 = tpu.vector_load %arg10[%get3A_372, %get3A_373] {strides = array<i32>} : memref<64x512xf32, #tpu.memory_space<vmem>>, vector<1x16xf32>,
          %get3A_375 = vector.shape_cast %get3A_374 : vector<1x16xf32> to vector<16xf32>
          %mul3A_376 = arith.constant 16 : i32
          %mul3A_377 = arith.muli %scan3A_361, %mul3A_376 : i32
          %get3A_378 = arith.constant 50 : i32
          %get3A_379 = arith.index_cast %get3A_378 : i32 to index
          %get3A_380 = arith.index_cast %mul3A_377 : i32 to index
          %get3A_381 = tpu.vector_load %arg10[%get3A_379, %get3A_380] {strides = array<i32>} : memref<64x512xf32, #tpu.memory_space<vmem>>, vector<1x16xf32>,
          %get3A_382 = vector.shape_cast %get3A_381 : vector<1x16xf32> to vector<16xf32>
          %mul3A_383 = arith.constant 16 : i32
          %mul3A_384 = arith.muli %scan3A_361, %mul3A_383 : i32
          %get3A_385 = arith.constant 51 : i32
          %get3A_386 = arith.index_cast %get3A_385 : i32 to index
          %get3A_387 = arith.index_cast %mul3A_384 : i32 to index
          %get3A_388 = tpu.vector_load %arg10[%get3A_386, %get3A_387] {strides = array<i32>} : memref<64x512xf32, #tpu.memory_space<vmem>>, vector<1x16xf32>,
          %get3A_389 = vector.shape_cast %get3A_388 : vector<1x16xf32> to vector<16xf32>
          %mul3A_390 = arith.constant 16 : i32
          %mul3A_391 = arith.muli %scan3A_361, %mul3A_390 : i32
          %get3A_392 = arith.constant 52 : i32
          %get3A_393 = arith.index_cast %get3A_392 : i32 to index
          %get3A_394 = arith.index_cast %mul3A_391 : i32 to index
          %get3A_395 = tpu.vector_load %arg10[%get3A_393, %get3A_394] {strides = array<i32>} : memref<64x512xf32, #tpu.memory_space<vmem>>, vector<1x16xf32>,
          %get3A_396 = vector.shape_cast %get3A_395 : vector<1x16xf32> to vector<16xf32>
          %mul3A_397 = arith.constant 16 : i32
          %mul3A_398 = arith.muli %scan3A_361, %mul3A_397 : i32
          %get3A_399 = arith.constant 53 : i32
          %get3A_400 = arith.index_cast %get3A_399 : i32 to index
          %get3A_401 = arith.index_cast %mul3A_398 : i32 to index
          %get3A_402 = tpu.vector_load %arg10[%get3A_400, %get3A_401] {strides = array<i32>} : memref<64x512xf32, #tpu.memory_space<vmem>>, vector<1x16xf32>,
          %get3A_403 = vector.shape_cast %get3A_402 : vector<1x16xf32> to vector<16xf32>
          %mul3A_404 = arith.constant 16 : i32
          %mul3A_405 = arith.muli %scan3A_361, %mul3A_404 : i32
          %get3A_406 = arith.constant 54 : i32
          %get3A_407 = arith.index_cast %get3A_406 : i32 to index
          %get3A_408 = arith.index_cast %mul3A_405 : i32 to index
          %get3A_409 = tpu.vector_load %arg10[%get3A_407, %get3A_408] {strides = array<i32>} : memref<64x512xf32, #tpu.memory_space<vmem>>, vector<1x16xf32>,
          %get3A_410 = vector.shape_cast %get3A_409 : vector<1x16xf32> to vector<16xf32>
          %mul3A_411 = arith.constant 16 : i32
          %mul3A_412 = arith.muli %scan3A_361, %mul3A_411 : i32
          %get3A_413 = arith.constant 55 : i32
          %get3A_414 = arith.index_cast %get3A_413 : i32 to index
          %get3A_415 = arith.index_cast %mul3A_412 : i32 to index
          %get3A_416 = tpu.vector_load %arg10[%get3A_414, %get3A_415] {strides = array<i32>} : memref<64x512xf32, #tpu.memory_space<vmem>>, vector<1x16xf32>,
          %get3A_417 = vector.shape_cast %get3A_416 : vector<1x16xf32> to vector<16xf32>
          %mul3A_418 = arith.constant 16 : i32
          %mul3A_419 = arith.muli %scan3A_361, %mul3A_418 : i32
          %get3A_420 = arith.constant 56 : i32
          %get3A_421 = arith.index_cast %get3A_420 : i32 to index
          %get3A_422 = arith.index_cast %mul3A_419 : i32 to index
          %get3A_423 = tpu.vector_load %arg10[%get3A_421, %get3A_422] {strides = array<i32>} : memref<64x512xf32, #tpu.memory_space<vmem>>, vector<1x16xf32>,
          %get3A_424 = vector.shape_cast %get3A_423 : vector<1x16xf32> to vector<16xf32>
          %mul3A_425 = arith.constant 16 : i32
          %mul3A_426 = arith.muli %scan3A_361, %mul3A_425 : i32
          %get3A_427 = arith.constant 57 : i32
          %get3A_428 = arith.index_cast %get3A_427 : i32 to index
          %get3A_429 = arith.index_cast %mul3A_426 : i32 to index
          %get3A_430 = tpu.vector_load %arg10[%get3A_428, %get3A_429] {strides = array<i32>} : memref<64x512xf32, #tpu.memory_space<vmem>>, vector<1x16xf32>,
          %get3A_431 = vector.shape_cast %get3A_430 : vector<1x16xf32> to vector<16xf32>
          %mul3A_432 = arith.constant 16 : i32
          %mul3A_433 = arith.muli %scan3A_361, %mul3A_432 : i32
          %get3A_434 = arith.constant 58 : i32
          %get3A_435 = arith.index_cast %get3A_434 : i32 to index
          %get3A_436 = arith.index_cast %mul3A_433 : i32 to index
          %get3A_437 = tpu.vector_load %arg10[%get3A_435, %get3A_436] {strides = array<i32>} : memref<64x512xf32, #tpu.memory_space<vmem>>, vector<1x16xf32>,
          %get3A_438 = vector.shape_cast %get3A_437 : vector<1x16xf32> to vector<16xf32>
          %mul3A_439 = arith.constant 16 : i32
          %mul3A_440 = arith.muli %scan3A_361, %mul3A_439 : i32
          %get3A_441 = arith.constant 59 : i32
          %get3A_442 = arith.index_cast %get3A_441 : i32 to index
          %get3A_443 = arith.index_cast %mul3A_440 : i32 to index
          %get3A_444 = tpu.vector_load %arg10[%get3A_442, %get3A_443] {strides = array<i32>} : memref<64x512xf32, #tpu.memory_space<vmem>>, vector<1x16xf32>,
          %get3A_445 = vector.shape_cast %get3A_444 : vector<1x16xf32> to vector<16xf32>
          %mul3A_446 = arith.constant 16 : i32
          %mul3A_447 = arith.muli %scan3A_361, %mul3A_446 : i32
          %get3A_448 = arith.constant 60 : i32
          %get3A_449 = arith.index_cast %get3A_448 : i32 to index
          %get3A_450 = arith.index_cast %mul3A_447 : i32 to index
          %get3A_451 = tpu.vector_load %arg10[%get3A_449, %get3A_450] {strides = array<i32>} : memref<64x512xf32, #tpu.memory_space<vmem>>, vector<1x16xf32>,
          %get3A_452 = vector.shape_cast %get3A_451 : vector<1x16xf32> to vector<16xf32>
          %mul3A_453 = arith.constant 16 : i32
          %mul3A_454 = arith.muli %scan3A_361, %mul3A_453 : i32
          %get3A_455 = arith.constant 61 : i32
          %get3A_456 = arith.index_cast %get3A_455 : i32 to index
          %get3A_457 = arith.index_cast %mul3A_454 : i32 to index
          %get3A_458 = tpu.vector_load %arg10[%get3A_456, %get3A_457] {strides = array<i32>} : memref<64x512xf32, #tpu.memory_space<vmem>>, vector<1x16xf32>,
          %get3A_459 = vector.shape_cast %get3A_458 : vector<1x16xf32> to vector<16xf32>
          %mul3A_460 = arith.constant 16 : i32
          %mul3A_461 = arith.muli %scan3A_361, %mul3A_460 : i32
          %get3A_462 = arith.constant 62 : i32
          %get3A_463 = arith.index_cast %get3A_462 : i32 to index
          %get3A_464 = arith.index_cast %mul3A_461 : i32 to index
          %get3A_465 = tpu.vector_load %arg10[%get3A_463, %get3A_464] {strides = array<i32>} : memref<64x512xf32, #tpu.memory_space<vmem>>, vector<1x16xf32>,
          %get3A_466 = vector.shape_cast %get3A_465 : vector<1x16xf32> to vector<16xf32>
          %mul3A_467 = arith.constant 16 : i32
          %mul3A_468 = arith.muli %scan3A_361, %mul3A_467 : i32
          %get3A_469 = arith.constant 63 : i32
          %get3A_470 = arith.index_cast %get3A_469 : i32 to index
          %get3A_471 = arith.index_cast %mul3A_468 : i32 to index
          %get3A_472 = tpu.vector_load %arg10[%get3A_470, %get3A_471] {strides = array<i32>} : memref<64x512xf32, #tpu.memory_space<vmem>>, vector<1x16xf32>,
          %get3A_473 = vector.shape_cast %get3A_472 : vector<1x16xf32> to vector<16xf32>
          %add3A_474 = arith.addf %get3A_368, %get3A_375 : vector<16xf32>
          %add3A_475 = arith.addf %get3A_382, %get3A_389 : vector<16xf32>
          %add3A_476 = arith.addf %get3A_396, %get3A_403 : vector<16xf32>
          %add3A_477 = arith.addf %get3A_410, %get3A_417 : vector<16xf32>
          %add3A_478 = arith.addf %get3A_424, %get3A_431 : vector<16xf32>
          %add3A_479 = arith.addf %get3A_438, %get3A_445 : vector<16xf32>
          %add3A_480 = arith.addf %get3A_452, %get3A_459 : vector<16xf32>
          %add3A_481 = arith.addf %get3A_466, %get3A_473 : vector<16xf32>
          %add3A_482 = arith.addf %add3A_474, %add3A_475 : vector<16xf32>
          %add3A_483 = arith.addf %add3A_476, %add3A_477 : vector<16xf32>
          %add3A_484 = arith.addf %add3A_478, %add3A_479 : vector<16xf32>
          %add3A_485 = arith.addf %add3A_480, %add3A_481 : vector<16xf32>
          %add3A_486 = arith.addf %add3A_482, %add3A_483 : vector<16xf32>
          %add3A_487 = arith.addf %add3A_484, %add3A_485 : vector<16xf32>
          %add3A_488 = arith.addf %add3A_486, %add3A_487 : vector<16xf32>
          %mul3A_489 = arith.constant 16 : i32
          %mul3A_490 = arith.muli %scan3A_361, %mul3A_489 : i32
          %swap3A_491 = arith.index_cast %add3A_299 : i32 to index
          %swap3A_492 = arith.index_cast %mul3A_490 : i32 to index
          %swap3A_493 = tpu.vector_load %arg11[%swap3A_491, %swap3A_492] {strides = array<i32>} : memref<48x512xf32, #tpu.memory_space<vmem>>, vector<1x16xf32>,
          %swap3A_494 = vector.shape_cast %swap3A_493 : vector<1x16xf32> to vector<16xf32>
          %swap3A_495 = vector.shape_cast %add3A_488 : vector<16xf32> to vector<1x16xf32>
          tpu.vector_store %arg11[%swap3A_491, %swap3A_492], %swap3A_495 {strides = array<i32>} : memref<48x512xf32, #tpu.memory_space<vmem>>, vector<1x16xf32>,
        }
        %scan3A_305 = arith.constant 32 : i32
        %mul3A_306 = arith.constant 2 : i32
        %mul3A_307 = arith.muli %mul3A_306, %scan3A_158 : i32
        %add3A_308 = arith.constant 3 : i32
        %add3A_309 = arith.addi %mul3A_307, %add3A_308 : i32
        %mul3A_310 = arith.constant 4 : i32
        %mul3A_311 = arith.muli %add3A_309, %mul3A_310 : i32
        %add3A_312 = arith.constant 0 : i32
        %add3A_313 = arith.addi %mul3A_311, %add3A_312 : i32
        %get3A_314 = arith.index_cast %add3A_313 : i32 to index
        %get3A_315 = arith.constant 0 : index
        %get3A_316 = tpu.vector_load %arg12[%get3A_314, %get3A_315] {strides = array<i32>} : memref<48x128xi32, #tpu.memory_space<vmem>>, vector<1x16xi32>,
        %get3A_317 = vector.shape_cast %get3A_316 : vector<1x16xi32> to vector<16xi32>
        %swap3A_318 = arith.constant 0 : index
        %swap3A_319 = tpu.vector_load %arg8[%swap3A_318] {strides = array<i32>} : memref<64xi32, #tpu.memory_space<vmem>>, vector<16xi32>,
        %swap3A_320 = vector.shape_cast %swap3A_319 : vector<16xi32> to vector<16xi32>
        %swap3A_321 = vector.shape_cast %get3A_317 : vector<16xi32> to vector<16xi32>
        tpu.vector_store %arg8[%swap3A_318], %swap3A_321 {strides = array<i32>} : memref<64xi32, #tpu.memory_space<vmem>>, vector<16xi32>,
        %mul3A_322 = arith.constant 4 : i32
        %mul3A_323 = arith.muli %add3A_309, %mul3A_322 : i32
        %add3A_324 = arith.constant 1 : i32
        %add3A_325 = arith.addi %mul3A_323, %add3A_324 : i32
        %get3A_326 = arith.index_cast %add3A_325 : i32 to index
        %get3A_327 = arith.constant 0 : index
        %get3A_328 = tpu.vector_load %arg12[%get3A_326, %get3A_327] {strides = array<i32>} : memref<48x128xi32, #tpu.memory_space<vmem>>, vector<1x16xi32>,
        %get3A_329 = vector.shape_cast %get3A_328 : vector<1x16xi32> to vector<16xi32>
        %swap3A_330 = arith.constant 16 : index
        %swap3A_331 = tpu.vector_load %arg8[%swap3A_330] {strides = array<i32>} : memref<64xi32, #tpu.memory_space<vmem>>, vector<16xi32>,
        %swap3A_332 = vector.shape_cast %swap3A_331 : vector<16xi32> to vector<16xi32>
        %swap3A_333 = vector.shape_cast %get3A_329 : vector<16xi32> to vector<16xi32>
        tpu.vector_store %arg8[%swap3A_330], %swap3A_333 {strides = array<i32>} : memref<64xi32, #tpu.memory_space<vmem>>, vector<16xi32>,
        %mul3A_334 = arith.constant 4 : i32
        %mul3A_335 = arith.muli %add3A_309, %mul3A_334 : i32
        %add3A_336 = arith.constant 2 : i32
        %add3A_337 = arith.addi %mul3A_335, %add3A_336 : i32
        %get3A_338 = arith.index_cast %add3A_337 : i32 to index
        %get3A_339 = arith.constant 0 : index
        %get3A_340 = tpu.vector_load %arg12[%get3A_338, %get3A_339] {strides = array<i32>} : memref<48x128xi32, #tpu.memory_space<vmem>>, vector<1x16xi32>,
        %get3A_341 = vector.shape_cast %get3A_340 : vector<1x16xi32> to vector<16xi32>
        %swap3A_342 = arith.constant 32 : index
        %swap3A_343 = tpu.vector_load %arg8[%swap3A_342] {strides = array<i32>} : memref<64xi32, #tpu.memory_space<vmem>>, vector<16xi32>,
        %swap3A_344 = vector.shape_cast %swap3A_343 : vector<16xi32> to vector<16xi32>
        %swap3A_345 = vector.shape_cast %get3A_341 : vector<16xi32> to vector<16xi32>
        tpu.vector_store %arg8[%swap3A_342], %swap3A_345 {strides = array<i32>} : memref<64xi32, #tpu.memory_space<vmem>>, vector<16xi32>,
        %mul3A_346 = arith.constant 4 : i32
        %mul3A_347 = arith.muli %add3A_309, %mul3A_346 : i32
        %add3A_348 = arith.constant 3 : i32
        %add3A_349 = arith.addi %mul3A_347, %add3A_348 : i32
        %get3A_350 = arith.index_cast %add3A_349 : i32 to index
        %get3A_351 = arith.constant 0 : index
        %get3A_352 = tpu.vector_load %arg12[%get3A_350, %get3A_351] {strides = array<i32>} : memref<48x128xi32, #tpu.memory_space<vmem>>, vector<1x16xi32>,
        %get3A_353 = vector.shape_cast %get3A_352 : vector<1x16xi32> to vector<16xi32>
        %swap3A_354 = arith.constant 48 : index
        %swap3A_355 = tpu.vector_load %arg8[%swap3A_354] {strides = array<i32>} : memref<64xi32, #tpu.memory_space<vmem>>, vector<16xi32>,
        %swap3A_356 = vector.shape_cast %swap3A_355 : vector<16xi32> to vector<16xi32>
        %swap3A_357 = vector.shape_cast %get3A_353 : vector<16xi32> to vector<16xi32>
        tpu.vector_store %arg8[%swap3A_354], %swap3A_357 {strides = array<i32>} : memref<64xi32, #tpu.memory_space<vmem>>, vector<16xi32>,
        %dma_start3A_358 = arith.constant 0 : i32
        %dma_start3A_359 = arith.constant 0 : i32
        %dma_start3A_360 = tpu.memref_slice %arg3[%dma_start3A_358, %dma_start3A_359] : memref<50001x512xf32, #tpu.memory_space<hbm>> -> memref<50001x512xf32, #tpu.memory_space<hbm>>
        tpu.enqueue_indirect_dma source(%dma_start3A_360 : memref<50001x512xf32, #tpu.memory_space<hbm>>) target(%arg10 : memref<64x512xf32, #tpu.memory_space<vmem>>) offsets(%arg8 : memref<64xi32, #tpu.memory_space<vmem>>) semaphore(%arg16 : memref<!tpu.dma_semaphore, #tpu.memory_space<semaphore_mem>>)
      }
      %scan3A_103 = arith.constant 5 : i32
      %dma_wait3A_104 = arith.constant 0 : i32
      %dma_wait3A_105 = arith.constant 0 : i32
      %dma_wait3A_106 = tpu.memref_slice %arg3[%dma_wait3A_104, %dma_wait3A_105] : memref<50001x512xf32, #tpu.memory_space<hbm>> -> memref<50001x512xf32, #tpu.memory_space<hbm>>
      tpu.wait_indirect_dma semaphore(%arg15 : memref<!tpu.dma_semaphore, #tpu.memory_space<semaphore_mem>>) src(%dma_wait3A_106 : memref<50001x512xf32, #tpu.memory_space<hbm>>) dst(%arg9 : memref<64x512xf32, #tpu.memory_space<vmem>>)
      %scan3A_107 = arith.constant 0 : i32
      %scan3A_108 = arith.constant 0 : i32
      %scan3A_109 = arith.constant 32 : i32
      %scan3A_110 = arith.addi %scan3A_108, %scan3A_109 : i32
      %scan3A_111 = arith.constant 1 : i32
      scf.for %scan3A_158 = %scan3A_108 to %scan3A_110 step %scan3A_111  : i32 {
        %mul3A_159 = arith.constant 16 : i32
        %mul3A_160 = arith.muli %scan3A_158, %mul3A_159 : i32
        %get3A_161 = arith.constant 0 : i32
        %get3A_162 = arith.index_cast %get3A_161 : i32 to index
        %get3A_163 = arith.index_cast %mul3A_160 : i32 to index
        %get3A_164 = tpu.vector_load %arg9[%get3A_162, %get3A_163] {strides = array<i32>} : memref<64x512xf32, #tpu.memory_space<vmem>>, vector<1x16xf32>,
        %get3A_165 = vector.shape_cast %get3A_164 : vector<1x16xf32> to vector<16xf32>
        %mul3A_166 = arith.constant 16 : i32
        %mul3A_167 = arith.muli %scan3A_158, %mul3A_166 : i32
        %get3A_168 = arith.constant 1 : i32
        %get3A_169 = arith.index_cast %get3A_168 : i32 to index
        %get3A_170 = arith.index_cast %mul3A_167 : i32 to index
        %get3A_171 = tpu.vector_load %arg9[%get3A_169, %get3A_170] {strides = array<i32>} : memref<64x512xf32, #tpu.memory_space<vmem>>, vector<1x16xf32>,
        %get3A_172 = vector.shape_cast %get3A_171 : vector<1x16xf32> to vector<16xf32>
        %mul3A_173 = arith.constant 16 : i32
        %mul3A_174 = arith.muli %scan3A_158, %mul3A_173 : i32
        %get3A_175 = arith.constant 2 : i32
        %get3A_176 = arith.index_cast %get3A_175 : i32 to index
        %get3A_177 = arith.index_cast %mul3A_174 : i32 to index
        %get3A_178 = tpu.vector_load %arg9[%get3A_176, %get3A_177] {strides = array<i32>} : memref<64x512xf32, #tpu.memory_space<vmem>>, vector<1x16xf32>,
        %get3A_179 = vector.shape_cast %get3A_178 : vector<1x16xf32> to vector<16xf32>
        %mul3A_180 = arith.constant 16 : i32
        %mul3A_181 = arith.muli %scan3A_158, %mul3A_180 : i32
        %get3A_182 = arith.constant 3 : i32
        %get3A_183 = arith.index_cast %get3A_182 : i32 to index
        %get3A_184 = arith.index_cast %mul3A_181 : i32 to index
        %get3A_185 = tpu.vector_load %arg9[%get3A_183, %get3A_184] {strides = array<i32>} : memref<64x512xf32, #tpu.memory_space<vmem>>, vector<1x16xf32>,
        %get3A_186 = vector.shape_cast %get3A_185 : vector<1x16xf32> to vector<16xf32>
        %mul3A_187 = arith.constant 16 : i32
        %mul3A_188 = arith.muli %scan3A_158, %mul3A_187 : i32
        %get3A_189 = arith.constant 4 : i32
        %get3A_190 = arith.index_cast %get3A_189 : i32 to index
        %get3A_191 = arith.index_cast %mul3A_188 : i32 to index
        %get3A_192 = tpu.vector_load %arg9[%get3A_190, %get3A_191] {strides = array<i32>} : memref<64x512xf32, #tpu.memory_space<vmem>>, vector<1x16xf32>,
        %get3A_193 = vector.shape_cast %get3A_192 : vector<1x16xf32> to vector<16xf32>
        %mul3A_194 = arith.constant 16 : i32
        %mul3A_195 = arith.muli %scan3A_158, %mul3A_194 : i32
        %get3A_196 = arith.constant 5 : i32
        %get3A_197 = arith.index_cast %get3A_196 : i32 to index
        %get3A_198 = arith.index_cast %mul3A_195 : i32 to index
        %get3A_199 = tpu.vector_load %arg9[%get3A_197, %get3A_198] {strides = array<i32>} : memref<64x512xf32, #tpu.memory_space<vmem>>, vector<1x16xf32>,
        %get3A_200 = vector.shape_cast %get3A_199 : vector<1x16xf32> to vector<16xf32>
        %mul3A_201 = arith.constant 16 : i32
        %mul3A_202 = arith.muli %scan3A_158, %mul3A_201 : i32
        %get3A_203 = arith.constant 6 : i32
        %get3A_204 = arith.index_cast %get3A_203 : i32 to index
        %get3A_205 = arith.index_cast %mul3A_202 : i32 to index
        %get3A_206 = tpu.vector_load %arg9[%get3A_204, %get3A_205] {strides = array<i32>} : memref<64x512xf32, #tpu.memory_space<vmem>>, vector<1x16xf32>,
        %get3A_207 = vector.shape_cast %get3A_206 : vector<1x16xf32> to vector<16xf32>
        %mul3A_208 = arith.constant 16 : i32
        %mul3A_209 = arith.muli %scan3A_158, %mul3A_208 : i32
        %get3A_210 = arith.constant 7 : i32
        %get3A_211 = arith.index_cast %get3A_210 : i32 to index
        %get3A_212 = arith.index_cast %mul3A_209 : i32 to index
        %get3A_213 = tpu.vector_load %arg9[%get3A_211, %get3A_212] {strides = array<i32>} : memref<64x512xf32, #tpu.memory_space<vmem>>, vector<1x16xf32>,
        %get3A_214 = vector.shape_cast %get3A_213 : vector<1x16xf32> to vector<16xf32>
        %mul3A_215 = arith.constant 16 : i32
        %mul3A_216 = arith.muli %scan3A_158, %mul3A_215 : i32
        %get3A_217 = arith.constant 8 : i32
        %get3A_218 = arith.index_cast %get3A_217 : i32 to index
        %get3A_219 = arith.index_cast %mul3A_216 : i32 to index
        %get3A_220 = tpu.vector_load %arg9[%get3A_218, %get3A_219] {strides = array<i32>} : memref<64x512xf32, #tpu.memory_space<vmem>>, vector<1x16xf32>,
        %get3A_221 = vector.shape_cast %get3A_220 : vector<1x16xf32> to vector<16xf32>
        %mul3A_222 = arith.constant 16 : i32
        %mul3A_223 = arith.muli %scan3A_158, %mul3A_222 : i32
        %get3A_224 = arith.constant 9 : i32
        %get3A_225 = arith.index_cast %get3A_224 : i32 to index
        %get3A_226 = arith.index_cast %mul3A_223 : i32 to index
        %get3A_227 = tpu.vector_load %arg9[%get3A_225, %get3A_226] {strides = array<i32>} : memref<64x512xf32, #tpu.memory_space<vmem>>, vector<1x16xf32>,
        %get3A_228 = vector.shape_cast %get3A_227 : vector<1x16xf32> to vector<16xf32>
        %mul3A_229 = arith.constant 16 : i32
        %mul3A_230 = arith.muli %scan3A_158, %mul3A_229 : i32
        %get3A_231 = arith.constant 10 : i32
        %get3A_232 = arith.index_cast %get3A_231 : i32 to index
        %get3A_233 = arith.index_cast %mul3A_230 : i32 to index
        %get3A_234 = tpu.vector_load %arg9[%get3A_232, %get3A_233] {strides = array<i32>} : memref<64x512xf32, #tpu.memory_space<vmem>>, vector<1x16xf32>,
        %get3A_235 = vector.shape_cast %get3A_234 : vector<1x16xf32> to vector<16xf32>
        %mul3A_236 = arith.constant 16 : i32
        %mul3A_237 = arith.muli %scan3A_158, %mul3A_236 : i32
        %get3A_238 = arith.constant 11 : i32
        %get3A_239 = arith.index_cast %get3A_238 : i32 to index
        %get3A_240 = arith.index_cast %mul3A_237 : i32 to index
        %get3A_241 = tpu.vector_load %arg9[%get3A_239, %get3A_240] {strides = array<i32>} : memref<64x512xf32, #tpu.memory_space<vmem>>, vector<1x16xf32>,
        %get3A_242 = vector.shape_cast %get3A_241 : vector<1x16xf32> to vector<16xf32>
        %mul3A_243 = arith.constant 16 : i32
        %mul3A_244 = arith.muli %scan3A_158, %mul3A_243 : i32
        %get3A_245 = arith.constant 12 : i32
        %get3A_246 = arith.index_cast %get3A_245 : i32 to index
        %get3A_247 = arith.index_cast %mul3A_244 : i32 to index
        %get3A_248 = tpu.vector_load %arg9[%get3A_246, %get3A_247] {strides = array<i32>} : memref<64x512xf32, #tpu.memory_space<vmem>>, vector<1x16xf32>,
        %get3A_249 = vector.shape_cast %get3A_248 : vector<1x16xf32> to vector<16xf32>
        %mul3A_250 = arith.constant 16 : i32
        %mul3A_251 = arith.muli %scan3A_158, %mul3A_250 : i32
        %get3A_252 = arith.constant 13 : i32
        %get3A_253 = arith.index_cast %get3A_252 : i32 to index
        %get3A_254 = arith.index_cast %mul3A_251 : i32 to index
        %get3A_255 = tpu.vector_load %arg9[%get3A_253, %get3A_254] {strides = array<i32>} : memref<64x512xf32, #tpu.memory_space<vmem>>, vector<1x16xf32>,
        %get3A_256 = vector.shape_cast %get3A_255 : vector<1x16xf32> to vector<16xf32>
        %mul3A_257 = arith.constant 16 : i32
        %mul3A_258 = arith.muli %scan3A_158, %mul3A_257 : i32
        %get3A_259 = arith.constant 14 : i32
        %get3A_260 = arith.index_cast %get3A_259 : i32 to index
        %get3A_261 = arith.index_cast %mul3A_258 : i32 to index
        %get3A_262 = tpu.vector_load %arg9[%get3A_260, %get3A_261] {strides = array<i32>} : memref<64x512xf32, #tpu.memory_space<vmem>>, vector<1x16xf32>,
        %get3A_263 = vector.shape_cast %get3A_262 : vector<1x16xf32> to vector<16xf32>
        %mul3A_264 = arith.constant 16 : i32
        %mul3A_265 = arith.muli %scan3A_158, %mul3A_264 : i32
        %get3A_266 = arith.constant 15 : i32
        %get3A_267 = arith.index_cast %get3A_266 : i32 to index
        %get3A_268 = arith.index_cast %mul3A_265 : i32 to index
        %get3A_269 = tpu.vector_load %arg9[%get3A_267, %get3A_268] {strides = array<i32>} : memref<64x512xf32, #tpu.memory_space<vmem>>, vector<1x16xf32>,
        %get3A_270 = vector.shape_cast %get3A_269 : vector<1x16xf32> to vector<16xf32>
        %add3A_271 = arith.addf %get3A_165, %get3A_172 : vector<16xf32>
        %add3A_272 = arith.addf %get3A_179, %get3A_186 : vector<16xf32>
        %add3A_273 = arith.addf %get3A_193, %get3A_200 : vector<16xf32>
        %add3A_274 = arith.addf %get3A_207, %get3A_214 : vector<16xf32>
        %add3A_275 = arith.addf %get3A_221, %get3A_228 : vector<16xf32>
        %add3A_276 = arith.addf %get3A_235, %get3A_242 : vector<16xf32>
        %add3A_277 = arith.addf %get3A_249, %get3A_256 : vector<16xf32>
        %add3A_278 = arith.addf %get3A_263, %get3A_270 : vector<16xf32>
        %add3A_279 = arith.addf %add3A_271, %add3A_272 : vector<16xf32>
        %add3A_280 = arith.addf %add3A_273, %add3A_274 : vector<16xf32>
        %add3A_281 = arith.addf %add3A_275, %add3A_276 : vector<16xf32>
        %add3A_282 = arith.addf %add3A_277, %add3A_278 : vector<16xf32>
        %add3A_283 = arith.addf %add3A_279, %add3A_280 : vector<16xf32>
        %add3A_284 = arith.addf %add3A_281, %add3A_282 : vector<16xf32>
        %add3A_285 = arith.addf %add3A_283, %add3A_284 : vector<16xf32>
        %mul3A_286 = arith.constant 16 : i32
        %mul3A_287 = arith.muli %scan3A_158, %mul3A_286 : i32
        %swap3A_288 = arith.constant 40 : i32
        %swap3A_289 = arith.index_cast %swap3A_288 : i32 to index
        %swap3A_290 = arith.index_cast %mul3A_287 : i32 to index
        %swap3A_291 = tpu.vector_load %arg11[%swap3A_289, %swap3A_290] {strides = array<i32>} : memref<48x512xf32, #tpu.memory_space<vmem>>, vector<1x16xf32>,
        %swap3A_292 = vector.shape_cast %swap3A_291 : vector<1x16xf32> to vector<16xf32>
        %swap3A_293 = vector.shape_cast %add3A_285 : vector<16xf32> to vector<1x16xf32>
        tpu.vector_store %arg11[%swap3A_289, %swap3A_290], %swap3A_293 {strides = array<i32>} : memref<48x512xf32, #tpu.memory_space<vmem>>, vector<1x16xf32>,
      }
      %scan3A_112 = arith.constant 32 : i32
      %scan3A_113 = arith.constant 0 : i32
      %scan3A_114 = arith.constant 0 : i32
      %scan3A_115 = arith.constant 32 : i32
      %scan3A_116 = arith.addi %scan3A_114, %scan3A_115 : i32
      %scan3A_117 = arith.constant 1 : i32
      scf.for %scan3A_158 = %scan3A_114 to %scan3A_116 step %scan3A_117  : i32 {
        %mul3A_159 = arith.constant 16 : i32
        %mul3A_160 = arith.muli %scan3A_158, %mul3A_159 : i32
        %get3A_161 = arith.constant 16 : i32
        %get3A_162 = arith.index_cast %get3A_161 : i32 to index
        %get3A_163 = arith.index_cast %mul3A_160 : i32 to index
        %get3A_164 = tpu.vector_load %arg9[%get3A_162, %get3A_163] {strides = array<i32>} : memref<64x512xf32, #tpu.memory_space<vmem>>, vector<1x16xf32>,
        %get3A_165 = vector.shape_cast %get3A_164 : vector<1x16xf32> to vector<16xf32>
        %mul3A_166 = arith.constant 16 : i32
        %mul3A_167 = arith.muli %scan3A_158, %mul3A_166 : i32
        %get3A_168 = arith.constant 17 : i32
        %get3A_169 = arith.index_cast %get3A_168 : i32 to index
        %get3A_170 = arith.index_cast %mul3A_167 : i32 to index
        %get3A_171 = tpu.vector_load %arg9[%get3A_169, %get3A_170] {strides = array<i32>} : memref<64x512xf32, #tpu.memory_space<vmem>>, vector<1x16xf32>,
        %get3A_172 = vector.shape_cast %get3A_171 : vector<1x16xf32> to vector<16xf32>
        %mul3A_173 = arith.constant 16 : i32
        %mul3A_174 = arith.muli %scan3A_158, %mul3A_173 : i32
        %get3A_175 = arith.constant 18 : i32
        %get3A_176 = arith.index_cast %get3A_175 : i32 to index
        %get3A_177 = arith.index_cast %mul3A_174 : i32 to index
        %get3A_178 = tpu.vector_load %arg9[%get3A_176, %get3A_177] {strides = array<i32>} : memref<64x512xf32, #tpu.memory_space<vmem>>, vector<1x16xf32>,
        %get3A_179 = vector.shape_cast %get3A_178 : vector<1x16xf32> to vector<16xf32>
        %mul3A_180 = arith.constant 16 : i32
        %mul3A_181 = arith.muli %scan3A_158, %mul3A_180 : i32
        %get3A_182 = arith.constant 19 : i32
        %get3A_183 = arith.index_cast %get3A_182 : i32 to index
        %get3A_184 = arith.index_cast %mul3A_181 : i32 to index
        %get3A_185 = tpu.vector_load %arg9[%get3A_183, %get3A_184] {strides = array<i32>} : memref<64x512xf32, #tpu.memory_space<vmem>>, vector<1x16xf32>,
        %get3A_186 = vector.shape_cast %get3A_185 : vector<1x16xf32> to vector<16xf32>
        %mul3A_187 = arith.constant 16 : i32
        %mul3A_188 = arith.muli %scan3A_158, %mul3A_187 : i32
        %get3A_189 = arith.constant 20 : i32
        %get3A_190 = arith.index_cast %get3A_189 : i32 to index
        %get3A_191 = arith.index_cast %mul3A_188 : i32 to index
        %get3A_192 = tpu.vector_load %arg9[%get3A_190, %get3A_191] {strides = array<i32>} : memref<64x512xf32, #tpu.memory_space<vmem>>, vector<1x16xf32>,
        %get3A_193 = vector.shape_cast %get3A_192 : vector<1x16xf32> to vector<16xf32>
        %mul3A_194 = arith.constant 16 : i32
        %mul3A_195 = arith.muli %scan3A_158, %mul3A_194 : i32
        %get3A_196 = arith.constant 21 : i32
        %get3A_197 = arith.index_cast %get3A_196 : i32 to index
        %get3A_198 = arith.index_cast %mul3A_195 : i32 to index
        %get3A_199 = tpu.vector_load %arg9[%get3A_197, %get3A_198] {strides = array<i32>} : memref<64x512xf32, #tpu.memory_space<vmem>>, vector<1x16xf32>,
        %get3A_200 = vector.shape_cast %get3A_199 : vector<1x16xf32> to vector<16xf32>
        %mul3A_201 = arith.constant 16 : i32
        %mul3A_202 = arith.muli %scan3A_158, %mul3A_201 : i32
        %get3A_203 = arith.constant 22 : i32
        %get3A_204 = arith.index_cast %get3A_203 : i32 to index
        %get3A_205 = arith.index_cast %mul3A_202 : i32 to index
        %get3A_206 = tpu.vector_load %arg9[%get3A_204, %get3A_205] {strides = array<i32>} : memref<64x512xf32, #tpu.memory_space<vmem>>, vector<1x16xf32>,
        %get3A_207 = vector.shape_cast %get3A_206 : vector<1x16xf32> to vector<16xf32>
        %mul3A_208 = arith.constant 16 : i32
        %mul3A_209 = arith.muli %scan3A_158, %mul3A_208 : i32
        %get3A_210 = arith.constant 23 : i32
        %get3A_211 = arith.index_cast %get3A_210 : i32 to index
        %get3A_212 = arith.index_cast %mul3A_209 : i32 to index
        %get3A_213 = tpu.vector_load %arg9[%get3A_211, %get3A_212] {strides = array<i32>} : memref<64x512xf32, #tpu.memory_space<vmem>>, vector<1x16xf32>,
        %get3A_214 = vector.shape_cast %get3A_213 : vector<1x16xf32> to vector<16xf32>
        %mul3A_215 = arith.constant 16 : i32
        %mul3A_216 = arith.muli %scan3A_158, %mul3A_215 : i32
        %get3A_217 = arith.constant 24 : i32
        %get3A_218 = arith.index_cast %get3A_217 : i32 to index
        %get3A_219 = arith.index_cast %mul3A_216 : i32 to index
        %get3A_220 = tpu.vector_load %arg9[%get3A_218, %get3A_219] {strides = array<i32>} : memref<64x512xf32, #tpu.memory_space<vmem>>, vector<1x16xf32>,
        %get3A_221 = vector.shape_cast %get3A_220 : vector<1x16xf32> to vector<16xf32>
        %mul3A_222 = arith.constant 16 : i32
        %mul3A_223 = arith.muli %scan3A_158, %mul3A_222 : i32
        %get3A_224 = arith.constant 25 : i32
        %get3A_225 = arith.index_cast %get3A_224 : i32 to index
        %get3A_226 = arith.index_cast %mul3A_223 : i32 to index
        %get3A_227 = tpu.vector_load %arg9[%get3A_225, %get3A_226] {strides = array<i32>} : memref<64x512xf32, #tpu.memory_space<vmem>>, vector<1x16xf32>,
        %get3A_228 = vector.shape_cast %get3A_227 : vector<1x16xf32> to vector<16xf32>
        %mul3A_229 = arith.constant 16 : i32
        %mul3A_230 = arith.muli %scan3A_158, %mul3A_229 : i32
        %get3A_231 = arith.constant 26 : i32
        %get3A_232 = arith.index_cast %get3A_231 : i32 to index
        %get3A_233 = arith.index_cast %mul3A_230 : i32 to index
        %get3A_234 = tpu.vector_load %arg9[%get3A_232, %get3A_233] {strides = array<i32>} : memref<64x512xf32, #tpu.memory_space<vmem>>, vector<1x16xf32>,
        %get3A_235 = vector.shape_cast %get3A_234 : vector<1x16xf32> to vector<16xf32>
        %mul3A_236 = arith.constant 16 : i32
        %mul3A_237 = arith.muli %scan3A_158, %mul3A_236 : i32
        %get3A_238 = arith.constant 27 : i32
        %get3A_239 = arith.index_cast %get3A_238 : i32 to index
        %get3A_240 = arith.index_cast %mul3A_237 : i32 to index
        %get3A_241 = tpu.vector_load %arg9[%get3A_239, %get3A_240] {strides = array<i32>} : memref<64x512xf32, #tpu.memory_space<vmem>>, vector<1x16xf32>,
        %get3A_242 = vector.shape_cast %get3A_241 : vector<1x16xf32> to vector<16xf32>
        %mul3A_243 = arith.constant 16 : i32
        %mul3A_244 = arith.muli %scan3A_158, %mul3A_243 : i32
        %get3A_245 = arith.constant 28 : i32
        %get3A_246 = arith.index_cast %get3A_245 : i32 to index
        %get3A_247 = arith.index_cast %mul3A_244 : i32 to index
        %get3A_248 = tpu.vector_load %arg9[%get3A_246, %get3A_247] {strides = array<i32>} : memref<64x512xf32, #tpu.memory_space<vmem>>, vector<1x16xf32>,
        %get3A_249 = vector.shape_cast %get3A_248 : vector<1x16xf32> to vector<16xf32>
        %mul3A_250 = arith.constant 16 : i32
        %mul3A_251 = arith.muli %scan3A_158, %mul3A_250 : i32
        %get3A_252 = arith.constant 29 : i32
        %get3A_253 = arith.index_cast %get3A_252 : i32 to index
        %get3A_254 = arith.index_cast %mul3A_251 : i32 to index
        %get3A_255 = tpu.vector_load %arg9[%get3A_253, %get3A_254] {strides = array<i32>} : memref<64x512xf32, #tpu.memory_space<vmem>>, vector<1x16xf32>,
        %get3A_256 = vector.shape_cast %get3A_255 : vector<1x16xf32> to vector<16xf32>
        %mul3A_257 = arith.constant 16 : i32
        %mul3A_258 = arith.muli %scan3A_158, %mul3A_257 : i32
        %get3A_259 = arith.constant 30 : i32
        %get3A_260 = arith.index_cast %get3A_259 : i32 to index
        %get3A_261 = arith.index_cast %mul3A_258 : i32 to index
        %get3A_262 = tpu.vector_load %arg9[%get3A_260, %get3A_261] {strides = array<i32>} : memref<64x512xf32, #tpu.memory_space<vmem>>, vector<1x16xf32>,
        %get3A_263 = vector.shape_cast %get3A_262 : vector<1x16xf32> to vector<16xf32>
        %mul3A_264 = arith.constant 16 : i32
        %mul3A_265 = arith.muli %scan3A_158, %mul3A_264 : i32
        %get3A_266 = arith.constant 31 : i32
        %get3A_267 = arith.index_cast %get3A_266 : i32 to index
        %get3A_268 = arith.index_cast %mul3A_265 : i32 to index
        %get3A_269 = tpu.vector_load %arg9[%get3A_267, %get3A_268] {strides = array<i32>} : memref<64x512xf32, #tpu.memory_space<vmem>>, vector<1x16xf32>,
        %get3A_270 = vector.shape_cast %get3A_269 : vector<1x16xf32> to vector<16xf32>
        %add3A_271 = arith.addf %get3A_165, %get3A_172 : vector<16xf32>
        %add3A_272 = arith.addf %get3A_179, %get3A_186 : vector<16xf32>
        %add3A_273 = arith.addf %get3A_193, %get3A_200 : vector<16xf32>
        %add3A_274 = arith.addf %get3A_207, %get3A_214 : vector<16xf32>
        %add3A_275 = arith.addf %get3A_221, %get3A_228 : vector<16xf32>
        %add3A_276 = arith.addf %get3A_235, %get3A_242 : vector<16xf32>
        %add3A_277 = arith.addf %get3A_249, %get3A_256 : vector<16xf32>
        %add3A_278 = arith.addf %get3A_263, %get3A_270 : vector<16xf32>
        %add3A_279 = arith.addf %add3A_271, %add3A_272 : vector<16xf32>
        %add3A_280 = arith.addf %add3A_273, %add3A_274 : vector<16xf32>
        %add3A_281 = arith.addf %add3A_275, %add3A_276 : vector<16xf32>
        %add3A_282 = arith.addf %add3A_277, %add3A_278 : vector<16xf32>
        %add3A_283 = arith.addf %add3A_279, %add3A_280 : vector<16xf32>
        %add3A_284 = arith.addf %add3A_281, %add3A_282 : vector<16xf32>
        %add3A_285 = arith.addf %add3A_283, %add3A_284 : vector<16xf32>
        %mul3A_286 = arith.constant 16 : i32
        %mul3A_287 = arith.muli %scan3A_158, %mul3A_286 : i32
        %swap3A_288 = arith.constant 41 : i32
        %swap3A_289 = arith.index_cast %swap3A_288 : i32 to index
        %swap3A_290 = arith.index_cast %mul3A_287 : i32 to index
        %swap3A_291 = tpu.vector_load %arg11[%swap3A_289, %swap3A_290] {strides = array<i32>} : memref<48x512xf32, #tpu.memory_space<vmem>>, vector<1x16xf32>,
        %swap3A_292 = vector.shape_cast %swap3A_291 : vector<1x16xf32> to vector<16xf32>
        %swap3A_293 = vector.shape_cast %add3A_285 : vector<16xf32> to vector<1x16xf32>
        tpu.vector_store %arg11[%swap3A_289, %swap3A_290], %swap3A_293 {strides = array<i32>} : memref<48x512xf32, #tpu.memory_space<vmem>>, vector<1x16xf32>,
      }
      %scan3A_118 = arith.constant 32 : i32
      %scan3A_119 = arith.constant 0 : i32
      %scan3A_120 = arith.constant 0 : i32
      %scan3A_121 = arith.constant 32 : i32
      %scan3A_122 = arith.addi %scan3A_120, %scan3A_121 : i32
      %scan3A_123 = arith.constant 1 : i32
      scf.for %scan3A_158 = %scan3A_120 to %scan3A_122 step %scan3A_123  : i32 {
        %mul3A_159 = arith.constant 16 : i32
        %mul3A_160 = arith.muli %scan3A_158, %mul3A_159 : i32
        %get3A_161 = arith.constant 32 : i32
        %get3A_162 = arith.index_cast %get3A_161 : i32 to index
        %get3A_163 = arith.index_cast %mul3A_160 : i32 to index
        %get3A_164 = tpu.vector_load %arg9[%get3A_162, %get3A_163] {strides = array<i32>} : memref<64x512xf32, #tpu.memory_space<vmem>>, vector<1x16xf32>,
        %get3A_165 = vector.shape_cast %get3A_164 : vector<1x16xf32> to vector<16xf32>
        %mul3A_166 = arith.constant 16 : i32
        %mul3A_167 = arith.muli %scan3A_158, %mul3A_166 : i32
        %get3A_168 = arith.constant 33 : i32
        %get3A_169 = arith.index_cast %get3A_168 : i32 to index
        %get3A_170 = arith.index_cast %mul3A_167 : i32 to index
        %get3A_171 = tpu.vector_load %arg9[%get3A_169, %get3A_170] {strides = array<i32>} : memref<64x512xf32, #tpu.memory_space<vmem>>, vector<1x16xf32>,
        %get3A_172 = vector.shape_cast %get3A_171 : vector<1x16xf32> to vector<16xf32>
        %mul3A_173 = arith.constant 16 : i32
        %mul3A_174 = arith.muli %scan3A_158, %mul3A_173 : i32
        %get3A_175 = arith.constant 34 : i32
        %get3A_176 = arith.index_cast %get3A_175 : i32 to index
        %get3A_177 = arith.index_cast %mul3A_174 : i32 to index
        %get3A_178 = tpu.vector_load %arg9[%get3A_176, %get3A_177] {strides = array<i32>} : memref<64x512xf32, #tpu.memory_space<vmem>>, vector<1x16xf32>,
        %get3A_179 = vector.shape_cast %get3A_178 : vector<1x16xf32> to vector<16xf32>
        %mul3A_180 = arith.constant 16 : i32
        %mul3A_181 = arith.muli %scan3A_158, %mul3A_180 : i32
        %get3A_182 = arith.constant 35 : i32
        %get3A_183 = arith.index_cast %get3A_182 : i32 to index
        %get3A_184 = arith.index_cast %mul3A_181 : i32 to index
        %get3A_185 = tpu.vector_load %arg9[%get3A_183, %get3A_184] {strides = array<i32>} : memref<64x512xf32, #tpu.memory_space<vmem>>, vector<1x16xf32>,
        %get3A_186 = vector.shape_cast %get3A_185 : vector<1x16xf32> to vector<16xf32>
        %mul3A_187 = arith.constant 16 : i32
        %mul3A_188 = arith.muli %scan3A_158, %mul3A_187 : i32
        %get3A_189 = arith.constant 36 : i32
        %get3A_190 = arith.index_cast %get3A_189 : i32 to index
        %get3A_191 = arith.index_cast %mul3A_188 : i32 to index
        %get3A_192 = tpu.vector_load %arg9[%get3A_190, %get3A_191] {strides = array<i32>} : memref<64x512xf32, #tpu.memory_space<vmem>>, vector<1x16xf32>,
        %get3A_193 = vector.shape_cast %get3A_192 : vector<1x16xf32> to vector<16xf32>
        %mul3A_194 = arith.constant 16 : i32
        %mul3A_195 = arith.muli %scan3A_158, %mul3A_194 : i32
        %get3A_196 = arith.constant 37 : i32
        %get3A_197 = arith.index_cast %get3A_196 : i32 to index
        %get3A_198 = arith.index_cast %mul3A_195 : i32 to index
        %get3A_199 = tpu.vector_load %arg9[%get3A_197, %get3A_198] {strides = array<i32>} : memref<64x512xf32, #tpu.memory_space<vmem>>, vector<1x16xf32>,
        %get3A_200 = vector.shape_cast %get3A_199 : vector<1x16xf32> to vector<16xf32>
        %mul3A_201 = arith.constant 16 : i32
        %mul3A_202 = arith.muli %scan3A_158, %mul3A_201 : i32
        %get3A_203 = arith.constant 38 : i32
        %get3A_204 = arith.index_cast %get3A_203 : i32 to index
        %get3A_205 = arith.index_cast %mul3A_202 : i32 to index
        %get3A_206 = tpu.vector_load %arg9[%get3A_204, %get3A_205] {strides = array<i32>} : memref<64x512xf32, #tpu.memory_space<vmem>>, vector<1x16xf32>,
        %get3A_207 = vector.shape_cast %get3A_206 : vector<1x16xf32> to vector<16xf32>
        %mul3A_208 = arith.constant 16 : i32
        %mul3A_209 = arith.muli %scan3A_158, %mul3A_208 : i32
        %get3A_210 = arith.constant 39 : i32
        %get3A_211 = arith.index_cast %get3A_210 : i32 to index
        %get3A_212 = arith.index_cast %mul3A_209 : i32 to index
        %get3A_213 = tpu.vector_load %arg9[%get3A_211, %get3A_212] {strides = array<i32>} : memref<64x512xf32, #tpu.memory_space<vmem>>, vector<1x16xf32>,
        %get3A_214 = vector.shape_cast %get3A_213 : vector<1x16xf32> to vector<16xf32>
        %mul3A_215 = arith.constant 16 : i32
        %mul3A_216 = arith.muli %scan3A_158, %mul3A_215 : i32
        %get3A_217 = arith.constant 40 : i32
        %get3A_218 = arith.index_cast %get3A_217 : i32 to index
        %get3A_219 = arith.index_cast %mul3A_216 : i32 to index
        %get3A_220 = tpu.vector_load %arg9[%get3A_218, %get3A_219] {strides = array<i32>} : memref<64x512xf32, #tpu.memory_space<vmem>>, vector<1x16xf32>,
        %get3A_221 = vector.shape_cast %get3A_220 : vector<1x16xf32> to vector<16xf32>
        %mul3A_222 = arith.constant 16 : i32
        %mul3A_223 = arith.muli %scan3A_158, %mul3A_222 : i32
        %get3A_224 = arith.constant 41 : i32
        %get3A_225 = arith.index_cast %get3A_224 : i32 to index
        %get3A_226 = arith.index_cast %mul3A_223 : i32 to index
        %get3A_227 = tpu.vector_load %arg9[%get3A_225, %get3A_226] {strides = array<i32>} : memref<64x512xf32, #tpu.memory_space<vmem>>, vector<1x16xf32>,
        %get3A_228 = vector.shape_cast %get3A_227 : vector<1x16xf32> to vector<16xf32>
        %mul3A_229 = arith.constant 16 : i32
        %mul3A_230 = arith.muli %scan3A_158, %mul3A_229 : i32
        %get3A_231 = arith.constant 42 : i32
        %get3A_232 = arith.index_cast %get3A_231 : i32 to index
        %get3A_233 = arith.index_cast %mul3A_230 : i32 to index
        %get3A_234 = tpu.vector_load %arg9[%get3A_232, %get3A_233] {strides = array<i32>} : memref<64x512xf32, #tpu.memory_space<vmem>>, vector<1x16xf32>,
        %get3A_235 = vector.shape_cast %get3A_234 : vector<1x16xf32> to vector<16xf32>
        %mul3A_236 = arith.constant 16 : i32
        %mul3A_237 = arith.muli %scan3A_158, %mul3A_236 : i32
        %get3A_238 = arith.constant 43 : i32
        %get3A_239 = arith.index_cast %get3A_238 : i32 to index
        %get3A_240 = arith.index_cast %mul3A_237 : i32 to index
        %get3A_241 = tpu.vector_load %arg9[%get3A_239, %get3A_240] {strides = array<i32>} : memref<64x512xf32, #tpu.memory_space<vmem>>, vector<1x16xf32>,
        %get3A_242 = vector.shape_cast %get3A_241 : vector<1x16xf32> to vector<16xf32>
        %mul3A_243 = arith.constant 16 : i32
        %mul3A_244 = arith.muli %scan3A_158, %mul3A_243 : i32
        %get3A_245 = arith.constant 44 : i32
        %get3A_246 = arith.index_cast %get3A_245 : i32 to index
        %get3A_247 = arith.index_cast %mul3A_244 : i32 to index
        %get3A_248 = tpu.vector_load %arg9[%get3A_246, %get3A_247] {strides = array<i32>} : memref<64x512xf32, #tpu.memory_space<vmem>>, vector<1x16xf32>,
        %get3A_249 = vector.shape_cast %get3A_248 : vector<1x16xf32> to vector<16xf32>
        %mul3A_250 = arith.constant 16 : i32
        %mul3A_251 = arith.muli %scan3A_158, %mul3A_250 : i32
        %get3A_252 = arith.constant 45 : i32
        %get3A_253 = arith.index_cast %get3A_252 : i32 to index
        %get3A_254 = arith.index_cast %mul3A_251 : i32 to index
        %get3A_255 = tpu.vector_load %arg9[%get3A_253, %get3A_254] {strides = array<i32>} : memref<64x512xf32, #tpu.memory_space<vmem>>, vector<1x16xf32>,
        %get3A_256 = vector.shape_cast %get3A_255 : vector<1x16xf32> to vector<16xf32>
        %mul3A_257 = arith.constant 16 : i32
        %mul3A_258 = arith.muli %scan3A_158, %mul3A_257 : i32
        %get3A_259 = arith.constant 46 : i32
        %get3A_260 = arith.index_cast %get3A_259 : i32 to index
        %get3A_261 = arith.index_cast %mul3A_258 : i32 to index
        %get3A_262 = tpu.vector_load %arg9[%get3A_260, %get3A_261] {strides = array<i32>} : memref<64x512xf32, #tpu.memory_space<vmem>>, vector<1x16xf32>,
        %get3A_263 = vector.shape_cast %get3A_262 : vector<1x16xf32> to vector<16xf32>
        %mul3A_264 = arith.constant 16 : i32
        %mul3A_265 = arith.muli %scan3A_158, %mul3A_264 : i32
        %get3A_266 = arith.constant 47 : i32
        %get3A_267 = arith.index_cast %get3A_266 : i32 to index
        %get3A_268 = arith.index_cast %mul3A_265 : i32 to index
        %get3A_269 = tpu.vector_load %arg9[%get3A_267, %get3A_268] {strides = array<i32>} : memref<64x512xf32, #tpu.memory_space<vmem>>, vector<1x16xf32>,
        %get3A_270 = vector.shape_cast %get3A_269 : vector<1x16xf32> to vector<16xf32>
        %add3A_271 = arith.addf %get3A_165, %get3A_172 : vector<16xf32>
        %add3A_272 = arith.addf %get3A_179, %get3A_186 : vector<16xf32>
        %add3A_273 = arith.addf %get3A_193, %get3A_200 : vector<16xf32>
        %add3A_274 = arith.addf %get3A_207, %get3A_214 : vector<16xf32>
        %add3A_275 = arith.addf %get3A_221, %get3A_228 : vector<16xf32>
        %add3A_276 = arith.addf %get3A_235, %get3A_242 : vector<16xf32>
        %add3A_277 = arith.addf %get3A_249, %get3A_256 : vector<16xf32>
        %add3A_278 = arith.addf %get3A_263, %get3A_270 : vector<16xf32>
        %add3A_279 = arith.addf %add3A_271, %add3A_272 : vector<16xf32>
        %add3A_280 = arith.addf %add3A_273, %add3A_274 : vector<16xf32>
        %add3A_281 = arith.addf %add3A_275, %add3A_276 : vector<16xf32>
        %add3A_282 = arith.addf %add3A_277, %add3A_278 : vector<16xf32>
        %add3A_283 = arith.addf %add3A_279, %add3A_280 : vector<16xf32>
        %add3A_284 = arith.addf %add3A_281, %add3A_282 : vector<16xf32>
        %add3A_285 = arith.addf %add3A_283, %add3A_284 : vector<16xf32>
        %mul3A_286 = arith.constant 16 : i32
        %mul3A_287 = arith.muli %scan3A_158, %mul3A_286 : i32
        %swap3A_288 = arith.constant 42 : i32
        %swap3A_289 = arith.index_cast %swap3A_288 : i32 to index
        %swap3A_290 = arith.index_cast %mul3A_287 : i32 to index
        %swap3A_291 = tpu.vector_load %arg11[%swap3A_289, %swap3A_290] {strides = array<i32>} : memref<48x512xf32, #tpu.memory_space<vmem>>, vector<1x16xf32>,
        %swap3A_292 = vector.shape_cast %swap3A_291 : vector<1x16xf32> to vector<16xf32>
        %swap3A_293 = vector.shape_cast %add3A_285 : vector<16xf32> to vector<1x16xf32>
        tpu.vector_store %arg11[%swap3A_289, %swap3A_290], %swap3A_293 {strides = array<i32>} : memref<48x512xf32, #tpu.memory_space<vmem>>, vector<1x16xf32>,
      }
      %scan3A_124 = arith.constant 32 : i32
      %scan3A_125 = arith.constant 0 : i32
      %scan3A_126 = arith.constant 0 : i32
      %scan3A_127 = arith.constant 32 : i32
      %scan3A_128 = arith.addi %scan3A_126, %scan3A_127 : i32
      %scan3A_129 = arith.constant 1 : i32
      scf.for %scan3A_158 = %scan3A_126 to %scan3A_128 step %scan3A_129  : i32 {
        %mul3A_159 = arith.constant 16 : i32
        %mul3A_160 = arith.muli %scan3A_158, %mul3A_159 : i32
        %get3A_161 = arith.constant 48 : i32
        %get3A_162 = arith.index_cast %get3A_161 : i32 to index
        %get3A_163 = arith.index_cast %mul3A_160 : i32 to index
        %get3A_164 = tpu.vector_load %arg9[%get3A_162, %get3A_163] {strides = array<i32>} : memref<64x512xf32, #tpu.memory_space<vmem>>, vector<1x16xf32>,
        %get3A_165 = vector.shape_cast %get3A_164 : vector<1x16xf32> to vector<16xf32>
        %mul3A_166 = arith.constant 16 : i32
        %mul3A_167 = arith.muli %scan3A_158, %mul3A_166 : i32
        %get3A_168 = arith.constant 49 : i32
        %get3A_169 = arith.index_cast %get3A_168 : i32 to index
        %get3A_170 = arith.index_cast %mul3A_167 : i32 to index
        %get3A_171 = tpu.vector_load %arg9[%get3A_169, %get3A_170] {strides = array<i32>} : memref<64x512xf32, #tpu.memory_space<vmem>>, vector<1x16xf32>,
        %get3A_172 = vector.shape_cast %get3A_171 : vector<1x16xf32> to vector<16xf32>
        %mul3A_173 = arith.constant 16 : i32
        %mul3A_174 = arith.muli %scan3A_158, %mul3A_173 : i32
        %get3A_175 = arith.constant 50 : i32
        %get3A_176 = arith.index_cast %get3A_175 : i32 to index
        %get3A_177 = arith.index_cast %mul3A_174 : i32 to index
        %get3A_178 = tpu.vector_load %arg9[%get3A_176, %get3A_177] {strides = array<i32>} : memref<64x512xf32, #tpu.memory_space<vmem>>, vector<1x16xf32>,
        %get3A_179 = vector.shape_cast %get3A_178 : vector<1x16xf32> to vector<16xf32>
        %mul3A_180 = arith.constant 16 : i32
        %mul3A_181 = arith.muli %scan3A_158, %mul3A_180 : i32
        %get3A_182 = arith.constant 51 : i32
        %get3A_183 = arith.index_cast %get3A_182 : i32 to index
        %get3A_184 = arith.index_cast %mul3A_181 : i32 to index
        %get3A_185 = tpu.vector_load %arg9[%get3A_183, %get3A_184] {strides = array<i32>} : memref<64x512xf32, #tpu.memory_space<vmem>>, vector<1x16xf32>,
        %get3A_186 = vector.shape_cast %get3A_185 : vector<1x16xf32> to vector<16xf32>
        %mul3A_187 = arith.constant 16 : i32
        %mul3A_188 = arith.muli %scan3A_158, %mul3A_187 : i32
        %get3A_189 = arith.constant 52 : i32
        %get3A_190 = arith.index_cast %get3A_189 : i32 to index
        %get3A_191 = arith.index_cast %mul3A_188 : i32 to index
        %get3A_192 = tpu.vector_load %arg9[%get3A_190, %get3A_191] {strides = array<i32>} : memref<64x512xf32, #tpu.memory_space<vmem>>, vector<1x16xf32>,
        %get3A_193 = vector.shape_cast %get3A_192 : vector<1x16xf32> to vector<16xf32>
        %mul3A_194 = arith.constant 16 : i32
        %mul3A_195 = arith.muli %scan3A_158, %mul3A_194 : i32
        %get3A_196 = arith.constant 53 : i32
        %get3A_197 = arith.index_cast %get3A_196 : i32 to index
        %get3A_198 = arith.index_cast %mul3A_195 : i32 to index
        %get3A_199 = tpu.vector_load %arg9[%get3A_197, %get3A_198] {strides = array<i32>} : memref<64x512xf32, #tpu.memory_space<vmem>>, vector<1x16xf32>,
        %get3A_200 = vector.shape_cast %get3A_199 : vector<1x16xf32> to vector<16xf32>
        %mul3A_201 = arith.constant 16 : i32
        %mul3A_202 = arith.muli %scan3A_158, %mul3A_201 : i32
        %get3A_203 = arith.constant 54 : i32
        %get3A_204 = arith.index_cast %get3A_203 : i32 to index
        %get3A_205 = arith.index_cast %mul3A_202 : i32 to index
        %get3A_206 = tpu.vector_load %arg9[%get3A_204, %get3A_205] {strides = array<i32>} : memref<64x512xf32, #tpu.memory_space<vmem>>, vector<1x16xf32>,
        %get3A_207 = vector.shape_cast %get3A_206 : vector<1x16xf32> to vector<16xf32>
        %mul3A_208 = arith.constant 16 : i32
        %mul3A_209 = arith.muli %scan3A_158, %mul3A_208 : i32
        %get3A_210 = arith.constant 55 : i32
        %get3A_211 = arith.index_cast %get3A_210 : i32 to index
        %get3A_212 = arith.index_cast %mul3A_209 : i32 to index
        %get3A_213 = tpu.vector_load %arg9[%get3A_211, %get3A_212] {strides = array<i32>} : memref<64x512xf32, #tpu.memory_space<vmem>>, vector<1x16xf32>,
        %get3A_214 = vector.shape_cast %get3A_213 : vector<1x16xf32> to vector<16xf32>
        %mul3A_215 = arith.constant 16 : i32
        %mul3A_216 = arith.muli %scan3A_158, %mul3A_215 : i32
        %get3A_217 = arith.constant 56 : i32
        %get3A_218 = arith.index_cast %get3A_217 : i32 to index
        %get3A_219 = arith.index_cast %mul3A_216 : i32 to index
        %get3A_220 = tpu.vector_load %arg9[%get3A_218, %get3A_219] {strides = array<i32>} : memref<64x512xf32, #tpu.memory_space<vmem>>, vector<1x16xf32>,
        %get3A_221 = vector.shape_cast %get3A_220 : vector<1x16xf32> to vector<16xf32>
        %mul3A_222 = arith.constant 16 : i32
        %mul3A_223 = arith.muli %scan3A_158, %mul3A_222 : i32
        %get3A_224 = arith.constant 57 : i32
        %get3A_225 = arith.index_cast %get3A_224 : i32 to index
        %get3A_226 = arith.index_cast %mul3A_223 : i32 to index
        %get3A_227 = tpu.vector_load %arg9[%get3A_225, %get3A_226] {strides = array<i32>} : memref<64x512xf32, #tpu.memory_space<vmem>>, vector<1x16xf32>,
        %get3A_228 = vector.shape_cast %get3A_227 : vector<1x16xf32> to vector<16xf32>
        %mul3A_229 = arith.constant 16 : i32
        %mul3A_230 = arith.muli %scan3A_158, %mul3A_229 : i32
        %get3A_231 = arith.constant 58 : i32
        %get3A_232 = arith.index_cast %get3A_231 : i32 to index
        %get3A_233 = arith.index_cast %mul3A_230 : i32 to index
        %get3A_234 = tpu.vector_load %arg9[%get3A_232, %get3A_233] {strides = array<i32>} : memref<64x512xf32, #tpu.memory_space<vmem>>, vector<1x16xf32>,
        %get3A_235 = vector.shape_cast %get3A_234 : vector<1x16xf32> to vector<16xf32>
        %mul3A_236 = arith.constant 16 : i32
        %mul3A_237 = arith.muli %scan3A_158, %mul3A_236 : i32
        %get3A_238 = arith.constant 59 : i32
        %get3A_239 = arith.index_cast %get3A_238 : i32 to index
        %get3A_240 = arith.index_cast %mul3A_237 : i32 to index
        %get3A_241 = tpu.vector_load %arg9[%get3A_239, %get3A_240] {strides = array<i32>} : memref<64x512xf32, #tpu.memory_space<vmem>>, vector<1x16xf32>,
        %get3A_242 = vector.shape_cast %get3A_241 : vector<1x16xf32> to vector<16xf32>
        %mul3A_243 = arith.constant 16 : i32
        %mul3A_244 = arith.muli %scan3A_158, %mul3A_243 : i32
        %get3A_245 = arith.constant 60 : i32
        %get3A_246 = arith.index_cast %get3A_245 : i32 to index
        %get3A_247 = arith.index_cast %mul3A_244 : i32 to index
        %get3A_248 = tpu.vector_load %arg9[%get3A_246, %get3A_247] {strides = array<i32>} : memref<64x512xf32, #tpu.memory_space<vmem>>, vector<1x16xf32>,
        %get3A_249 = vector.shape_cast %get3A_248 : vector<1x16xf32> to vector<16xf32>
        %mul3A_250 = arith.constant 16 : i32
        %mul3A_251 = arith.muli %scan3A_158, %mul3A_250 : i32
        %get3A_252 = arith.constant 61 : i32
        %get3A_253 = arith.index_cast %get3A_252 : i32 to index
        %get3A_254 = arith.index_cast %mul3A_251 : i32 to index
        %get3A_255 = tpu.vector_load %arg9[%get3A_253, %get3A_254] {strides = array<i32>} : memref<64x512xf32, #tpu.memory_space<vmem>>, vector<1x16xf32>,
        %get3A_256 = vector.shape_cast %get3A_255 : vector<1x16xf32> to vector<16xf32>
        %mul3A_257 = arith.constant 16 : i32
        %mul3A_258 = arith.muli %scan3A_158, %mul3A_257 : i32
        %get3A_259 = arith.constant 62 : i32
        %get3A_260 = arith.index_cast %get3A_259 : i32 to index
        %get3A_261 = arith.index_cast %mul3A_258 : i32 to index
        %get3A_262 = tpu.vector_load %arg9[%get3A_260, %get3A_261] {strides = array<i32>} : memref<64x512xf32, #tpu.memory_space<vmem>>, vector<1x16xf32>,
        %get3A_263 = vector.shape_cast %get3A_262 : vector<1x16xf32> to vector<16xf32>
        %mul3A_264 = arith.constant 16 : i32
        %mul3A_265 = arith.muli %scan3A_158, %mul3A_264 : i32
        %get3A_266 = arith.constant 63 : i32
        %get3A_267 = arith.index_cast %get3A_266 : i32 to index
        %get3A_268 = arith.index_cast %mul3A_265 : i32 to index
        %get3A_269 = tpu.vector_load %arg9[%get3A_267, %get3A_268] {strides = array<i32>} : memref<64x512xf32, #tpu.memory_space<vmem>>, vector<1x16xf32>,
        %get3A_270 = vector.shape_cast %get3A_269 : vector<1x16xf32> to vector<16xf32>
        %add3A_271 = arith.addf %get3A_165, %get3A_172 : vector<16xf32>
        %add3A_272 = arith.addf %get3A_179, %get3A_186 : vector<16xf32>
        %add3A_273 = arith.addf %get3A_193, %get3A_200 : vector<16xf32>
        %add3A_274 = arith.addf %get3A_207, %get3A_214 : vector<16xf32>
        %add3A_275 = arith.addf %get3A_221, %get3A_228 : vector<16xf32>
        %add3A_276 = arith.addf %get3A_235, %get3A_242 : vector<16xf32>
        %add3A_277 = arith.addf %get3A_249, %get3A_256 : vector<16xf32>
        %add3A_278 = arith.addf %get3A_263, %get3A_270 : vector<16xf32>
        %add3A_279 = arith.addf %add3A_271, %add3A_272 : vector<16xf32>
        %add3A_280 = arith.addf %add3A_273, %add3A_274 : vector<16xf32>
        %add3A_281 = arith.addf %add3A_275, %add3A_276 : vector<16xf32>
        %add3A_282 = arith.addf %add3A_277, %add3A_278 : vector<16xf32>
        %add3A_283 = arith.addf %add3A_279, %add3A_280 : vector<16xf32>
        %add3A_284 = arith.addf %add3A_281, %add3A_282 : vector<16xf32>
        %add3A_285 = arith.addf %add3A_283, %add3A_284 : vector<16xf32>
        %mul3A_286 = arith.constant 16 : i32
        %mul3A_287 = arith.muli %scan3A_158, %mul3A_286 : i32
        %swap3A_288 = arith.constant 43 : i32
        %swap3A_289 = arith.index_cast %swap3A_288 : i32 to index
        %swap3A_290 = arith.index_cast %mul3A_287 : i32 to index
        %swap3A_291 = tpu.vector_load %arg11[%swap3A_289, %swap3A_290] {strides = array<i32>} : memref<48x512xf32, #tpu.memory_space<vmem>>, vector<1x16xf32>,
        %swap3A_292 = vector.shape_cast %swap3A_291 : vector<1x16xf32> to vector<16xf32>
        %swap3A_293 = vector.shape_cast %add3A_285 : vector<16xf32> to vector<1x16xf32>
        tpu.vector_store %arg11[%swap3A_289, %swap3A_290], %swap3A_293 {strides = array<i32>} : memref<48x512xf32, #tpu.memory_space<vmem>>, vector<1x16xf32>,
      }
      %scan3A_130 = arith.constant 32 : i32
      %dma_wait3A_131 = arith.constant 0 : i32
      %dma_wait3A_132 = arith.constant 0 : i32
      %dma_wait3A_133 = tpu.memref_slice %arg3[%dma_wait3A_131, %dma_wait3A_132] : memref<50001x512xf32, #tpu.memory_space<hbm>> -> memref<50001x512xf32, #tpu.memory_space<hbm>>
      tpu.wait_indirect_dma semaphore(%arg16 : memref<!tpu.dma_semaphore, #tpu.memory_space<semaphore_mem>>) src(%dma_wait3A_133 : memref<50001x512xf32, #tpu.memory_space<hbm>>) dst(%arg10 : memref<64x512xf32, #tpu.memory_space<vmem>>)
      %scan3A_134 = arith.constant 0 : i32
      %scan3A_135 = arith.constant 0 : i32
      %scan3A_136 = arith.constant 32 : i32
      %scan3A_137 = arith.addi %scan3A_135, %scan3A_136 : i32
      %scan3A_138 = arith.constant 1 : i32
      scf.for %scan3A_158 = %scan3A_135 to %scan3A_137 step %scan3A_138  : i32 {
        %mul3A_159 = arith.constant 16 : i32
        %mul3A_160 = arith.muli %scan3A_158, %mul3A_159 : i32
        %get3A_161 = arith.constant 0 : i32
        %get3A_162 = arith.index_cast %get3A_161 : i32 to index
        %get3A_163 = arith.index_cast %mul3A_160 : i32 to index
        %get3A_164 = tpu.vector_load %arg10[%get3A_162, %get3A_163] {strides = array<i32>} : memref<64x512xf32, #tpu.memory_space<vmem>>, vector<1x16xf32>,
        %get3A_165 = vector.shape_cast %get3A_164 : vector<1x16xf32> to vector<16xf32>
        %mul3A_166 = arith.constant 16 : i32
        %mul3A_167 = arith.muli %scan3A_158, %mul3A_166 : i32
        %get3A_168 = arith.constant 1 : i32
        %get3A_169 = arith.index_cast %get3A_168 : i32 to index
        %get3A_170 = arith.index_cast %mul3A_167 : i32 to index
        %get3A_171 = tpu.vector_load %arg10[%get3A_169, %get3A_170] {strides = array<i32>} : memref<64x512xf32, #tpu.memory_space<vmem>>, vector<1x16xf32>,
        %get3A_172 = vector.shape_cast %get3A_171 : vector<1x16xf32> to vector<16xf32>
        %mul3A_173 = arith.constant 16 : i32
        %mul3A_174 = arith.muli %scan3A_158, %mul3A_173 : i32
        %get3A_175 = arith.constant 2 : i32
        %get3A_176 = arith.index_cast %get3A_175 : i32 to index
        %get3A_177 = arith.index_cast %mul3A_174 : i32 to index
        %get3A_178 = tpu.vector_load %arg10[%get3A_176, %get3A_177] {strides = array<i32>} : memref<64x512xf32, #tpu.memory_space<vmem>>, vector<1x16xf32>,
        %get3A_179 = vector.shape_cast %get3A_178 : vector<1x16xf32> to vector<16xf32>
        %mul3A_180 = arith.constant 16 : i32
        %mul3A_181 = arith.muli %scan3A_158, %mul3A_180 : i32
        %get3A_182 = arith.constant 3 : i32
        %get3A_183 = arith.index_cast %get3A_182 : i32 to index
        %get3A_184 = arith.index_cast %mul3A_181 : i32 to index
        %get3A_185 = tpu.vector_load %arg10[%get3A_183, %get3A_184] {strides = array<i32>} : memref<64x512xf32, #tpu.memory_space<vmem>>, vector<1x16xf32>,
        %get3A_186 = vector.shape_cast %get3A_185 : vector<1x16xf32> to vector<16xf32>
        %mul3A_187 = arith.constant 16 : i32
        %mul3A_188 = arith.muli %scan3A_158, %mul3A_187 : i32
        %get3A_189 = arith.constant 4 : i32
        %get3A_190 = arith.index_cast %get3A_189 : i32 to index
        %get3A_191 = arith.index_cast %mul3A_188 : i32 to index
        %get3A_192 = tpu.vector_load %arg10[%get3A_190, %get3A_191] {strides = array<i32>} : memref<64x512xf32, #tpu.memory_space<vmem>>, vector<1x16xf32>,
        %get3A_193 = vector.shape_cast %get3A_192 : vector<1x16xf32> to vector<16xf32>
        %mul3A_194 = arith.constant 16 : i32
        %mul3A_195 = arith.muli %scan3A_158, %mul3A_194 : i32
        %get3A_196 = arith.constant 5 : i32
        %get3A_197 = arith.index_cast %get3A_196 : i32 to index
        %get3A_198 = arith.index_cast %mul3A_195 : i32 to index
        %get3A_199 = tpu.vector_load %arg10[%get3A_197, %get3A_198] {strides = array<i32>} : memref<64x512xf32, #tpu.memory_space<vmem>>, vector<1x16xf32>,
        %get3A_200 = vector.shape_cast %get3A_199 : vector<1x16xf32> to vector<16xf32>
        %mul3A_201 = arith.constant 16 : i32
        %mul3A_202 = arith.muli %scan3A_158, %mul3A_201 : i32
        %get3A_203 = arith.constant 6 : i32
        %get3A_204 = arith.index_cast %get3A_203 : i32 to index
        %get3A_205 = arith.index_cast %mul3A_202 : i32 to index
        %get3A_206 = tpu.vector_load %arg10[%get3A_204, %get3A_205] {strides = array<i32>} : memref<64x512xf32, #tpu.memory_space<vmem>>, vector<1x16xf32>,
        %get3A_207 = vector.shape_cast %get3A_206 : vector<1x16xf32> to vector<16xf32>
        %mul3A_208 = arith.constant 16 : i32
        %mul3A_209 = arith.muli %scan3A_158, %mul3A_208 : i32
        %get3A_210 = arith.constant 7 : i32
        %get3A_211 = arith.index_cast %get3A_210 : i32 to index
        %get3A_212 = arith.index_cast %mul3A_209 : i32 to index
        %get3A_213 = tpu.vector_load %arg10[%get3A_211, %get3A_212] {strides = array<i32>} : memref<64x512xf32, #tpu.memory_space<vmem>>, vector<1x16xf32>,
        %get3A_214 = vector.shape_cast %get3A_213 : vector<1x16xf32> to vector<16xf32>
        %mul3A_215 = arith.constant 16 : i32
        %mul3A_216 = arith.muli %scan3A_158, %mul3A_215 : i32
        %get3A_217 = arith.constant 8 : i32
        %get3A_218 = arith.index_cast %get3A_217 : i32 to index
        %get3A_219 = arith.index_cast %mul3A_216 : i32 to index
        %get3A_220 = tpu.vector_load %arg10[%get3A_218, %get3A_219] {strides = array<i32>} : memref<64x512xf32, #tpu.memory_space<vmem>>, vector<1x16xf32>,
        %get3A_221 = vector.shape_cast %get3A_220 : vector<1x16xf32> to vector<16xf32>
        %mul3A_222 = arith.constant 16 : i32
        %mul3A_223 = arith.muli %scan3A_158, %mul3A_222 : i32
        %get3A_224 = arith.constant 9 : i32
        %get3A_225 = arith.index_cast %get3A_224 : i32 to index
        %get3A_226 = arith.index_cast %mul3A_223 : i32 to index
        %get3A_227 = tpu.vector_load %arg10[%get3A_225, %get3A_226] {strides = array<i32>} : memref<64x512xf32, #tpu.memory_space<vmem>>, vector<1x16xf32>,
        %get3A_228 = vector.shape_cast %get3A_227 : vector<1x16xf32> to vector<16xf32>
        %mul3A_229 = arith.constant 16 : i32
        %mul3A_230 = arith.muli %scan3A_158, %mul3A_229 : i32
        %get3A_231 = arith.constant 10 : i32
        %get3A_232 = arith.index_cast %get3A_231 : i32 to index
        %get3A_233 = arith.index_cast %mul3A_230 : i32 to index
        %get3A_234 = tpu.vector_load %arg10[%get3A_232, %get3A_233] {strides = array<i32>} : memref<64x512xf32, #tpu.memory_space<vmem>>, vector<1x16xf32>,
        %get3A_235 = vector.shape_cast %get3A_234 : vector<1x16xf32> to vector<16xf32>
        %mul3A_236 = arith.constant 16 : i32
        %mul3A_237 = arith.muli %scan3A_158, %mul3A_236 : i32
        %get3A_238 = arith.constant 11 : i32
        %get3A_239 = arith.index_cast %get3A_238 : i32 to index
        %get3A_240 = arith.index_cast %mul3A_237 : i32 to index
        %get3A_241 = tpu.vector_load %arg10[%get3A_239, %get3A_240] {strides = array<i32>} : memref<64x512xf32, #tpu.memory_space<vmem>>, vector<1x16xf32>,
        %get3A_242 = vector.shape_cast %get3A_241 : vector<1x16xf32> to vector<16xf32>
        %mul3A_243 = arith.constant 16 : i32
        %mul3A_244 = arith.muli %scan3A_158, %mul3A_243 : i32
        %get3A_245 = arith.constant 12 : i32
        %get3A_246 = arith.index_cast %get3A_245 : i32 to index
        %get3A_247 = arith.index_cast %mul3A_244 : i32 to index
        %get3A_248 = tpu.vector_load %arg10[%get3A_246, %get3A_247] {strides = array<i32>} : memref<64x512xf32, #tpu.memory_space<vmem>>, vector<1x16xf32>,
        %get3A_249 = vector.shape_cast %get3A_248 : vector<1x16xf32> to vector<16xf32>
        %mul3A_250 = arith.constant 16 : i32
        %mul3A_251 = arith.muli %scan3A_158, %mul3A_250 : i32
        %get3A_252 = arith.constant 13 : i32
        %get3A_253 = arith.index_cast %get3A_252 : i32 to index
        %get3A_254 = arith.index_cast %mul3A_251 : i32 to index
        %get3A_255 = tpu.vector_load %arg10[%get3A_253, %get3A_254] {strides = array<i32>} : memref<64x512xf32, #tpu.memory_space<vmem>>, vector<1x16xf32>,
        %get3A_256 = vector.shape_cast %get3A_255 : vector<1x16xf32> to vector<16xf32>
        %mul3A_257 = arith.constant 16 : i32
        %mul3A_258 = arith.muli %scan3A_158, %mul3A_257 : i32
        %get3A_259 = arith.constant 14 : i32
        %get3A_260 = arith.index_cast %get3A_259 : i32 to index
        %get3A_261 = arith.index_cast %mul3A_258 : i32 to index
        %get3A_262 = tpu.vector_load %arg10[%get3A_260, %get3A_261] {strides = array<i32>} : memref<64x512xf32, #tpu.memory_space<vmem>>, vector<1x16xf32>,
        %get3A_263 = vector.shape_cast %get3A_262 : vector<1x16xf32> to vector<16xf32>
        %mul3A_264 = arith.constant 16 : i32
        %mul3A_265 = arith.muli %scan3A_158, %mul3A_264 : i32
        %get3A_266 = arith.constant 15 : i32
        %get3A_267 = arith.index_cast %get3A_266 : i32 to index
        %get3A_268 = arith.index_cast %mul3A_265 : i32 to index
        %get3A_269 = tpu.vector_load %arg10[%get3A_267, %get3A_268] {strides = array<i32>} : memref<64x512xf32, #tpu.memory_space<vmem>>, vector<1x16xf32>,
        %get3A_270 = vector.shape_cast %get3A_269 : vector<1x16xf32> to vector<16xf32>
        %add3A_271 = arith.addf %get3A_165, %get3A_172 : vector<16xf32>
        %add3A_272 = arith.addf %get3A_179, %get3A_186 : vector<16xf32>
        %add3A_273 = arith.addf %get3A_193, %get3A_200 : vector<16xf32>
        %add3A_274 = arith.addf %get3A_207, %get3A_214 : vector<16xf32>
        %add3A_275 = arith.addf %get3A_221, %get3A_228 : vector<16xf32>
        %add3A_276 = arith.addf %get3A_235, %get3A_242 : vector<16xf32>
        %add3A_277 = arith.addf %get3A_249, %get3A_256 : vector<16xf32>
        %add3A_278 = arith.addf %get3A_263, %get3A_270 : vector<16xf32>
        %add3A_279 = arith.addf %add3A_271, %add3A_272 : vector<16xf32>
        %add3A_280 = arith.addf %add3A_273, %add3A_274 : vector<16xf32>
        %add3A_281 = arith.addf %add3A_275, %add3A_276 : vector<16xf32>
        %add3A_282 = arith.addf %add3A_277, %add3A_278 : vector<16xf32>
        %add3A_283 = arith.addf %add3A_279, %add3A_280 : vector<16xf32>
        %add3A_284 = arith.addf %add3A_281, %add3A_282 : vector<16xf32>
        %add3A_285 = arith.addf %add3A_283, %add3A_284 : vector<16xf32>
        %mul3A_286 = arith.constant 16 : i32
        %mul3A_287 = arith.muli %scan3A_158, %mul3A_286 : i32
        %swap3A_288 = arith.constant 44 : i32
        %swap3A_289 = arith.index_cast %swap3A_288 : i32 to index
        %swap3A_290 = arith.index_cast %mul3A_287 : i32 to index
        %swap3A_291 = tpu.vector_load %arg11[%swap3A_289, %swap3A_290] {strides = array<i32>} : memref<48x512xf32, #tpu.memory_space<vmem>>, vector<1x16xf32>,
        %swap3A_292 = vector.shape_cast %swap3A_291 : vector<1x16xf32> to vector<16xf32>
        %swap3A_293 = vector.shape_cast %add3A_285 : vector<16xf32> to vector<1x16xf32>
        tpu.vector_store %arg11[%swap3A_289, %swap3A_290], %swap3A_293 {strides = array<i32>} : memref<48x512xf32, #tpu.memory_space<vmem>>, vector<1x16xf32>,
      }
      %scan3A_139 = arith.constant 32 : i32
      %scan3A_140 = arith.constant 0 : i32
      %scan3A_141 = arith.constant 0 : i32
      %scan3A_142 = arith.constant 32 : i32
      %scan3A_143 = arith.addi %scan3A_141, %scan3A_142 : i32
      %scan3A_144 = arith.constant 1 : i32
      scf.for %scan3A_158 = %scan3A_141 to %scan3A_143 step %scan3A_144  : i32 {
        %mul3A_159 = arith.constant 16 : i32
        %mul3A_160 = arith.muli %scan3A_158, %mul3A_159 : i32
        %get3A_161 = arith.constant 16 : i32
        %get3A_162 = arith.index_cast %get3A_161 : i32 to index
        %get3A_163 = arith.index_cast %mul3A_160 : i32 to index
        %get3A_164 = tpu.vector_load %arg10[%get3A_162, %get3A_163] {strides = array<i32>} : memref<64x512xf32, #tpu.memory_space<vmem>>, vector<1x16xf32>,
        %get3A_165 = vector.shape_cast %get3A_164 : vector<1x16xf32> to vector<16xf32>
        %mul3A_166 = arith.constant 16 : i32
        %mul3A_167 = arith.muli %scan3A_158, %mul3A_166 : i32
        %get3A_168 = arith.constant 17 : i32
        %get3A_169 = arith.index_cast %get3A_168 : i32 to index
        %get3A_170 = arith.index_cast %mul3A_167 : i32 to index
        %get3A_171 = tpu.vector_load %arg10[%get3A_169, %get3A_170] {strides = array<i32>} : memref<64x512xf32, #tpu.memory_space<vmem>>, vector<1x16xf32>,
        %get3A_172 = vector.shape_cast %get3A_171 : vector<1x16xf32> to vector<16xf32>
        %mul3A_173 = arith.constant 16 : i32
        %mul3A_174 = arith.muli %scan3A_158, %mul3A_173 : i32
        %get3A_175 = arith.constant 18 : i32
        %get3A_176 = arith.index_cast %get3A_175 : i32 to index
        %get3A_177 = arith.index_cast %mul3A_174 : i32 to index
        %get3A_178 = tpu.vector_load %arg10[%get3A_176, %get3A_177] {strides = array<i32>} : memref<64x512xf32, #tpu.memory_space<vmem>>, vector<1x16xf32>,
        %get3A_179 = vector.shape_cast %get3A_178 : vector<1x16xf32> to vector<16xf32>
        %mul3A_180 = arith.constant 16 : i32
        %mul3A_181 = arith.muli %scan3A_158, %mul3A_180 : i32
        %get3A_182 = arith.constant 19 : i32
        %get3A_183 = arith.index_cast %get3A_182 : i32 to index
        %get3A_184 = arith.index_cast %mul3A_181 : i32 to index
        %get3A_185 = tpu.vector_load %arg10[%get3A_183, %get3A_184] {strides = array<i32>} : memref<64x512xf32, #tpu.memory_space<vmem>>, vector<1x16xf32>,
        %get3A_186 = vector.shape_cast %get3A_185 : vector<1x16xf32> to vector<16xf32>
        %mul3A_187 = arith.constant 16 : i32
        %mul3A_188 = arith.muli %scan3A_158, %mul3A_187 : i32
        %get3A_189 = arith.constant 20 : i32
        %get3A_190 = arith.index_cast %get3A_189 : i32 to index
        %get3A_191 = arith.index_cast %mul3A_188 : i32 to index
        %get3A_192 = tpu.vector_load %arg10[%get3A_190, %get3A_191] {strides = array<i32>} : memref<64x512xf32, #tpu.memory_space<vmem>>, vector<1x16xf32>,
        %get3A_193 = vector.shape_cast %get3A_192 : vector<1x16xf32> to vector<16xf32>
        %mul3A_194 = arith.constant 16 : i32
        %mul3A_195 = arith.muli %scan3A_158, %mul3A_194 : i32
        %get3A_196 = arith.constant 21 : i32
        %get3A_197 = arith.index_cast %get3A_196 : i32 to index
        %get3A_198 = arith.index_cast %mul3A_195 : i32 to index
        %get3A_199 = tpu.vector_load %arg10[%get3A_197, %get3A_198] {strides = array<i32>} : memref<64x512xf32, #tpu.memory_space<vmem>>, vector<1x16xf32>,
        %get3A_200 = vector.shape_cast %get3A_199 : vector<1x16xf32> to vector<16xf32>
        %mul3A_201 = arith.constant 16 : i32
        %mul3A_202 = arith.muli %scan3A_158, %mul3A_201 : i32
        %get3A_203 = arith.constant 22 : i32
        %get3A_204 = arith.index_cast %get3A_203 : i32 to index
        %get3A_205 = arith.index_cast %mul3A_202 : i32 to index
        %get3A_206 = tpu.vector_load %arg10[%get3A_204, %get3A_205] {strides = array<i32>} : memref<64x512xf32, #tpu.memory_space<vmem>>, vector<1x16xf32>,
        %get3A_207 = vector.shape_cast %get3A_206 : vector<1x16xf32> to vector<16xf32>
        %mul3A_208 = arith.constant 16 : i32
        %mul3A_209 = arith.muli %scan3A_158, %mul3A_208 : i32
        %get3A_210 = arith.constant 23 : i32
        %get3A_211 = arith.index_cast %get3A_210 : i32 to index
        %get3A_212 = arith.index_cast %mul3A_209 : i32 to index
        %get3A_213 = tpu.vector_load %arg10[%get3A_211, %get3A_212] {strides = array<i32>} : memref<64x512xf32, #tpu.memory_space<vmem>>, vector<1x16xf32>,
        %get3A_214 = vector.shape_cast %get3A_213 : vector<1x16xf32> to vector<16xf32>
        %mul3A_215 = arith.constant 16 : i32
        %mul3A_216 = arith.muli %scan3A_158, %mul3A_215 : i32
        %get3A_217 = arith.constant 24 : i32
        %get3A_218 = arith.index_cast %get3A_217 : i32 to index
        %get3A_219 = arith.index_cast %mul3A_216 : i32 to index
        %get3A_220 = tpu.vector_load %arg10[%get3A_218, %get3A_219] {strides = array<i32>} : memref<64x512xf32, #tpu.memory_space<vmem>>, vector<1x16xf32>,
        %get3A_221 = vector.shape_cast %get3A_220 : vector<1x16xf32> to vector<16xf32>
        %mul3A_222 = arith.constant 16 : i32
        %mul3A_223 = arith.muli %scan3A_158, %mul3A_222 : i32
        %get3A_224 = arith.constant 25 : i32
        %get3A_225 = arith.index_cast %get3A_224 : i32 to index
        %get3A_226 = arith.index_cast %mul3A_223 : i32 to index
        %get3A_227 = tpu.vector_load %arg10[%get3A_225, %get3A_226] {strides = array<i32>} : memref<64x512xf32, #tpu.memory_space<vmem>>, vector<1x16xf32>,
        %get3A_228 = vector.shape_cast %get3A_227 : vector<1x16xf32> to vector<16xf32>
        %mul3A_229 = arith.constant 16 : i32
        %mul3A_230 = arith.muli %scan3A_158, %mul3A_229 : i32
        %get3A_231 = arith.constant 26 : i32
        %get3A_232 = arith.index_cast %get3A_231 : i32 to index
        %get3A_233 = arith.index_cast %mul3A_230 : i32 to index
        %get3A_234 = tpu.vector_load %arg10[%get3A_232, %get3A_233] {strides = array<i32>} : memref<64x512xf32, #tpu.memory_space<vmem>>, vector<1x16xf32>,
        %get3A_235 = vector.shape_cast %get3A_234 : vector<1x16xf32> to vector<16xf32>
        %mul3A_236 = arith.constant 16 : i32
        %mul3A_237 = arith.muli %scan3A_158, %mul3A_236 : i32
        %get3A_238 = arith.constant 27 : i32
        %get3A_239 = arith.index_cast %get3A_238 : i32 to index
        %get3A_240 = arith.index_cast %mul3A_237 : i32 to index
        %get3A_241 = tpu.vector_load %arg10[%get3A_239, %get3A_240] {strides = array<i32>} : memref<64x512xf32, #tpu.memory_space<vmem>>, vector<1x16xf32>,
        %get3A_242 = vector.shape_cast %get3A_241 : vector<1x16xf32> to vector<16xf32>
        %mul3A_243 = arith.constant 16 : i32
        %mul3A_244 = arith.muli %scan3A_158, %mul3A_243 : i32
        %get3A_245 = arith.constant 28 : i32
        %get3A_246 = arith.index_cast %get3A_245 : i32 to index
        %get3A_247 = arith.index_cast %mul3A_244 : i32 to index
        %get3A_248 = tpu.vector_load %arg10[%get3A_246, %get3A_247] {strides = array<i32>} : memref<64x512xf32, #tpu.memory_space<vmem>>, vector<1x16xf32>,
        %get3A_249 = vector.shape_cast %get3A_248 : vector<1x16xf32> to vector<16xf32>
        %mul3A_250 = arith.constant 16 : i32
        %mul3A_251 = arith.muli %scan3A_158, %mul3A_250 : i32
        %get3A_252 = arith.constant 29 : i32
        %get3A_253 = arith.index_cast %get3A_252 : i32 to index
        %get3A_254 = arith.index_cast %mul3A_251 : i32 to index
        %get3A_255 = tpu.vector_load %arg10[%get3A_253, %get3A_254] {strides = array<i32>} : memref<64x512xf32, #tpu.memory_space<vmem>>, vector<1x16xf32>,
        %get3A_256 = vector.shape_cast %get3A_255 : vector<1x16xf32> to vector<16xf32>
        %mul3A_257 = arith.constant 16 : i32
        %mul3A_258 = arith.muli %scan3A_158, %mul3A_257 : i32
        %get3A_259 = arith.constant 30 : i32
        %get3A_260 = arith.index_cast %get3A_259 : i32 to index
        %get3A_261 = arith.index_cast %mul3A_258 : i32 to index
        %get3A_262 = tpu.vector_load %arg10[%get3A_260, %get3A_261] {strides = array<i32>} : memref<64x512xf32, #tpu.memory_space<vmem>>, vector<1x16xf32>,
        %get3A_263 = vector.shape_cast %get3A_262 : vector<1x16xf32> to vector<16xf32>
        %mul3A_264 = arith.constant 16 : i32
        %mul3A_265 = arith.muli %scan3A_158, %mul3A_264 : i32
        %get3A_266 = arith.constant 31 : i32
        %get3A_267 = arith.index_cast %get3A_266 : i32 to index
        %get3A_268 = arith.index_cast %mul3A_265 : i32 to index
        %get3A_269 = tpu.vector_load %arg10[%get3A_267, %get3A_268] {strides = array<i32>} : memref<64x512xf32, #tpu.memory_space<vmem>>, vector<1x16xf32>,
        %get3A_270 = vector.shape_cast %get3A_269 : vector<1x16xf32> to vector<16xf32>
        %add3A_271 = arith.addf %get3A_165, %get3A_172 : vector<16xf32>
        %add3A_272 = arith.addf %get3A_179, %get3A_186 : vector<16xf32>
        %add3A_273 = arith.addf %get3A_193, %get3A_200 : vector<16xf32>
        %add3A_274 = arith.addf %get3A_207, %get3A_214 : vector<16xf32>
        %add3A_275 = arith.addf %get3A_221, %get3A_228 : vector<16xf32>
        %add3A_276 = arith.addf %get3A_235, %get3A_242 : vector<16xf32>
        %add3A_277 = arith.addf %get3A_249, %get3A_256 : vector<16xf32>
        %add3A_278 = arith.addf %get3A_263, %get3A_270 : vector<16xf32>
        %add3A_279 = arith.addf %add3A_271, %add3A_272 : vector<16xf32>
        %add3A_280 = arith.addf %add3A_273, %add3A_274 : vector<16xf32>
        %add3A_281 = arith.addf %add3A_275, %add3A_276 : vector<16xf32>
        %add3A_282 = arith.addf %add3A_277, %add3A_278 : vector<16xf32>
        %add3A_283 = arith.addf %add3A_279, %add3A_280 : vector<16xf32>
        %add3A_284 = arith.addf %add3A_281, %add3A_282 : vector<16xf32>
        %add3A_285 = arith.addf %add3A_283, %add3A_284 : vector<16xf32>
        %mul3A_286 = arith.constant 16 : i32
        %mul3A_287 = arith.muli %scan3A_158, %mul3A_286 : i32
        %swap3A_288 = arith.constant 45 : i32
        %swap3A_289 = arith.index_cast %swap3A_288 : i32 to index
        %swap3A_290 = arith.index_cast %mul3A_287 : i32 to index
        %swap3A_291 = tpu.vector_load %arg11[%swap3A_289, %swap3A_290] {strides = array<i32>} : memref<48x512xf32, #tpu.memory_space<vmem>>, vector<1x16xf32>,
        %swap3A_292 = vector.shape_cast %swap3A_291 : vector<1x16xf32> to vector<16xf32>
        %swap3A_293 = vector.shape_cast %add3A_285 : vector<16xf32> to vector<1x16xf32>
        tpu.vector_store %arg11[%swap3A_289, %swap3A_290], %swap3A_293 {strides = array<i32>} : memref<48x512xf32, #tpu.memory_space<vmem>>, vector<1x16xf32>,
      }
      %scan3A_145 = arith.constant 32 : i32
      %scan3A_146 = arith.constant 0 : i32
      %scan3A_147 = arith.constant 0 : i32
      %scan3A_148 = arith.constant 32 : i32
      %scan3A_149 = arith.addi %scan3A_147, %scan3A_148 : i32
      %scan3A_150 = arith.constant 1 : i32
      scf.for %scan3A_158 = %scan3A_147 to %scan3A_149 step %scan3A_150  : i32 {
        %mul3A_159 = arith.constant 16 : i32
        %mul3A_160 = arith.muli %scan3A_158, %mul3A_159 : i32
        %get3A_161 = arith.constant 32 : i32
        %get3A_162 = arith.index_cast %get3A_161 : i32 to index
        %get3A_163 = arith.index_cast %mul3A_160 : i32 to index
        %get3A_164 = tpu.vector_load %arg10[%get3A_162, %get3A_163] {strides = array<i32>} : memref<64x512xf32, #tpu.memory_space<vmem>>, vector<1x16xf32>,
        %get3A_165 = vector.shape_cast %get3A_164 : vector<1x16xf32> to vector<16xf32>
        %mul3A_166 = arith.constant 16 : i32
        %mul3A_167 = arith.muli %scan3A_158, %mul3A_166 : i32
        %get3A_168 = arith.constant 33 : i32
        %get3A_169 = arith.index_cast %get3A_168 : i32 to index
        %get3A_170 = arith.index_cast %mul3A_167 : i32 to index
        %get3A_171 = tpu.vector_load %arg10[%get3A_169, %get3A_170] {strides = array<i32>} : memref<64x512xf32, #tpu.memory_space<vmem>>, vector<1x16xf32>,
        %get3A_172 = vector.shape_cast %get3A_171 : vector<1x16xf32> to vector<16xf32>
        %mul3A_173 = arith.constant 16 : i32
        %mul3A_174 = arith.muli %scan3A_158, %mul3A_173 : i32
        %get3A_175 = arith.constant 34 : i32
        %get3A_176 = arith.index_cast %get3A_175 : i32 to index
        %get3A_177 = arith.index_cast %mul3A_174 : i32 to index
        %get3A_178 = tpu.vector_load %arg10[%get3A_176, %get3A_177] {strides = array<i32>} : memref<64x512xf32, #tpu.memory_space<vmem>>, vector<1x16xf32>,
        %get3A_179 = vector.shape_cast %get3A_178 : vector<1x16xf32> to vector<16xf32>
        %mul3A_180 = arith.constant 16 : i32
        %mul3A_181 = arith.muli %scan3A_158, %mul3A_180 : i32
        %get3A_182 = arith.constant 35 : i32
        %get3A_183 = arith.index_cast %get3A_182 : i32 to index
        %get3A_184 = arith.index_cast %mul3A_181 : i32 to index
        %get3A_185 = tpu.vector_load %arg10[%get3A_183, %get3A_184] {strides = array<i32>} : memref<64x512xf32, #tpu.memory_space<vmem>>, vector<1x16xf32>,
        %get3A_186 = vector.shape_cast %get3A_185 : vector<1x16xf32> to vector<16xf32>
        %mul3A_187 = arith.constant 16 : i32
        %mul3A_188 = arith.muli %scan3A_158, %mul3A_187 : i32
        %get3A_189 = arith.constant 36 : i32
        %get3A_190 = arith.index_cast %get3A_189 : i32 to index
        %get3A_191 = arith.index_cast %mul3A_188 : i32 to index
        %get3A_192 = tpu.vector_load %arg10[%get3A_190, %get3A_191] {strides = array<i32>} : memref<64x512xf32, #tpu.memory_space<vmem>>, vector<1x16xf32>,
        %get3A_193 = vector.shape_cast %get3A_192 : vector<1x16xf32> to vector<16xf32>
        %mul3A_194 = arith.constant 16 : i32
        %mul3A_195 = arith.muli %scan3A_158, %mul3A_194 : i32
        %get3A_196 = arith.constant 37 : i32
        %get3A_197 = arith.index_cast %get3A_196 : i32 to index
        %get3A_198 = arith.index_cast %mul3A_195 : i32 to index
        %get3A_199 = tpu.vector_load %arg10[%get3A_197, %get3A_198] {strides = array<i32>} : memref<64x512xf32, #tpu.memory_space<vmem>>, vector<1x16xf32>,
        %get3A_200 = vector.shape_cast %get3A_199 : vector<1x16xf32> to vector<16xf32>
        %mul3A_201 = arith.constant 16 : i32
        %mul3A_202 = arith.muli %scan3A_158, %mul3A_201 : i32
        %get3A_203 = arith.constant 38 : i32
        %get3A_204 = arith.index_cast %get3A_203 : i32 to index
        %get3A_205 = arith.index_cast %mul3A_202 : i32 to index
        %get3A_206 = tpu.vector_load %arg10[%get3A_204, %get3A_205] {strides = array<i32>} : memref<64x512xf32, #tpu.memory_space<vmem>>, vector<1x16xf32>,
        %get3A_207 = vector.shape_cast %get3A_206 : vector<1x16xf32> to vector<16xf32>
        %mul3A_208 = arith.constant 16 : i32
        %mul3A_209 = arith.muli %scan3A_158, %mul3A_208 : i32
        %get3A_210 = arith.constant 39 : i32
        %get3A_211 = arith.index_cast %get3A_210 : i32 to index
        %get3A_212 = arith.index_cast %mul3A_209 : i32 to index
        %get3A_213 = tpu.vector_load %arg10[%get3A_211, %get3A_212] {strides = array<i32>} : memref<64x512xf32, #tpu.memory_space<vmem>>, vector<1x16xf32>,
        %get3A_214 = vector.shape_cast %get3A_213 : vector<1x16xf32> to vector<16xf32>
        %mul3A_215 = arith.constant 16 : i32
        %mul3A_216 = arith.muli %scan3A_158, %mul3A_215 : i32
        %get3A_217 = arith.constant 40 : i32
        %get3A_218 = arith.index_cast %get3A_217 : i32 to index
        %get3A_219 = arith.index_cast %mul3A_216 : i32 to index
        %get3A_220 = tpu.vector_load %arg10[%get3A_218, %get3A_219] {strides = array<i32>} : memref<64x512xf32, #tpu.memory_space<vmem>>, vector<1x16xf32>,
        %get3A_221 = vector.shape_cast %get3A_220 : vector<1x16xf32> to vector<16xf32>
        %mul3A_222 = arith.constant 16 : i32
        %mul3A_223 = arith.muli %scan3A_158, %mul3A_222 : i32
        %get3A_224 = arith.constant 41 : i32
        %get3A_225 = arith.index_cast %get3A_224 : i32 to index
        %get3A_226 = arith.index_cast %mul3A_223 : i32 to index
        %get3A_227 = tpu.vector_load %arg10[%get3A_225, %get3A_226] {strides = array<i32>} : memref<64x512xf32, #tpu.memory_space<vmem>>, vector<1x16xf32>,
        %get3A_228 = vector.shape_cast %get3A_227 : vector<1x16xf32> to vector<16xf32>
        %mul3A_229 = arith.constant 16 : i32
        %mul3A_230 = arith.muli %scan3A_158, %mul3A_229 : i32
        %get3A_231 = arith.constant 42 : i32
        %get3A_232 = arith.index_cast %get3A_231 : i32 to index
        %get3A_233 = arith.index_cast %mul3A_230 : i32 to index
        %get3A_234 = tpu.vector_load %arg10[%get3A_232, %get3A_233] {strides = array<i32>} : memref<64x512xf32, #tpu.memory_space<vmem>>, vector<1x16xf32>,
        %get3A_235 = vector.shape_cast %get3A_234 : vector<1x16xf32> to vector<16xf32>
        %mul3A_236 = arith.constant 16 : i32
        %mul3A_237 = arith.muli %scan3A_158, %mul3A_236 : i32
        %get3A_238 = arith.constant 43 : i32
        %get3A_239 = arith.index_cast %get3A_238 : i32 to index
        %get3A_240 = arith.index_cast %mul3A_237 : i32 to index
        %get3A_241 = tpu.vector_load %arg10[%get3A_239, %get3A_240] {strides = array<i32>} : memref<64x512xf32, #tpu.memory_space<vmem>>, vector<1x16xf32>,
        %get3A_242 = vector.shape_cast %get3A_241 : vector<1x16xf32> to vector<16xf32>
        %mul3A_243 = arith.constant 16 : i32
        %mul3A_244 = arith.muli %scan3A_158, %mul3A_243 : i32
        %get3A_245 = arith.constant 44 : i32
        %get3A_246 = arith.index_cast %get3A_245 : i32 to index
        %get3A_247 = arith.index_cast %mul3A_244 : i32 to index
        %get3A_248 = tpu.vector_load %arg10[%get3A_246, %get3A_247] {strides = array<i32>} : memref<64x512xf32, #tpu.memory_space<vmem>>, vector<1x16xf32>,
        %get3A_249 = vector.shape_cast %get3A_248 : vector<1x16xf32> to vector<16xf32>
        %mul3A_250 = arith.constant 16 : i32
        %mul3A_251 = arith.muli %scan3A_158, %mul3A_250 : i32
        %get3A_252 = arith.constant 45 : i32
        %get3A_253 = arith.index_cast %get3A_252 : i32 to index
        %get3A_254 = arith.index_cast %mul3A_251 : i32 to index
        %get3A_255 = tpu.vector_load %arg10[%get3A_253, %get3A_254] {strides = array<i32>} : memref<64x512xf32, #tpu.memory_space<vmem>>, vector<1x16xf32>,
        %get3A_256 = vector.shape_cast %get3A_255 : vector<1x16xf32> to vector<16xf32>
        %mul3A_257 = arith.constant 16 : i32
        %mul3A_258 = arith.muli %scan3A_158, %mul3A_257 : i32
        %get3A_259 = arith.constant 46 : i32
        %get3A_260 = arith.index_cast %get3A_259 : i32 to index
        %get3A_261 = arith.index_cast %mul3A_258 : i32 to index
        %get3A_262 = tpu.vector_load %arg10[%get3A_260, %get3A_261] {strides = array<i32>} : memref<64x512xf32, #tpu.memory_space<vmem>>, vector<1x16xf32>,
        %get3A_263 = vector.shape_cast %get3A_262 : vector<1x16xf32> to vector<16xf32>
        %mul3A_264 = arith.constant 16 : i32
        %mul3A_265 = arith.muli %scan3A_158, %mul3A_264 : i32
        %get3A_266 = arith.constant 47 : i32
        %get3A_267 = arith.index_cast %get3A_266 : i32 to index
        %get3A_268 = arith.index_cast %mul3A_265 : i32 to index
        %get3A_269 = tpu.vector_load %arg10[%get3A_267, %get3A_268] {strides = array<i32>} : memref<64x512xf32, #tpu.memory_space<vmem>>, vector<1x16xf32>,
        %get3A_270 = vector.shape_cast %get3A_269 : vector<1x16xf32> to vector<16xf32>
        %add3A_271 = arith.addf %get3A_165, %get3A_172 : vector<16xf32>
        %add3A_272 = arith.addf %get3A_179, %get3A_186 : vector<16xf32>
        %add3A_273 = arith.addf %get3A_193, %get3A_200 : vector<16xf32>
        %add3A_274 = arith.addf %get3A_207, %get3A_214 : vector<16xf32>
        %add3A_275 = arith.addf %get3A_221, %get3A_228 : vector<16xf32>
        %add3A_276 = arith.addf %get3A_235, %get3A_242 : vector<16xf32>
        %add3A_277 = arith.addf %get3A_249, %get3A_256 : vector<16xf32>
        %add3A_278 = arith.addf %get3A_263, %get3A_270 : vector<16xf32>
        %add3A_279 = arith.addf %add3A_271, %add3A_272 : vector<16xf32>
        %add3A_280 = arith.addf %add3A_273, %add3A_274 : vector<16xf32>
        %add3A_281 = arith.addf %add3A_275, %add3A_276 : vector<16xf32>
        %add3A_282 = arith.addf %add3A_277, %add3A_278 : vector<16xf32>
        %add3A_283 = arith.addf %add3A_279, %add3A_280 : vector<16xf32>
        %add3A_284 = arith.addf %add3A_281, %add3A_282 : vector<16xf32>
        %add3A_285 = arith.addf %add3A_283, %add3A_284 : vector<16xf32>
        %mul3A_286 = arith.constant 16 : i32
        %mul3A_287 = arith.muli %scan3A_158, %mul3A_286 : i32
        %swap3A_288 = arith.constant 46 : i32
        %swap3A_289 = arith.index_cast %swap3A_288 : i32 to index
        %swap3A_290 = arith.index_cast %mul3A_287 : i32 to index
        %swap3A_291 = tpu.vector_load %arg11[%swap3A_289, %swap3A_290] {strides = array<i32>} : memref<48x512xf32, #tpu.memory_space<vmem>>, vector<1x16xf32>,
        %swap3A_292 = vector.shape_cast %swap3A_291 : vector<1x16xf32> to vector<16xf32>
        %swap3A_293 = vector.shape_cast %add3A_285 : vector<16xf32> to vector<1x16xf32>
        tpu.vector_store %arg11[%swap3A_289, %swap3A_290], %swap3A_293 {strides = array<i32>} : memref<48x512xf32, #tpu.memory_space<vmem>>, vector<1x16xf32>,
      }
      %scan3A_151 = arith.constant 32 : i32
      %scan3A_152 = arith.constant 0 : i32
      %scan3A_153 = arith.constant 0 : i32
      %scan3A_154 = arith.constant 32 : i32
      %scan3A_155 = arith.addi %scan3A_153, %scan3A_154 : i32
      %scan3A_156 = arith.constant 1 : i32
      scf.for %scan3A_158 = %scan3A_153 to %scan3A_155 step %scan3A_156  : i32 {
        %mul3A_159 = arith.constant 16 : i32
        %mul3A_160 = arith.muli %scan3A_158, %mul3A_159 : i32
        %get3A_161 = arith.constant 48 : i32
        %get3A_162 = arith.index_cast %get3A_161 : i32 to index
        %get3A_163 = arith.index_cast %mul3A_160 : i32 to index
        %get3A_164 = tpu.vector_load %arg10[%get3A_162, %get3A_163] {strides = array<i32>} : memref<64x512xf32, #tpu.memory_space<vmem>>, vector<1x16xf32>,
        %get3A_165 = vector.shape_cast %get3A_164 : vector<1x16xf32> to vector<16xf32>
        %mul3A_166 = arith.constant 16 : i32
        %mul3A_167 = arith.muli %scan3A_158, %mul3A_166 : i32
        %get3A_168 = arith.constant 49 : i32
        %get3A_169 = arith.index_cast %get3A_168 : i32 to index
        %get3A_170 = arith.index_cast %mul3A_167 : i32 to index
        %get3A_171 = tpu.vector_load %arg10[%get3A_169, %get3A_170] {strides = array<i32>} : memref<64x512xf32, #tpu.memory_space<vmem>>, vector<1x16xf32>,
        %get3A_172 = vector.shape_cast %get3A_171 : vector<1x16xf32> to vector<16xf32>
        %mul3A_173 = arith.constant 16 : i32
        %mul3A_174 = arith.muli %scan3A_158, %mul3A_173 : i32
        %get3A_175 = arith.constant 50 : i32
        %get3A_176 = arith.index_cast %get3A_175 : i32 to index
        %get3A_177 = arith.index_cast %mul3A_174 : i32 to index
        %get3A_178 = tpu.vector_load %arg10[%get3A_176, %get3A_177] {strides = array<i32>} : memref<64x512xf32, #tpu.memory_space<vmem>>, vector<1x16xf32>,
        %get3A_179 = vector.shape_cast %get3A_178 : vector<1x16xf32> to vector<16xf32>
        %mul3A_180 = arith.constant 16 : i32
        %mul3A_181 = arith.muli %scan3A_158, %mul3A_180 : i32
        %get3A_182 = arith.constant 51 : i32
        %get3A_183 = arith.index_cast %get3A_182 : i32 to index
        %get3A_184 = arith.index_cast %mul3A_181 : i32 to index
        %get3A_185 = tpu.vector_load %arg10[%get3A_183, %get3A_184] {strides = array<i32>} : memref<64x512xf32, #tpu.memory_space<vmem>>, vector<1x16xf32>,
        %get3A_186 = vector.shape_cast %get3A_185 : vector<1x16xf32> to vector<16xf32>
        %mul3A_187 = arith.constant 16 : i32
        %mul3A_188 = arith.muli %scan3A_158, %mul3A_187 : i32
        %get3A_189 = arith.constant 52 : i32
        %get3A_190 = arith.index_cast %get3A_189 : i32 to index
        %get3A_191 = arith.index_cast %mul3A_188 : i32 to index
        %get3A_192 = tpu.vector_load %arg10[%get3A_190, %get3A_191] {strides = array<i32>} : memref<64x512xf32, #tpu.memory_space<vmem>>, vector<1x16xf32>,
        %get3A_193 = vector.shape_cast %get3A_192 : vector<1x16xf32> to vector<16xf32>
        %mul3A_194 = arith.constant 16 : i32
        %mul3A_195 = arith.muli %scan3A_158, %mul3A_194 : i32
        %get3A_196 = arith.constant 53 : i32
        %get3A_197 = arith.index_cast %get3A_196 : i32 to index
        %get3A_198 = arith.index_cast %mul3A_195 : i32 to index
        %get3A_199 = tpu.vector_load %arg10[%get3A_197, %get3A_198] {strides = array<i32>} : memref<64x512xf32, #tpu.memory_space<vmem>>, vector<1x16xf32>,
        %get3A_200 = vector.shape_cast %get3A_199 : vector<1x16xf32> to vector<16xf32>
        %mul3A_201 = arith.constant 16 : i32
        %mul3A_202 = arith.muli %scan3A_158, %mul3A_201 : i32
        %get3A_203 = arith.constant 54 : i32
        %get3A_204 = arith.index_cast %get3A_203 : i32 to index
        %get3A_205 = arith.index_cast %mul3A_202 : i32 to index
        %get3A_206 = tpu.vector_load %arg10[%get3A_204, %get3A_205] {strides = array<i32>} : memref<64x512xf32, #tpu.memory_space<vmem>>, vector<1x16xf32>,
        %get3A_207 = vector.shape_cast %get3A_206 : vector<1x16xf32> to vector<16xf32>
        %mul3A_208 = arith.constant 16 : i32
        %mul3A_209 = arith.muli %scan3A_158, %mul3A_208 : i32
        %get3A_210 = arith.constant 55 : i32
        %get3A_211 = arith.index_cast %get3A_210 : i32 to index
        %get3A_212 = arith.index_cast %mul3A_209 : i32 to index
        %get3A_213 = tpu.vector_load %arg10[%get3A_211, %get3A_212] {strides = array<i32>} : memref<64x512xf32, #tpu.memory_space<vmem>>, vector<1x16xf32>,
        %get3A_214 = vector.shape_cast %get3A_213 : vector<1x16xf32> to vector<16xf32>
        %mul3A_215 = arith.constant 16 : i32
        %mul3A_216 = arith.muli %scan3A_158, %mul3A_215 : i32
        %get3A_217 = arith.constant 56 : i32
        %get3A_218 = arith.index_cast %get3A_217 : i32 to index
        %get3A_219 = arith.index_cast %mul3A_216 : i32 to index
        %get3A_220 = tpu.vector_load %arg10[%get3A_218, %get3A_219] {strides = array<i32>} : memref<64x512xf32, #tpu.memory_space<vmem>>, vector<1x16xf32>,
        %get3A_221 = vector.shape_cast %get3A_220 : vector<1x16xf32> to vector<16xf32>
        %mul3A_222 = arith.constant 16 : i32
        %mul3A_223 = arith.muli %scan3A_158, %mul3A_222 : i32
        %get3A_224 = arith.constant 57 : i32
        %get3A_225 = arith.index_cast %get3A_224 : i32 to index
        %get3A_226 = arith.index_cast %mul3A_223 : i32 to index
        %get3A_227 = tpu.vector_load %arg10[%get3A_225, %get3A_226] {strides = array<i32>} : memref<64x512xf32, #tpu.memory_space<vmem>>, vector<1x16xf32>,
        %get3A_228 = vector.shape_cast %get3A_227 : vector<1x16xf32> to vector<16xf32>
        %mul3A_229 = arith.constant 16 : i32
        %mul3A_230 = arith.muli %scan3A_158, %mul3A_229 : i32
        %get3A_231 = arith.constant 58 : i32
        %get3A_232 = arith.index_cast %get3A_231 : i32 to index
        %get3A_233 = arith.index_cast %mul3A_230 : i32 to index
        %get3A_234 = tpu.vector_load %arg10[%get3A_232, %get3A_233] {strides = array<i32>} : memref<64x512xf32, #tpu.memory_space<vmem>>, vector<1x16xf32>,
        %get3A_235 = vector.shape_cast %get3A_234 : vector<1x16xf32> to vector<16xf32>
        %mul3A_236 = arith.constant 16 : i32
        %mul3A_237 = arith.muli %scan3A_158, %mul3A_236 : i32
        %get3A_238 = arith.constant 59 : i32
        %get3A_239 = arith.index_cast %get3A_238 : i32 to index
        %get3A_240 = arith.index_cast %mul3A_237 : i32 to index
        %get3A_241 = tpu.vector_load %arg10[%get3A_239, %get3A_240] {strides = array<i32>} : memref<64x512xf32, #tpu.memory_space<vmem>>, vector<1x16xf32>,
        %get3A_242 = vector.shape_cast %get3A_241 : vector<1x16xf32> to vector<16xf32>
        %mul3A_243 = arith.constant 16 : i32
        %mul3A_244 = arith.muli %scan3A_158, %mul3A_243 : i32
        %get3A_245 = arith.constant 60 : i32
        %get3A_246 = arith.index_cast %get3A_245 : i32 to index
        %get3A_247 = arith.index_cast %mul3A_244 : i32 to index
        %get3A_248 = tpu.vector_load %arg10[%get3A_246, %get3A_247] {strides = array<i32>} : memref<64x512xf32, #tpu.memory_space<vmem>>, vector<1x16xf32>,
        %get3A_249 = vector.shape_cast %get3A_248 : vector<1x16xf32> to vector<16xf32>
        %mul3A_250 = arith.constant 16 : i32
        %mul3A_251 = arith.muli %scan3A_158, %mul3A_250 : i32
        %get3A_252 = arith.constant 61 : i32
        %get3A_253 = arith.index_cast %get3A_252 : i32 to index
        %get3A_254 = arith.index_cast %mul3A_251 : i32 to index
        %get3A_255 = tpu.vector_load %arg10[%get3A_253, %get3A_254] {strides = array<i32>} : memref<64x512xf32, #tpu.memory_space<vmem>>, vector<1x16xf32>,
        %get3A_256 = vector.shape_cast %get3A_255 : vector<1x16xf32> to vector<16xf32>
        %mul3A_257 = arith.constant 16 : i32
        %mul3A_258 = arith.muli %scan3A_158, %mul3A_257 : i32
        %get3A_259 = arith.constant 62 : i32
        %get3A_260 = arith.index_cast %get3A_259 : i32 to index
        %get3A_261 = arith.index_cast %mul3A_258 : i32 to index
        %get3A_262 = tpu.vector_load %arg10[%get3A_260, %get3A_261] {strides = array<i32>} : memref<64x512xf32, #tpu.memory_space<vmem>>, vector<1x16xf32>,
        %get3A_263 = vector.shape_cast %get3A_262 : vector<1x16xf32> to vector<16xf32>
        %mul3A_264 = arith.constant 16 : i32
        %mul3A_265 = arith.muli %scan3A_158, %mul3A_264 : i32
        %get3A_266 = arith.constant 63 : i32
        %get3A_267 = arith.index_cast %get3A_266 : i32 to index
        %get3A_268 = arith.index_cast %mul3A_265 : i32 to index
        %get3A_269 = tpu.vector_load %arg10[%get3A_267, %get3A_268] {strides = array<i32>} : memref<64x512xf32, #tpu.memory_space<vmem>>, vector<1x16xf32>,
        %get3A_270 = vector.shape_cast %get3A_269 : vector<1x16xf32> to vector<16xf32>
        %add3A_271 = arith.addf %get3A_165, %get3A_172 : vector<16xf32>
        %add3A_272 = arith.addf %get3A_179, %get3A_186 : vector<16xf32>
        %add3A_273 = arith.addf %get3A_193, %get3A_200 : vector<16xf32>
        %add3A_274 = arith.addf %get3A_207, %get3A_214 : vector<16xf32>
        %add3A_275 = arith.addf %get3A_221, %get3A_228 : vector<16xf32>
        %add3A_276 = arith.addf %get3A_235, %get3A_242 : vector<16xf32>
        %add3A_277 = arith.addf %get3A_249, %get3A_256 : vector<16xf32>
        %add3A_278 = arith.addf %get3A_263, %get3A_270 : vector<16xf32>
        %add3A_279 = arith.addf %add3A_271, %add3A_272 : vector<16xf32>
        %add3A_280 = arith.addf %add3A_273, %add3A_274 : vector<16xf32>
        %add3A_281 = arith.addf %add3A_275, %add3A_276 : vector<16xf32>
        %add3A_282 = arith.addf %add3A_277, %add3A_278 : vector<16xf32>
        %add3A_283 = arith.addf %add3A_279, %add3A_280 : vector<16xf32>
        %add3A_284 = arith.addf %add3A_281, %add3A_282 : vector<16xf32>
        %add3A_285 = arith.addf %add3A_283, %add3A_284 : vector<16xf32>
        %mul3A_286 = arith.constant 16 : i32
        %mul3A_287 = arith.muli %scan3A_158, %mul3A_286 : i32
        %swap3A_288 = arith.constant 47 : i32
        %swap3A_289 = arith.index_cast %swap3A_288 : i32 to index
        %swap3A_290 = arith.index_cast %mul3A_287 : i32 to index
        %swap3A_291 = tpu.vector_load %arg11[%swap3A_289, %swap3A_290] {strides = array<i32>} : memref<48x512xf32, #tpu.memory_space<vmem>>, vector<1x16xf32>,
        %swap3A_292 = vector.shape_cast %swap3A_291 : vector<1x16xf32> to vector<16xf32>
        %swap3A_293 = vector.shape_cast %add3A_285 : vector<16xf32> to vector<1x16xf32>
        tpu.vector_store %arg11[%swap3A_289, %swap3A_290], %swap3A_293 {strides = array<i32>} : memref<48x512xf32, #tpu.memory_space<vmem>>, vector<1x16xf32>,
      }
      %scan3A_157 = arith.constant 32 : i32
      "tpu.region"() ({
        %run_scoped3A = tpu.sem_alloc : memref<!tpu.dma_semaphore, #tpu.memory_space<semaphore_mem>>
        %dma_start3A_158 = arith.constant 0 : i32
        %dma_start3A_159 = tpu.memref_slice %arg5[%add3A_11, %dma_start3A_158] : memref<6144x512xf32, #tpu.memory_space<hbm>> -> memref<48x512xf32, #tpu.memory_space<hbm>>
        %dma_start3A_160 = arith.constant 0 : i32
        %dma_start3A_161 = tpu.memref_slice %arg5[%add3A_11, %dma_start3A_160] : memref<6144x512xf32, #tpu.memory_space<hbm>> -> memref<48x512xf32, #tpu.memory_space<hbm>>
        tpu.enqueue_dma source(%arg11 : memref<48x512xf32, #tpu.memory_space<vmem>>) target(%dma_start3A_161 : memref<48x512xf32, #tpu.memory_space<hbm>>) target_semaphore(%run_scoped3A : memref<!tpu.dma_semaphore, #tpu.memory_space<semaphore_mem>>)
        %dma_wait3A_162 = arith.constant 0 : i32
        %dma_wait3A_163 = tpu.memref_slice %arg5[%add3A_11, %dma_wait3A_162] : memref<6144x512xf32, #tpu.memory_space<hbm>> -> memref<48x512xf32, #tpu.memory_space<hbm>>
        %dma_wait3A_164 = arith.constant 0 : i32
        %dma_wait3A_165 = tpu.memref_slice %arg5[%add3A_11, %dma_wait3A_164] : memref<6144x512xf32, #tpu.memory_space<hbm>> -> memref<48x512xf32, #tpu.memory_space<hbm>>
        tpu.wait_dma2 semaphore(%run_scoped3A : memref<!tpu.dma_semaphore, #tpu.memory_space<semaphore_mem>>) src(%arg11 : memref<48x512xf32, #tpu.memory_space<vmem>>) dst(%dma_wait3A_165 : memref<48x512xf32, #tpu.memory_space<hbm>>)
        tpu.yield
      }) : () -> ()
    }
    %scan3A_7 = arith.constant 4 : i32
    return
  }
}

#map = affine_map<(d0, d1) -> (0)>
#map1 = affine_map<(d0, d1) -> (0, 0)>
module attributes {stable_mosaic.version = 14 : i64} {
  func.func @_sc_rows_body(%arg0: i32, %arg1: i32, %arg2: memref<9216xi32, #tpu.memory_space<hbm>>, %arg3: memref<3072xi32, #tpu.memory_space<hbm>>, %arg4: memref<50001x512xf32, #tpu.memory_space<hbm>>, %arg5: memref<256x512xf32, #tpu.memory_space<hbm>>, %arg6: memref<9216x512xf32, #tpu.memory_space<hbm>>, %arg7: memref<3072x512xf32, #tpu.memory_space<hbm>>, %arg8: memref<48xi32, #tpu.memory_space<vmem>>, %arg9: memref<48xi32, #tpu.memory_space<vmem>>, %arg10: memref<48x512xf32, #tpu.memory_space<vmem>>, %arg11: memref<48x512xf32, #tpu.memory_space<vmem>>, %arg12: memref<!tpu.dma_semaphore, #tpu.memory_space<semaphore_mem>>, %arg13: memref<!tpu.dma_semaphore, #tpu.memory_space<semaphore_mem>>) attributes {dimension_semantics = [#tpu.dimension_semantics<core_parallel>, #tpu.dimension_semantics<subcore_parallel>], iteration_bounds = array<i64: 2, 16>, scalar_prefetch = 0 : i64, scratch_operands = 6 : i64, tpu.core_type = #tpu.core_type<sc_vector_subcore>, window_params = [{transform_indices = #map}, {transform_indices = #map}, {transform_indices = #map1}, {transform_indices = #map1}, {transform_indices = #map1}, {transform_indices = #map1}]} {
    %mul3A = arith.constant 2 : i32
    %mul3A_0 = arith.muli %arg1, %mul3A : i32
    %add3A = arith.addi %mul3A_0, %arg0 : i32
    %mul3A_1 = arith.constant 288 : i32
    %mul3A_2 = arith.muli %add3A, %mul3A_1 : i32
    %mul3A_3 = arith.constant 96 : i32
    %mul3A_4 = arith.muli %add3A, %mul3A_3 : i32
    %add3A_5 = arith.constant 0 : i32
    %add3A_6 = arith.addi %mul3A_2, %add3A_5 : i32
    %add3A_7 = arith.constant 48 : i32
    %add3A_8 = arith.addi %mul3A_2, %add3A_7 : i32
    %add3A_9 = arith.constant 96 : i32
    %add3A_10 = arith.addi %mul3A_2, %add3A_9 : i32
    %add3A_11 = arith.constant 144 : i32
    %add3A_12 = arith.addi %mul3A_2, %add3A_11 : i32
    %add3A_13 = arith.constant 192 : i32
    %add3A_14 = arith.addi %mul3A_2, %add3A_13 : i32
    %add3A_15 = arith.constant 240 : i32
    %add3A_16 = arith.addi %mul3A_2, %add3A_15 : i32
    %add3A_17 = arith.constant 0 : i32
    %add3A_18 = arith.addi %mul3A_4, %add3A_17 : i32
    %add3A_19 = arith.constant 48 : i32
    %add3A_20 = arith.addi %mul3A_4, %add3A_19 : i32
    "tpu.region"() ({
      %run_scoped3A = tpu.sem_alloc : memref<!tpu.dma_semaphore, #tpu.memory_space<semaphore_mem>>
      %dma_start3A_67 = tpu.memref_slice %arg2[%add3A_6] : memref<9216xi32, #tpu.memory_space<hbm>> -> memref<48xi32, #tpu.memory_space<hbm>>
      %dma_start3A_68 = tpu.memref_slice %arg2[%add3A_6] : memref<9216xi32, #tpu.memory_space<hbm>> -> memref<48xi32, #tpu.memory_space<hbm>>
      tpu.enqueue_dma source(%dma_start3A_68 : memref<48xi32, #tpu.memory_space<hbm>>) target(%arg8 : memref<48xi32, #tpu.memory_space<vmem>>) target_semaphore(%run_scoped3A : memref<!tpu.dma_semaphore, #tpu.memory_space<semaphore_mem>>)
      %dma_wait3A_69 = tpu.memref_slice %arg2[%add3A_6] : memref<9216xi32, #tpu.memory_space<hbm>> -> memref<48xi32, #tpu.memory_space<hbm>>
      %dma_wait3A_70 = tpu.memref_slice %arg2[%add3A_6] : memref<9216xi32, #tpu.memory_space<hbm>> -> memref<48xi32, #tpu.memory_space<hbm>>
      tpu.wait_dma2 semaphore(%run_scoped3A : memref<!tpu.dma_semaphore, #tpu.memory_space<semaphore_mem>>) src(%dma_wait3A_70 : memref<48xi32, #tpu.memory_space<hbm>>) dst(%arg8 : memref<48xi32, #tpu.memory_space<vmem>>)
      tpu.yield
    }) : () -> ()
    %dma_start3A = arith.constant 0 : i32
    %dma_start3A_21 = arith.constant 0 : i32
    %dma_start3A_22 = tpu.memref_slice %arg4[%dma_start3A, %dma_start3A_21] : memref<50001x512xf32, #tpu.memory_space<hbm>> -> memref<50001x512xf32, #tpu.memory_space<hbm>>
    tpu.enqueue_indirect_dma source(%dma_start3A_22 : memref<50001x512xf32, #tpu.memory_space<hbm>>) target(%arg10 : memref<48x512xf32, #tpu.memory_space<vmem>>) offsets(%arg8 : memref<48xi32, #tpu.memory_space<vmem>>) semaphore(%arg12 : memref<!tpu.dma_semaphore, #tpu.memory_space<semaphore_mem>>)
    "tpu.region"() ({
      %run_scoped3A = tpu.sem_alloc : memref<!tpu.dma_semaphore, #tpu.memory_space<semaphore_mem>>
      %dma_start3A_67 = tpu.memref_slice %arg2[%add3A_8] : memref<9216xi32, #tpu.memory_space<hbm>> -> memref<48xi32, #tpu.memory_space<hbm>>
      %dma_start3A_68 = tpu.memref_slice %arg2[%add3A_8] : memref<9216xi32, #tpu.memory_space<hbm>> -> memref<48xi32, #tpu.memory_space<hbm>>
      tpu.enqueue_dma source(%dma_start3A_68 : memref<48xi32, #tpu.memory_space<hbm>>) target(%arg9 : memref<48xi32, #tpu.memory_space<vmem>>) target_semaphore(%run_scoped3A : memref<!tpu.dma_semaphore, #tpu.memory_space<semaphore_mem>>)
      %dma_wait3A_69 = tpu.memref_slice %arg2[%add3A_8] : memref<9216xi32, #tpu.memory_space<hbm>> -> memref<48xi32, #tpu.memory_space<hbm>>
      %dma_wait3A_70 = tpu.memref_slice %arg2[%add3A_8] : memref<9216xi32, #tpu.memory_space<hbm>> -> memref<48xi32, #tpu.memory_space<hbm>>
      tpu.wait_dma2 semaphore(%run_scoped3A : memref<!tpu.dma_semaphore, #tpu.memory_space<semaphore_mem>>) src(%dma_wait3A_70 : memref<48xi32, #tpu.memory_space<hbm>>) dst(%arg9 : memref<48xi32, #tpu.memory_space<vmem>>)
      tpu.yield
    }) : () -> ()
    %dma_start3A_23 = arith.constant 0 : i32
    %dma_start3A_24 = arith.constant 0 : i32
    %dma_start3A_25 = tpu.memref_slice %arg4[%dma_start3A_23, %dma_start3A_24] : memref<50001x512xf32, #tpu.memory_space<hbm>> -> memref<50001x512xf32, #tpu.memory_space<hbm>>
    tpu.enqueue_indirect_dma source(%dma_start3A_25 : memref<50001x512xf32, #tpu.memory_space<hbm>>) target(%arg11 : memref<48x512xf32, #tpu.memory_space<vmem>>) offsets(%arg9 : memref<48xi32, #tpu.memory_space<vmem>>) semaphore(%arg13 : memref<!tpu.dma_semaphore, #tpu.memory_space<semaphore_mem>>)
    %dma_wait3A = arith.constant 0 : i32
    %dma_wait3A_26 = arith.constant 0 : i32
    %dma_wait3A_27 = tpu.memref_slice %arg4[%dma_wait3A, %dma_wait3A_26] : memref<50001x512xf32, #tpu.memory_space<hbm>> -> memref<50001x512xf32, #tpu.memory_space<hbm>>
    tpu.wait_indirect_dma semaphore(%arg12 : memref<!tpu.dma_semaphore, #tpu.memory_space<semaphore_mem>>) src(%dma_wait3A_27 : memref<50001x512xf32, #tpu.memory_space<hbm>>) dst(%arg10 : memref<48x512xf32, #tpu.memory_space<vmem>>)
    "tpu.region"() ({
      %run_scoped3A = tpu.sem_alloc : memref<!tpu.dma_semaphore, #tpu.memory_space<semaphore_mem>>
      %dma_start3A_67 = arith.constant 0 : i32
      %dma_start3A_68 = tpu.memref_slice %arg6[%add3A_6, %dma_start3A_67] : memref<9216x512xf32, #tpu.memory_space<hbm>> -> memref<48x512xf32, #tpu.memory_space<hbm>>
      %dma_start3A_69 = arith.constant 0 : i32
      %dma_start3A_70 = tpu.memref_slice %arg6[%add3A_6, %dma_start3A_69] : memref<9216x512xf32, #tpu.memory_space<hbm>> -> memref<48x512xf32, #tpu.memory_space<hbm>>
      tpu.enqueue_dma source(%arg10 : memref<48x512xf32, #tpu.memory_space<vmem>>) target(%dma_start3A_70 : memref<48x512xf32, #tpu.memory_space<hbm>>) target_semaphore(%run_scoped3A : memref<!tpu.dma_semaphore, #tpu.memory_space<semaphore_mem>>)
      %dma_wait3A_71 = arith.constant 0 : i32
      %dma_wait3A_72 = tpu.memref_slice %arg6[%add3A_6, %dma_wait3A_71] : memref<9216x512xf32, #tpu.memory_space<hbm>> -> memref<48x512xf32, #tpu.memory_space<hbm>>
      %dma_wait3A_73 = arith.constant 0 : i32
      %dma_wait3A_74 = tpu.memref_slice %arg6[%add3A_6, %dma_wait3A_73] : memref<9216x512xf32, #tpu.memory_space<hbm>> -> memref<48x512xf32, #tpu.memory_space<hbm>>
      tpu.wait_dma2 semaphore(%run_scoped3A : memref<!tpu.dma_semaphore, #tpu.memory_space<semaphore_mem>>) src(%arg10 : memref<48x512xf32, #tpu.memory_space<vmem>>) dst(%dma_wait3A_74 : memref<48x512xf32, #tpu.memory_space<hbm>>)
      tpu.yield
    }) : () -> ()
    "tpu.region"() ({
      %run_scoped3A = tpu.sem_alloc : memref<!tpu.dma_semaphore, #tpu.memory_space<semaphore_mem>>
      %dma_start3A_67 = tpu.memref_slice %arg2[%add3A_10] : memref<9216xi32, #tpu.memory_space<hbm>> -> memref<48xi32, #tpu.memory_space<hbm>>
      %dma_start3A_68 = tpu.memref_slice %arg2[%add3A_10] : memref<9216xi32, #tpu.memory_space<hbm>> -> memref<48xi32, #tpu.memory_space<hbm>>
      tpu.enqueue_dma source(%dma_start3A_68 : memref<48xi32, #tpu.memory_space<hbm>>) target(%arg8 : memref<48xi32, #tpu.memory_space<vmem>>) target_semaphore(%run_scoped3A : memref<!tpu.dma_semaphore, #tpu.memory_space<semaphore_mem>>)
      %dma_wait3A_69 = tpu.memref_slice %arg2[%add3A_10] : memref<9216xi32, #tpu.memory_space<hbm>> -> memref<48xi32, #tpu.memory_space<hbm>>
      %dma_wait3A_70 = tpu.memref_slice %arg2[%add3A_10] : memref<9216xi32, #tpu.memory_space<hbm>> -> memref<48xi32, #tpu.memory_space<hbm>>
      tpu.wait_dma2 semaphore(%run_scoped3A : memref<!tpu.dma_semaphore, #tpu.memory_space<semaphore_mem>>) src(%dma_wait3A_70 : memref<48xi32, #tpu.memory_space<hbm>>) dst(%arg8 : memref<48xi32, #tpu.memory_space<vmem>>)
      tpu.yield
    }) : () -> ()
    %dma_start3A_28 = arith.constant 0 : i32
    %dma_start3A_29 = arith.constant 0 : i32
    %dma_start3A_30 = tpu.memref_slice %arg4[%dma_start3A_28, %dma_start3A_29] : memref<50001x512xf32, #tpu.memory_space<hbm>> -> memref<50001x512xf32, #tpu.memory_space<hbm>>
    tpu.enqueue_indirect_dma source(%dma_start3A_30 : memref<50001x512xf32, #tpu.memory_space<hbm>>) target(%arg10 : memref<48x512xf32, #tpu.memory_space<vmem>>) offsets(%arg8 : memref<48xi32, #tpu.memory_space<vmem>>) semaphore(%arg12 : memref<!tpu.dma_semaphore, #tpu.memory_space<semaphore_mem>>)
    %dma_wait3A_31 = arith.constant 0 : i32
    %dma_wait3A_32 = arith.constant 0 : i32
    %dma_wait3A_33 = tpu.memref_slice %arg4[%dma_wait3A_31, %dma_wait3A_32] : memref<50001x512xf32, #tpu.memory_space<hbm>> -> memref<50001x512xf32, #tpu.memory_space<hbm>>
    tpu.wait_indirect_dma semaphore(%arg13 : memref<!tpu.dma_semaphore, #tpu.memory_space<semaphore_mem>>) src(%dma_wait3A_33 : memref<50001x512xf32, #tpu.memory_space<hbm>>) dst(%arg11 : memref<48x512xf32, #tpu.memory_space<vmem>>)
    "tpu.region"() ({
      %run_scoped3A = tpu.sem_alloc : memref<!tpu.dma_semaphore, #tpu.memory_space<semaphore_mem>>
      %dma_start3A_67 = arith.constant 0 : i32
      %dma_start3A_68 = tpu.memref_slice %arg6[%add3A_8, %dma_start3A_67] : memref<9216x512xf32, #tpu.memory_space<hbm>> -> memref<48x512xf32, #tpu.memory_space<hbm>>
      %dma_start3A_69 = arith.constant 0 : i32
      %dma_start3A_70 = tpu.memref_slice %arg6[%add3A_8, %dma_start3A_69] : memref<9216x512xf32, #tpu.memory_space<hbm>> -> memref<48x512xf32, #tpu.memory_space<hbm>>
      tpu.enqueue_dma source(%arg11 : memref<48x512xf32, #tpu.memory_space<vmem>>) target(%dma_start3A_70 : memref<48x512xf32, #tpu.memory_space<hbm>>) target_semaphore(%run_scoped3A : memref<!tpu.dma_semaphore, #tpu.memory_space<semaphore_mem>>)
      %dma_wait3A_71 = arith.constant 0 : i32
      %dma_wait3A_72 = tpu.memref_slice %arg6[%add3A_8, %dma_wait3A_71] : memref<9216x512xf32, #tpu.memory_space<hbm>> -> memref<48x512xf32, #tpu.memory_space<hbm>>
      %dma_wait3A_73 = arith.constant 0 : i32
      %dma_wait3A_74 = tpu.memref_slice %arg6[%add3A_8, %dma_wait3A_73] : memref<9216x512xf32, #tpu.memory_space<hbm>> -> memref<48x512xf32, #tpu.memory_space<hbm>>
      tpu.wait_dma2 semaphore(%run_scoped3A : memref<!tpu.dma_semaphore, #tpu.memory_space<semaphore_mem>>) src(%arg11 : memref<48x512xf32, #tpu.memory_space<vmem>>) dst(%dma_wait3A_74 : memref<48x512xf32, #tpu.memory_space<hbm>>)
      tpu.yield
    }) : () -> ()
    "tpu.region"() ({
      %run_scoped3A = tpu.sem_alloc : memref<!tpu.dma_semaphore, #tpu.memory_space<semaphore_mem>>
      %dma_start3A_67 = tpu.memref_slice %arg2[%add3A_12] : memref<9216xi32, #tpu.memory_space<hbm>> -> memref<48xi32, #tpu.memory_space<hbm>>
      %dma_start3A_68 = tpu.memref_slice %arg2[%add3A_12] : memref<9216xi32, #tpu.memory_space<hbm>> -> memref<48xi32, #tpu.memory_space<hbm>>
      tpu.enqueue_dma source(%dma_start3A_68 : memref<48xi32, #tpu.memory_space<hbm>>) target(%arg9 : memref<48xi32, #tpu.memory_space<vmem>>) target_semaphore(%run_scoped3A : memref<!tpu.dma_semaphore, #tpu.memory_space<semaphore_mem>>)
      %dma_wait3A_69 = tpu.memref_slice %arg2[%add3A_12] : memref<9216xi32, #tpu.memory_space<hbm>> -> memref<48xi32, #tpu.memory_space<hbm>>
      %dma_wait3A_70 = tpu.memref_slice %arg2[%add3A_12] : memref<9216xi32, #tpu.memory_space<hbm>> -> memref<48xi32, #tpu.memory_space<hbm>>
      tpu.wait_dma2 semaphore(%run_scoped3A : memref<!tpu.dma_semaphore, #tpu.memory_space<semaphore_mem>>) src(%dma_wait3A_70 : memref<48xi32, #tpu.memory_space<hbm>>) dst(%arg9 : memref<48xi32, #tpu.memory_space<vmem>>)
      tpu.yield
    }) : () -> ()
    %dma_start3A_34 = arith.constant 0 : i32
    %dma_start3A_35 = arith.constant 0 : i32
    %dma_start3A_36 = tpu.memref_slice %arg4[%dma_start3A_34, %dma_start3A_35] : memref<50001x512xf32, #tpu.memory_space<hbm>> -> memref<50001x512xf32, #tpu.memory_space<hbm>>
    tpu.enqueue_indirect_dma source(%dma_start3A_36 : memref<50001x512xf32, #tpu.memory_space<hbm>>) target(%arg11 : memref<48x512xf32, #tpu.memory_space<vmem>>) offsets(%arg9 : memref<48xi32, #tpu.memory_space<vmem>>) semaphore(%arg13 : memref<!tpu.dma_semaphore, #tpu.memory_space<semaphore_mem>>)
    %dma_wait3A_37 = arith.constant 0 : i32
    %dma_wait3A_38 = arith.constant 0 : i32
    %dma_wait3A_39 = tpu.memref_slice %arg4[%dma_wait3A_37, %dma_wait3A_38] : memref<50001x512xf32, #tpu.memory_space<hbm>> -> memref<50001x512xf32, #tpu.memory_space<hbm>>
    tpu.wait_indirect_dma semaphore(%arg12 : memref<!tpu.dma_semaphore, #tpu.memory_space<semaphore_mem>>) src(%dma_wait3A_39 : memref<50001x512xf32, #tpu.memory_space<hbm>>) dst(%arg10 : memref<48x512xf32, #tpu.memory_space<vmem>>)
    "tpu.region"() ({
      %run_scoped3A = tpu.sem_alloc : memref<!tpu.dma_semaphore, #tpu.memory_space<semaphore_mem>>
      %dma_start3A_67 = arith.constant 0 : i32
      %dma_start3A_68 = tpu.memref_slice %arg6[%add3A_10, %dma_start3A_67] : memref<9216x512xf32, #tpu.memory_space<hbm>> -> memref<48x512xf32, #tpu.memory_space<hbm>>
      %dma_start3A_69 = arith.constant 0 : i32
      %dma_start3A_70 = tpu.memref_slice %arg6[%add3A_10, %dma_start3A_69] : memref<9216x512xf32, #tpu.memory_space<hbm>> -> memref<48x512xf32, #tpu.memory_space<hbm>>
      tpu.enqueue_dma source(%arg10 : memref<48x512xf32, #tpu.memory_space<vmem>>) target(%dma_start3A_70 : memref<48x512xf32, #tpu.memory_space<hbm>>) target_semaphore(%run_scoped3A : memref<!tpu.dma_semaphore, #tpu.memory_space<semaphore_mem>>)
      %dma_wait3A_71 = arith.constant 0 : i32
      %dma_wait3A_72 = tpu.memref_slice %arg6[%add3A_10, %dma_wait3A_71] : memref<9216x512xf32, #tpu.memory_space<hbm>> -> memref<48x512xf32, #tpu.memory_space<hbm>>
      %dma_wait3A_73 = arith.constant 0 : i32
      %dma_wait3A_74 = tpu.memref_slice %arg6[%add3A_10, %dma_wait3A_73] : memref<9216x512xf32, #tpu.memory_space<hbm>> -> memref<48x512xf32, #tpu.memory_space<hbm>>
      tpu.wait_dma2 semaphore(%run_scoped3A : memref<!tpu.dma_semaphore, #tpu.memory_space<semaphore_mem>>) src(%arg10 : memref<48x512xf32, #tpu.memory_space<vmem>>) dst(%dma_wait3A_74 : memref<48x512xf32, #tpu.memory_space<hbm>>)
      tpu.yield
    }) : () -> ()
    "tpu.region"() ({
      %run_scoped3A = tpu.sem_alloc : memref<!tpu.dma_semaphore, #tpu.memory_space<semaphore_mem>>
      %dma_start3A_67 = tpu.memref_slice %arg2[%add3A_14] : memref<9216xi32, #tpu.memory_space<hbm>> -> memref<48xi32, #tpu.memory_space<hbm>>
      %dma_start3A_68 = tpu.memref_slice %arg2[%add3A_14] : memref<9216xi32, #tpu.memory_space<hbm>> -> memref<48xi32, #tpu.memory_space<hbm>>
      tpu.enqueue_dma source(%dma_start3A_68 : memref<48xi32, #tpu.memory_space<hbm>>) target(%arg8 : memref<48xi32, #tpu.memory_space<vmem>>) target_semaphore(%run_scoped3A : memref<!tpu.dma_semaphore, #tpu.memory_space<semaphore_mem>>)
      %dma_wait3A_69 = tpu.memref_slice %arg2[%add3A_14] : memref<9216xi32, #tpu.memory_space<hbm>> -> memref<48xi32, #tpu.memory_space<hbm>>
      %dma_wait3A_70 = tpu.memref_slice %arg2[%add3A_14] : memref<9216xi32, #tpu.memory_space<hbm>> -> memref<48xi32, #tpu.memory_space<hbm>>
      tpu.wait_dma2 semaphore(%run_scoped3A : memref<!tpu.dma_semaphore, #tpu.memory_space<semaphore_mem>>) src(%dma_wait3A_70 : memref<48xi32, #tpu.memory_space<hbm>>) dst(%arg8 : memref<48xi32, #tpu.memory_space<vmem>>)
      tpu.yield
    }) : () -> ()
    %dma_start3A_40 = arith.constant 0 : i32
    %dma_start3A_41 = arith.constant 0 : i32
    %dma_start3A_42 = tpu.memref_slice %arg4[%dma_start3A_40, %dma_start3A_41] : memref<50001x512xf32, #tpu.memory_space<hbm>> -> memref<50001x512xf32, #tpu.memory_space<hbm>>
    tpu.enqueue_indirect_dma source(%dma_start3A_42 : memref<50001x512xf32, #tpu.memory_space<hbm>>) target(%arg10 : memref<48x512xf32, #tpu.memory_space<vmem>>) offsets(%arg8 : memref<48xi32, #tpu.memory_space<vmem>>) semaphore(%arg12 : memref<!tpu.dma_semaphore, #tpu.memory_space<semaphore_mem>>)
    %dma_wait3A_43 = arith.constant 0 : i32
    %dma_wait3A_44 = arith.constant 0 : i32
    %dma_wait3A_45 = tpu.memref_slice %arg4[%dma_wait3A_43, %dma_wait3A_44] : memref<50001x512xf32, #tpu.memory_space<hbm>> -> memref<50001x512xf32, #tpu.memory_space<hbm>>
    tpu.wait_indirect_dma semaphore(%arg13 : memref<!tpu.dma_semaphore, #tpu.memory_space<semaphore_mem>>) src(%dma_wait3A_45 : memref<50001x512xf32, #tpu.memory_space<hbm>>) dst(%arg11 : memref<48x512xf32, #tpu.memory_space<vmem>>)
    "tpu.region"() ({
      %run_scoped3A = tpu.sem_alloc : memref<!tpu.dma_semaphore, #tpu.memory_space<semaphore_mem>>
      %dma_start3A_67 = arith.constant 0 : i32
      %dma_start3A_68 = tpu.memref_slice %arg6[%add3A_12, %dma_start3A_67] : memref<9216x512xf32, #tpu.memory_space<hbm>> -> memref<48x512xf32, #tpu.memory_space<hbm>>
      %dma_start3A_69 = arith.constant 0 : i32
      %dma_start3A_70 = tpu.memref_slice %arg6[%add3A_12, %dma_start3A_69] : memref<9216x512xf32, #tpu.memory_space<hbm>> -> memref<48x512xf32, #tpu.memory_space<hbm>>
      tpu.enqueue_dma source(%arg11 : memref<48x512xf32, #tpu.memory_space<vmem>>) target(%dma_start3A_70 : memref<48x512xf32, #tpu.memory_space<hbm>>) target_semaphore(%run_scoped3A : memref<!tpu.dma_semaphore, #tpu.memory_space<semaphore_mem>>)
      %dma_wait3A_71 = arith.constant 0 : i32
      %dma_wait3A_72 = tpu.memref_slice %arg6[%add3A_12, %dma_wait3A_71] : memref<9216x512xf32, #tpu.memory_space<hbm>> -> memref<48x512xf32, #tpu.memory_space<hbm>>
      %dma_wait3A_73 = arith.constant 0 : i32
      %dma_wait3A_74 = tpu.memref_slice %arg6[%add3A_12, %dma_wait3A_73] : memref<9216x512xf32, #tpu.memory_space<hbm>> -> memref<48x512xf32, #tpu.memory_space<hbm>>
      tpu.wait_dma2 semaphore(%run_scoped3A : memref<!tpu.dma_semaphore, #tpu.memory_space<semaphore_mem>>) src(%arg11 : memref<48x512xf32, #tpu.memory_space<vmem>>) dst(%dma_wait3A_74 : memref<48x512xf32, #tpu.memory_space<hbm>>)
      tpu.yield
    }) : () -> ()
    "tpu.region"() ({
      %run_scoped3A = tpu.sem_alloc : memref<!tpu.dma_semaphore, #tpu.memory_space<semaphore_mem>>
      %dma_start3A_67 = tpu.memref_slice %arg2[%add3A_16] : memref<9216xi32, #tpu.memory_space<hbm>> -> memref<48xi32, #tpu.memory_space<hbm>>
      %dma_start3A_68 = tpu.memref_slice %arg2[%add3A_16] : memref<9216xi32, #tpu.memory_space<hbm>> -> memref<48xi32, #tpu.memory_space<hbm>>
      tpu.enqueue_dma source(%dma_start3A_68 : memref<48xi32, #tpu.memory_space<hbm>>) target(%arg9 : memref<48xi32, #tpu.memory_space<vmem>>) target_semaphore(%run_scoped3A : memref<!tpu.dma_semaphore, #tpu.memory_space<semaphore_mem>>)
      %dma_wait3A_69 = tpu.memref_slice %arg2[%add3A_16] : memref<9216xi32, #tpu.memory_space<hbm>> -> memref<48xi32, #tpu.memory_space<hbm>>
      %dma_wait3A_70 = tpu.memref_slice %arg2[%add3A_16] : memref<9216xi32, #tpu.memory_space<hbm>> -> memref<48xi32, #tpu.memory_space<hbm>>
      tpu.wait_dma2 semaphore(%run_scoped3A : memref<!tpu.dma_semaphore, #tpu.memory_space<semaphore_mem>>) src(%dma_wait3A_70 : memref<48xi32, #tpu.memory_space<hbm>>) dst(%arg9 : memref<48xi32, #tpu.memory_space<vmem>>)
      tpu.yield
    }) : () -> ()
    %dma_start3A_46 = arith.constant 0 : i32
    %dma_start3A_47 = arith.constant 0 : i32
    %dma_start3A_48 = tpu.memref_slice %arg4[%dma_start3A_46, %dma_start3A_47] : memref<50001x512xf32, #tpu.memory_space<hbm>> -> memref<50001x512xf32, #tpu.memory_space<hbm>>
    tpu.enqueue_indirect_dma source(%dma_start3A_48 : memref<50001x512xf32, #tpu.memory_space<hbm>>) target(%arg11 : memref<48x512xf32, #tpu.memory_space<vmem>>) offsets(%arg9 : memref<48xi32, #tpu.memory_space<vmem>>) semaphore(%arg13 : memref<!tpu.dma_semaphore, #tpu.memory_space<semaphore_mem>>)
    %dma_wait3A_49 = arith.constant 0 : i32
    %dma_wait3A_50 = arith.constant 0 : i32
    %dma_wait3A_51 = tpu.memref_slice %arg4[%dma_wait3A_49, %dma_wait3A_50] : memref<50001x512xf32, #tpu.memory_space<hbm>> -> memref<50001x512xf32, #tpu.memory_space<hbm>>
    tpu.wait_indirect_dma semaphore(%arg12 : memref<!tpu.dma_semaphore, #tpu.memory_space<semaphore_mem>>) src(%dma_wait3A_51 : memref<50001x512xf32, #tpu.memory_space<hbm>>) dst(%arg10 : memref<48x512xf32, #tpu.memory_space<vmem>>)
    "tpu.region"() ({
      %run_scoped3A = tpu.sem_alloc : memref<!tpu.dma_semaphore, #tpu.memory_space<semaphore_mem>>
      %dma_start3A_67 = arith.constant 0 : i32
      %dma_start3A_68 = tpu.memref_slice %arg6[%add3A_14, %dma_start3A_67] : memref<9216x512xf32, #tpu.memory_space<hbm>> -> memref<48x512xf32, #tpu.memory_space<hbm>>
      %dma_start3A_69 = arith.constant 0 : i32
      %dma_start3A_70 = tpu.memref_slice %arg6[%add3A_14, %dma_start3A_69] : memref<9216x512xf32, #tpu.memory_space<hbm>> -> memref<48x512xf32, #tpu.memory_space<hbm>>
      tpu.enqueue_dma source(%arg10 : memref<48x512xf32, #tpu.memory_space<vmem>>) target(%dma_start3A_70 : memref<48x512xf32, #tpu.memory_space<hbm>>) target_semaphore(%run_scoped3A : memref<!tpu.dma_semaphore, #tpu.memory_space<semaphore_mem>>)
      %dma_wait3A_71 = arith.constant 0 : i32
      %dma_wait3A_72 = tpu.memref_slice %arg6[%add3A_14, %dma_wait3A_71] : memref<9216x512xf32, #tpu.memory_space<hbm>> -> memref<48x512xf32, #tpu.memory_space<hbm>>
      %dma_wait3A_73 = arith.constant 0 : i32
      %dma_wait3A_74 = tpu.memref_slice %arg6[%add3A_14, %dma_wait3A_73] : memref<9216x512xf32, #tpu.memory_space<hbm>> -> memref<48x512xf32, #tpu.memory_space<hbm>>
      tpu.wait_dma2 semaphore(%run_scoped3A : memref<!tpu.dma_semaphore, #tpu.memory_space<semaphore_mem>>) src(%arg10 : memref<48x512xf32, #tpu.memory_space<vmem>>) dst(%dma_wait3A_74 : memref<48x512xf32, #tpu.memory_space<hbm>>)
      tpu.yield
    }) : () -> ()
    "tpu.region"() ({
      %run_scoped3A = tpu.sem_alloc : memref<!tpu.dma_semaphore, #tpu.memory_space<semaphore_mem>>
      %dma_start3A_67 = tpu.memref_slice %arg3[%add3A_18] : memref<3072xi32, #tpu.memory_space<hbm>> -> memref<48xi32, #tpu.memory_space<hbm>>
      %dma_start3A_68 = tpu.memref_slice %arg3[%add3A_18] : memref<3072xi32, #tpu.memory_space<hbm>> -> memref<48xi32, #tpu.memory_space<hbm>>
      tpu.enqueue_dma source(%dma_start3A_68 : memref<48xi32, #tpu.memory_space<hbm>>) target(%arg8 : memref<48xi32, #tpu.memory_space<vmem>>) target_semaphore(%run_scoped3A : memref<!tpu.dma_semaphore, #tpu.memory_space<semaphore_mem>>)
      %dma_wait3A_69 = tpu.memref_slice %arg3[%add3A_18] : memref<3072xi32, #tpu.memory_space<hbm>> -> memref<48xi32, #tpu.memory_space<hbm>>
      %dma_wait3A_70 = tpu.memref_slice %arg3[%add3A_18] : memref<3072xi32, #tpu.memory_space<hbm>> -> memref<48xi32, #tpu.memory_space<hbm>>
      tpu.wait_dma2 semaphore(%run_scoped3A : memref<!tpu.dma_semaphore, #tpu.memory_space<semaphore_mem>>) src(%dma_wait3A_70 : memref<48xi32, #tpu.memory_space<hbm>>) dst(%arg8 : memref<48xi32, #tpu.memory_space<vmem>>)
      tpu.yield
    }) : () -> ()
    %dma_start3A_52 = arith.constant 0 : i32
    %dma_start3A_53 = arith.constant 0 : i32
    %dma_start3A_54 = tpu.memref_slice %arg5[%dma_start3A_52, %dma_start3A_53] : memref<256x512xf32, #tpu.memory_space<hbm>> -> memref<256x512xf32, #tpu.memory_space<hbm>>
    tpu.enqueue_indirect_dma source(%dma_start3A_54 : memref<256x512xf32, #tpu.memory_space<hbm>>) target(%arg10 : memref<48x512xf32, #tpu.memory_space<vmem>>) offsets(%arg8 : memref<48xi32, #tpu.memory_space<vmem>>) semaphore(%arg12 : memref<!tpu.dma_semaphore, #tpu.memory_space<semaphore_mem>>)
    %dma_wait3A_55 = arith.constant 0 : i32
    %dma_wait3A_56 = arith.constant 0 : i32
    %dma_wait3A_57 = tpu.memref_slice %arg4[%dma_wait3A_55, %dma_wait3A_56] : memref<50001x512xf32, #tpu.memory_space<hbm>> -> memref<50001x512xf32, #tpu.memory_space<hbm>>
    tpu.wait_indirect_dma semaphore(%arg13 : memref<!tpu.dma_semaphore, #tpu.memory_space<semaphore_mem>>) src(%dma_wait3A_57 : memref<50001x512xf32, #tpu.memory_space<hbm>>) dst(%arg11 : memref<48x512xf32, #tpu.memory_space<vmem>>)
    "tpu.region"() ({
      %run_scoped3A = tpu.sem_alloc : memref<!tpu.dma_semaphore, #tpu.memory_space<semaphore_mem>>
      %dma_start3A_67 = arith.constant 0 : i32
      %dma_start3A_68 = tpu.memref_slice %arg6[%add3A_16, %dma_start3A_67] : memref<9216x512xf32, #tpu.memory_space<hbm>> -> memref<48x512xf32, #tpu.memory_space<hbm>>
      %dma_start3A_69 = arith.constant 0 : i32
      %dma_start3A_70 = tpu.memref_slice %arg6[%add3A_16, %dma_start3A_69] : memref<9216x512xf32, #tpu.memory_space<hbm>> -> memref<48x512xf32, #tpu.memory_space<hbm>>
      tpu.enqueue_dma source(%arg11 : memref<48x512xf32, #tpu.memory_space<vmem>>) target(%dma_start3A_70 : memref<48x512xf32, #tpu.memory_space<hbm>>) target_semaphore(%run_scoped3A : memref<!tpu.dma_semaphore, #tpu.memory_space<semaphore_mem>>)
      %dma_wait3A_71 = arith.constant 0 : i32
      %dma_wait3A_72 = tpu.memref_slice %arg6[%add3A_16, %dma_wait3A_71] : memref<9216x512xf32, #tpu.memory_space<hbm>> -> memref<48x512xf32, #tpu.memory_space<hbm>>
      %dma_wait3A_73 = arith.constant 0 : i32
      %dma_wait3A_74 = tpu.memref_slice %arg6[%add3A_16, %dma_wait3A_73] : memref<9216x512xf32, #tpu.memory_space<hbm>> -> memref<48x512xf32, #tpu.memory_space<hbm>>
      tpu.wait_dma2 semaphore(%run_scoped3A : memref<!tpu.dma_semaphore, #tpu.memory_space<semaphore_mem>>) src(%arg11 : memref<48x512xf32, #tpu.memory_space<vmem>>) dst(%dma_wait3A_74 : memref<48x512xf32, #tpu.memory_space<hbm>>)
      tpu.yield
    }) : () -> ()
    "tpu.region"() ({
      %run_scoped3A = tpu.sem_alloc : memref<!tpu.dma_semaphore, #tpu.memory_space<semaphore_mem>>
      %dma_start3A_67 = tpu.memref_slice %arg3[%add3A_20] : memref<3072xi32, #tpu.memory_space<hbm>> -> memref<48xi32, #tpu.memory_space<hbm>>
      %dma_start3A_68 = tpu.memref_slice %arg3[%add3A_20] : memref<3072xi32, #tpu.memory_space<hbm>> -> memref<48xi32, #tpu.memory_space<hbm>>
      tpu.enqueue_dma source(%dma_start3A_68 : memref<48xi32, #tpu.memory_space<hbm>>) target(%arg9 : memref<48xi32, #tpu.memory_space<vmem>>) target_semaphore(%run_scoped3A : memref<!tpu.dma_semaphore, #tpu.memory_space<semaphore_mem>>)
      %dma_wait3A_69 = tpu.memref_slice %arg3[%add3A_20] : memref<3072xi32, #tpu.memory_space<hbm>> -> memref<48xi32, #tpu.memory_space<hbm>>
      %dma_wait3A_70 = tpu.memref_slice %arg3[%add3A_20] : memref<3072xi32, #tpu.memory_space<hbm>> -> memref<48xi32, #tpu.memory_space<hbm>>
      tpu.wait_dma2 semaphore(%run_scoped3A : memref<!tpu.dma_semaphore, #tpu.memory_space<semaphore_mem>>) src(%dma_wait3A_70 : memref<48xi32, #tpu.memory_space<hbm>>) dst(%arg9 : memref<48xi32, #tpu.memory_space<vmem>>)
      tpu.yield
    }) : () -> ()
    %dma_start3A_58 = arith.constant 0 : i32
    %dma_start3A_59 = arith.constant 0 : i32
    %dma_start3A_60 = tpu.memref_slice %arg5[%dma_start3A_58, %dma_start3A_59] : memref<256x512xf32, #tpu.memory_space<hbm>> -> memref<256x512xf32, #tpu.memory_space<hbm>>
    tpu.enqueue_indirect_dma source(%dma_start3A_60 : memref<256x512xf32, #tpu.memory_space<hbm>>) target(%arg11 : memref<48x512xf32, #tpu.memory_space<vmem>>) offsets(%arg9 : memref<48xi32, #tpu.memory_space<vmem>>) semaphore(%arg13 : memref<!tpu.dma_semaphore, #tpu.memory_space<semaphore_mem>>)
    %dma_wait3A_61 = arith.constant 0 : i32
    %dma_wait3A_62 = arith.constant 0 : i32
    %dma_wait3A_63 = tpu.memref_slice %arg5[%dma_wait3A_61, %dma_wait3A_62] : memref<256x512xf32, #tpu.memory_space<hbm>> -> memref<256x512xf32, #tpu.memory_space<hbm>>
    tpu.wait_indirect_dma semaphore(%arg12 : memref<!tpu.dma_semaphore, #tpu.memory_space<semaphore_mem>>) src(%dma_wait3A_63 : memref<256x512xf32, #tpu.memory_space<hbm>>) dst(%arg10 : memref<48x512xf32, #tpu.memory_space<vmem>>)
    "tpu.region"() ({
      %run_scoped3A = tpu.sem_alloc : memref<!tpu.dma_semaphore, #tpu.memory_space<semaphore_mem>>
      %dma_start3A_67 = arith.constant 0 : i32
      %dma_start3A_68 = tpu.memref_slice %arg7[%add3A_18, %dma_start3A_67] : memref<3072x512xf32, #tpu.memory_space<hbm>> -> memref<48x512xf32, #tpu.memory_space<hbm>>
      %dma_start3A_69 = arith.constant 0 : i32
      %dma_start3A_70 = tpu.memref_slice %arg7[%add3A_18, %dma_start3A_69] : memref<3072x512xf32, #tpu.memory_space<hbm>> -> memref<48x512xf32, #tpu.memory_space<hbm>>
      tpu.enqueue_dma source(%arg10 : memref<48x512xf32, #tpu.memory_space<vmem>>) target(%dma_start3A_70 : memref<48x512xf32, #tpu.memory_space<hbm>>) target_semaphore(%run_scoped3A : memref<!tpu.dma_semaphore, #tpu.memory_space<semaphore_mem>>)
      %dma_wait3A_71 = arith.constant 0 : i32
      %dma_wait3A_72 = tpu.memref_slice %arg7[%add3A_18, %dma_wait3A_71] : memref<3072x512xf32, #tpu.memory_space<hbm>> -> memref<48x512xf32, #tpu.memory_space<hbm>>
      %dma_wait3A_73 = arith.constant 0 : i32
      %dma_wait3A_74 = tpu.memref_slice %arg7[%add3A_18, %dma_wait3A_73] : memref<3072x512xf32, #tpu.memory_space<hbm>> -> memref<48x512xf32, #tpu.memory_space<hbm>>
      tpu.wait_dma2 semaphore(%run_scoped3A : memref<!tpu.dma_semaphore, #tpu.memory_space<semaphore_mem>>) src(%arg10 : memref<48x512xf32, #tpu.memory_space<vmem>>) dst(%dma_wait3A_74 : memref<48x512xf32, #tpu.memory_space<hbm>>)
      tpu.yield
    }) : () -> ()
    %dma_wait3A_64 = arith.constant 0 : i32
    %dma_wait3A_65 = arith.constant 0 : i32
    %dma_wait3A_66 = tpu.memref_slice %arg5[%dma_wait3A_64, %dma_wait3A_65] : memref<256x512xf32, #tpu.memory_space<hbm>> -> memref<256x512xf32, #tpu.memory_space<hbm>>
    tpu.wait_indirect_dma semaphore(%arg13 : memref<!tpu.dma_semaphore, #tpu.memory_space<semaphore_mem>>) src(%dma_wait3A_66 : memref<256x512xf32, #tpu.memory_space<hbm>>) dst(%arg11 : memref<48x512xf32, #tpu.memory_space<vmem>>)
    "tpu.region"() ({
      %run_scoped3A = tpu.sem_alloc : memref<!tpu.dma_semaphore, #tpu.memory_space<semaphore_mem>>
      %dma_start3A_67 = arith.constant 0 : i32
      %dma_start3A_68 = tpu.memref_slice %arg7[%add3A_20, %dma_start3A_67] : memref<3072x512xf32, #tpu.memory_space<hbm>> -> memref<48x512xf32, #tpu.memory_space<hbm>>
      %dma_start3A_69 = arith.constant 0 : i32
      %dma_start3A_70 = tpu.memref_slice %arg7[%add3A_20, %dma_start3A_69] : memref<3072x512xf32, #tpu.memory_space<hbm>> -> memref<48x512xf32, #tpu.memory_space<hbm>>
      tpu.enqueue_dma source(%arg11 : memref<48x512xf32, #tpu.memory_space<vmem>>) target(%dma_start3A_70 : memref<48x512xf32, #tpu.memory_space<hbm>>) target_semaphore(%run_scoped3A : memref<!tpu.dma_semaphore, #tpu.memory_space<semaphore_mem>>)
      %dma_wait3A_71 = arith.constant 0 : i32
      %dma_wait3A_72 = tpu.memref_slice %arg7[%add3A_20, %dma_wait3A_71] : memref<3072x512xf32, #tpu.memory_space<hbm>> -> memref<48x512xf32, #tpu.memory_space<hbm>>
      %dma_wait3A_73 = arith.constant 0 : i32
      %dma_wait3A_74 = tpu.memref_slice %arg7[%add3A_20, %dma_wait3A_73] : memref<3072x512xf32, #tpu.memory_space<hbm>> -> memref<48x512xf32, #tpu.memory_space<hbm>>
      tpu.wait_dma2 semaphore(%run_scoped3A : memref<!tpu.dma_semaphore, #tpu.memory_space<semaphore_mem>>) src(%arg11 : memref<48x512xf32, #tpu.memory_space<vmem>>) dst(%dma_wait3A_74 : memref<48x512xf32, #tpu.memory_space<hbm>>)
      tpu.yield
    }) : () -> ()
    return
  }
}

module attributes {stable_mosaic.version = 14 : i64} {
  func.func @_enc_body(%arg0: i32, %arg1: memref<512x512xf32, #tpu.memory_space<vmem>>, %arg2: memref<512x16xi32, #tpu.memory_space<vmem>>, %arg3: memref<256x512xf32, #tpu.memory_space<vmem>>, %arg4: memref<512x512xf32, #tpu.memory_space<vmem>>, %arg5: memref<1x512xf32, #tpu.memory_space<vmem>>, %arg6: memref<512x512xf32, #tpu.memory_space<vmem>>) attributes {dimension_semantics = [#tpu.dimension_semantics<arbitrary>], iteration_bounds = array<i64: 12>, scalar_prefetch = 0 : i64, scratch_operands = 0 : i64, tpu.core_type = #tpu.core_type<tc>, window_params = [{transform_indices = @transform_0, window_bounds = array<i64: 512, 512>}, {transform_indices = @transform_1, window_bounds = array<i64: 512, 16>}, {pipeline_mode = #tpu.pipeline_mode<synchronous>, transform_indices = @transform_2, window_bounds = array<i64: 256, 512>}, {pipeline_mode = #tpu.pipeline_mode<synchronous>, transform_indices = @transform_3, window_bounds = array<i64: 512, 512>}, {pipeline_mode = #tpu.pipeline_mode<synchronous>, transform_indices = @transform_4, window_bounds = array<i64: 1, 512>}, {transform_indices = @transform_5, window_bounds = array<i64: 512, 512>}]} {
    %get3A = arith.constant 0 : index
    %get3A_0 = arith.constant 0 : index
    %get3A_1 = vector.load %arg2[%get3A, %get3A_0] : memref<512x16xi32, #tpu.memory_space<vmem>>, vector<512x16xi32>
    %iota3A = tpu.iota {dimensions = array<i32: 1>} : vector<512x256xi32>
    %broadcast_in_dim3A = arith.constant 0.000000e+00 : f32
    %broadcast_in_dim3A_2 = vector.broadcast %broadcast_in_dim3A : f32 to vector<512x256xf32>
    %slice3A = vector.extract_strided_slice %get3A_1 {offsets = [0, 0], sizes = [512, 1], strides = [1, 1]} : vector<512x16xi32> to vector<512x1xi32>
    %eq3A = vector.broadcast %slice3A : vector<512x1xi32> to vector<512x256xi32>
    %eq3A_3 = arith.cmpi eq, %eq3A, %iota3A : vector<512x256xi32>
    %convert_element_type3A = arith.extui %eq3A_3 : vector<512x256xi1> to vector<512x256xi32>
    %convert_element_type3A_4 = arith.sitofp %convert_element_type3A : vector<512x256xi32> to vector<512x256xf32>
    %add3A = arith.addf %broadcast_in_dim3A_2, %convert_element_type3A_4 : vector<512x256xf32>
    %slice3A_5 = vector.extract_strided_slice %get3A_1 {offsets = [0, 1], sizes = [512, 1], strides = [1, 1]} : vector<512x16xi32> to vector<512x1xi32>
    %eq3A_6 = vector.broadcast %slice3A_5 : vector<512x1xi32> to vector<512x256xi32>
    %eq3A_7 = arith.cmpi eq, %eq3A_6, %iota3A : vector<512x256xi32>
    %convert_element_type3A_8 = arith.extui %eq3A_7 : vector<512x256xi1> to vector<512x256xi32>
    %convert_element_type3A_9 = arith.sitofp %convert_element_type3A_8 : vector<512x256xi32> to vector<512x256xf32>
    %add3A_10 = arith.addf %add3A, %convert_element_type3A_9 : vector<512x256xf32>
    %slice3A_11 = vector.extract_strided_slice %get3A_1 {offsets = [0, 2], sizes = [512, 1], strides = [1, 1]} : vector<512x16xi32> to vector<512x1xi32>
    %eq3A_12 = vector.broadcast %slice3A_11 : vector<512x1xi32> to vector<512x256xi32>
    %eq3A_13 = arith.cmpi eq, %eq3A_12, %iota3A : vector<512x256xi32>
    %convert_element_type3A_14 = arith.extui %eq3A_13 : vector<512x256xi1> to vector<512x256xi32>
    %convert_element_type3A_15 = arith.sitofp %convert_element_type3A_14 : vector<512x256xi32> to vector<512x256xf32>
    %add3A_16 = arith.addf %add3A_10, %convert_element_type3A_15 : vector<512x256xf32>
    %slice3A_17 = vector.extract_strided_slice %get3A_1 {offsets = [0, 3], sizes = [512, 1], strides = [1, 1]} : vector<512x16xi32> to vector<512x1xi32>
    %eq3A_18 = vector.broadcast %slice3A_17 : vector<512x1xi32> to vector<512x256xi32>
    %eq3A_19 = arith.cmpi eq, %eq3A_18, %iota3A : vector<512x256xi32>
    %convert_element_type3A_20 = arith.extui %eq3A_19 : vector<512x256xi1> to vector<512x256xi32>
    %convert_element_type3A_21 = arith.sitofp %convert_element_type3A_20 : vector<512x256xi32> to vector<512x256xf32>
    %add3A_22 = arith.addf %add3A_16, %convert_element_type3A_21 : vector<512x256xf32>
    %slice3A_23 = vector.extract_strided_slice %get3A_1 {offsets = [0, 4], sizes = [512, 1], strides = [1, 1]} : vector<512x16xi32> to vector<512x1xi32>
    %eq3A_24 = vector.broadcast %slice3A_23 : vector<512x1xi32> to vector<512x256xi32>
    %eq3A_25 = arith.cmpi eq, %eq3A_24, %iota3A : vector<512x256xi32>
    %convert_element_type3A_26 = arith.extui %eq3A_25 : vector<512x256xi1> to vector<512x256xi32>
    %convert_element_type3A_27 = arith.sitofp %convert_element_type3A_26 : vector<512x256xi32> to vector<512x256xf32>
    %add3A_28 = arith.addf %add3A_22, %convert_element_type3A_27 : vector<512x256xf32>
    %slice3A_29 = vector.extract_strided_slice %get3A_1 {offsets = [0, 5], sizes = [512, 1], strides = [1, 1]} : vector<512x16xi32> to vector<512x1xi32>
    %eq3A_30 = vector.broadcast %slice3A_29 : vector<512x1xi32> to vector<512x256xi32>
    %eq3A_31 = arith.cmpi eq, %eq3A_30, %iota3A : vector<512x256xi32>
    %convert_element_type3A_32 = arith.extui %eq3A_31 : vector<512x256xi1> to vector<512x256xi32>
    %convert_element_type3A_33 = arith.sitofp %convert_element_type3A_32 : vector<512x256xi32> to vector<512x256xf32>
    %add3A_34 = arith.addf %add3A_28, %convert_element_type3A_33 : vector<512x256xf32>
    %slice3A_35 = vector.extract_strided_slice %get3A_1 {offsets = [0, 6], sizes = [512, 1], strides = [1, 1]} : vector<512x16xi32> to vector<512x1xi32>
    %eq3A_36 = vector.broadcast %slice3A_35 : vector<512x1xi32> to vector<512x256xi32>
    %eq3A_37 = arith.cmpi eq, %eq3A_36, %iota3A : vector<512x256xi32>
    %convert_element_type3A_38 = arith.extui %eq3A_37 : vector<512x256xi1> to vector<512x256xi32>
    %convert_element_type3A_39 = arith.sitofp %convert_element_type3A_38 : vector<512x256xi32> to vector<512x256xf32>
    %add3A_40 = arith.addf %add3A_34, %convert_element_type3A_39 : vector<512x256xf32>
    %slice3A_41 = vector.extract_strided_slice %get3A_1 {offsets = [0, 7], sizes = [512, 1], strides = [1, 1]} : vector<512x16xi32> to vector<512x1xi32>
    %eq3A_42 = vector.broadcast %slice3A_41 : vector<512x1xi32> to vector<512x256xi32>
    %eq3A_43 = arith.cmpi eq, %eq3A_42, %iota3A : vector<512x256xi32>
    %convert_element_type3A_44 = arith.extui %eq3A_43 : vector<512x256xi1> to vector<512x256xi32>
    %convert_element_type3A_45 = arith.sitofp %convert_element_type3A_44 : vector<512x256xi32> to vector<512x256xf32>
    %add3A_46 = arith.addf %add3A_40, %convert_element_type3A_45 : vector<512x256xf32>
    %slice3A_47 = vector.extract_strided_slice %get3A_1 {offsets = [0, 8], sizes = [512, 1], strides = [1, 1]} : vector<512x16xi32> to vector<512x1xi32>
    %eq3A_48 = vector.broadcast %slice3A_47 : vector<512x1xi32> to vector<512x256xi32>
    %eq3A_49 = arith.cmpi eq, %eq3A_48, %iota3A : vector<512x256xi32>
    %convert_element_type3A_50 = arith.extui %eq3A_49 : vector<512x256xi1> to vector<512x256xi32>
    %convert_element_type3A_51 = arith.sitofp %convert_element_type3A_50 : vector<512x256xi32> to vector<512x256xf32>
    %add3A_52 = arith.addf %add3A_46, %convert_element_type3A_51 : vector<512x256xf32>
    %slice3A_53 = vector.extract_strided_slice %get3A_1 {offsets = [0, 9], sizes = [512, 1], strides = [1, 1]} : vector<512x16xi32> to vector<512x1xi32>
    %eq3A_54 = vector.broadcast %slice3A_53 : vector<512x1xi32> to vector<512x256xi32>
    %eq3A_55 = arith.cmpi eq, %eq3A_54, %iota3A : vector<512x256xi32>
    %convert_element_type3A_56 = arith.extui %eq3A_55 : vector<512x256xi1> to vector<512x256xi32>
    %convert_element_type3A_57 = arith.sitofp %convert_element_type3A_56 : vector<512x256xi32> to vector<512x256xf32>
    %add3A_58 = arith.addf %add3A_52, %convert_element_type3A_57 : vector<512x256xf32>
    %slice3A_59 = vector.extract_strided_slice %get3A_1 {offsets = [0, 10], sizes = [512, 1], strides = [1, 1]} : vector<512x16xi32> to vector<512x1xi32>
    %eq3A_60 = vector.broadcast %slice3A_59 : vector<512x1xi32> to vector<512x256xi32>
    %eq3A_61 = arith.cmpi eq, %eq3A_60, %iota3A : vector<512x256xi32>
    %convert_element_type3A_62 = arith.extui %eq3A_61 : vector<512x256xi1> to vector<512x256xi32>
    %convert_element_type3A_63 = arith.sitofp %convert_element_type3A_62 : vector<512x256xi32> to vector<512x256xf32>
    %add3A_64 = arith.addf %add3A_58, %convert_element_type3A_63 : vector<512x256xf32>
    %slice3A_65 = vector.extract_strided_slice %get3A_1 {offsets = [0, 11], sizes = [512, 1], strides = [1, 1]} : vector<512x16xi32> to vector<512x1xi32>
    %eq3A_66 = vector.broadcast %slice3A_65 : vector<512x1xi32> to vector<512x256xi32>
    %eq3A_67 = arith.cmpi eq, %eq3A_66, %iota3A : vector<512x256xi32>
    %convert_element_type3A_68 = arith.extui %eq3A_67 : vector<512x256xi1> to vector<512x256xi32>
    %convert_element_type3A_69 = arith.sitofp %convert_element_type3A_68 : vector<512x256xi32> to vector<512x256xf32>
    %add3A_70 = arith.addf %add3A_64, %convert_element_type3A_69 : vector<512x256xf32>
    %slice3A_71 = vector.extract_strided_slice %get3A_1 {offsets = [0, 12], sizes = [512, 1], strides = [1, 1]} : vector<512x16xi32> to vector<512x1xi32>
    %eq3A_72 = vector.broadcast %slice3A_71 : vector<512x1xi32> to vector<512x256xi32>
    %eq3A_73 = arith.cmpi eq, %eq3A_72, %iota3A : vector<512x256xi32>
    %convert_element_type3A_74 = arith.extui %eq3A_73 : vector<512x256xi1> to vector<512x256xi32>
    %convert_element_type3A_75 = arith.sitofp %convert_element_type3A_74 : vector<512x256xi32> to vector<512x256xf32>
    %add3A_76 = arith.addf %add3A_70, %convert_element_type3A_75 : vector<512x256xf32>
    %slice3A_77 = vector.extract_strided_slice %get3A_1 {offsets = [0, 13], sizes = [512, 1], strides = [1, 1]} : vector<512x16xi32> to vector<512x1xi32>
    %eq3A_78 = vector.broadcast %slice3A_77 : vector<512x1xi32> to vector<512x256xi32>
    %eq3A_79 = arith.cmpi eq, %eq3A_78, %iota3A : vector<512x256xi32>
    %convert_element_type3A_80 = arith.extui %eq3A_79 : vector<512x256xi1> to vector<512x256xi32>
    %convert_element_type3A_81 = arith.sitofp %convert_element_type3A_80 : vector<512x256xi32> to vector<512x256xf32>
    %add3A_82 = arith.addf %add3A_76, %convert_element_type3A_81 : vector<512x256xf32>
    %slice3A_83 = vector.extract_strided_slice %get3A_1 {offsets = [0, 14], sizes = [512, 1], strides = [1, 1]} : vector<512x16xi32> to vector<512x1xi32>
    %eq3A_84 = vector.broadcast %slice3A_83 : vector<512x1xi32> to vector<512x256xi32>
    %eq3A_85 = arith.cmpi eq, %eq3A_84, %iota3A : vector<512x256xi32>
    %convert_element_type3A_86 = arith.extui %eq3A_85 : vector<512x256xi1> to vector<512x256xi32>
    %convert_element_type3A_87 = arith.sitofp %convert_element_type3A_86 : vector<512x256xi32> to vector<512x256xf32>
    %add3A_88 = arith.addf %add3A_82, %convert_element_type3A_87 : vector<512x256xf32>
    %slice3A_89 = vector.extract_strided_slice %get3A_1 {offsets = [0, 15], sizes = [512, 1], strides = [1, 1]} : vector<512x16xi32> to vector<512x1xi32>
    %eq3A_90 = vector.broadcast %slice3A_89 : vector<512x1xi32> to vector<512x256xi32>
    %eq3A_91 = arith.cmpi eq, %eq3A_90, %iota3A : vector<512x256xi32>
    %convert_element_type3A_92 = arith.extui %eq3A_91 : vector<512x256xi1> to vector<512x256xi32>
    %convert_element_type3A_93 = arith.sitofp %convert_element_type3A_92 : vector<512x256xi32> to vector<512x256xf32>
    %add3A_94 = arith.addf %add3A_88, %convert_element_type3A_93 : vector<512x256xf32>
    %get3A_95 = arith.constant 0 : index
    %get3A_96 = arith.constant 0 : index
    %get3A_97 = vector.load %arg3[%get3A_95, %get3A_96] : memref<256x512xf32, #tpu.memory_space<vmem>>, vector<256x512xf32>
    %dot_general3A = arith.constant dense<0.000000e+00> : vector<512x512xf32>
    %dot_general3A_98 = tpu.matmul %add3A_94, %get3A_97, %dot_general3A {dimension_numbers = #tpu.dot_dimension_numbers<[1], [0], [0], [1], [0, 0, 1, 1], [], []>, transpose_lhs_hint = false} : vector<512x256xf32>, vector<256x512xf32>, vector<512x512xf32> -> vector<512x512xf32>
    %get3A_99 = arith.constant 0 : index
    %get3A_100 = arith.constant 0 : index
    %get3A_101 = vector.load %arg1[%get3A_99, %get3A_100] : memref<512x512xf32, #tpu.memory_space<vmem>>, vector<512x512xf32>
    %add3A_102 = arith.addf %get3A_101, %dot_general3A_98 : vector<512x512xf32>
    %mul3A = arith.constant 6.250000e-02 : f32
    %mul3A_103 = vector.broadcast %mul3A : f32 to vector<512x512xf32>
    %mul3A_104 = arith.mulf %add3A_102, %mul3A_103 : vector<512x512xf32>
    %get3A_105 = arith.constant 0 : index
    %get3A_106 = arith.constant 0 : index
    %get3A_107 = vector.load %arg4[%get3A_105, %get3A_106] : memref<512x512xf32, #tpu.memory_space<vmem>>, vector<512x512xf32>
    %dot_general3A_108 = arith.constant dense<0.000000e+00> : vector<512x512xf32>
    %dot_general3A_109 = tpu.matmul %mul3A_104, %get3A_107, %dot_general3A_108 {dimension_numbers = #tpu.dot_dimension_numbers<[1], [0], [0], [1], [0, 0, 1, 1], [], []>, transpose_lhs_hint = false} : vector<512x512xf32>, vector<512x512xf32>, vector<512x512xf32> -> vector<512x512xf32>
    %get3A_110 = arith.constant 0 : index
    %get3A_111 = arith.constant 0 : index
    %get3A_112 = vector.load %arg5[%get3A_110, %get3A_111] : memref<1x512xf32, #tpu.memory_space<vmem>>, vector<1x512xf32>
    %add3A_113 = vector.broadcast %get3A_112 : vector<1x512xf32> to vector<512x512xf32>
    %add3A_114 = arith.addf %dot_general3A_109, %add3A_113 : vector<512x512xf32>
    %tanh3A = math.tanh %add3A_114 : vector<512x512xf32>
    %mul3A_115 = arith.mulf %tanh3A, %tanh3A : vector<512x512xf32>
    %reduce_sum3A = arith.constant dense<0.000000e+00> : vector<512xf32>
    %reduce_sum3A_116 = vector.multi_reduction <add>, %mul3A_115, %reduce_sum3A [1] : vector<512x512xf32> to vector<512xf32>
    %broadcast_in_dim3A_117 = vector.shape_cast %reduce_sum3A_116 : vector<512xf32> to vector<512x1xf32>
    %sqrt3A = math.sqrt %broadcast_in_dim3A_117 : vector<512x1xf32>
    %max3A = arith.constant 9.99999996E-13 : f32
    %max3A_118 = vector.broadcast %max3A : f32 to vector<512x1xf32>
    %max3A_119 = arith.maximumf %sqrt3A, %max3A_118 : vector<512x1xf32>
    %div3A = vector.broadcast %max3A_119 : vector<512x1xf32> to vector<512x512xf32>
    %div3A_120 = arith.divf %tanh3A, %div3A : vector<512x512xf32>
    %swap3A = arith.constant 0 : index
    %swap3A_121 = arith.constant 0 : index
    %swap3A_122 = vector.load %arg6[%swap3A, %swap3A_121] : memref<512x512xf32, #tpu.memory_space<vmem>>, vector<512x512xf32>
    tpu.vector_store %arg6[%swap3A, %swap3A_121], %div3A_120 {strides = array<i32>} : memref<512x512xf32, #tpu.memory_space<vmem>>, vector<512x512xf32>,
    return
  }
  func.func @transform_0(%arg0: i32) -> (i32, i32) {
    %c0_i32 = arith.constant 0 : i32
    %c0_i32_0 = arith.constant 0 : i32
    return %arg0, %c0_i32 : i32, i32
  }
  func.func @transform_1(%arg0: i32) -> (i32, i32) {
    %c0_i32 = arith.constant 0 : i32
    %c0_i32_0 = arith.constant 0 : i32
    return %arg0, %c0_i32 : i32, i32
  }
  func.func @transform_2(%arg0: i32) -> (i32, i32) {
    %c0_i32 = arith.constant 0 : i32
    %c0_i32_0 = arith.constant 0 : i32
    %c0_i32_1 = arith.constant 0 : i32
    return %c0_i32, %c0_i32_0 : i32, i32
  }
  func.func @transform_3(%arg0: i32) -> (i32, i32) {
    %c0_i32 = arith.constant 0 : i32
    %c0_i32_0 = arith.constant 0 : i32
    %c0_i32_1 = arith.constant 0 : i32
    return %c0_i32, %c0_i32_0 : i32, i32
  }
  func.func @transform_4(%arg0: i32) -> (i32, i32) {
    %c0_i32 = arith.constant 0 : i32
    %c0_i32_0 = arith.constant 0 : i32
    %c0_i32_1 = arith.constant 0 : i32
    return %c0_i32, %c0_i32_0 : i32, i32
  }
  func.func @transform_5(%arg0: i32) -> (i32, i32) {
    %c0_i32 = arith.constant 0 : i32
    %c0_i32_0 = arith.constant 0 : i32
    return %arg0, %c0_i32 : i32, i32
  }
}

module attributes {stable_mosaic.version = 14 : i64} {
  func.func @_loss_body(%arg0: i32, %arg1: memref<256x512xf32, #tpu.memory_space<vmem>>, %arg2: memref<256x512xf32, #tpu.memory_space<vmem>>, %arg3: memref<256x512xf32, #tpu.memory_space<vmem>>, %arg4: memref<256x512xf32, #tpu.memory_space<vmem>>, %arg5: memref<256x512xf32, #tpu.memory_space<vmem>>, %arg6: memref<256x512xf32, #tpu.memory_space<vmem>>, %arg7: memref<256x512xf32, #tpu.memory_space<vmem>>, %arg8: memref<256x512xf32, #tpu.memory_space<vmem>>, %arg9: memref<256x512xf32, #tpu.memory_space<vmem>>, %arg10: memref<256x512xf32, #tpu.memory_space<vmem>>, %arg11: memref<256x512xf32, #tpu.memory_space<vmem>>, %arg12: memref<256x512xf32, #tpu.memory_space<vmem>>, %arg13: memref<256x512xf32, #tpu.memory_space<vmem>>, %arg14: memref<256x512xf32, #tpu.memory_space<vmem>>, %arg15: memref<256x512xf32, #tpu.memory_space<vmem>>, %arg16: memref<256x512xf32, #tpu.memory_space<vmem>>, %arg17: memref<256x512xf32, #tpu.memory_space<vmem>>, %arg18: memref<256x512xf32, #tpu.memory_space<vmem>>, %arg19: memref<1x1xf32, #tpu.memory_space<vmem>>) attributes {dimension_semantics = [#tpu.dimension_semantics<arbitrary>], iteration_bounds = array<i64: 4>, scalar_prefetch = 0 : i64, scratch_operands = 0 : i64, tpu.core_type = #tpu.core_type<tc>, window_params = [{transform_indices = @transform_0, window_bounds = array<i64: 256, 512>}, {transform_indices = @transform_1, window_bounds = array<i64: 256, 512>}, {transform_indices = @transform_2, window_bounds = array<i64: 256, 512>}, {transform_indices = @transform_3, window_bounds = array<i64: 256, 512>}, {transform_indices = @transform_4, window_bounds = array<i64: 256, 512>}, {transform_indices = @transform_5, window_bounds = array<i64: 256, 512>}, {transform_indices = @transform_6, window_bounds = array<i64: 256, 512>}, {transform_indices = @transform_7, window_bounds = array<i64: 256, 512>}, {transform_indices = @transform_8, window_bounds = array<i64: 256, 512>}, {transform_indices = @transform_9, window_bounds = array<i64: 256, 512>}, {transform_indices = @transform_10, window_bounds = array<i64: 256, 512>}, {transform_indices = @transform_11, window_bounds = array<i64: 256, 512>}, {transform_indices = @transform_12, window_bounds = array<i64: 256, 512>}, {transform_indices = @transform_13, window_bounds = array<i64: 256, 512>}, {transform_indices = @transform_14, window_bounds = array<i64: 256, 512>}, {transform_indices = @transform_15, window_bounds = array<i64: 256, 512>}, {transform_indices = @transform_16, window_bounds = array<i64: 256, 512>}, {transform_indices = @transform_17, window_bounds = array<i64: 256, 512>}, {pipeline_mode = #tpu.pipeline_mode<synchronous>, transform_indices = @transform_18, window_bounds = array<i64: 1, 1>}]} {
    %get3A = arith.constant 0 : index
    %get3A_0 = arith.constant 0 : index
    %get3A_1 = vector.load %arg1[%get3A, %get3A_0] : memref<256x512xf32, #tpu.memory_space<vmem>>, vector<256x512xf32>
    %get3A_2 = arith.constant 0 : index
    %get3A_3 = arith.constant 0 : index
    %get3A_4 = vector.load %arg7[%get3A_2, %get3A_3] : memref<256x512xf32, #tpu.memory_space<vmem>>, vector<256x512xf32>
    %mul3A = arith.mulf %get3A_4, %get3A_4 : vector<256x512xf32>
    %reduce_sum3A = arith.constant dense<0.000000e+00> : vector<256xf32>
    %reduce_sum3A_5 = vector.multi_reduction <add>, %mul3A, %reduce_sum3A [1] : vector<256x512xf32> to vector<256xf32>
    %broadcast_in_dim3A = vector.shape_cast %reduce_sum3A_5 : vector<256xf32> to vector<256x1xf32>
    %sqrt3A = math.sqrt %broadcast_in_dim3A : vector<256x1xf32>
    %max3A = arith.constant 9.99999996E-13 : f32
    %max3A_6 = vector.broadcast %max3A : f32 to vector<256x1xf32>
    %max3A_7 = arith.maximumf %sqrt3A, %max3A_6 : vector<256x1xf32>
    %div3A = vector.broadcast %max3A_7 : vector<256x1xf32> to vector<256x512xf32>
    %div3A_8 = arith.divf %get3A_4, %div3A : vector<256x512xf32>
    %get3A_9 = arith.constant 0 : index
    %get3A_10 = arith.constant 0 : index
    %get3A_11 = vector.load %arg2[%get3A_9, %get3A_10] : memref<256x512xf32, #tpu.memory_space<vmem>>, vector<256x512xf32>
    %add3A = arith.addf %get3A_1, %div3A_8 : vector<256x512xf32>
    %sub3A = arith.subf %add3A, %get3A_11 : vector<256x512xf32>
    %abs3A = math.absf %sub3A : vector<256x512xf32>
    %reduce_sum3A_12 = arith.constant dense<0.000000e+00> : vector<256xf32>
    %reduce_sum3A_13 = vector.multi_reduction <add>, %abs3A, %reduce_sum3A_12 [1] : vector<256x512xf32> to vector<256xf32>
    %neg3A = arith.constant 0.000000e+00 : f32
    %neg3A_14 = vector.broadcast %neg3A : f32 to vector<256xf32>
    %neg3A_15 = arith.subf %neg3A_14, %reduce_sum3A_13 : vector<256xf32>
    %get3A_16 = arith.constant 0 : index
    %get3A_17 = arith.constant 0 : index
    %get3A_18 = vector.load %arg3[%get3A_16, %get3A_17] : memref<256x512xf32, #tpu.memory_space<vmem>>, vector<256x512xf32>
    %get3A_19 = arith.constant 0 : index
    %get3A_20 = arith.constant 0 : index
    %get3A_21 = vector.load %arg8[%get3A_19, %get3A_20] : memref<256x512xf32, #tpu.memory_space<vmem>>, vector<256x512xf32>
    %mul3A_22 = arith.mulf %get3A_21, %get3A_21 : vector<256x512xf32>
    %reduce_sum3A_23 = arith.constant dense<0.000000e+00> : vector<256xf32>
    %reduce_sum3A_24 = vector.multi_reduction <add>, %mul3A_22, %reduce_sum3A_23 [1] : vector<256x512xf32> to vector<256xf32>
    %broadcast_in_dim3A_25 = vector.shape_cast %reduce_sum3A_24 : vector<256xf32> to vector<256x1xf32>
    %sqrt3A_26 = math.sqrt %broadcast_in_dim3A_25 : vector<256x1xf32>
    %max3A_27 = arith.constant 9.99999996E-13 : f32
    %max3A_28 = vector.broadcast %max3A_27 : f32 to vector<256x1xf32>
    %max3A_29 = arith.maximumf %sqrt3A_26, %max3A_28 : vector<256x1xf32>
    %div3A_30 = vector.broadcast %max3A_29 : vector<256x1xf32> to vector<256x512xf32>
    %div3A_31 = arith.divf %get3A_21, %div3A_30 : vector<256x512xf32>
    %get3A_32 = arith.constant 0 : index
    %get3A_33 = arith.constant 0 : index
    %get3A_34 = vector.load %arg5[%get3A_32, %get3A_33] : memref<256x512xf32, #tpu.memory_space<vmem>>, vector<256x512xf32>
    %add3A_35 = arith.addf %get3A_18, %div3A_31 : vector<256x512xf32>
    %sub3A_36 = arith.subf %add3A_35, %get3A_34 : vector<256x512xf32>
    %abs3A_37 = math.absf %sub3A_36 : vector<256x512xf32>
    %reduce_sum3A_38 = arith.constant dense<0.000000e+00> : vector<256xf32>
    %reduce_sum3A_39 = vector.multi_reduction <add>, %abs3A_37, %reduce_sum3A_38 [1] : vector<256x512xf32> to vector<256xf32>
    %neg3A_40 = arith.constant 0.000000e+00 : f32
    %neg3A_41 = vector.broadcast %neg3A_40 : f32 to vector<256xf32>
    %neg3A_42 = arith.subf %neg3A_41, %reduce_sum3A_39 : vector<256xf32>
    %get3A_43 = arith.constant 0 : index
    %get3A_44 = arith.constant 0 : index
    %get3A_45 = vector.load %arg4[%get3A_43, %get3A_44] : memref<256x512xf32, #tpu.memory_space<vmem>>, vector<256x512xf32>
    %get3A_46 = arith.constant 0 : index
    %get3A_47 = arith.constant 0 : index
    %get3A_48 = vector.load %arg9[%get3A_46, %get3A_47] : memref<256x512xf32, #tpu.memory_space<vmem>>, vector<256x512xf32>
    %mul3A_49 = arith.mulf %get3A_48, %get3A_48 : vector<256x512xf32>
    %reduce_sum3A_50 = arith.constant dense<0.000000e+00> : vector<256xf32>
    %reduce_sum3A_51 = vector.multi_reduction <add>, %mul3A_49, %reduce_sum3A_50 [1] : vector<256x512xf32> to vector<256xf32>
    %broadcast_in_dim3A_52 = vector.shape_cast %reduce_sum3A_51 : vector<256xf32> to vector<256x1xf32>
    %sqrt3A_53 = math.sqrt %broadcast_in_dim3A_52 : vector<256x1xf32>
    %max3A_54 = arith.constant 9.99999996E-13 : f32
    %max3A_55 = vector.broadcast %max3A_54 : f32 to vector<256x1xf32>
    %max3A_56 = arith.maximumf %sqrt3A_53, %max3A_55 : vector<256x1xf32>
    %div3A_57 = vector.broadcast %max3A_56 : vector<256x1xf32> to vector<256x512xf32>
    %div3A_58 = arith.divf %get3A_48, %div3A_57 : vector<256x512xf32>
    %get3A_59 = arith.constant 0 : index
    %get3A_60 = arith.constant 0 : index
    %get3A_61 = vector.load %arg6[%get3A_59, %get3A_60] : memref<256x512xf32, #tpu.memory_space<vmem>>, vector<256x512xf32>
    %add3A_62 = arith.addf %get3A_45, %div3A_58 : vector<256x512xf32>
    %sub3A_63 = arith.subf %add3A_62, %get3A_61 : vector<256x512xf32>
    %abs3A_64 = math.absf %sub3A_63 : vector<256x512xf32>
    %reduce_sum3A_65 = arith.constant dense<0.000000e+00> : vector<256xf32>
    %reduce_sum3A_66 = vector.multi_reduction <add>, %abs3A_64, %reduce_sum3A_65 [1] : vector<256x512xf32> to vector<256xf32>
    %neg3A_67 = arith.constant 0.000000e+00 : f32
    %neg3A_68 = vector.broadcast %neg3A_67 : f32 to vector<256xf32>
    %neg3A_69 = arith.subf %neg3A_68, %reduce_sum3A_66 : vector<256xf32>
    %add3A_70 = arith.addf %neg3A_42, %neg3A_69 : vector<256xf32>
    %sub3A_71 = arith.subf %add3A_70, %neg3A_15 : vector<256xf32>
    %add3A_72 = arith.constant 1.000000e+00 : f32
    %add3A_73 = vector.broadcast %add3A_72 : f32 to vector<256xf32>
    %add3A_74 = arith.addf %sub3A_71, %add3A_73 : vector<256xf32>
    %max3A_75 = arith.constant 0.000000e+00 : f32
    %max3A_76 = vector.broadcast %max3A_75 : f32 to vector<256xf32>
    %max3A_77 = arith.maximumf %add3A_74, %max3A_76 : vector<256xf32>
    %reduce_sum3A_78 = vector.shape_cast %max3A_77 : vector<256xf32> to vector<1x256xf32>
    %reduce_sum3A_79 = arith.constant dense<0.000000e+00> : vector<1xf32>
    %reduce_sum3A_80 = vector.multi_reduction <add>, %reduce_sum3A_78, %reduce_sum3A_79 [1] : vector<1x256xf32> to vector<1xf32>
    %reduce_sum3A_81 = vector.shape_cast %reduce_sum3A_80 : vector<1xf32> to vector<1x1xf32>
    %reduce_sum3A_82 = vector.extract %reduce_sum3A_81[0, 0] : f32 from vector<1x1xf32>
    %get3A_83 = arith.constant 0 : index
    %get3A_84 = arith.constant 0 : index
    %get3A_85 = vector.load %arg10[%get3A_83, %get3A_84] : memref<256x512xf32, #tpu.memory_space<vmem>>, vector<256x512xf32>
    %mul3A_86 = arith.mulf %get3A_85, %get3A_85 : vector<256x512xf32>
    %reduce_sum3A_87 = arith.constant dense<0.000000e+00> : vector<256xf32>
    %reduce_sum3A_88 = vector.multi_reduction <add>, %mul3A_86, %reduce_sum3A_87 [1] : vector<256x512xf32> to vector<256xf32>
    %broadcast_in_dim3A_89 = vector.shape_cast %reduce_sum3A_88 : vector<256xf32> to vector<256x1xf32>
    %sqrt3A_90 = math.sqrt %broadcast_in_dim3A_89 : vector<256x1xf32>
    %max3A_91 = arith.constant 9.99999996E-13 : f32
    %max3A_92 = vector.broadcast %max3A_91 : f32 to vector<256x1xf32>
    %max3A_93 = arith.maximumf %sqrt3A_90, %max3A_92 : vector<256x1xf32>
    %div3A_94 = vector.broadcast %max3A_93 : vector<256x1xf32> to vector<256x512xf32>
    %div3A_95 = arith.divf %get3A_85, %div3A_94 : vector<256x512xf32>
    %get3A_96 = arith.constant 0 : index
    %get3A_97 = arith.constant 0 : index
    %get3A_98 = vector.load %arg11[%get3A_96, %get3A_97] : memref<256x512xf32, #tpu.memory_space<vmem>>, vector<256x512xf32>
    %mul3A_99 = arith.mulf %get3A_98, %get3A_98 : vector<256x512xf32>
    %reduce_sum3A_100 = arith.constant dense<0.000000e+00> : vector<256xf32>
    %reduce_sum3A_101 = vector.multi_reduction <add>, %mul3A_99, %reduce_sum3A_100 [1] : vector<256x512xf32> to vector<256xf32>
    %broadcast_in_dim3A_102 = vector.shape_cast %reduce_sum3A_101 : vector<256xf32> to vector<256x1xf32>
    %sqrt3A_103 = math.sqrt %broadcast_in_dim3A_102 : vector<256x1xf32>
    %max3A_104 = arith.constant 9.99999996E-13 : f32
    %max3A_105 = vector.broadcast %max3A_104 : f32 to vector<256x1xf32>
    %max3A_106 = arith.maximumf %sqrt3A_103, %max3A_105 : vector<256x1xf32>
    %div3A_107 = vector.broadcast %max3A_106 : vector<256x1xf32> to vector<256x512xf32>
    %div3A_108 = arith.divf %get3A_98, %div3A_107 : vector<256x512xf32>
    %get3A_109 = arith.constant 0 : index
    %get3A_110 = arith.constant 0 : index
    %get3A_111 = vector.load %arg12[%get3A_109, %get3A_110] : memref<256x512xf32, #tpu.memory_space<vmem>>, vector<256x512xf32>
    %mul3A_112 = arith.mulf %get3A_111, %get3A_111 : vector<256x512xf32>
    %reduce_sum3A_113 = arith.constant dense<0.000000e+00> : vector<256xf32>
    %reduce_sum3A_114 = vector.multi_reduction <add>, %mul3A_112, %reduce_sum3A_113 [1] : vector<256x512xf32> to vector<256xf32>
    %broadcast_in_dim3A_115 = vector.shape_cast %reduce_sum3A_114 : vector<256xf32> to vector<256x1xf32>
    %sqrt3A_116 = math.sqrt %broadcast_in_dim3A_115 : vector<256x1xf32>
    %max3A_117 = arith.constant 9.99999996E-13 : f32
    %max3A_118 = vector.broadcast %max3A_117 : f32 to vector<256x1xf32>
    %max3A_119 = arith.maximumf %sqrt3A_116, %max3A_118 : vector<256x1xf32>
    %div3A_120 = vector.broadcast %max3A_119 : vector<256x1xf32> to vector<256x512xf32>
    %div3A_121 = arith.divf %get3A_111, %div3A_120 : vector<256x512xf32>
    %add3A_122 = arith.addf %div3A_95, %div3A_108 : vector<256x512xf32>
    %sub3A_123 = arith.subf %add3A_122, %div3A_121 : vector<256x512xf32>
    %abs3A_124 = math.absf %sub3A_123 : vector<256x512xf32>
    %reduce_sum3A_125 = arith.constant dense<0.000000e+00> : vector<256xf32>
    %reduce_sum3A_126 = vector.multi_reduction <add>, %abs3A_124, %reduce_sum3A_125 [1] : vector<256x512xf32> to vector<256xf32>
    %neg3A_127 = arith.constant 0.000000e+00 : f32
    %neg3A_128 = vector.broadcast %neg3A_127 : f32 to vector<256xf32>
    %neg3A_129 = arith.subf %neg3A_128, %reduce_sum3A_126 : vector<256xf32>
    %get3A_130 = arith.constant 0 : index
    %get3A_131 = arith.constant 0 : index
    %get3A_132 = vector.load %arg13[%get3A_130, %get3A_131] : memref<256x512xf32, #tpu.memory_space<vmem>>, vector<256x512xf32>
    %mul3A_133 = arith.mulf %get3A_132, %get3A_132 : vector<256x512xf32>
    %reduce_sum3A_134 = arith.constant dense<0.000000e+00> : vector<256xf32>
    %reduce_sum3A_135 = vector.multi_reduction <add>, %mul3A_133, %reduce_sum3A_134 [1] : vector<256x512xf32> to vector<256xf32>
    %broadcast_in_dim3A_136 = vector.shape_cast %reduce_sum3A_135 : vector<256xf32> to vector<256x1xf32>
    %sqrt3A_137 = math.sqrt %broadcast_in_dim3A_136 : vector<256x1xf32>
    %max3A_138 = arith.constant 9.99999996E-13 : f32
    %max3A_139 = vector.broadcast %max3A_138 : f32 to vector<256x1xf32>
    %max3A_140 = arith.maximumf %sqrt3A_137, %max3A_139 : vector<256x1xf32>
    %div3A_141 = vector.broadcast %max3A_140 : vector<256x1xf32> to vector<256x512xf32>
    %div3A_142 = arith.divf %get3A_132, %div3A_141 : vector<256x512xf32>
    %get3A_143 = arith.constant 0 : index
    %get3A_144 = arith.constant 0 : index
    %get3A_145 = vector.load %arg15[%get3A_143, %get3A_144] : memref<256x512xf32, #tpu.memory_space<vmem>>, vector<256x512xf32>
    %mul3A_146 = arith.mulf %get3A_145, %get3A_145 : vector<256x512xf32>
    %reduce_sum3A_147 = arith.constant dense<0.000000e+00> : vector<256xf32>
    %reduce_sum3A_148 = vector.multi_reduction <add>, %mul3A_146, %reduce_sum3A_147 [1] : vector<256x512xf32> to vector<256xf32>
    %broadcast_in_dim3A_149 = vector.shape_cast %reduce_sum3A_148 : vector<256xf32> to vector<256x1xf32>
    %sqrt3A_150 = math.sqrt %broadcast_in_dim3A_149 : vector<256x1xf32>
    %max3A_151 = arith.constant 9.99999996E-13 : f32
    %max3A_152 = vector.broadcast %max3A_151 : f32 to vector<256x1xf32>
    %max3A_153 = arith.maximumf %sqrt3A_150, %max3A_152 : vector<256x1xf32>
    %div3A_154 = vector.broadcast %max3A_153 : vector<256x1xf32> to vector<256x512xf32>
    %div3A_155 = arith.divf %get3A_145, %div3A_154 : vector<256x512xf32>
    %get3A_156 = arith.constant 0 : index
    %get3A_157 = arith.constant 0 : index
    %get3A_158 = vector.load %arg17[%get3A_156, %get3A_157] : memref<256x512xf32, #tpu.memory_space<vmem>>, vector<256x512xf32>
    %mul3A_159 = arith.mulf %get3A_158, %get3A_158 : vector<256x512xf32>
    %reduce_sum3A_160 = arith.constant dense<0.000000e+00> : vector<256xf32>
    %reduce_sum3A_161 = vector.multi_reduction <add>, %mul3A_159, %reduce_sum3A_160 [1] : vector<256x512xf32> to vector<256xf32>
    %broadcast_in_dim3A_162 = vector.shape_cast %reduce_sum3A_161 : vector<256xf32> to vector<256x1xf32>
    %sqrt3A_163 = math.sqrt %broadcast_in_dim3A_162 : vector<256x1xf32>
    %max3A_164 = arith.constant 9.99999996E-13 : f32
    %max3A_165 = vector.broadcast %max3A_164 : f32 to vector<256x1xf32>
    %max3A_166 = arith.maximumf %sqrt3A_163, %max3A_165 : vector<256x1xf32>
    %div3A_167 = vector.broadcast %max3A_166 : vector<256x1xf32> to vector<256x512xf32>
    %div3A_168 = arith.divf %get3A_158, %div3A_167 : vector<256x512xf32>
    %add3A_169 = arith.addf %div3A_142, %div3A_155 : vector<256x512xf32>
    %sub3A_170 = arith.subf %add3A_169, %div3A_168 : vector<256x512xf32>
    %abs3A_171 = math.absf %sub3A_170 : vector<256x512xf32>
    %reduce_sum3A_172 = arith.constant dense<0.000000e+00> : vector<256xf32>
    %reduce_sum3A_173 = vector.multi_reduction <add>, %abs3A_171, %reduce_sum3A_172 [1] : vector<256x512xf32> to vector<256xf32>
    %neg3A_174 = arith.constant 0.000000e+00 : f32
    %neg3A_175 = vector.broadcast %neg3A_174 : f32 to vector<256xf32>
    %neg3A_176 = arith.subf %neg3A_175, %reduce_sum3A_173 : vector<256xf32>
    %get3A_177 = arith.constant 0 : index
    %get3A_178 = arith.constant 0 : index
    %get3A_179 = vector.load %arg14[%get3A_177, %get3A_178] : memref<256x512xf32, #tpu.memory_space<vmem>>, vector<256x512xf32>
    %mul3A_180 = arith.mulf %get3A_179, %get3A_179 : vector<256x512xf32>
    %reduce_sum3A_181 = arith.constant dense<0.000000e+00> : vector<256xf32>
    %reduce_sum3A_182 = vector.multi_reduction <add>, %mul3A_180, %reduce_sum3A_181 [1] : vector<256x512xf32> to vector<256xf32>
    %broadcast_in_dim3A_183 = vector.shape_cast %reduce_sum3A_182 : vector<256xf32> to vector<256x1xf32>
    %sqrt3A_184 = math.sqrt %broadcast_in_dim3A_183 : vector<256x1xf32>
    %max3A_185 = arith.constant 9.99999996E-13 : f32
    %max3A_186 = vector.broadcast %max3A_185 : f32 to vector<256x1xf32>
    %max3A_187 = arith.maximumf %sqrt3A_184, %max3A_186 : vector<256x1xf32>
    %div3A_188 = vector.broadcast %max3A_187 : vector<256x1xf32> to vector<256x512xf32>
    %div3A_189 = arith.divf %get3A_179, %div3A_188 : vector<256x512xf32>
    %get3A_190 = arith.constant 0 : index
    %get3A_191 = arith.constant 0 : index
    %get3A_192 = vector.load %arg16[%get3A_190, %get3A_191] : memref<256x512xf32, #tpu.memory_space<vmem>>, vector<256x512xf32>
    %mul3A_193 = arith.mulf %get3A_192, %get3A_192 : vector<256x512xf32>
    %reduce_sum3A_194 = arith.constant dense<0.000000e+00> : vector<256xf32>
    %reduce_sum3A_195 = vector.multi_reduction <add>, %mul3A_193, %reduce_sum3A_194 [1] : vector<256x512xf32> to vector<256xf32>
    %broadcast_in_dim3A_196 = vector.shape_cast %reduce_sum3A_195 : vector<256xf32> to vector<256x1xf32>
    %sqrt3A_197 = math.sqrt %broadcast_in_dim3A_196 : vector<256x1xf32>
    %max3A_198 = arith.constant 9.99999996E-13 : f32
    %max3A_199 = vector.broadcast %max3A_198 : f32 to vector<256x1xf32>
    %max3A_200 = arith.maximumf %sqrt3A_197, %max3A_199 : vector<256x1xf32>
    %div3A_201 = vector.broadcast %max3A_200 : vector<256x1xf32> to vector<256x512xf32>
    %div3A_202 = arith.divf %get3A_192, %div3A_201 : vector<256x512xf32>
    %get3A_203 = arith.constant 0 : index
    %get3A_204 = arith.constant 0 : index
    %get3A_205 = vector.load %arg18[%get3A_203, %get3A_204] : memref<256x512xf32, #tpu.memory_space<vmem>>, vector<256x512xf32>
    %mul3A_206 = arith.mulf %get3A_205, %get3A_205 : vector<256x512xf32>
    %reduce_sum3A_207 = arith.constant dense<0.000000e+00> : vector<256xf32>
    %reduce_sum3A_208 = vector.multi_reduction <add>, %mul3A_206, %reduce_sum3A_207 [1] : vector<256x512xf32> to vector<256xf32>
    %broadcast_in_dim3A_209 = vector.shape_cast %reduce_sum3A_208 : vector<256xf32> to vector<256x1xf32>
    %sqrt3A_210 = math.sqrt %broadcast_in_dim3A_209 : vector<256x1xf32>
    %max3A_211 = arith.constant 9.99999996E-13 : f32
    %max3A_212 = vector.broadcast %max3A_211 : f32 to vector<256x1xf32>
    %max3A_213 = arith.maximumf %sqrt3A_210, %max3A_212 : vector<256x1xf32>
    %div3A_214 = vector.broadcast %max3A_213 : vector<256x1xf32> to vector<256x512xf32>
    %div3A_215 = arith.divf %get3A_205, %div3A_214 : vector<256x512xf32>
    %add3A_216 = arith.addf %div3A_189, %div3A_202 : vector<256x512xf32>
    %sub3A_217 = arith.subf %add3A_216, %div3A_215 : vector<256x512xf32>
    %abs3A_218 = math.absf %sub3A_217 : vector<256x512xf32>
    %reduce_sum3A_219 = arith.constant dense<0.000000e+00> : vector<256xf32>
    %reduce_sum3A_220 = vector.multi_reduction <add>, %abs3A_218, %reduce_sum3A_219 [1] : vector<256x512xf32> to vector<256xf32>
    %neg3A_221 = arith.constant 0.000000e+00 : f32
    %neg3A_222 = vector.broadcast %neg3A_221 : f32 to vector<256xf32>
    %neg3A_223 = arith.subf %neg3A_222, %reduce_sum3A_220 : vector<256xf32>
    %add3A_224 = arith.addf %neg3A_176, %neg3A_223 : vector<256xf32>
    %sub3A_225 = arith.subf %add3A_224, %neg3A_129 : vector<256xf32>
    %add3A_226 = arith.constant 1.000000e+00 : f32
    %add3A_227 = vector.broadcast %add3A_226 : f32 to vector<256xf32>
    %add3A_228 = arith.addf %sub3A_225, %add3A_227 : vector<256xf32>
    %max3A_229 = arith.constant 0.000000e+00 : f32
    %max3A_230 = vector.broadcast %max3A_229 : f32 to vector<256xf32>
    %max3A_231 = arith.maximumf %add3A_228, %max3A_230 : vector<256xf32>
    %reduce_sum3A_232 = vector.shape_cast %max3A_231 : vector<256xf32> to vector<1x256xf32>
    %reduce_sum3A_233 = arith.constant dense<0.000000e+00> : vector<1xf32>
    %reduce_sum3A_234 = vector.multi_reduction <add>, %reduce_sum3A_232, %reduce_sum3A_233 [1] : vector<1x256xf32> to vector<1xf32>
    %reduce_sum3A_235 = vector.shape_cast %reduce_sum3A_234 : vector<1xf32> to vector<1x1xf32>
    %reduce_sum3A_236 = vector.extract %reduce_sum3A_235[0, 0] : f32 from vector<1x1xf32>
    %eq3A = arith.constant 0 : i32
    %eq3A_237 = arith.cmpi eq, %arg0, %eq3A : i32
    %convert_element_type3A = arith.extui %eq3A_237 : i1 to i32
    %cond3A = arith.constant 0 : i32
    %cond3A_238 = arith.cmpi ne, %convert_element_type3A, %cond3A : i32
    scf.if %cond3A_238 {
      %broadcast_in_dim3A_247 = arith.constant 0.000000e+00 : f32
      %broadcast_in_dim3A_248 = vector.broadcast %broadcast_in_dim3A_247 : f32 to vector<1x1xf32>
      %swap3A_249 = arith.constant 0 : index
      %swap3A_250 = arith.constant 0 : index
      %swap3A_251 = vector.load %arg19[%swap3A_249, %swap3A_250] : memref<1x1xf32, #tpu.memory_space<vmem>>, vector<1x1xf32>
      tpu.vector_store %arg19[%swap3A_249, %swap3A_250], %broadcast_in_dim3A_248 {strides = array<i32>} : memref<1x1xf32, #tpu.memory_space<vmem>>, vector<1x1xf32>,
    } else {
    }
    %get3A_239 = arith.constant 0 : index
    %get3A_240 = arith.constant 0 : index
    %get3A_241 = vector.load %arg19[%get3A_239, %get3A_240] : memref<1x1xf32, #tpu.memory_space<vmem>>, vector<1x1xf32>
    %add3A_242 = arith.addf %reduce_sum3A_82, %reduce_sum3A_236 : f32
    %broadcast_in_dim3A_243 = vector.broadcast %add3A_242 : f32 to vector<1x1xf32>
    %add3A_244 = arith.addf %get3A_241, %broadcast_in_dim3A_243 : vector<1x1xf32>
    %swap3A = arith.constant 0 : index
    %swap3A_245 = arith.constant 0 : index
    %swap3A_246 = vector.load %arg19[%swap3A, %swap3A_245] : memref<1x1xf32, #tpu.memory_space<vmem>>, vector<1x1xf32>
    tpu.vector_store %arg19[%swap3A, %swap3A_245], %add3A_244 {strides = array<i32>} : memref<1x1xf32, #tpu.memory_space<vmem>>, vector<1x1xf32>,
    return
  }
  func.func @transform_0(%arg0: i32) -> (i32, i32) {
    %add3A = arith.constant 0 : i32
    %add3A_0 = arith.addi %add3A, %arg0 : i32
    %c0_i32 = arith.constant 0 : i32
    %c0_i32_1 = arith.constant 0 : i32
    return %add3A_0, %c0_i32 : i32, i32
  }
  func.func @transform_1(%arg0: i32) -> (i32, i32) {
    %add3A = arith.constant 4 : i32
    %add3A_0 = arith.addi %add3A, %arg0 : i32
    %c0_i32 = arith.constant 0 : i32
    %c0_i32_1 = arith.constant 0 : i32
    return %add3A_0, %c0_i32 : i32, i32
  }
  func.func @transform_2(%arg0: i32) -> (i32, i32) {
    %add3A = arith.constant 8 : i32
    %add3A_0 = arith.addi %add3A, %arg0 : i32
    %c0_i32 = arith.constant 0 : i32
    %c0_i32_1 = arith.constant 0 : i32
    return %add3A_0, %c0_i32 : i32, i32
  }
  func.func @transform_3(%arg0: i32) -> (i32, i32) {
    %add3A = arith.constant 12 : i32
    %add3A_0 = arith.addi %add3A, %arg0 : i32
    %c0_i32 = arith.constant 0 : i32
    %c0_i32_1 = arith.constant 0 : i32
    return %add3A_0, %c0_i32 : i32, i32
  }
  func.func @transform_4(%arg0: i32) -> (i32, i32) {
    %add3A = arith.constant 16 : i32
    %add3A_0 = arith.addi %add3A, %arg0 : i32
    %c0_i32 = arith.constant 0 : i32
    %c0_i32_1 = arith.constant 0 : i32
    return %add3A_0, %c0_i32 : i32, i32
  }
  func.func @transform_5(%arg0: i32) -> (i32, i32) {
    %add3A = arith.constant 20 : i32
    %add3A_0 = arith.addi %add3A, %arg0 : i32
    %c0_i32 = arith.constant 0 : i32
    %c0_i32_1 = arith.constant 0 : i32
    return %add3A_0, %c0_i32 : i32, i32
  }
  func.func @transform_6(%arg0: i32) -> (i32, i32) {
    %add3A = arith.constant 0 : i32
    %add3A_0 = arith.addi %add3A, %arg0 : i32
    %c0_i32 = arith.constant 0 : i32
    %c0_i32_1 = arith.constant 0 : i32
    return %add3A_0, %c0_i32 : i32, i32
  }
  func.func @transform_7(%arg0: i32) -> (i32, i32) {
    %add3A = arith.constant 4 : i32
    %add3A_0 = arith.addi %add3A, %arg0 : i32
    %c0_i32 = arith.constant 0 : i32
    %c0_i32_1 = arith.constant 0 : i32
    return %add3A_0, %c0_i32 : i32, i32
  }
  func.func @transform_8(%arg0: i32) -> (i32, i32) {
    %add3A = arith.constant 8 : i32
    %add3A_0 = arith.addi %add3A, %arg0 : i32
    %c0_i32 = arith.constant 0 : i32
    %c0_i32_1 = arith.constant 0 : i32
    return %add3A_0, %c0_i32 : i32, i32
  }
  func.func @transform_9(%arg0: i32) -> (i32, i32) {
    %add3A = arith.constant 0 : i32
    %add3A_0 = arith.addi %add3A, %arg0 : i32
    %c0_i32 = arith.constant 0 : i32
    %c0_i32_1 = arith.constant 0 : i32
    return %add3A_0, %c0_i32 : i32, i32
  }
  func.func @transform_10(%arg0: i32) -> (i32, i32) {
    %add3A = arith.constant 4 : i32
    %add3A_0 = arith.addi %add3A, %arg0 : i32
    %c0_i32 = arith.constant 0 : i32
    %c0_i32_1 = arith.constant 0 : i32
    return %add3A_0, %c0_i32 : i32, i32
  }
  func.func @transform_11(%arg0: i32) -> (i32, i32) {
    %add3A = arith.constant 8 : i32
    %add3A_0 = arith.addi %add3A, %arg0 : i32
    %c0_i32 = arith.constant 0 : i32
    %c0_i32_1 = arith.constant 0 : i32
    return %add3A_0, %c0_i32 : i32, i32
  }
  func.func @transform_12(%arg0: i32) -> (i32, i32) {
    %add3A = arith.constant 12 : i32
    %add3A_0 = arith.addi %add3A, %arg0 : i32
    %c0_i32 = arith.constant 0 : i32
    %c0_i32_1 = arith.constant 0 : i32
    return %add3A_0, %c0_i32 : i32, i32
  }
  func.func @transform_13(%arg0: i32) -> (i32, i32) {
    %add3A = arith.constant 16 : i32
    %add3A_0 = arith.addi %add3A, %arg0 : i32
    %c0_i32 = arith.constant 0 : i32
    %c0_i32_1 = arith.constant 0 : i32
    return %add3A_0, %c0_i32 : i32, i32
  }
  func.func @transform_14(%arg0: i32) -> (i32, i32) {
    %add3A = arith.constant 20 : i32
    %add3A_0 = arith.addi %add3A, %arg0 : i32
    %c0_i32 = arith.constant 0 : i32
    %c0_i32_1 = arith.constant 0 : i32
    return %add3A_0, %c0_i32 : i32, i32
  }
  func.func @transform_15(%arg0: i32) -> (i32, i32) {
    %add3A = arith.constant 24 : i32
    %add3A_0 = arith.addi %add3A, %arg0 : i32
    %c0_i32 = arith.constant 0 : i32
    %c0_i32_1 = arith.constant 0 : i32
    return %add3A_0, %c0_i32 : i32, i32
  }
  func.func @transform_16(%arg0: i32) -> (i32, i32) {
    %add3A = arith.constant 28 : i32
    %add3A_0 = arith.addi %add3A, %arg0 : i32
    %c0_i32 = arith.constant 0 : i32
    %c0_i32_1 = arith.constant 0 : i32
    return %add3A_0, %c0_i32 : i32, i32
  }
  func.func @transform_17(%arg0: i32) -> (i32, i32) {
    %add3A = arith.constant 32 : i32
    %add3A_0 = arith.addi %add3A, %arg0 : i32
    %c0_i32 = arith.constant 0 : i32
    %c0_i32_1 = arith.constant 0 : i32
    return %add3A_0, %c0_i32 : i32, i32
  }
  func.func @transform_18(%arg0: i32) -> (i32, i32) {
    %c0_i32 = arith.constant 0 : i32
    %c0_i32_0 = arith.constant 0 : i32
    %c0_i32_1 = arith.constant 0 : i32
    return %c0_i32, %c0_i32_0 : i32, i32
  }
}

</mosaic_0001>

<sc_bundles>
// kernel: kernel.6.cloned.1.call-start
scs
__scs_entry_jumppad:
0x0: {  	(pc) =	sbr.rel $0x88, $3  }
0x1: {  	(tag) =	ssettag $0x0;
	lr =	simm.s32 $0x1  }
0x2: {  	[smem:$0x3F95] =	sst lr;
	_ =	strace $0xD0000000  }
0x3: {  	_ = 	snop  }
0x4: {  	_ = 	snop  }
0x5: {  	_ = 	snop  }
0x6: {  	_ = 	snop  }
0x7: {  	_ = 	snop  }
__scs_overlays_trampoline_lowered:
0x8: {  	[smem:$0x3FA4] =	sst s0  }
0x9: {  	[smem:$0x3FA5] =	sst s1  }
0xa: {  	[smem:$0x3FA6] =	sst s2  }
0xb: {  	[smem:$0x3FA7] =	sst s3  }
0xc: {  	[smem:$0x3FA8] =	sst s4  }
0xd: {  	[smem:$0x3FA9] =	sst s5  }
0xe: {  	[smem:$0x3FAA] =	sst s6  }
0xf: {  	[smem:$0x3FAB] =	sst s7  }
0x10: {  	[smem:$0x3FAC] =	sst s8  }
0x11: {  	[smem:$0x3FAD] =	sst s9;
	s0 =	simm.s32 @!p0 $0x0  }
0x12: {  	s1 =	sld [smem:$0x3F93];
	s0 =	simm.s32 @p0 $0x1  }
0x13: {  	[smem:$0x3FAE] =	sst s0;
	s0 =	simm.s32 @!p1 $0x0  }
0x14: {  	s2 =	sld [smem:$0x3F92];
	s0 =	simm.s32 @p1 $0x1  }
0x15: {  	[smem:$0x3FAF] =	sst s0;
	s0 =	simm.s32 @!p2 $0x0  }
0x16: {  	s3 =	sld [smem:$0x3FDB];
	s0 =	simm.s32 @p2 $0x1  }
0x17: {  	s4 =	simm.s32 $0x1BF5;
	[smem:$0x3FB1] =	sst s0  }
0x18: {  	s0 =	sld [smem:$0x3F94];
	_ =	swait.ge [sflag:s4], $0x0  }
0x19: {  	s7 =	sld [smem:$0x3F95]  }
0x1a: {  	s8 =	sadd.s32 $0xFFFFE003, lr  }
0x1b: {  	s9 =	sadd.s32 $0xFFFFFEF7, lr;
	s5 =	simm.s32 $0xFFFFFFFF;
	p2 =	slt.u32 s8, $0xFFFFF086  }
0x1c: {  	p1 =	slt.u32 s9, $0xF7A;
	s5 =	simm.s32 @!p2 $0x0  }
0x1d: {  	s5 =	simm.s32 @p1 $0x1;
	p0 =	seq.s32 s7, s2  }
0x1e: {  	s7 =	smul.u32 @!p0 $0xF7A, s2;
	p2 =	seq.s32 @!p0 s5, $0x0  }
0x1f: {  	s9 =	smul.u32 $0xF7A, s1;
	s8 =	simm.s32 @!p0 $0x1BF5;
	p2 =	por !p2, p0  }
0x20: {  	[sflag:s8] =	ssyncset.s32 @!p0 $0xFFFFF086;
	s6 =	sadd.s32 @!p0 s3, s7;
	s7 =	simm.s32 @!p0 $0x108  }
0x21: {  	s3 =	sadd.s32 s3, s9;
	s6 =	sadd.s32 @!p0 $0x88, s6;
	s7 =	simm.s32 @p2 $0x1082  }
0x22: {  	[simem:s7], [sflag:s8] =	dma.local @!p0 [hbm:s6], $0xF7A  }
0x23: {  	s9 =	sor.u32 $0xD0000000, s2;
	s6 =	simm.s32 $0x108;
	_ =	swait.ge @!p0 [sflag:s8], $0x0  }
0x24: {  	s3 =	sadd.s32 $0x88, s3;
	s6 =	simm.s32 @!p1 $0x1082;
	[sflag:s4] =	ssyncset.s32 $0xFFFFF086  }
0x25: {  	[simem:s6], [sflag:s4] =	dma.local [hbm:s3], $0xF7A  }
0x26: {  	[smem:$0x3F95] =	sst s1;
	(tag) =	ssettag s2;
	_ =	strace s9  }
0x27: {  	s1 =	sld [smem:$0x3FA5]  }
0x28: {  	s2 =	sld [smem:$0x3FA6]  }
0x29: {  	s4 =	sld [smem:$0x3FA8]  }
0x2a: {  	p0 =	seq.s32 s5, $0x0;
	s5 =	sld [smem:$0x3FA9]  }
0x2b: {  	s6 =	sld [smem:$0x3FAA]  }
0x2c: {  	s7 =	sld [smem:$0x3FAB]  }
0x2d: {  	s3 =	simm.s32 $0x108;
	s8 =	sld [smem:$0x3FAC]  }
0x2e: {  	s3 =	simm.s32 @!p0 $0x1082;
	s9 =	sld [smem:$0x3FAD]  }
0x2f: {  	lr =	sadd.s32 s0, s3;
	s0 =	sld [smem:$0x3FA4]  }
0x30: {  	s3 =	sld [smem:$0x3FA7]  }
0x31: {  	[smem:$0x3FB0] =	sst s10  }
0x32: {  	s10 =	sld [smem:$0x3FAE];
	_ =	sdelay $0x3  }
0x33: {  	p0 =	seq.s32 s10, $0x1;
	s10 =	sld [smem:$0x3FB0];
	_ =	sdelay $0x3  }
0x34: {  	[smem:$0x3FB0] =	sst s10  }
0x35: {  	s10 =	sld [smem:$0x3FAF];
	_ =	sdelay $0x3  }
0x36: {  	p1 =	seq.s32 s10, $0x1;
	s10 =	sld [smem:$0x3FB0];
	_ =	sdelay $0x3  }
0x37: {  	[smem:$0x3FB0] =	sst s10  }
0x38: {  	s10 =	sld [smem:$0x3FB1]  }
0x39: {  	_ = 	snop;
	(pc) =	sbr.ind lr, $3  }
0x3a: {  	_ = 	snop  }
0x3b: {  	_ = 	snop  }
0x3c: {  	p2 =	seq.s32 s10, $0x1;
	s10 =	sld [smem:$0x3FB0]  }
0x3d: {  	_ =	shalt  }
0x3e: {  	_ =	shalt  }
0x3f: {  	_ =	shalt  }
0x40: {  	_ =	shalt  }
0x41: {  	_ =	shalt  }
0x42: {  	_ =	shalt  }
0x43: {  	_ =	shalt  }
0x44: {  	_ =	shalt  }
0x45: {  	_ =	shalt  }
0x46: {  	_ =	shalt  }
0x47: {  	_ =	shalt  }
0x48: {  	_ =	shalt  }
0x49: {  	_ =	shalt  }
0x4a: {  	_ =	shalt  }
0x4b: {  	_ =	shalt  }
0x4c: {  	_ =	shalt  }
0x4d: {  	_ =	shalt  }
0x4e: {  	_ =	shalt  }
0x4f: {  	_ =	shalt  }
0x50: {  	_ =	shalt  }
0x51: {  	_ =	shalt  }
0x52: {  	_ =	shalt  }
0x53: {  	_ =	shalt  }
0x54: {  	_ =	shalt  }
0x55: {  	_ =	shalt  }
0x56: {  	_ =	shalt  }
0x57: {  	_ =	shalt  }
0x58: {  	_ =	shalt  }
0x59: {  	_ =	shalt  }
0x5a: {  	_ =	shalt  }
0x5b: {  	_ =	shalt  }
0x5c: {  	_ =	shalt  }
0x5d: {  	_ =	shalt  }
0x5e: {  	_ =	shalt  }
0x5f: {  	_ =	shalt  }
0x60: {  	_ =	shalt  }
0x61: {  	_ =	shalt  }
0x62: {  	_ =	shalt  }
0x63: {  	_ =	shalt  }
0x64: {  	_ =	shalt  }
0x65: {  	_ =	shalt  }
0x66: {  	_ =	shalt  }
0x67: {  	_ =	shalt  }
0x68: {  	_ =	shalt  }
0x69: {  	_ =	shalt  }
0x6a: {  	_ =	shalt  }
0x6b: {  	_ =	shalt  }
0x6c: {  	_ =	shalt  }
0x6d: {  	_ =	shalt  }
0x6e: {  	_ =	shalt  }
0x6f: {  	_ =	shalt  }
0x70: {  	_ =	shalt  }
0x71: {  	_ =	shalt  }
0x72: {  	_ =	shalt  }
0x73: {  	_ =	shalt  }
0x74: {  	_ =	shalt  }
0x75: {  	_ =	shalt  }
0x76: {  	_ =	shalt  }
0x77: {  	_ =	shalt  }
0x78: {  	_ =	shalt  }
0x79: {  	_ =	shalt  }
0x7a: {  	_ =	shalt  }
0x7b: {  	_ =	shalt  }
0x7c: {  	_ =	shalt  }
0x7d: {  	_ =	shalt  }
0x7e: {  	_ =	shalt  }
0x7f: {  	_ =	shalt  }
0x80: {  	_ =	shalt  }
0x81: {  	_ =	shalt  }
0x82: {  	_ =	shalt  }
0x83: {  	_ =	shalt  }
0x84: {  	_ =	shalt  }
0x85: {  	_ =	shalt  }
0x86: {  	_ =	shalt  }
0x87: {  	_ =	shalt  }
.Lfunc_end0:
.L_simem_size_0:
called_computation_lowered:
.L_overlay_start_0:
0x88: {  	s2 =	sld [smem:$0x3FD9]  }
0x89: {  	s3 =	sld [smem:$0x3FFE];
	_ =	sdelay $0x1  }
0x8a: {  	s1 =	srdreg.scid  }
0x8b: {  	s0 =	sand.u32 $0x1, s1  }
0x8c: {  	s17 =	sshll.u32 s0, $0xA;
	s2 =	sadd.s32 s3, s2  }
0x8d: {  	s2 =	sadd.s32 s2, s17  }
0x8e: {  	[smem:$0x3FBC] =	sst s2  }
0x8f: {  	_ = 	snop  }
0x90: {  	s2 =	sld [smem:$0x3FC3];
	(tm) =	ssettm $0x1  }
0x91: {  	s18 =	sld [smem:$0x3FFB];
	_ =	sdelay $0x3  }
0x92: {  	_ =	strace s18  }
0x93: {  	s3 =	sld [smem:$0x3FFC];
	_ =	sdelay $0x3  }
0x94: {  	_ =	strace s3  }
0x95: {  	s3 =	sld [smem:$0x3FFD];
	_ =	sdelay $0x3  }
0x96: {  	_ =	strace s3  }
0x97: {  	_ =	strace $0x8FFFFFFF  }
0x98: {  	s19 =	sld [smem:$0x3FDB];
	_ =	sdelay $0x1  }
0x99: {  	s4 =	simm.s32 $_scs_section_size  }
0x9a: {  	s5 =	simm.s32 $_size__tile_overlayer_lowered;
	s6 =	simm.s32 $_tile_overlayer_lowered  }
0x9b: {  	s22 =	simm.s32 $0x1BFF;
	s21 =	sshll.u32 s6, $0x1;
	s3 =	sadd.s32 s4, s19  }
0x9c: {  	s7 =	simm.s32 $0x0;
	s20 =	sshll.u32 s5, $0x1;
	s5 =	sadd.s32 s21, s3  }
0x9d: {  	[timem:s7], [sflag:s22] =	dma.local [hbm:s5], s20  }
0x9e: {  	_ =	swait.ge [sflag:s22], s20  }
0x9f: {  	s4 =	ssub.s32 $0x0, s20;
	[sflag:s22] =	ssyncset.done $0x0  }
0xa0: {  	[sflag:s22] =	ssyncadd.s32 s4;
	_ =	sdelay $0x1  }
0xa1: {  	s23 =	simm.s32 $0x1B8B  }
0xa2: {  	_ =	swait.ge [sflag:s23], $0x1  }
0xa3: {  	[sflag:s23] =	ssyncset.done $0x0  }
0xa4: {  	s25 =	simm.s32 $0x1B8E;
	s24 =	sld [smem:$0x3FFE];
	[sflag:s23] =	ssyncadd.s32 $0xFFFFFFFF  }
0xa5: {  	s26 =	simm.s32 $execute0_lowered;
	[smem:$0x3FD2] =	sst s25  }
0xa6: {  	s5 =	sshll.u32 s26, $0x1;
	_ =	strace $0x80000046;
	[dreg:$0x1] =	wrdreg $0xFFFFFFFF  }
0xa7: {  	s28 =	simm.s32 $_size_execute0_lowered;
	s3 =	sadd.s32 s3, s5;
	[dreg:$0x0] =	wrdreg $0x0  }
0xa8: {  	s5 =	sshll.u32 s28, $0x1;
	[dreg:$0x2] =	wrdreg s3  }
0xa9: {  	[dreg:$0x3] =	wrdreg s5  }
0xaa: {  	[dreg:$0x4] =	wrdreg $0xC0  }
0xab: {  	_ =	task [dreg:s7], $0x5FFFF  }
0xac: {  	[dreg:$0x1] =	wrdreg $0xFFFFFFFF  }
0xad: {  	[dreg:$0x0] =	wrdreg $0x60  }
0xae: {  	[dreg:$0x2] =	wrdreg s24  }
0xaf: {  	[dreg:$0x3] =	wrdreg s2  }
0xb0: {  	[dreg:$0x4] =	wrdreg $0x9  }
0xb1: {  	_ =	task.clear_ibuf [dreg:s7], $0x5FFFF;
	_ =	strace $0x90000046  }
0xb2: {  	s29 =	simm.s32 $0x9;
	_ =	strace $0x80000048  }
0xb3: {  	_ =	swait.ge [sflag:s29], $0x1  }
0xb4: {  	[sflag:s29] =	ssyncadd.s32 $0xFFFFFFFF  }
0xb5: {  	_ =	strace $0x90000048  }
0xb6: {  	_ =	sfence  }
0xb7: {  	s30 =	sld [smem:$0x0];
	_ =	sdelay $0x2  }
0xb8: {  	s31 =	sshll.u32 s1, $0xD;
	s1 =	sshrl.u32 s1, $0x2  }
0xb9: {  	s3 =	sand.u32 $0x4000, s31;
	s1 =	sadd.s32 s1, s30  }
0xba: {  	s0 =	sor.u32 s3, s0;
	s1 =	sshll.u32 s1, $0x11  }
0xbb: {  	s0 =	sor.u32 s1, s0  }
0xbc: {  	s0 =	sadd.s32 $0x8F2B, s0  }
0xbd: {  	[sflag:s0] =	ssyncadd.remote.s32 $0x1  }
0xbe: {  	_ =	sfence.sel $0xFFFF  }
0xbf: {  	[dreg:$0x0] =	wrdreg $0xFFFFFFFF;
	(pc) =	sbr.abs _section_cstart, $3  }
0xc0: {  	[dreg:$0x1] =	wrdreg $0xFFFFFFFF  }
0xc1: {  	_ =	task.clear_ibuf [dreg:s7], $0x2FFFF;
	_ =	strace $0x9FFFFFFF  }
0xc2: {  	(tm) =	ssettm $0x7FFFFFFF  }
0xc3: {  	_ =	shalt  }
tec
execute0_lowered:
.L_overlay_start_1:
0x0: {  	(tag) =	ssettag $0x1  }
0x1: {  	s0 =	rddreg [dreg:$0x0]  }
0x2: {  	s1 =	rddreg [dreg:$0x1];
	s2 =	simm.s32 $0x0  }
0x3: {  	s28 =	srdreg.scid;
	s5 =	stileid.u32;
	s24 =	simm.s32 $0x3  }
0x4: {  	s15 =	simm.s32 $0x1;
	s13 =	simm.s32 $0x8900;
	s14 =	simm.s32 $0x9100  }
0x5: {  	s16 =	simm.s32 $0x9900;
	s6 =	simm.s32 $0xB100;
	s7 =	simm.s32 $0xB900  }
0x6: {  	s8 =	simm.s32 $0xC100;
	s11 =	simm.s32 $0xC900;
	s12 =	simm.s32 $0xD100  }
0x7: {  	s17 =	simm.s32 $0xD900;
	s18 =	simm.s32 $0xE100;
	s19 =	simm.s32 $0xE900  }
0x8: {  	s20 =	simm.s32 $0xF100;
	s21 =	simm.s32 $0xF900;
	s22 =	simm.s32 $0x2  }
0x9: {  	[smem:$0x7FF] =	sst s2;
	s3 =	sadd.s32 $0xC6800, s0;
	s4 =	sadd.s32 $0x3200, s0  }
0xa: {  	s29 =	sadd.s32 $0xDF200, s0;
	s5 =	sshll.u32 s5, $0x1;
	s0 =	sadd.s32 $0xC7200, s0  }
0xb: {  	_ =	strace $0x80000047;
	[dreg:$0x3] =	wrdreg s3;
	s3 =	sand.u32 $0x1, s28  }
0xc: {  	[dreg:$0x4] =	wrdreg s4;
	s30 =	ssub.s32 $0x2, s3;
	s3 =	sor.u32 s3, s5  }
0xd: {  	[dreg:$0x5] =	wrdreg s29;
	s31 =	sshrl.u32 s30, $0x1;
	s3 =	smul.u32 $0xC0, s3  }
0xe: {  	v2 =	vlaneseq.u32;
	s9 =	sadd.s32 $0x100, s1;
	[dreg:$0x6] =	wrdreg s0;
	s0 =	ssub.s32 s30, s31  }
0xf: {  	vm0 =	vmmov $0xffff;
	v1 =	vshrl.u32 v2, $0x3;
	s4 =	simm.s32 $0xA100;
	[dreg:$0x7] =	wrdreg s3;
	s0 =	smax.u32 s0, $0x1  }
0x10: {  	v0 =	vand.u32 $0x7, v2;
	v2 =	vor.u32 $0x8, v2;
	v1 =	vmul.u32 $0x8, v1;
	s5 =	simm.s32 $0xA900;
	s3 =	simm.s32 $0x0;
	[dreg:$0x8] =	wrdreg s0  }
.LBB2_1:
0x11: {  	[dreg:$0x9] =	wrdreg s3;
	s0 =	simm.s32 $0x0  }
.LBB2_2:
0x12: {  	s26 =	smul.u32 $0x30, s0  }
0x13: {  	s3 =	rddreg [dreg:$0x7]  }
0x14: {  	[dreg:$0xa] =	wrdreg s0;
	s25 =	sadd.s32 s3, s26  }
0x15: {  	s28 =	rddreg [dreg:$0x3];
	s0 =	sshrl.u32 s25, $0x3  }
0x16: {  	s29 =	simm.s32 $0x0;
	s10 =	simm.s32 $0x19100;
	s0 =	sadd.s32 s28, s0  }
0x17: {  	[tilespmem:s10], [sflag:$0x3] =	stream.linear.gather [hbm4b:s0+s29], $0x30, $0x38;
	[tilespmem:$0x19180] =	vst v63  }
0x18: {  	_ =	swait.ge [sflag:s24], $0x30  }
0x19: {  	s31 =	simm.s32 $0x30;
	[sflag:s24] =	ssyncset.done $0x0  }
0x1a: {  	s23 =	simm.s32 $0x16100;
	s30 =	rddreg [dreg:$0x4];
	[sflag:s24] =	ssyncadd.s32 $0xFFFFFFD0  }
0x1b: {  	[tilespmem:s23], [sflag:$0x1] =	stream.indirect.gather [hbm4b:s30+s31], $0x80, s10, s31, $0xb8;
	[tilespmem:$0x19180] =	vst v63  }
0x1c: {  	_ =	swait.ge [sflag:s15], $0x1800  }
0x1d: {  	[sflag:s15] =	ssyncset.done $0x0  }
0x1e: {  	s0 =	simm.s32 $0x0;
	[sflag:s15] =	ssyncadd.s32 $0xFFFFE800  }
0x1f: {  	s3 =	simm.s32 $0x200;
	v3 =	vld [tilespmem:s0+$0x16110]  }
.LBB2_3:
0x20: {  	p0 =	sne.s32 s3, $0x5E00  }
.Ltmp0:
0x21: {  	_ = 	snop;
	(pc) =	sbr.rel @p0 .LBB2_3-.Ltmp0, $3  }
0x22: {  	_ =	sdelay $0x1  }
0x23: {  	[tilespmem:s0+$0x17900] =	vst v3;
	s0 =	sshra.s32 s3, $0x2;
	s3 =	sadd.s32 $0x200, s3  }
0x24: {  	v3 =	vld [tilespmem:s0+$0x16110]  }
0x25: {  	_ =	sdelay $0x1  }
0x26: {  	[dreg:$0xb] =	wrdreg s25  }
0x27: {  	s3 =	sshll.u32 s25, $0x4;
	s30 =	rddreg [dreg:$0x6]  }
0x28: {  	s23 =	simm.s32 $0x0;
	s31 =	simm.s32 $0x17900;
	[tilespmem:s0+$0x17900] =	vst v3;
	s0 =	sadd.s32 s30, s3  }
0x29: {  	[hbm4b:s0+s23] =	stream.linear.scatter [tilespmem:s31], [sflag:$0x3], $0x1800, $0x38;
	[tilespmem:$0x19180] =	vst v63  }
0x2a: {  	_ =	swait.ge [sflag:s24], $0x1800  }
0x2b: {  	[sflag:s24] =	ssyncset.done $0x0  }
0x2c: {  	[sflag:s24] =	ssyncadd.s32 $0xFFFFE800  }
0x2d: {  	v3 =	vld [tilespmem:$0x16100];
	_ =	sdelay $0x4  }
0x2e: {  	v4 =	vshll.u32 v3, $0x2  }
0x2f: {  	v5 =	vand.u32 $0x7, v3;
	v4 =	vand.u32 $0xFFFFFFE0, v4  }
0x30: {  	v6 =	vld [tilespmem:$0x16180];
	v4 =	vor.u32 v5, v4  }
0x31: {  	v51 =	vld [tilespmem:$0x16200];
	v7 =	vperm.xlane v4, v0  }
0x32: {  	v8 =	vld [tilespmem:$0x16280]  }
0x33: {  	v7 =	vadd.s32 v1, v7  }
0x34: {  	[tilespmem:$0x0] =	vst v3  }
0x35: {  	[tilespmem:$0x10] =	vst v6;
	v3 =	vperm.xlane v4, v2  }
0x36: {  	[tilespmem:$0x20] =	vst v51  }
0x37: {  	s10 =	simm.s32 $0x100;
	[tilespmem:$0x30] =	vst v8;
	v3 =	vadd.s32 v1, v3  }
0x38: {  	[tilespmem:s10], [sflag:$0x1] =	stream.indirect_vreg.gather [hbm4b:s1+s23], $0x80, v7, vm0, $0xb8;
	[tilespmem:$0x19180] =	vst v63  }
0x39: {  	s24 =	simm.s32 $0x900  }
0x3a: {  	[tilespmem:s24], [sflag:$0x1] =	stream.indirect_vreg.gather [hbm4b:s9+s23], $0x80, v7, vm0, $0xb8;
	[tilespmem:$0x19180] =	vst v63  }
0x3b: {  	s25 =	simm.s32 $0x1100  }
0x3c: {  	[tilespmem:s25], [sflag:$0x1] =	stream.indirect_vreg.gather [hbm4b:s1+s23], $0x80, v3, vm0, $0xb8;
	[tilespmem:$0x19180] =	vst v63  }
0x3d: {  	s26 =	simm.s32 $0x1900  }
0x3e: {  	[tilespmem:s26], [sflag:$0x1] =	stream.indirect_vreg.gather [hbm4b:s9+s23], $0x80, v3, vm0, $0xb8;
	[tilespmem:$0x19180] =	vst v63  }
0x3f: {  	v3 =	vld [tilespmem:$0x10];
	_ =	sdelay $0x4  }
0x40: {  	v52 =	vshll.u32 v3, $0x2  }
0x41: {  	v3 =	vand.u32 $0x7, v3;
	v4 =	vand.u32 $0xFFFFFFE0, v52  }
0x42: {  	v3 =	vor.u32 v3, v4  }
0x43: {  	v4 =	vperm.xlane v3, v0;
	_ =	sdelay $0x1  }
0x44: {  	v4 =	vadd.s32 v1, v4;
	_ =	sdelay $0x1  }
0x45: {  	v3 =	vperm.xlane v3, v2;
	_ =	sdelay $0x1  }
0x46: {  	s28 =	simm.s32 $0x2100;
	v3 =	vadd.s32 v1, v3  }
0x47: {  	[tilespmem:s28], [sflag:$0x1] =	stream.indirect_vreg.gather [hbm4b:s1+s23], $0x80, v4, vm0, $0xb8;
	[tilespmem:$0x19180] =	vst v63  }
0x48: {  	s29 =	simm.s32 $0x2900  }
0x49: {  	[tilespmem:s29], [sflag:$0x1] =	stream.indirect_vreg.gather [hbm4b:s9+s23], $0x80, v4, vm0, $0xb8;
	[tilespmem:$0x19180] =	vst v63  }
0x4a: {  	s30 =	simm.s32 $0x3100  }
0x4b: {  	[tilespmem:s30], [sflag:$0x1] =	stream.indirect_vreg.gather [hbm4b:s1+s23], $0x80, v3, vm0, $0xb8;
	[tilespmem:$0x19180] =	vst v63  }
0x4c: {  	s31 =	simm.s32 $0x3900  }
0x4d: {  	[tilespmem:s31], [sflag:$0x1] =	stream.indirect_vreg.gather [hbm4b:s9+s23], $0x80, v3, vm0, $0xb8;
	[tilespmem:$0x19180] =	vst v63  }
0x4e: {  	v3 =	vld [tilespmem:$0x20];
	_ =	sdelay $0x4  }
0x4f: {  	v53 =	vshll.u32 v3, $0x2  }
0x50: {  	v3 =	vand.u32 $0x7, v3;
	v4 =	vand.u32 $0xFFFFFFE0, v53  }
0x51: {  	v3 =	vor.u32 v3, v4  }
0x52: {  	v4 =	vperm.xlane v3, v0;
	_ =	sdelay $0x1  }
0x53: {  	v4 =	vadd.s32 v1, v4;
	_ =	sdelay $0x1  }
0x54: {  	v3 =	vperm.xlane v3, v2;
	_ =	sdelay $0x1  }
0x55: {  	s3 =	simm.s32 $0x4100;
	v3 =	vadd.s32 v1, v3  }
0x56: {  	[tilespmem:s3], [sflag:$0x1] =	stream.indirect_vreg.gather [hbm4b:s1+s23], $0x80, v4, vm0, $0xb8;
	[tilespmem:$0x19180] =	vst v63  }
0x57: {  	s10 =	simm.s32 $0x4900  }
0x58: {  	[tilespmem:s10], [sflag:$0x1] =	stream.indirect_vreg.gather [hbm4b:s9+s23], $0x80, v4, vm0, $0xb8;
	[tilespmem:$0x19180] =	vst v63  }
0x59: {  	s24 =	simm.s32 $0x5100  }
0x5a: {  	[tilespmem:s24], [sflag:$0x1] =	stream.indirect_vreg.gather [hbm4b:s1+s23], $0x80, v3, vm0, $0xb8;
	[tilespmem:$0x19180] =	vst v63  }
0x5b: {  	s25 =	simm.s32 $0x5900  }
0x5c: {  	[tilespmem:s25], [sflag:$0x1] =	stream.indirect_vreg.gather [hbm4b:s9+s23], $0x80, v3, vm0, $0xb8;
	[tilespmem:$0x19180] =	vst v63  }
0x5d: {  	v3 =	vld [tilespmem:$0x30];
	_ =	sdelay $0x4  }
0x5e: {  	v54 =	vshll.u32 v3, $0x2  }
0x5f: {  	v3 =	vand.u32 $0x7, v3;
	v4 =	vand.u32 $0xFFFFFFE0, v54  }
0x60: {  	v3 =	vor.u32 v3, v4  }
0x61: {  	v4 =	vperm.xlane v3, v0;
	_ =	sdelay $0x1  }
0x62: {  	v4 =	vadd.s32 v1, v4;
	_ =	sdelay $0x1  }
0x63: {  	v3 =	vperm.xlane v3, v2;
	_ =	sdelay $0x1  }
0x64: {  	s26 =	simm.s32 $0x6100;
	v3 =	vadd.s32 v1, v3  }
0x65: {  	[tilespmem:s26], [sflag:$0x1] =	stream.indirect_vreg.gather [hbm4b:s1+s23], $0x80, v4, vm0, $0xb8;
	[tilespmem:$0x19180] =	vst v63  }
0x66: {  	s28 =	simm.s32 $0x6900  }
0x67: {  	[tilespmem:s28], [sflag:$0x1] =	stream.indirect_vreg.gather [hbm4b:s9+s23], $0x80, v4, vm0, $0xb8;
	[tilespmem:$0x19180] =	vst v63  }
0x68: {  	s29 =	simm.s32 $0x7100  }
0x69: {  	[tilespmem:s29], [sflag:$0x1] =	stream.indirect_vreg.gather [hbm4b:s1+s23], $0x80, v3, vm0, $0xb8;
	[tilespmem:$0x19180] =	vst v63  }
0x6a: {  	s30 =	simm.s32 $0x7900  }
0x6b: {  	[tilespmem:s30], [sflag:$0x1] =	stream.indirect_vreg.gather [hbm4b:s9+s23], $0x80, v3, vm0, $0xb8;
	[tilespmem:$0x19180] =	vst v63  }
0x6c: {  	v3 =	vld [tilespmem:$0x16300];
	_ =	sdelay $0x4  }
0x6d: {  	v55 =	vshll.u32 v3, $0x2  }
0x6e: {  	v56 =	vand.u32 $0x7, v3;
	v4 =	vand.u32 $0xFFFFFFE0, v55  }
0x6f: {  	v57 =	vld [tilespmem:$0x16380];
	v4 =	vor.u32 v56, v4  }
0x70: {  	v58 =	vld [tilespmem:$0x16400];
	v59 =	vperm.xlane v4, v0  }
0x71: {  	v60 =	vld [tilespmem:$0x16480]  }
0x72: {  	v7 =	vadd.s32 v1, v59  }
0x73: {  	[tilespmem:$0x80] =	vst v3  }
0x74: {  	[tilespmem:$0x90] =	vst v57;
	v3 =	vperm.xlane v4, v2  }
0x75: {  	[tilespmem:$0xA0] =	vst v58  }
0x76: {  	s31 =	simm.s32 $0x8100;
	[tilespmem:$0xB0] =	vst v60;
	v3 =	vadd.s32 v1, v3  }
0x77: {  	[tilespmem:s31], [sflag:$0x2] =	stream.indirect_vreg.gather [hbm4b:s1+s23], $0x80, v7, vm0, $0xb8;
	[tilespmem:$0x19180] =	vst v63  }
0x78: {  	_ = 	snop  }
0x79: {  	[tilespmem:s13], [sflag:$0x2] =	stream.indirect_vreg.gather [hbm4b:s9+s23], $0x80, v7, vm0, $0xb8;
	[tilespmem:$0x19180] =	vst v63  }
0x7a: {  	_ = 	snop  }
0x7b: {  	[tilespmem:s14], [sflag:$0x2] =	stream.indirect_vreg.gather [hbm4b:s1+s23], $0x80, v3, vm0, $0xb8;
	[tilespmem:$0x19180] =	vst v63  }
0x7c: {  	_ = 	snop  }
0x7d: {  	[tilespmem:s16], [sflag:$0x2] =	stream.indirect_vreg.gather [hbm4b:s9+s23], $0x80, v3, vm0, $0xb8;
	[tilespmem:$0x19180] =	vst v63  }
0x7e: {  	v3 =	vld [tilespmem:$0x90];
	_ =	sdelay $0x4  }
0x7f: {  	v61 =	vshll.u32 v3, $0x2  }
0x80: {  	v3 =	vand.u32 $0x7, v3;
	v4 =	vand.u32 $0xFFFFFFE0, v61  }
0x81: {  	v3 =	vor.u32 v3, v4  }
0x82: {  	v4 =	vperm.xlane v3, v0;
	_ =	sdelay $0x1  }
0x83: {  	v4 =	vadd.s32 v1, v4;
	_ =	sdelay $0x1  }
0x84: {  	v3 =	vperm.xlane v3, v2;
	_ =	sdelay $0x1  }
0x85: {  	v3 =	vadd.s32 v1, v3  }
0x86: {  	[tilespmem:s4], [sflag:$0x2] =	stream.indirect_vreg.gather [hbm4b:s1+s23], $0x80, v4, vm0, $0xb8;
	[tilespmem:$0x19180] =	vst v63  }
0x87: {  	_ = 	snop  }
0x88: {  	[tilespmem:s5], [sflag:$0x2] =	stream.indirect_vreg.gather [hbm4b:s9+s23], $0x80, v4, vm0, $0xb8;
	[tilespmem:$0x19180] =	vst v63  }
0x89: {  	_ = 	snop  }
0x8a: {  	[tilespmem:s6], [sflag:$0x2] =	stream.indirect_vreg.gather [hbm4b:s1+s23], $0x80, v3, vm0, $0xb8;
	[tilespmem:$0x19180] =	vst v63  }
0x8b: {  	_ = 	snop  }
0x8c: {  	[tilespmem:s7], [sflag:$0x2] =	stream.indirect_vreg.gather [hbm4b:s9+s23], $0x80, v3, vm0, $0xb8;
	[tilespmem:$0x19180] =	vst v63  }
0x8d: {  	v3 =	vld [tilespmem:$0xA0];
	_ =	sdelay $0x4  }
0x8e: {  	v62 =	vshll.u32 v3, $0x2  }
0x8f: {  	v3 =	vand.u32 $0x7, v3;
	v4 =	vand.u32 $0xFFFFFFE0, v62  }
0x90: {  	v3 =	vor.u32 v3, v4  }
0x91: {  	v4 =	vperm.xlane v3, v0;
	_ =	sdelay $0x1  }
0x92: {  	v4 =	vadd.s32 v1, v4;
	_ =	sdelay $0x1  }
0x93: {  	v3 =	vperm.xlane v3, v2;
	_ =	sdelay $0x1  }
0x94: {  	v3 =	vadd.s32 v1, v3  }
0x95: {  	[tilespmem:s8], [sflag:$0x2] =	stream.indirect_vreg.gather [hbm4b:s1+s23], $0x80, v4, vm0, $0xb8;
	[tilespmem:$0x19180] =	vst v63  }
0x96: {  	_ = 	snop  }
0x97: {  	[tilespmem:s11], [sflag:$0x2] =	stream.indirect_vreg.gather [hbm4b:s9+s23], $0x80, v4, vm0, $0xb8;
	[tilespmem:$0x19180] =	vst v63  }
0x98: {  	_ = 	snop  }
0x99: {  	[tilespmem:s12], [sflag:$0x2] =	stream.indirect_vreg.gather [hbm4b:s1+s23], $0x80, v3, vm0, $0xb8;
	[tilespmem:$0x19180] =	vst v63  }
0x9a: {  	_ = 	snop  }
0x9b: {  	[tilespmem:s17], [sflag:$0x2] =	stream.indirect_vreg.gather [hbm4b:s9+s23], $0x80, v3, vm0, $0xb8;
	[tilespmem:$0x19180] =	vst v63  }
0x9c: {  	v3 =	vld [tilespmem:$0xB0];
	_ =	sdelay $0x4  }
0x9d: {  	v63 =	vshll.u32 v3, $0x2  }
0x9e: {  	v3 =	vand.u32 $0x7, v3;
	v4 =	vand.u32 $0xFFFFFFE0, v63  }
0x9f: {  	v3 =	vor.u32 v3, v4  }
0xa0: {  	v4 =	vperm.xlane v3, v0;
	_ =	sdelay $0x1  }
0xa1: {  	v4 =	vadd.s32 v1, v4;
	_ =	sdelay $0x1  }
0xa2: {  	v3 =	vperm.xlane v3, v2;
	_ =	sdelay $0x1  }
0xa3: {  	v3 =	vadd.s32 v1, v3  }
0xa4: {  	[tilespmem:s18], [sflag:$0x2] =	stream.indirect_vreg.gather [hbm4b:s1+s23], $0x80, v4, vm0, $0xb8;
	[tilespmem:$0x19180] =	vst v63  }
0xa5: {  	_ = 	snop  }
0xa6: {  	[tilespmem:s19], [sflag:$0x2] =	stream.indirect_vreg.gather [hbm4b:s9+s23], $0x80, v4, vm0, $0xb8;
	[tilespmem:$0x19180] =	vst v63  }
0xa7: {  	_ = 	snop  }
0xa8: {  	[tilespmem:s20], [sflag:$0x2] =	stream.indirect_vreg.gather [hbm4b:s1+s23], $0x80, v3, vm0, $0xb8;
	[tilespmem:$0x19180] =	vst v63  }
0xa9: {  	s24 =	simm.s32 $0x0  }
0xaa: {  	[tilespmem:s21], [sflag:$0x2] =	stream.indirect_vreg.gather [hbm4b:s9+s23], $0x80, v3, vm0, $0xb8;
	[tilespmem:$0x19180] =	vst v63  }
.LBB2_5:
0xab: {  	_ =	swait.ge [sflag:s15], $0x8000  }
0xac: {  	s28 =	sand.u32 $0x70, s23;
	s26 =	sand.u32 $0xC00, s23;
	[sflag:s15] =	ssyncset.done $0x0  }
0xad: {  	s0 =	sor.u32 s28, s26;
	[sflag:s15] =	ssyncadd.s32 $0xFFFF8000  }
0xae: {  	v3 =	vld [tilespmem:s0+$0x180]  }
0xaf: {  	v4 =	vld [tilespmem:s0+$0x100]  }
0xb0: {  	v5 =	vld [tilespmem:s0+$0x200]  }
0xb1: {  	v6 =	vld [tilespmem:s0+$0x280]  }
0xb2: {  	v7 =	vld [tilespmem:s0+$0x300]  }
0xb3: {  	s3 =	sor.u32 s23, s23;
	v8 =	vld [tilespmem:s0+$0x380]  }
0xb4: {  	s3 =	sor.u32 $0x380, s3;
	v9 =	vld [tilespmem:s0+$0x400]  }
0xb5: {  	v10 =	vld [tilespmem:s3+$0x100]  }
0xb6: {  	v11 =	vld [tilespmem:s0+$0x1100]  }
0xb7: {  	v12 =	vld [tilespmem:s0+$0x1180]  }
0xb8: {  	v13 =	vld [tilespmem:s0+$0x1200]  }
0xb9: {  	s31 =	sshll.u32 s24, $0xC;
	v14 =	vld [tilespmem:s0+$0x1280]  }
0xba: {  	s3 =	sand.u32 $0x3FFFF000, s31;
	v15 =	vld [tilespmem:s0+$0x1300]  }
0xbb: {  	s29 =	simm.s32 $0x10;
	s30 =	simm.s32 $0x0;
	v16 =	vld [tilespmem:s0+$0x1380];
	s25 =	sadd.s32 $0x10100, s3  }
.LBB2_6:
0xbc: {  	p0 =	sne.s32 s29, $0x1F0;
	v17 =	vld [tilespmem:s0+$0x1400]  }
0xbd: {  	v18 =	vld [tilespmem:s0+$0x1480];
	_ =	sdelay $0x1  }
0xbe: {  	v3 =	vadd.f32 v3, v4;
	v4 =	vadd.f32 v6, v5  }
0xbf: {  	v5 =	vadd.f32 v8, v7;
	v6 =	vadd.f32 v10, v9  }
0xc0: {  	v7 =	vadd.f32 v12, v11;
	v8 =	vadd.f32 v14, v13  }
0xc1: {  	v9 =	vadd.f32 v16, v15;
	v10 =	vadd.f32 v18, v17  }
0xc2: {  	v3 =	vadd.f32 v4, v3;
	v4 =	vadd.f32 v6, v5  }
0xc3: {  	v5 =	vadd.f32 v8, v7;
	v6 =	vadd.f32 v10, v9;
	_ =	sdelay $0x1  }
0xc4: {  	v3 =	vadd.f32 v4, v3;
	v4 =	vadd.f32 v6, v5;
	_ =	sdelay $0x1  }
0xc5: {  	s30 =	sadd.s32 $0x80, s30;
	s0 =	sadd.s32 s26, s25;
	v3 =	vadd.f32 v4, v3  }
0xc6: {  	s26 =	sand.u32 $0xC00, s30;
	s3 =	sadd.s32 s28, s0;
	s28 =	sand.u32 $0x70, s29  }
0xc7: {  	s0 =	sor.u32 s28, s26;
	[tilespmem:s3+$0x0] =	vst v3  }
0xc8: {  	v3 =	vld [tilespmem:s0+$0x180]  }
0xc9: {  	v4 =	vld [tilespmem:s0+$0x100]  }
0xca: {  	v5 =	vld [tilespmem:s0+$0x200]  }
0xcb: {  	v6 =	vld [tilespmem:s0+$0x280]  }
0xcc: {  	v7 =	vld [tilespmem:s0+$0x300]  }
0xcd: {  	s3 =	sor.u32 s30, s29;
	v8 =	vld [tilespmem:s0+$0x380]  }
0xce: {  	s3 =	sor.u32 $0x380, s3;
	v9 =	vld [tilespmem:s0+$0x400]  }
0xcf: {  	v10 =	vld [tilespmem:s3+$0x100]  }
0xd0: {  	v11 =	vld [tilespmem:s0+$0x1100]  }
.Ltmp1:
0xd1: {  	v12 =	vld [tilespmem:s0+$0x1180];
	(pc) =	sbr.rel @p0 .LBB2_6-.Ltmp1, $4  }
0xd2: {  	v13 =	vld [tilespmem:s0+$0x1200]  }
0xd3: {  	v14 =	vld [tilespmem:s0+$0x1280]  }
0xd4: {  	v15 =	vld [tilespmem:s0+$0x1300]  }
0xd5: {  	s29 =	sadd.s32 $0x10, s29;
	v16 =	vld [tilespmem:s0+$0x1380]  }
0xd6: {  	v17 =	vld [tilespmem:s0+$0x1400]  }
0xd7: {  	v18 =	vld [tilespmem:s0+$0x1480];
	_ =	sdelay $0x1  }
0xd8: {  	v3 =	vadd.f32 v3, v4;
	v4 =	vadd.f32 v6, v5  }
0xd9: {  	v5 =	vadd.f32 v8, v7;
	v6 =	vadd.f32 v10, v9  }
0xda: {  	v7 =	vadd.f32 v12, v11;
	v8 =	vadd.f32 v14, v13  }
0xdb: {  	v9 =	vadd.f32 v16, v15;
	v10 =	vadd.f32 v18, v17  }
0xdc: {  	v3 =	vadd.f32 v4, v3;
	v4 =	vadd.f32 v6, v5  }
0xdd: {  	v5 =	vadd.f32 v8, v7;
	v6 =	vadd.f32 v10, v9;
	_ =	sdelay $0x1  }
0xde: {  	v3 =	vadd.f32 v4, v3;
	v4 =	vadd.f32 v6, v5;
	_ =	sdelay $0x1  }
0xdf: {  	s31 =	sadd.s32 s26, s25;
	s26 =	simm.s32 $0x0;
	v3 =	vadd.f32 v4, v3  }
0xe0: {  	s0 =	sadd.s32 s28, s31;
	s28 =	sand.u32 $0x70, s26;
	s29 =	sand.u32 $0xC00, s26  }
0xe1: {  	s3 =	sor.u32 s28, s29;
	[tilespmem:s0+$0x0] =	vst v3  }
0xe2: {  	v3 =	vld [tilespmem:s3+$0x2180]  }
0xe3: {  	v4 =	vld [tilespmem:s3+$0x2100]  }
0xe4: {  	v5 =	vld [tilespmem:s3+$0x2200]  }
0xe5: {  	v6 =	vld [tilespmem:s3+$0x2280]  }
0xe6: {  	v7 =	vld [tilespmem:s3+$0x2300]  }
0xe7: {  	v8 =	vld [tilespmem:s3+$0x2380]  }
0xe8: {  	v9 =	vld [tilespmem:s3+$0x2400]  }
0xe9: {  	v10 =	vld [tilespmem:s3+$0x2480]  }
0xea: {  	v11 =	vld [tilespmem:s3+$0x3100]  }
0xeb: {  	v12 =	vld [tilespmem:s3+$0x3180]  }
0xec: {  	v13 =	vld [tilespmem:s3+$0x3200]  }
0xed: {  	v14 =	vld [tilespmem:s3+$0x3280]  }
0xee: {  	v15 =	vld [tilespmem:s3+$0x3300]  }
0xef: {  	s30 =	simm.s32 $0x0;
	s0 =	simm.s32 $0x10;
	v16 =	vld [tilespmem:s3+$0x3380]  }
.LBB2_8:
0xf0: {  	p0 =	sne.s32 s0, $0x1F0;
	v17 =	vld [tilespmem:s3+$0x3400]  }
0xf1: {  	v18 =	vld [tilespmem:s3+$0x3480];
	_ =	sdelay $0x1  }
0xf2: {  	v3 =	vadd.f32 v3, v4;
	v4 =	vadd.f32 v6, v5  }
0xf3: {  	v5 =	vadd.f32 v8, v7;
	v6 =	vadd.f32 v10, v9  }
0xf4: {  	v7 =	vadd.f32 v12, v11;
	v8 =	vadd.f32 v14, v13  }
0xf5: {  	v9 =	vadd.f32 v16, v15;
	v10 =	vadd.f32 v18, v17  }
0xf6: {  	v3 =	vadd.f32 v4, v3;
	v4 =	vadd.f32 v6, v5  }
0xf7: {  	v5 =	vadd.f32 v8, v7;
	v6 =	vadd.f32 v10, v9;
	_ =	sdelay $0x1  }
0xf8: {  	v3 =	vadd.f32 v4, v3;
	v4 =	vadd.f32 v6, v5;
	_ =	sdelay $0x1  }
0xf9: {  	s30 =	sadd.s32 $0x80, s30;
	s3 =	sadd.s32 s29, s25;
	v3 =	vadd.f32 v4, v3  }
0xfa: {  	s29 =	sand.u32 $0xC00, s30;
	s31 =	sadd.s32 s28, s3;
	s28 =	sand.u32 $0x70, s0  }
0xfb: {  	s3 =	sor.u32 s28, s29;
	[tilespmem:s31+$0x80] =	vst v3  }
0xfc: {  	v3 =	vld [tilespmem:s3+$0x2180]  }
0xfd: {  	v4 =	vld [tilespmem:s3+$0x2100]  }
0xfe: {  	v5 =	vld [tilespmem:s3+$0x2200]  }
0xff: {  	v6 =	vld [tilespmem:s3+$0x2280]  }
0x100: {  	v7 =	vld [tilespmem:s3+$0x2300]  }
0x101: {  	v8 =	vld [tilespmem:s3+$0x2380]  }
0x102: {  	v9 =	vld [tilespmem:s3+$0x2400]  }
0x103: {  	v10 =	vld [tilespmem:s3+$0x2480]  }
0x104: {  	v11 =	vld [tilespmem:s3+$0x3100]  }
.Ltmp2:
0x105: {  	v12 =	vld [tilespmem:s3+$0x3180];
	(pc) =	sbr.rel @p0 .LBB2_8-.Ltmp2, $4  }
0x106: {  	v13 =	vld [tilespmem:s3+$0x3200]  }
0x107: {  	v14 =	vld [tilespmem:s3+$0x3280]  }
0x108: {  	v15 =	vld [tilespmem:s3+$0x3300]  }
0x109: {  	s0 =	sadd.s32 $0x10, s0;
	v16 =	vld [tilespmem:s3+$0x3380]  }
0x10a: {  	v17 =	vld [tilespmem:s3+$0x3400]  }
0x10b: {  	v18 =	vld [tilespmem:s3+$0x3480];
	_ =	sdelay $0x1  }
0x10c: {  	v3 =	vadd.f32 v3, v4;
	v4 =	vadd.f32 v6, v5  }
0x10d: {  	v5 =	vadd.f32 v8, v7;
	v6 =	vadd.f32 v10, v9  }
0x10e: {  	v7 =	vadd.f32 v12, v11;
	v8 =	vadd.f32 v14, v13  }
0x10f: {  	v9 =	vadd.f32 v16, v15;
	v10 =	vadd.f32 v18, v17  }
0x110: {  	v3 =	vadd.f32 v4, v3;
	v4 =	vadd.f32 v6, v5  }
0x111: {  	v5 =	vadd.f32 v8, v7;
	v6 =	vadd.f32 v10, v9;
	_ =	sdelay $0x1  }
0x112: {  	v3 =	vadd.f32 v4, v3;
	v4 =	vadd.f32 v6, v5;
	_ =	sdelay $0x1  }
0x113: {  	s0 =	sadd.s32 s29, s25;
	v3 =	vadd.f32 v4, v3  }
0x114: {  	s29 =	sand.u32 $0xC00, s26;
	s0 =	sadd.s32 s28, s0;
	s28 =	sand.u32 $0x70, s26  }
0x115: {  	s3 =	sor.u32 s28, s29;
	[tilespmem:s0+$0x80] =	vst v3  }
0x116: {  	v3 =	vld [tilespmem:s3+$0x4180]  }
0x117: {  	v4 =	vld [tilespmem:s3+$0x4100]  }
0x118: {  	v5 =	vld [tilespmem:s3+$0x4200]  }
0x119: {  	v6 =	vld [tilespmem:s3+$0x4280]  }
0x11a: {  	v7 =	vld [tilespmem:s3+$0x4300]  }
0x11b: {  	v8 =	vld [tilespmem:s3+$0x4380]  }
0x11c: {  	v9 =	vld [tilespmem:s3+$0x4400]  }
0x11d: {  	v10 =	vld [tilespmem:s3+$0x4480]  }
0x11e: {  	v11 =	vld [tilespmem:s3+$0x5100]  }
0x11f: {  	v12 =	vld [tilespmem:s3+$0x5180]  }
0x120: {  	v13 =	vld [tilespmem:s3+$0x5200]  }
0x121: {  	v14 =	vld [tilespmem:s3+$0x5280]  }
0x122: {  	v15 =	vld [tilespmem:s3+$0x5300]  }
0x123: {  	s0 =	simm.s32 $0x10;
	v16 =	vld [tilespmem:s3+$0x5380]  }
.LBB2_10:
0x124: {  	p0 =	sne.s32 s0, $0x1F0;
	v17 =	vld [tilespmem:s3+$0x5400]  }
0x125: {  	v18 =	vld [tilespmem:s3+$0x5480];
	_ =	sdelay $0x1  }
0x126: {  	v3 =	vadd.f32 v3, v4;
	v4 =	vadd.f32 v6, v5  }
0x127: {  	v5 =	vadd.f32 v8, v7;
	v6 =	vadd.f32 v10, v9  }
0x128: {  	v7 =	vadd.f32 v12, v11;
	v8 =	vadd.f32 v14, v13  }
0x129: {  	v9 =	vadd.f32 v16, v15;
	v10 =	vadd.f32 v18, v17  }
0x12a: {  	v3 =	vadd.f32 v4, v3;
	v4 =	vadd.f32 v6, v5  }
0x12b: {  	v5 =	vadd.f32 v8, v7;
	v6 =	vadd.f32 v10, v9;
	_ =	sdelay $0x1  }
0x12c: {  	v3 =	vadd.f32 v4, v3;
	v4 =	vadd.f32 v6, v5;
	_ =	sdelay $0x1  }
0x12d: {  	s26 =	sadd.s32 $0x80, s26;
	s3 =	sadd.s32 s29, s25;
	v3 =	vadd.f32 v4, v3  }
0x12e: {  	s29 =	sand.u32 $0xC00, s26;
	s30 =	sadd.s32 s28, s3;
	s28 =	sand.u32 $0x70, s0  }
0x12f: {  	s3 =	sor.u32 s28, s29;
	[tilespmem:s30+$0x100] =	vst v3  }
0x130: {  	v3 =	vld [tilespmem:s3+$0x4180]  }
0x131: {  	v4 =	vld [tilespmem:s3+$0x4100]  }
0x132: {  	v5 =	vld [tilespmem:s3+$0x4200]  }
0x133: {  	v6 =	vld [tilespmem:s3+$0x4280]  }
0x134: {  	v7 =	vld [tilespmem:s3+$0x4300]  }
0x135: {  	v8 =	vld [tilespmem:s3+$0x4380]  }
0x136: {  	v9 =	vld [tilespmem:s3+$0x4400]  }
0x137: {  	v10 =	vld [tilespmem:s3+$0x4480]  }
0x138: {  	v11 =	vld [tilespmem:s3+$0x5100]  }
.Ltmp3:
0x139: {  	v12 =	vld [tilespmem:s3+$0x5180];
	(pc) =	sbr.rel @p0 .LBB2_10-.Ltmp3, $4  }
0x13a: {  	v13 =	vld [tilespmem:s3+$0x5200]  }
0x13b: {  	v14 =	vld [tilespmem:s3+$0x5280]  }
0x13c: {  	v15 =	vld [tilespmem:s3+$0x5300]  }
0x13d: {  	s0 =	sadd.s32 $0x10, s0;
	v16 =	vld [tilespmem:s3+$0x5380]  }
0x13e: {  	v17 =	vld [tilespmem:s3+$0x5400]  }
0x13f: {  	v18 =	vld [tilespmem:s3+$0x5480];
	_ =	sdelay $0x1  }
0x140: {  	v3 =	vadd.f32 v3, v4;
	v4 =	vadd.f32 v6, v5  }
0x141: {  	v5 =	vadd.f32 v8, v7;
	v6 =	vadd.f32 v10, v9  }
0x142: {  	v7 =	vadd.f32 v12, v11;
	v8 =	vadd.f32 v14, v13  }
0x143: {  	v9 =	vadd.f32 v16, v15;
	v10 =	vadd.f32 v18, v17  }
0x144: {  	v3 =	vadd.f32 v4, v3;
	v4 =	vadd.f32 v6, v5  }
0x145: {  	v5 =	vadd.f32 v8, v7;
	v6 =	vadd.f32 v10, v9;
	_ =	sdelay $0x1  }
0x146: {  	v3 =	vadd.f32 v4, v3;
	v4 =	vadd.f32 v6, v5;
	_ =	sdelay $0x1  }
0x147: {  	s0 =	sadd.s32 s29, s25;
	s29 =	simm.s32 $0x0;
	v3 =	vadd.f32 v4, v3  }
0x148: {  	s0 =	sadd.s32 s28, s0;
	s26 =	sand.u32 $0x70, s29;
	s28 =	sand.u32 $0xC00, s29  }
0x149: {  	s3 =	sor.u32 s26, s28;
	[tilespmem:s0+$0x100] =	vst v3  }
0x14a: {  	v3 =	vld [tilespmem:s3+$0x6180]  }
0x14b: {  	v4 =	vld [tilespmem:s3+$0x6100]  }
0x14c: {  	v5 =	vld [tilespmem:s3+$0x6200]  }
0x14d: {  	v6 =	vld [tilespmem:s3+$0x6280]  }
0x14e: {  	v7 =	vld [tilespmem:s3+$0x6300]  }
0x14f: {  	v8 =	vld [tilespmem:s3+$0x6380]  }
0x150: {  	v9 =	vld [tilespmem:s3+$0x6400]  }
0x151: {  	v10 =	vld [tilespmem:s3+$0x6480]  }
0x152: {  	v11 =	vld [tilespmem:s3+$0x7100]  }
0x153: {  	v12 =	vld [tilespmem:s3+$0x7180]  }
0x154: {  	v13 =	vld [tilespmem:s3+$0x7200]  }
0x155: {  	v14 =	vld [tilespmem:s3+$0x7280]  }
0x156: {  	v15 =	vld [tilespmem:s3+$0x7300]  }
0x157: {  	s0 =	simm.s32 $0x10;
	v16 =	vld [tilespmem:s3+$0x7380]  }
.LBB2_12:
0x158: {  	p0 =	sne.s32 s0, $0x1F0;
	v17 =	vld [tilespmem:s3+$0x7400]  }
0x159: {  	v18 =	vld [tilespmem:s3+$0x7480];
	_ =	sdelay $0x1  }
0x15a: {  	v3 =	vadd.f32 v3, v4;
	v4 =	vadd.f32 v6, v5  }
0x15b: {  	v5 =	vadd.f32 v8, v7;
	v6 =	vadd.f32 v10, v9  }
0x15c: {  	v7 =	vadd.f32 v12, v11;
	v8 =	vadd.f32 v14, v13  }
0x15d: {  	v9 =	vadd.f32 v16, v15;
	v10 =	vadd.f32 v18, v17  }
0x15e: {  	v3 =	vadd.f32 v4, v3;
	v4 =	vadd.f32 v6, v5  }
0x15f: {  	v5 =	vadd.f32 v8, v7;
	v6 =	vadd.f32 v10, v9;
	_ =	sdelay $0x1  }
0x160: {  	v3 =	vadd.f32 v4, v3;
	v4 =	vadd.f32 v6, v5;
	_ =	sdelay $0x1  }
0x161: {  	s29 =	sadd.s32 $0x80, s29;
	s3 =	sadd.s32 s28, s25;
	v3 =	vadd.f32 v4, v3  }
0x162: {  	s28 =	sand.u32 $0xC00, s29;
	s30 =	sadd.s32 s26, s3;
	s26 =	sand.u32 $0x70, s0  }
0x163: {  	s3 =	sor.u32 s26, s28;
	[tilespmem:s30+$0x180] =	vst v3  }
0x164: {  	v3 =	vld [tilespmem:s3+$0x6180]  }
0x165: {  	v4 =	vld [tilespmem:s3+$0x6100]  }
0x166: {  	v5 =	vld [tilespmem:s3+$0x6200]  }
0x167: {  	v6 =	vld [tilespmem:s3+$0x6280]  }
0x168: {  	v7 =	vld [tilespmem:s3+$0x6300]  }
0x169: {  	v8 =	vld [tilespmem:s3+$0x6380]  }
0x16a: {  	v9 =	vld [tilespmem:s3+$0x6400]  }
0x16b: {  	v10 =	vld [tilespmem:s3+$0x6480]  }
0x16c: {  	v11 =	vld [tilespmem:s3+$0x7100]  }
.Ltmp4:
0x16d: {  	v12 =	vld [tilespmem:s3+$0x7180];
	(pc) =	sbr.rel @p0 .LBB2_12-.Ltmp4, $4  }
0x16e: {  	v13 =	vld [tilespmem:s3+$0x7200]  }
0x16f: {  	v14 =	vld [tilespmem:s3+$0x7280]  }
0x170: {  	v15 =	vld [tilespmem:s3+$0x7300]  }
0x171: {  	s0 =	sadd.s32 $0x10, s0;
	v16 =	vld [tilespmem:s3+$0x7380]  }
0x172: {  	v17 =	vld [tilespmem:s3+$0x7400]  }
0x173: {  	v18 =	vld [tilespmem:s3+$0x7480];
	_ =	sdelay $0x1  }
0x174: {  	v3 =	vadd.f32 v3, v4;
	v4 =	vadd.f32 v6, v5  }
0x175: {  	v5 =	vadd.f32 v8, v7;
	v6 =	vadd.f32 v10, v9  }
0x176: {  	v7 =	vadd.f32 v12, v11;
	v8 =	vadd.f32 v14, v13  }
0x177: {  	v9 =	vadd.f32 v16, v15;
	v10 =	vadd.f32 v18, v17  }
0x178: {  	v3 =	vadd.f32 v4, v3;
	v4 =	vadd.f32 v6, v5  }
0x179: {  	v5 =	vadd.f32 v8, v7;
	v6 =	vadd.f32 v10, v9;
	_ =	sdelay $0x1  }
0x17a: {  	v3 =	vadd.f32 v4, v3;
	v4 =	vadd.f32 v6, v5;
	_ =	sdelay $0x1  }
0x17b: {  	s0 =	sadd.s32 s28, s25;
	v3 =	vadd.f32 v4, v3  }
0x17c: {  	s0 =	sadd.s32 s26, s0;
	s26 =	sshll.u32 s24, $0xA  }
0x17d: {  	s26 =	sand.u32 $0x3FFFFC00, s26;
	[tilespmem:s0+$0x180] =	vst v3  }
0x17e: {  	v3 =	vld [tilespmem:s26+$0x16500];
	_ =	sdelay $0x4  }
0x17f: {  	[tilespmem:$0x0] =	vst v3  }
0x180: {  	v4 =	vld [tilespmem:s26+$0x16580];
	_ =	sdelay $0x4  }
0x181: {  	[tilespmem:$0x10] =	vst v4  }
0x182: {  	v4 =	vld [tilespmem:s26+$0x16600];
	_ =	sdelay $0x1  }
0x183: {  	v5 =	vshll.u32 v3, $0x2  }
0x184: {  	v3 =	vand.u32 $0x7, v3;
	v5 =	vand.u32 $0xFFFFFFE0, v5  }
0x185: {  	v3 =	vor.u32 v3, v5  }
0x186: {  	[tilespmem:$0x20] =	vst v4;
	v4 =	vperm.xlane v3, v0  }
0x187: {  	v5 =	vld [tilespmem:s26+$0x16680]  }
0x188: {  	v4 =	vadd.s32 v1, v4;
	_ =	sdelay $0x1  }
0x189: {  	v3 =	vperm.xlane v3, v2;
	_ =	sdelay $0x1  }
0x18a: {  	s28 =	simm.s32 $0x0;
	s10 =	simm.s32 $0x100;
	v3 =	vadd.s32 v1, v3;
	[tilespmem:$0x30] =	vst v5  }
0x18b: {  	[tilespmem:s10], [sflag:$0x1] =	stream.indirect_vreg.gather [hbm4b:s1+s28], $0x80, v4, vm0, $0xb8;
	[tilespmem:$0x19180] =	vst v63  }
0x18c: {  	s3 =	simm.s32 $0x900  }
0x18d: {  	[tilespmem:s3], [sflag:$0x1] =	stream.indirect_vreg.gather [hbm4b:s9+s28], $0x80, v4, vm0, $0xb8;
	[tilespmem:$0x19180] =	vst v63  }
0x18e: {  	s10 =	simm.s32 $0x1100  }
0x18f: {  	[tilespmem:s10], [sflag:$0x1] =	stream.indirect_vreg.gather [hbm4b:s1+s28], $0x80, v3, vm0, $0xb8;
	[tilespmem:$0x19180] =	vst v63  }
0x190: {  	s3 =	simm.s32 $0x1900  }
0x191: {  	[tilespmem:s3], [sflag:$0x1] =	stream.indirect_vreg.gather [hbm4b:s9+s28], $0x80, v3, vm0, $0xb8;
	[tilespmem:$0x19180] =	vst v63  }
0x192: {  	v3 =	vld [tilespmem:$0x10];
	_ =	sdelay $0x4  }
0x193: {  	v4 =	vshll.u32 v3, $0x2  }
0x194: {  	v3 =	vand.u32 $0x7, v3;
	v4 =	vand.u32 $0xFFFFFFE0, v4  }
0x195: {  	v3 =	vor.u32 v3, v4  }
0x196: {  	v4 =	vperm.xlane v3, v0;
	_ =	sdelay $0x1  }
0x197: {  	v4 =	vadd.s32 v1, v4;
	_ =	sdelay $0x1  }
0x198: {  	v3 =	vperm.xlane v3, v2;
	_ =	sdelay $0x1  }
0x199: {  	s10 =	simm.s32 $0x2100;
	v3 =	vadd.s32 v1, v3  }
0x19a: {  	[tilespmem:s10], [sflag:$0x1] =	stream.indirect_vreg.gather [hbm4b:s1+s28], $0x80, v4, vm0, $0xb8;
	[tilespmem:$0x19180] =	vst v63  }
0x19b: {  	s3 =	simm.s32 $0x2900  }
0x19c: {  	[tilespmem:s3], [sflag:$0x1] =	stream.indirect_vreg.gather [hbm4b:s9+s28], $0x80, v4, vm0, $0xb8;
	[tilespmem:$0x19180] =	vst v63  }
0x19d: {  	s10 =	simm.s32 $0x3100  }
0x19e: {  	[tilespmem:s10], [sflag:$0x1] =	stream.indirect_vreg.gather [hbm4b:s1+s28], $0x80, v3, vm0, $0xb8;
	[tilespmem:$0x19180] =	vst v63  }
0x19f: {  	s3 =	simm.s32 $0x3900  }
0x1a0: {  	[tilespmem:s3], [sflag:$0x1] =	stream.indirect_vreg.gather [hbm4b:s9+s28], $0x80, v3, vm0, $0xb8;
	[tilespmem:$0x19180] =	vst v63  }
0x1a1: {  	v3 =	vld [tilespmem:$0x20];
	_ =	sdelay $0x4  }
0x1a2: {  	v4 =	vshll.u32 v3, $0x2  }
0x1a3: {  	v3 =	vand.u32 $0x7, v3;
	v4 =	vand.u32 $0xFFFFFFE0, v4  }
0x1a4: {  	v3 =	vor.u32 v3, v4  }
0x1a5: {  	v4 =	vperm.xlane v3, v0;
	_ =	sdelay $0x1  }
0x1a6: {  	v4 =	vadd.s32 v1, v4;
	_ =	sdelay $0x1  }
0x1a7: {  	v3 =	vperm.xlane v3, v2;
	_ =	sdelay $0x1  }
0x1a8: {  	s10 =	simm.s32 $0x4100;
	v3 =	vadd.s32 v1, v3  }
0x1a9: {  	[tilespmem:s10], [sflag:$0x1] =	stream.indirect_vreg.gather [hbm4b:s1+s28], $0x80, v4, vm0, $0xb8;
	[tilespmem:$0x19180] =	vst v63  }
0x1aa: {  	s3 =	simm.s32 $0x4900  }
0x1ab: {  	[tilespmem:s3], [sflag:$0x1] =	stream.indirect_vreg.gather [hbm4b:s9+s28], $0x80, v4, vm0, $0xb8;
	[tilespmem:$0x19180] =	vst v63  }
0x1ac: {  	s10 =	simm.s32 $0x5100  }
0x1ad: {  	[tilespmem:s10], [sflag:$0x1] =	stream.indirect_vreg.gather [hbm4b:s1+s28], $0x80, v3, vm0, $0xb8;
	[tilespmem:$0x19180] =	vst v63  }
0x1ae: {  	s3 =	simm.s32 $0x5900  }
0x1af: {  	[tilespmem:s3], [sflag:$0x1] =	stream.indirect_vreg.gather [hbm4b:s9+s28], $0x80, v3, vm0, $0xb8;
	[tilespmem:$0x19180] =	vst v63  }
0x1b0: {  	v3 =	vld [tilespmem:$0x30];
	_ =	sdelay $0x4  }
0x1b1: {  	v4 =	vshll.u32 v3, $0x2  }
0x1b2: {  	v3 =	vand.u32 $0x7, v3;
	v4 =	vand.u32 $0xFFFFFFE0, v4  }
0x1b3: {  	v3 =	vor.u32 v3, v4  }
0x1b4: {  	v4 =	vperm.xlane v3, v0;
	_ =	sdelay $0x1  }
0x1b5: {  	v4 =	vadd.s32 v1, v4;
	_ =	sdelay $0x1  }
0x1b6: {  	v3 =	vperm.xlane v3, v2;
	_ =	sdelay $0x1  }
0x1b7: {  	s10 =	simm.s32 $0x6100;
	v3 =	vadd.s32 v1, v3  }
0x1b8: {  	[tilespmem:s10], [sflag:$0x1] =	stream.indirect_vreg.gather [hbm4b:s1+s28], $0x80, v4, vm0, $0xb8;
	[tilespmem:$0x19180] =	vst v63  }
0x1b9: {  	s3 =	simm.s32 $0x6900  }
0x1ba: {  	[tilespmem:s3], [sflag:$0x1] =	stream.indirect_vreg.gather [hbm4b:s9+s28], $0x80, v4, vm0, $0xb8;
	[tilespmem:$0x19180] =	vst v63  }
0x1bb: {  	s10 =	simm.s32 $0x7100  }
0x1bc: {  	[tilespmem:s10], [sflag:$0x1] =	stream.indirect_vreg.gather [hbm4b:s1+s28], $0x80, v3, vm0, $0xb8;
	[tilespmem:$0x19180] =	vst v63  }
0x1bd: {  	s3 =	simm.s32 $0x7900  }
0x1be: {  	[tilespmem:s3], [sflag:$0x1] =	stream.indirect_vreg.gather [hbm4b:s9+s28], $0x80, v3, vm0, $0xb8;
	[tilespmem:$0x19180] =	vst v63  }
0x1bf: {  	_ =	swait.ge [sflag:s22], $0x8000  }
0x1c0: {  	s29 =	sand.u32 $0x70, s28;
	s30 =	sand.u32 $0xC00, s28;
	[sflag:s22] =	ssyncset.done $0x0  }
0x1c1: {  	s3 =	sor.u32 s29, s30;
	[sflag:s22] =	ssyncadd.s32 $0xFFFF8000  }
0x1c2: {  	v3 =	vld [tilespmem:s3+$0x8180]  }
0x1c3: {  	v4 =	vld [tilespmem:s3+$0x8100]  }
0x1c4: {  	v5 =	vld [tilespmem:s3+$0x8200]  }
0x1c5: {  	v6 =	vld [tilespmem:s3+$0x8280]  }
0x1c6: {  	v7 =	vld [tilespmem:s3+$0x8300]  }
0x1c7: {  	s10 =	sor.u32 s28, s28;
	v8 =	vld [tilespmem:s3+$0x8380]  }
0x1c8: {  	s0 =	sor.u32 $0x380, s10;
	v9 =	vld [tilespmem:s3+$0x8400]  }
0x1c9: {  	v10 =	vld [tilespmem:s0+$0x8100]  }
0x1ca: {  	v11 =	vld [tilespmem:s3+$0x9100]  }
0x1cb: {  	v12 =	vld [tilespmem:s3+$0x9180]  }
0x1cc: {  	v13 =	vld [tilespmem:s3+$0x9200]  }
0x1cd: {  	v14 =	vld [tilespmem:s3+$0x9280]  }
0x1ce: {  	v15 =	vld [tilespmem:s3+$0x9300]  }
0x1cf: {  	s31 =	simm.s32 $0x10;
	v16 =	vld [tilespmem:s3+$0x9380];
	s0 =	simm.s32 $0x0  }
.LBB2_14:
0x1d0: {  	p0 =	sne.s32 s31, $0x1F0;
	v17 =	vld [tilespmem:s3+$0x9400]  }
0x1d1: {  	v18 =	vld [tilespmem:s3+$0x9480];
	_ =	sdelay $0x1  }
0x1d2: {  	v3 =	vadd.f32 v3, v4;
	v4 =	vadd.f32 v6, v5  }
0x1d3: {  	v5 =	vadd.f32 v8, v7;
	v6 =	vadd.f32 v10, v9  }
0x1d4: {  	v7 =	vadd.f32 v12, v11;
	v8 =	vadd.f32 v14, v13  }
0x1d5: {  	v9 =	vadd.f32 v16, v15;
	v10 =	vadd.f32 v18, v17  }
0x1d6: {  	v3 =	vadd.f32 v4, v3;
	v4 =	vadd.f32 v6, v5  }
0x1d7: {  	v5 =	vadd.f32 v8, v7;
	v6 =	vadd.f32 v10, v9;
	_ =	sdelay $0x1  }
0x1d8: {  	v3 =	vadd.f32 v4, v3;
	v4 =	vadd.f32 v6, v5;
	_ =	sdelay $0x1  }
0x1d9: {  	s0 =	sadd.s32 $0x80, s0;
	s3 =	sadd.s32 s30, s25;
	v3 =	vadd.f32 v4, v3  }
0x1da: {  	s30 =	sand.u32 $0xC00, s0;
	s10 =	sadd.s32 s29, s3;
	s29 =	sand.u32 $0x70, s31  }
0x1db: {  	s3 =	sor.u32 s29, s30;
	[tilespmem:s10+$0x200] =	vst v3  }
0x1dc: {  	v3 =	vld [tilespmem:s3+$0x8180]  }
0x1dd: {  	v4 =	vld [tilespmem:s3+$0x8100]  }
0x1de: {  	v5 =	vld [tilespmem:s3+$0x8200]  }
0x1df: {  	v6 =	vld [tilespmem:s3+$0x8280]  }
0x1e0: {  	v7 =	vld [tilespmem:s3+$0x8300]  }
0x1e1: {  	s10 =	sor.u32 s0, s31;
	v8 =	vld [tilespmem:s3+$0x8380]  }
0x1e2: {  	s10 =	sor.u32 $0x380, s10;
	v9 =	vld [tilespmem:s3+$0x8400]  }
0x1e3: {  	v10 =	vld [tilespmem:s10+$0x8100]  }
0x1e4: {  	v11 =	vld [tilespmem:s3+$0x9100]  }
.Ltmp5:
0x1e5: {  	v12 =	vld [tilespmem:s3+$0x9180];
	(pc) =	sbr.rel @p0 .LBB2_14-.Ltmp5, $4  }
0x1e6: {  	v13 =	vld [tilespmem:s3+$0x9200]  }
0x1e7: {  	v14 =	vld [tilespmem:s3+$0x9280]  }
0x1e8: {  	v15 =	vld [tilespmem:s3+$0x9300]  }
0x1e9: {  	s31 =	sadd.s32 $0x10, s31;
	v16 =	vld [tilespmem:s3+$0x9380]  }
0x1ea: {  	v17 =	vld [tilespmem:s3+$0x9400]  }
0x1eb: {  	v18 =	vld [tilespmem:s3+$0x9480];
	_ =	sdelay $0x1  }
0x1ec: {  	v3 =	vadd.f32 v3, v4;
	v4 =	vadd.f32 v6, v5  }
0x1ed: {  	v5 =	vadd.f32 v8, v7;
	v6 =	vadd.f32 v10, v9  }
0x1ee: {  	v7 =	vadd.f32 v12, v11;
	v8 =	vadd.f32 v14, v13  }
0x1ef: {  	v9 =	vadd.f32 v16, v15;
	v10 =	vadd.f32 v18, v17  }
0x1f0: {  	v3 =	vadd.f32 v4, v3;
	v4 =	vadd.f32 v6, v5  }
0x1f1: {  	v5 =	vadd.f32 v8, v7;
	v6 =	vadd.f32 v10, v9;
	_ =	sdelay $0x1  }
0x1f2: {  	v3 =	vadd.f32 v4, v3;
	v4 =	vadd.f32 v6, v5;
	_ =	sdelay $0x1  }
0x1f3: {  	s0 =	sadd.s32 s30, s25;
	v3 =	vadd.f32 v4, v3  }
0x1f4: {  	s30 =	sand.u32 $0xC00, s28;
	s0 =	sadd.s32 s29, s0;
	s29 =	sand.u32 $0x70, s28  }
0x1f5: {  	s3 =	sor.u32 s29, s30;
	[tilespmem:s0+$0x200] =	vst v3  }
0x1f6: {  	v3 =	vld [tilespmem:s3+$0xA180]  }
0x1f7: {  	v4 =	vld [tilespmem:s3+$0xA100]  }
0x1f8: {  	v5 =	vld [tilespmem:s3+$0xA200]  }
0x1f9: {  	v6 =	vld [tilespmem:s3+$0xA280]  }
0x1fa: {  	v7 =	vld [tilespmem:s3+$0xA300]  }
0x1fb: {  	v8 =	vld [tilespmem:s3+$0xA380]  }
0x1fc: {  	v9 =	vld [tilespmem:s3+$0xA400]  }
0x1fd: {  	v10 =	vld [tilespmem:s3+$0xA480]  }
0x1fe: {  	v11 =	vld [tilespmem:s3+$0xB100]  }
0x1ff: {  	v12 =	vld [tilespmem:s3+$0xB180]  }
0x200: {  	v13 =	vld [tilespmem:s3+$0xB200]  }
0x201: {  	v14 =	vld [tilespmem:s3+$0xB280]  }
0x202: {  	v15 =	vld [tilespmem:s3+$0xB300]  }
0x203: {  	s0 =	simm.s32 $0x10;
	v16 =	vld [tilespmem:s3+$0xB380]  }
.LBB2_16:
0x204: {  	p0 =	sne.s32 s0, $0x1F0;
	v17 =	vld [tilespmem:s3+$0xB400]  }
0x205: {  	v18 =	vld [tilespmem:s3+$0xB480];
	_ =	sdelay $0x1  }
0x206: {  	v3 =	vadd.f32 v3, v4;
	v4 =	vadd.f32 v6, v5  }
0x207: {  	v5 =	vadd.f32 v8, v7;
	v6 =	vadd.f32 v10, v9  }
0x208: {  	v7 =	vadd.f32 v12, v11;
	v8 =	vadd.f32 v14, v13  }
0x209: {  	v9 =	vadd.f32 v16, v15;
	v10 =	vadd.f32 v18, v17  }
0x20a: {  	v3 =	vadd.f32 v4, v3;
	v4 =	vadd.f32 v6, v5  }
0x20b: {  	v5 =	vadd.f32 v8, v7;
	v6 =	vadd.f32 v10, v9;
	_ =	sdelay $0x1  }
0x20c: {  	v3 =	vadd.f32 v4, v3;
	v4 =	vadd.f32 v6, v5;
	_ =	sdelay $0x1  }
0x20d: {  	s28 =	sadd.s32 $0x80, s28;
	s3 =	sadd.s32 s30, s25;
	v3 =	vadd.f32 v4, v3  }
0x20e: {  	s30 =	sand.u32 $0xC00, s28;
	s10 =	sadd.s32 s29, s3;
	s29 =	sand.u32 $0x70, s0  }
0x20f: {  	s3 =	sor.u32 s29, s30;
	[tilespmem:s10+$0x280] =	vst v3  }
0x210: {  	v3 =	vld [tilespmem:s3+$0xA180]  }
0x211: {  	v4 =	vld [tilespmem:s3+$0xA100]  }
0x212: {  	v5 =	vld [tilespmem:s3+$0xA200]  }
0x213: {  	v6 =	vld [tilespmem:s3+$0xA280]  }
0x214: {  	v7 =	vld [tilespmem:s3+$0xA300]  }
0x215: {  	v8 =	vld [tilespmem:s3+$0xA380]  }
0x216: {  	v9 =	vld [tilespmem:s3+$0xA400]  }
0x217: {  	v10 =	vld [tilespmem:s3+$0xA480]  }
0x218: {  	v11 =	vld [tilespmem:s3+$0xB100]  }
.Ltmp6:
0x219: {  	v12 =	vld [tilespmem:s3+$0xB180];
	(pc) =	sbr.rel @p0 .LBB2_16-.Ltmp6, $4  }
0x21a: {  	v13 =	vld [tilespmem:s3+$0xB200]  }
0x21b: {  	v14 =	vld [tilespmem:s3+$0xB280]  }
0x21c: {  	v15 =	vld [tilespmem:s3+$0xB300]  }
0x21d: {  	s0 =	sadd.s32 $0x10, s0;
	v16 =	vld [tilespmem:s3+$0xB380]  }
0x21e: {  	v17 =	vld [tilespmem:s3+$0xB400]  }
0x21f: {  	v18 =	vld [tilespmem:s3+$0xB480];
	_ =	sdelay $0x1  }
0x220: {  	v3 =	vadd.f32 v3, v4;
	v4 =	vadd.f32 v6, v5  }
0x221: {  	v5 =	vadd.f32 v8, v7;
	v6 =	vadd.f32 v10, v9  }
0x222: {  	v7 =	vadd.f32 v12, v11;
	v8 =	vadd.f32 v14, v13  }
0x223: {  	v9 =	vadd.f32 v16, v15;
	v10 =	vadd.f32 v18, v17  }
0x224: {  	v3 =	vadd.f32 v4, v3;
	v4 =	vadd.f32 v6, v5  }
0x225: {  	v5 =	vadd.f32 v8, v7;
	v6 =	vadd.f32 v10, v9;
	_ =	sdelay $0x1  }
0x226: {  	v3 =	vadd.f32 v4, v3;
	v4 =	vadd.f32 v6, v5;
	_ =	sdelay $0x1  }
0x227: {  	s0 =	sadd.s32 s30, s25;
	s28 =	simm.s32 $0x0;
	v3 =	vadd.f32 v4, v3  }
0x228: {  	s0 =	sadd.s32 s29, s0;
	s29 =	sand.u32 $0x70, s28;
	s30 =	sand.u32 $0xC00, s28  }
0x229: {  	s3 =	sor.u32 s29, s30;
	[tilespmem:s0+$0x280] =	vst v3  }
0x22a: {  	v3 =	vld [tilespmem:s3+$0xC180]  }
0x22b: {  	v4 =	vld [tilespmem:s3+$0xC100]  }
0x22c: {  	v5 =	vld [tilespmem:s3+$0xC200]  }
0x22d: {  	v6 =	vld [tilespmem:s3+$0xC280]  }
0x22e: {  	v7 =	vld [tilespmem:s3+$0xC300]  }
0x22f: {  	v8 =	vld [tilespmem:s3+$0xC380]  }
0x230: {  	v9 =	vld [tilespmem:s3+$0xC400]  }
0x231: {  	v10 =	vld [tilespmem:s3+$0xC480]  }
0x232: {  	v11 =	vld [tilespmem:s3+$0xD100]  }
0x233: {  	v12 =	vld [tilespmem:s3+$0xD180]  }
0x234: {  	v13 =	vld [tilespmem:s3+$0xD200]  }
0x235: {  	v14 =	vld [tilespmem:s3+$0xD280]  }
0x236: {  	v15 =	vld [tilespmem:s3+$0xD300]  }
0x237: {  	s31 =	simm.s32 $0x0;
	s0 =	simm.s32 $0x10;
	v16 =	vld [tilespmem:s3+$0xD380]  }
.LBB2_18:
0x238: {  	p0 =	sne.s32 s0, $0x1F0;
	v17 =	vld [tilespmem:s3+$0xD400]  }
0x239: {  	v18 =	vld [tilespmem:s3+$0xD480];
	_ =	sdelay $0x1  }
0x23a: {  	v3 =	vadd.f32 v3, v4;
	v4 =	vadd.f32 v6, v5  }
0x23b: {  	v5 =	vadd.f32 v8, v7;
	v6 =	vadd.f32 v10, v9  }
0x23c: {  	v7 =	vadd.f32 v12, v11;
	v8 =	vadd.f32 v14, v13  }
0x23d: {  	v9 =	vadd.f32 v16, v15;
	v10 =	vadd.f32 v18, v17  }
0x23e: {  	v3 =	vadd.f32 v4, v3;
	v4 =	vadd.f32 v6, v5  }
0x23f: {  	v5 =	vadd.f32 v8, v7;
	v6 =	vadd.f32 v10, v9;
	_ =	sdelay $0x1  }
0x240: {  	v3 =	vadd.f32 v4, v3;
	v4 =	vadd.f32 v6, v5;
	_ =	sdelay $0x1  }
0x241: {  	s31 =	sadd.s32 $0x80, s31;
	s3 =	sadd.s32 s30, s25;
	v3 =	vadd.f32 v4, v3  }
0x242: {  	s30 =	sand.u32 $0xC00, s31;
	s10 =	sadd.s32 s29, s3;
	s29 =	sand.u32 $0x70, s0  }
0x243: {  	s3 =	sor.u32 s29, s30;
	[tilespmem:s10+$0x300] =	vst v3  }
0x244: {  	v3 =	vld [tilespmem:s3+$0xC180]  }
0x245: {  	v4 =	vld [tilespmem:s3+$0xC100]  }
0x246: {  	v5 =	vld [tilespmem:s3+$0xC200]  }
0x247: {  	v6 =	vld [tilespmem:s3+$0xC280]  }
0x248: {  	v7 =	vld [tilespmem:s3+$0xC300]  }
0x249: {  	v8 =	vld [tilespmem:s3+$0xC380]  }
0x24a: {  	v9 =	vld [tilespmem:s3+$0xC400]  }
0x24b: {  	v10 =	vld [tilespmem:s3+$0xC480]  }
0x24c: {  	v11 =	vld [tilespmem:s3+$0xD100]  }
.Ltmp7:
0x24d: {  	v12 =	vld [tilespmem:s3+$0xD180];
	(pc) =	sbr.rel @p0 .LBB2_18-.Ltmp7, $4  }
0x24e: {  	v13 =	vld [tilespmem:s3+$0xD200]  }
0x24f: {  	v14 =	vld [tilespmem:s3+$0xD280]  }
0x250: {  	v15 =	vld [tilespmem:s3+$0xD300]  }
0x251: {  	s0 =	sadd.s32 $0x10, s0;
	v16 =	vld [tilespmem:s3+$0xD380]  }
0x252: {  	v17 =	vld [tilespmem:s3+$0xD400]  }
0x253: {  	v18 =	vld [tilespmem:s3+$0xD480];
	_ =	sdelay $0x1  }
0x254: {  	v3 =	vadd.f32 v3, v4;
	v4 =	vadd.f32 v6, v5  }
0x255: {  	v5 =	vadd.f32 v8, v7;
	v6 =	vadd.f32 v10, v9  }
0x256: {  	v7 =	vadd.f32 v12, v11;
	v8 =	vadd.f32 v14, v13  }
0x257: {  	v9 =	vadd.f32 v16, v15;
	v10 =	vadd.f32 v18, v17  }
0x258: {  	v3 =	vadd.f32 v4, v3;
	v4 =	vadd.f32 v6, v5  }
0x259: {  	v5 =	vadd.f32 v8, v7;
	v6 =	vadd.f32 v10, v9;
	_ =	sdelay $0x1  }
0x25a: {  	v3 =	vadd.f32 v4, v3;
	v4 =	vadd.f32 v6, v5;
	_ =	sdelay $0x1  }
0x25b: {  	s0 =	sadd.s32 s30, s25;
	v3 =	vadd.f32 v4, v3  }
0x25c: {  	s30 =	sand.u32 $0xC00, s28;
	s0 =	sadd.s32 s29, s0;
	s29 =	sand.u32 $0x70, s28  }
0x25d: {  	s3 =	sor.u32 s29, s30;
	[tilespmem:s0+$0x300] =	vst v3  }
0x25e: {  	v3 =	vld [tilespmem:s3+$0xE180]  }
0x25f: {  	v4 =	vld [tilespmem:s3+$0xE100]  }
0x260: {  	v5 =	vld [tilespmem:s3+$0xE200]  }
0x261: {  	v6 =	vld [tilespmem:s3+$0xE280]  }
0x262: {  	v7 =	vld [tilespmem:s3+$0xE300]  }
0x263: {  	v8 =	vld [tilespmem:s3+$0xE380]  }
0x264: {  	v9 =	vld [tilespmem:s3+$0xE400]  }
0x265: {  	v10 =	vld [tilespmem:s3+$0xE480]  }
0x266: {  	v11 =	vld [tilespmem:s3+$0xF100]  }
0x267: {  	v12 =	vld [tilespmem:s3+$0xF180]  }
0x268: {  	v13 =	vld [tilespmem:s3+$0xF200]  }
0x269: {  	v14 =	vld [tilespmem:s3+$0xF280]  }
0x26a: {  	v15 =	vld [tilespmem:s3+$0xF300]  }
0x26b: {  	s0 =	simm.s32 $0x10;
	v16 =	vld [tilespmem:s3+$0xF380]  }
.LBB2_20:
0x26c: {  	p0 =	sne.s32 s0, $0x1F0;
	v17 =	vld [tilespmem:s3+$0xF400]  }
0x26d: {  	v18 =	vld [tilespmem:s3+$0xF480];
	_ =	sdelay $0x1  }
0x26e: {  	v3 =	vadd.f32 v3, v4;
	v4 =	vadd.f32 v6, v5  }
0x26f: {  	v5 =	vadd.f32 v8, v7;
	v6 =	vadd.f32 v10, v9  }
0x270: {  	v7 =	vadd.f32 v12, v11;
	v8 =	vadd.f32 v14, v13  }
0x271: {  	v9 =	vadd.f32 v16, v15;
	v10 =	vadd.f32 v18, v17  }
0x272: {  	v3 =	vadd.f32 v4, v3;
	v4 =	vadd.f32 v6, v5  }
0x273: {  	v5 =	vadd.f32 v8, v7;
	v6 =	vadd.f32 v10, v9;
	_ =	sdelay $0x1  }
0x274: {  	v3 =	vadd.f32 v4, v3;
	v4 =	vadd.f32 v6, v5;
	_ =	sdelay $0x1  }
0x275: {  	s28 =	sadd.s32 $0x80, s28;
	s3 =	sadd.s32 s30, s25;
	v3 =	vadd.f32 v4, v3  }
0x276: {  	s30 =	sand.u32 $0xC00, s28;
	s10 =	sadd.s32 s29, s3;
	s29 =	sand.u32 $0x70, s0  }
0x277: {  	s3 =	sor.u32 s29, s30;
	[tilespmem:s10+$0x380] =	vst v3  }
0x278: {  	v3 =	vld [tilespmem:s3+$0xE180]  }
0x279: {  	v4 =	vld [tilespmem:s3+$0xE100]  }
0x27a: {  	v5 =	vld [tilespmem:s3+$0xE200]  }
0x27b: {  	v6 =	vld [tilespmem:s3+$0xE280]  }
0x27c: {  	v7 =	vld [tilespmem:s3+$0xE300]  }
0x27d: {  	v8 =	vld [tilespmem:s3+$0xE380]  }
0x27e: {  	v9 =	vld [tilespmem:s3+$0xE400]  }
0x27f: {  	v10 =	vld [tilespmem:s3+$0xE480]  }
0x280: {  	v11 =	vld [tilespmem:s3+$0xF100]  }
.Ltmp8:
0x281: {  	v12 =	vld [tilespmem:s3+$0xF180];
	(pc) =	sbr.rel @p0 .LBB2_20-.Ltmp8, $4  }
0x282: {  	v13 =	vld [tilespmem:s3+$0xF200]  }
0x283: {  	v14 =	vld [tilespmem:s3+$0xF280]  }
0x284: {  	v15 =	vld [tilespmem:s3+$0xF300]  }
0x285: {  	s0 =	sadd.s32 $0x10, s0;
	v16 =	vld [tilespmem:s3+$0xF380]  }
0x286: {  	v17 =	vld [tilespmem:s3+$0xF400]  }
0x287: {  	v18 =	vld [tilespmem:s3+$0xF480];
	_ =	sdelay $0x1  }
0x288: {  	v3 =	vadd.f32 v3, v4;
	v46 =	vadd.f32 v6, v5  }
0x289: {  	v47 =	vadd.f32 v8, v7;
	v48 =	vadd.f32 v10, v9  }
0x28a: {  	v49 =	vadd.f32 v12, v11;
	v50 =	vadd.f32 v14, v13  }
0x28b: {  	v51 =	vadd.f32 v16, v15;
	v52 =	vadd.f32 v18, v17  }
0x28c: {  	v3 =	vadd.f32 v46, v3;
	v53 =	vadd.f32 v48, v47  }
0x28d: {  	v54 =	vadd.f32 v50, v49;
	v55 =	vadd.f32 v52, v51;
	_ =	sdelay $0x1  }
0x28e: {  	v3 =	vadd.f32 v53, v3;
	v56 =	vadd.f32 v55, v54;
	_ =	sdelay $0x1  }
0x28f: {  	s0 =	sadd.s32 s30, s25;
	v3 =	vadd.f32 v56, v3  }
0x290: {  	s0 =	sadd.s32 s29, s0  }
0x291: {  	[tilespmem:s0+$0x380] =	vst v3  }
0x292: {  	v3 =	vld [tilespmem:s26+$0x16700];
	_ =	sdelay $0x4  }
0x293: {  	[tilespmem:$0x80] =	vst v3  }
0x294: {  	v57 =	vld [tilespmem:s26+$0x16780];
	_ =	sdelay $0x4  }
0x295: {  	[tilespmem:$0x90] =	vst v57  }
0x296: {  	v4 =	vld [tilespmem:s26+$0x16800];
	_ =	sdelay $0x1  }
0x297: {  	v58 =	vshll.u32 v3, $0x2  }
0x298: {  	v3 =	vand.u32 $0x7, v3;
	v5 =	vand.u32 $0xFFFFFFE0, v58  }
0x299: {  	v3 =	vor.u32 v3, v5  }
0x29a: {  	v59 =	vperm.xlane v3, v0;
	[tilespmem:$0xA0] =	vst v4  }
0x29b: {  	v60 =	vld [tilespmem:s26+$0x16880]  }
0x29c: {  	v4 =	vadd.s32 v1, v59;
	_ =	sdelay $0x1  }
0x29d: {  	v3 =	vperm.xlane v3, v2;
	_ =	sdelay $0x1  }
0x29e: {  	s31 =	simm.s32 $0x8100;
	v3 =	vadd.s32 v1, v3;
	[tilespmem:$0xB0] =	vst v60  }
0x29f: {  	[tilespmem:s31], [sflag:$0x2] =	stream.indirect_vreg.gather [hbm4b:s1+s2], $0x80, v4, vm0, $0xb8;
	[tilespmem:$0x19180] =	vst v63  }
0x2a0: {  	_ = 	snop  }
0x2a1: {  	[tilespmem:s13], [sflag:$0x2] =	stream.indirect_vreg.gather [hbm4b:s9+s2], $0x80, v4, vm0, $0xb8;
	[tilespmem:$0x19180] =	vst v63  }
0x2a2: {  	_ = 	snop  }
0x2a3: {  	[tilespmem:s14], [sflag:$0x2] =	stream.indirect_vreg.gather [hbm4b:s1+s2], $0x80, v3, vm0, $0xb8;
	[tilespmem:$0x19180] =	vst v63  }
0x2a4: {  	_ = 	snop  }
0x2a5: {  	[tilespmem:s16], [sflag:$0x2] =	stream.indirect_vreg.gather [hbm4b:s9+s2], $0x80, v3, vm0, $0xb8;
	[tilespmem:$0x19180] =	vst v63  }
0x2a6: {  	v3 =	vld [tilespmem:$0x90];
	_ =	sdelay $0x4  }
0x2a7: {  	v61 =	vshll.u32 v3, $0x2  }
0x2a8: {  	v3 =	vand.u32 $0x7, v3;
	v4 =	vand.u32 $0xFFFFFFE0, v61  }
0x2a9: {  	v3 =	vor.u32 v3, v4  }
0x2aa: {  	v4 =	vperm.xlane v3, v0;
	_ =	sdelay $0x1  }
0x2ab: {  	v4 =	vadd.s32 v1, v4;
	_ =	sdelay $0x1  }
0x2ac: {  	v3 =	vperm.xlane v3, v2;
	_ =	sdelay $0x1  }
0x2ad: {  	v3 =	vadd.s32 v1, v3  }
0x2ae: {  	[tilespmem:s4], [sflag:$0x2] =	stream.indirect_vreg.gather [hbm4b:s1+s2], $0x80, v4, vm0, $0xb8;
	[tilespmem:$0x19180] =	vst v63  }
0x2af: {  	_ = 	snop  }
0x2b0: {  	[tilespmem:s5], [sflag:$0x2] =	stream.indirect_vreg.gather [hbm4b:s9+s2], $0x80, v4, vm0, $0xb8;
	[tilespmem:$0x19180] =	vst v63  }
0x2b1: {  	_ = 	snop  }
0x2b2: {  	[tilespmem:s6], [sflag:$0x2] =	stream.indirect_vreg.gather [hbm4b:s1+s2], $0x80, v3, vm0, $0xb8;
	[tilespmem:$0x19180] =	vst v63  }
0x2b3: {  	_ = 	snop  }
0x2b4: {  	[tilespmem:s7], [sflag:$0x2] =	stream.indirect_vreg.gather [hbm4b:s9+s2], $0x80, v3, vm0, $0xb8;
	[tilespmem:$0x19180] =	vst v63  }
0x2b5: {  	v3 =	vld [tilespmem:$0xA0];
	_ =	sdelay $0x4  }
0x2b6: {  	v62 =	vshll.u32 v3, $0x2  }
0x2b7: {  	v3 =	vand.u32 $0x7, v3;
	v4 =	vand.u32 $0xFFFFFFE0, v62  }
0x2b8: {  	v3 =	vor.u32 v3, v4  }
0x2b9: {  	v4 =	vperm.xlane v3, v0;
	_ =	sdelay $0x1  }
0x2ba: {  	v4 =	vadd.s32 v1, v4;
	_ =	sdelay $0x1  }
0x2bb: {  	v3 =	vperm.xlane v3, v2;
	_ =	sdelay $0x1  }
0x2bc: {  	v3 =	vadd.s32 v1, v3  }
0x2bd: {  	[tilespmem:s8], [sflag:$0x2] =	stream.indirect_vreg.gather [hbm4b:s1+s2], $0x80, v4, vm0, $0xb8;
	[tilespmem:$0x19180] =	vst v63  }
0x2be: {  	_ = 	snop  }
0x2bf: {  	[tilespmem:s11], [sflag:$0x2] =	stream.indirect_vreg.gather [hbm4b:s9+s2], $0x80, v4, vm0, $0xb8;
	[tilespmem:$0x19180] =	vst v63  }
0x2c0: {  	_ = 	snop  }
0x2c1: {  	[tilespmem:s12], [sflag:$0x2] =	stream.indirect_vreg.gather [hbm4b:s1+s2], $0x80, v3, vm0, $0xb8;
	[tilespmem:$0x19180] =	vst v63  }
0x2c2: {  	_ = 	snop  }
0x2c3: {  	[tilespmem:s17], [sflag:$0x2] =	stream.indirect_vreg.gather [hbm4b:s9+s2], $0x80, v3, vm0, $0xb8;
	[tilespmem:$0x19180] =	vst v63  }
0x2c4: {  	v3 =	vld [tilespmem:$0xB0];
	_ =	sdelay $0x4  }
0x2c5: {  	v63 =	vshll.u32 v3, $0x2  }
0x2c6: {  	v3 =	vand.u32 $0x7, v3;
	v4 =	vand.u32 $0xFFFFFFE0, v63  }
0x2c7: {  	v3 =	vor.u32 v3, v4  }
0x2c8: {  	v4 =	vperm.xlane v3, v0;
	_ =	sdelay $0x1  }
0x2c9: {  	v4 =	vadd.s32 v1, v4;
	_ =	sdelay $0x2  }
0x2ca: {  	v3 =	vperm.xlane v3, v2  }
0x2cb: {  	s24 =	sadd.s32 $0x1, s24  }
0x2cc: {  	v3 =	vadd.s32 v1, v3;
	[tilespmem:s18], [sflag:$0x2] =	stream.indirect_vreg.gather [hbm4b:s1+s2], $0x80, v4, vm0, $0xb8;
	[tilespmem:$0x19180] =	vst v63  }
0x2cd: {  	p0 =	sne.s32 s24, $0x5  }
0x2ce: {  	[tilespmem:s19], [sflag:$0x2] =	stream.indirect_vreg.gather [hbm4b:s9+s2], $0x80, v4, vm0, $0xb8;
	[tilespmem:$0x19180] =	vst v63  }
.Ltmp9:
0x2cf: {  	_ = 	snop;
	(pc) =	sbr.rel @p0 .LBB2_5-.Ltmp9, $4  }
0x2d0: {  	_ = 	snop  }
0x2d1: {  	[tilespmem:s20], [sflag:$0x2] =	stream.indirect_vreg.gather [hbm4b:s1+s2], $0x80, v3, vm0, $0xb8;
	[tilespmem:$0x19180] =	vst v63  }
0x2d2: {  	_ = 	snop  }
0x2d3: {  	[tilespmem:s21], [sflag:$0x2] =	stream.indirect_vreg.gather [hbm4b:s9+s2], $0x80, v3, vm0, $0xb8;
	[tilespmem:$0x19180] =	vst v63  }
0x2d4: {  	_ =	swait.ge [sflag:s15], $0x8000;
	s0 =	simm.s32 $0x0  }
0x2d5: {  	[sflag:s15] =	ssyncset.done $0x0;
	s3 =	sand.u32 $0x70, s0;
	s10 =	sand.u32 $0xC00, s0  }
0x2d6: {  	[sflag:s15] =	ssyncadd.s32 $0xFFFF8000;
	s23 =	sor.u32 s3, s10  }
0x2d7: {  	v3 =	vld [tilespmem:s23+$0x1480]  }
0x2d8: {  	v5 =	vld [tilespmem:s23+$0x1400]  }
0x2d9: {  	v6 =	vld [tilespmem:s23+$0x1380]  }
0x2da: {  	v9 =	vld [tilespmem:s23+$0x1300]  }
0x2db: {  	v12 =	vld [tilespmem:s23+$0x1280]  }
0x2dc: {  	v13 =	vld [tilespmem:s23+$0x1200]  }
0x2dd: {  	v14 =	vld [tilespmem:s23+$0x1180]  }
0x2de: {  	v15 =	vld [tilespmem:s23+$0x1100]  }
0x2df: {  	v7 =	vld [tilespmem:s23+$0x380]  }
0x2e0: {  	v4 =	vld [tilespmem:s23+$0x280]  }
0x2e1: {  	v8 =	vld [tilespmem:s23+$0x400]  }
0x2e2: {  	s0 =	sor.u32 s0, s0;
	v11 =	vld [tilespmem:s23+$0x300]  }
0x2e3: {  	s0 =	sor.u32 $0x380, s0;
	v10 =	vld [tilespmem:s23+$0x180];
	v3 =	vadd.f32 v3, v5;
	v5 =	vadd.f32 v6, v9  }
0x2e4: {  	s3 =	simm.s32 $0x10;
	s24 =	smov.u32 s23;
	v6 =	vadd.f32 v12, v13;
	v9 =	vadd.f32 v14, v15;
	v12 =	vld [tilespmem:s0+$0x100];
	s0 =	simm.s32 $0x80  }
.LBB2_23:
0x2e5: {  	s10 =	sand.u32 $0x70, s3  }
0x2e6: {  	s25 =	sand.u32 $0xC00, s0;
	s26 =	sor.u32 s0, s3;
	v13 =	vld [tilespmem:s24+$0x100];
	s28 =	smov.u32 s3  }
0x2e7: {  	s10 =	sor.u32 s10, s25;
	s25 =	sor.u32 $0x380, s26;
	s26 =	sadd.s32 $0x10, s3;
	v14 =	vld [tilespmem:s24+$0x200]  }
0x2e8: {  	p0 =	sne.s32 s3, $0x1F0;
	v15 =	vld [tilespmem:s10+$0x1480];
	v7 =	vadd.f32 v7, v11  }
0x2e9: {  	v11 =	vld [tilespmem:s10+$0x1400]  }
0x2ea: {  	v16 =	vld [tilespmem:s10+$0x1380];
	v8 =	vadd.f32 v12, v8  }
0x2eb: {  	v3 =	vadd.f32 v3, v5;
	v12 =	vld [tilespmem:s10+$0x1300];
	v10 =	vadd.f32 v10, v13  }
0x2ec: {  	v5 =	vadd.f32 v6, v9;
	v13 =	vld [tilespmem:s10+$0x1280];
	v4 =	vadd.f32 v4, v14  }
0x2ed: {  	v8 =	vadd.f32 v8, v7;
	v6 =	vld [tilespmem:s10+$0x1200]  }
0x2ee: {  	v9 =	vld [tilespmem:s10+$0x1180];
	v4 =	vadd.f32 v4, v10;
	v10 =	vadd.f32 v3, v5  }
0x2ef: {  	v3 =	vadd.f32 v15, v11;
	v14 =	vld [tilespmem:s10+$0x1100]  }
0x2f0: {  	v7 =	vld [tilespmem:s10+$0x380];
	v5 =	vadd.f32 v16, v12;
	v11 =	vadd.f32 v8, v4  }
.Ltmp10:
0x2f1: {  	v4 =	vld [tilespmem:s10+$0x280];
	(pc) =	sbr.rel @p0 .LBB2_23-.Ltmp10, $4  }
0x2f2: {  	v8 =	vld [tilespmem:s10+$0x400];
	v6 =	vadd.f32 v13, v6;
	v12 =	vadd.f32 v10, v11  }
0x2f3: {  	v11 =	vld [tilespmem:s10+$0x300]  }
0x2f4: {  	v10 =	vld [tilespmem:s10+$0x180];
	v9 =	vadd.f32 v9, v14;
	[tilespmem:s24+$0x15100] =	vst v12;
	s24 =	smov.u32 s10  }
0x2f5: {  	s0 =	sadd.s32 $0x80, s0;
	s3 =	smov.u32 s26;
	v12 =	vld [tilespmem:s25+$0x100]  }
0x2f6: {  	v13 =	vld [tilespmem:s24+$0x100]  }
0x2f7: {  	v14 =	vld [tilespmem:s24+$0x200];
	_ =	sdelay $0x3  }
0x2f8: {  	v7 =	vadd.f32 v7, v11;
	v8 =	vadd.f32 v12, v8  }
0x2f9: {  	v10 =	vadd.f32 v10, v13;
	v4 =	vadd.f32 v4, v14  }
0x2fa: {  	v3 =	vadd.f32 v3, v5;
	v5 =	vadd.f32 v6, v9  }
0x2fb: {  	v6 =	vadd.f32 v8, v7;
	v4 =	vadd.f32 v4, v10;
	_ =	sdelay $0x1  }
0x2fc: {  	v3 =	vadd.f32 v3, v5;
	v4 =	vadd.f32 v6, v4;
	_ =	sdelay $0x1  }
0x2fd: {  	v3 =	vadd.f32 v3, v4;
	_ =	sdelay $0x1  }
0x2fe: {  	[tilespmem:s24+$0x15100] =	vst v3  }
0x2ff: {  	v9 =	vld [tilespmem:s23+$0x2100]  }
0x300: {  	v3 =	vld [tilespmem:s23+$0x2180]  }
0x301: {  	v4 =	vld [tilespmem:s23+$0x2200]  }
0x302: {  	v5 =	vld [tilespmem:s23+$0x2280]  }
0x303: {  	v6 =	vld [tilespmem:s23+$0x2300]  }
0x304: {  	v7 =	vld [tilespmem:s23+$0x2380]  }
0x305: {  	v8 =	vld [tilespmem:s23+$0x2400]  }
0x306: {  	v11 =	vld [tilespmem:s23+$0x2480]  }
0x307: {  	v10 =	vld [tilespmem:s23+$0x3100]  }
0x308: {  	v12 =	vld [tilespmem:s23+$0x3180]  }
0x309: {  	v13 =	vld [tilespmem:s23+$0x3200]  }
0x30a: {  	v15 =	vld [tilespmem:s23+$0x3280]  }
0x30b: {  	v14 =	vld [tilespmem:s23+$0x3300]  }
0x30c: {  	s0 =	simm.s32 $0x80;
	s3 =	simm.s32 $0x10;
	v16 =	vld [tilespmem:s23+$0x3380]  }
.LBB2_25:
0x30d: {  	s10 =	sand.u32 $0x70, s3;
	s24 =	sand.u32 $0xC00, s0;
	p0 =	sne.s32 s3, $0x1F0;
	v17 =	vld [tilespmem:s23+$0x3400]  }
0x30e: {  	s10 =	sor.u32 s10, s24;
	v18 =	vld [tilespmem:s23+$0x3480]  }
0x30f: {  	v19 =	vld [tilespmem:s10+$0x2100]  }
0x310: {  	v9 =	vadd.f32 v3, v9;
	v20 =	vadd.f32 v5, v4;
	v3 =	vld [tilespmem:s10+$0x2180]  }
0x311: {  	v21 =	vadd.f32 v7, v6;
	v8 =	vadd.f32 v11, v8;
	v4 =	vld [tilespmem:s10+$0x2200]  }
0x312: {  	v10 =	vadd.f32 v12, v10;
	v11 =	vadd.f32 v15, v13;
	v5 =	vld [tilespmem:s10+$0x2280]  }
0x313: {  	v12 =	vadd.f32 v16, v14;
	v6 =	vld [tilespmem:s10+$0x2300];
	v13 =	vadd.f32 v18, v17  }
0x314: {  	v15 =	vadd.f32 v8, v21;
	v14 =	vadd.f32 v20, v9;
	v7 =	vld [tilespmem:s10+$0x2380];
	v9 =	vmov v19  }
0x315: {  	v16 =	vadd.f32 v11, v10;
	v8 =	vld [tilespmem:s10+$0x2400];
	v12 =	vadd.f32 v13, v12  }
0x316: {  	v11 =	vld [tilespmem:s10+$0x2480]  }
0x317: {  	v14 =	vadd.f32 v15, v14;
	v10 =	vld [tilespmem:s10+$0x3100];
	v15 =	vadd.f32 v12, v16  }
.Ltmp11:
0x318: {  	v12 =	vld [tilespmem:s10+$0x3180];
	(pc) =	sbr.rel @p0 .LBB2_25-.Ltmp11, $4  }
0x319: {  	v13 =	vld [tilespmem:s10+$0x3200];
	v16 =	vadd.f32 v15, v14  }
0x31a: {  	v15 =	vld [tilespmem:s10+$0x3280]  }
0x31b: {  	v14 =	vld [tilespmem:s10+$0x3300];
	[tilespmem:s23+$0x15180] =	vst v16;
	s23 =	smov.u32 s10  }
0x31c: {  	s0 =	sadd.s32 $0x80, s0;
	s3 =	sadd.s32 $0x10, s3;
	v16 =	vld [tilespmem:s23+$0x3380]  }
0x31d: {  	v17 =	vld [tilespmem:s23+$0x3400]  }
0x31e: {  	v18 =	vld [tilespmem:s23+$0x3480];
	_ =	sdelay $0x1  }
0x31f: {  	v3 =	vadd.f32 v3, v9;
	v4 =	vadd.f32 v5, v4  }
0x320: {  	v5 =	vadd.f32 v7, v6;
	v6 =	vadd.f32 v11, v8  }
0x321: {  	v7 =	vadd.f32 v12, v10;
	v8 =	vadd.f32 v15, v13  }
0x322: {  	v9 =	vadd.f32 v16, v14;
	v10 =	vadd.f32 v18, v17  }
0x323: {  	v3 =	vadd.f32 v4, v3;
	v4 =	vadd.f32 v6, v5  }
0x324: {  	v5 =	vadd.f32 v8, v7;
	v6 =	vadd.f32 v10, v9;
	_ =	sdelay $0x1  }
0x325: {  	v3 =	vadd.f32 v4, v3;
	v4 =	vadd.f32 v6, v5;
	_ =	sdelay $0x1  }
0x326: {  	s0 =	simm.s32 $0x0;
	v3 =	vadd.f32 v4, v3  }
0x327: {  	s3 =	sand.u32 $0x70, s0;
	s0 =	sand.u32 $0xC00, s0  }
0x328: {  	[tilespmem:s23+$0x15180] =	vst v3;
	s23 =	sor.u32 s3, s0  }
0x329: {  	v9 =	vld [tilespmem:s23+$0x4100]  }
0x32a: {  	v3 =	vld [tilespmem:s23+$0x4180]  }
0x32b: {  	v4 =	vld [tilespmem:s23+$0x4200]  }
0x32c: {  	v5 =	vld [tilespmem:s23+$0x4280]  }
0x32d: {  	v6 =	vld [tilespmem:s23+$0x4300]  }
0x32e: {  	v7 =	vld [tilespmem:s23+$0x4380]  }
0x32f: {  	v8 =	vld [tilespmem:s23+$0x4400]  }
0x330: {  	v11 =	vld [tilespmem:s23+$0x4480]  }
0x331: {  	v10 =	vld [tilespmem:s23+$0x5100]  }
0x332: {  	v12 =	vld [tilespmem:s23+$0x5180]  }
0x333: {  	v13 =	vld [tilespmem:s23+$0x5200]  }
0x334: {  	v15 =	vld [tilespmem:s23+$0x5280]  }
0x335: {  	v14 =	vld [tilespmem:s23+$0x5300]  }
0x336: {  	s0 =	simm.s32 $0x80;
	s3 =	simm.s32 $0x10;
	v16 =	vld [tilespmem:s23+$0x5380];
	s24 =	smov.u32 s23  }
.LBB2_27:
0x337: {  	s10 =	sand.u32 $0x70, s3;
	s25 =	sand.u32 $0xC00, s0;
	p0 =	sne.s32 s3, $0x1F0;
	v17 =	vld [tilespmem:s24+$0x5400]  }
0x338: {  	s10 =	sor.u32 s10, s25;
	v18 =	vld [tilespmem:s24+$0x5480]  }
0x339: {  	v19 =	vld [tilespmem:s10+$0x4100]  }
0x33a: {  	v9 =	vadd.f32 v3, v9;
	v20 =	vadd.f32 v5, v4;
	v3 =	vld [tilespmem:s10+$0x4180]  }
0x33b: {  	v21 =	vadd.f32 v7, v6;
	v8 =	vadd.f32 v11, v8;
	v4 =	vld [tilespmem:s10+$0x4200]  }
0x33c: {  	v10 =	vadd.f32 v12, v10;
	v11 =	vadd.f32 v15, v13;
	v5 =	vld [tilespmem:s10+$0x4280]  }
0x33d: {  	v12 =	vadd.f32 v16, v14;
	v6 =	vld [tilespmem:s10+$0x4300];
	v13 =	vadd.f32 v18, v17  }
0x33e: {  	v15 =	vadd.f32 v8, v21;
	v14 =	vadd.f32 v20, v9;
	v7 =	vld [tilespmem:s10+$0x4380];
	v9 =	vmov v19  }
0x33f: {  	v16 =	vadd.f32 v11, v10;
	v8 =	vld [tilespmem:s10+$0x4400];
	v12 =	vadd.f32 v13, v12  }
0x340: {  	v11 =	vld [tilespmem:s10+$0x4480]  }
0x341: {  	v14 =	vadd.f32 v15, v14;
	v10 =	vld [tilespmem:s10+$0x5100];
	v15 =	vadd.f32 v12, v16  }
.Ltmp12:
0x342: {  	v12 =	vld [tilespmem:s10+$0x5180];
	(pc) =	sbr.rel @p0 .LBB2_27-.Ltmp12, $4  }
0x343: {  	v13 =	vld [tilespmem:s10+$0x5200];
	v16 =	vadd.f32 v15, v14  }
0x344: {  	v15 =	vld [tilespmem:s10+$0x5280]  }
0x345: {  	v14 =	vld [tilespmem:s10+$0x5300];
	[tilespmem:s24+$0x15200] =	vst v16;
	s24 =	smov.u32 s10  }
0x346: {  	s0 =	sadd.s32 $0x80, s0;
	s3 =	sadd.s32 $0x10, s3;
	v16 =	vld [tilespmem:s24+$0x5380]  }
0x347: {  	v17 =	vld [tilespmem:s24+$0x5400]  }
0x348: {  	v18 =	vld [tilespmem:s24+$0x5480];
	_ =	sdelay $0x1  }
0x349: {  	v3 =	vadd.f32 v3, v9;
	v4 =	vadd.f32 v5, v4  }
0x34a: {  	v5 =	vadd.f32 v7, v6;
	v6 =	vadd.f32 v11, v8  }
0x34b: {  	v7 =	vadd.f32 v12, v10;
	v8 =	vadd.f32 v15, v13  }
0x34c: {  	v9 =	vadd.f32 v16, v14;
	v10 =	vadd.f32 v18, v17  }
0x34d: {  	v3 =	vadd.f32 v4, v3;
	v4 =	vadd.f32 v6, v5  }
0x34e: {  	v5 =	vadd.f32 v8, v7;
	v6 =	vadd.f32 v10, v9;
	_ =	sdelay $0x1  }
0x34f: {  	v3 =	vadd.f32 v4, v3;
	v4 =	vadd.f32 v6, v5;
	_ =	sdelay $0x1  }
0x350: {  	v3 =	vadd.f32 v4, v3;
	_ =	sdelay $0x1  }
0x351: {  	[tilespmem:s24+$0x15200] =	vst v3  }
0x352: {  	v9 =	vld [tilespmem:s23+$0x6100]  }
0x353: {  	v3 =	vld [tilespmem:s23+$0x6180]  }
0x354: {  	v4 =	vld [tilespmem:s23+$0x6200]  }
0x355: {  	v5 =	vld [tilespmem:s23+$0x6280]  }
0x356: {  	v6 =	vld [tilespmem:s23+$0x6300]  }
0x357: {  	v7 =	vld [tilespmem:s23+$0x6380]  }
0x358: {  	v8 =	vld [tilespmem:s23+$0x6400]  }
0x359: {  	v11 =	vld [tilespmem:s23+$0x6480]  }
0x35a: {  	v10 =	vld [tilespmem:s23+$0x7100]  }
0x35b: {  	v12 =	vld [tilespmem:s23+$0x7180]  }
0x35c: {  	v13 =	vld [tilespmem:s23+$0x7200]  }
0x35d: {  	v15 =	vld [tilespmem:s23+$0x7280]  }
0x35e: {  	v14 =	vld [tilespmem:s23+$0x7300]  }
0x35f: {  	s0 =	simm.s32 $0x80;
	s3 =	simm.s32 $0x10;
	v16 =	vld [tilespmem:s23+$0x7380]  }
.LBB2_29:
0x360: {  	s10 =	sand.u32 $0x70, s3;
	s24 =	sand.u32 $0xC00, s0;
	p0 =	sne.s32 s3, $0x1F0;
	v17 =	vld [tilespmem:s23+$0x7400]  }
0x361: {  	s10 =	sor.u32 s10, s24;
	v18 =	vld [tilespmem:s23+$0x7480]  }
0x362: {  	v19 =	vld [tilespmem:s10+$0x6100]  }
0x363: {  	v9 =	vadd.f32 v3, v9;
	v20 =	vadd.f32 v5, v4;
	v3 =	vld [tilespmem:s10+$0x6180]  }
0x364: {  	v21 =	vadd.f32 v7, v6;
	v8 =	vadd.f32 v11, v8;
	v4 =	vld [tilespmem:s10+$0x6200]  }
0x365: {  	v10 =	vadd.f32 v12, v10;
	v11 =	vadd.f32 v15, v13;
	v5 =	vld [tilespmem:s10+$0x6280]  }
0x366: {  	v12 =	vadd.f32 v16, v14;
	v6 =	vld [tilespmem:s10+$0x6300];
	v13 =	vadd.f32 v18, v17  }
0x367: {  	v15 =	vadd.f32 v8, v21;
	v14 =	vadd.f32 v20, v9;
	v7 =	vld [tilespmem:s10+$0x6380];
	v9 =	vmov v19  }
0x368: {  	v16 =	vadd.f32 v11, v10;
	v8 =	vld [tilespmem:s10+$0x6400];
	v12 =	vadd.f32 v13, v12  }
0x369: {  	v11 =	vld [tilespmem:s10+$0x6480]  }
0x36a: {  	v14 =	vadd.f32 v15, v14;
	v10 =	vld [tilespmem:s10+$0x7100];
	v15 =	vadd.f32 v12, v16  }
.Ltmp13:
0x36b: {  	v12 =	vld [tilespmem:s10+$0x7180];
	(pc) =	sbr.rel @p0 .LBB2_29-.Ltmp13, $4  }
0x36c: {  	v13 =	vld [tilespmem:s10+$0x7200];
	v16 =	vadd.f32 v15, v14  }
0x36d: {  	v15 =	vld [tilespmem:s10+$0x7280]  }
0x36e: {  	v14 =	vld [tilespmem:s10+$0x7300];
	[tilespmem:s23+$0x15280] =	vst v16;
	s23 =	smov.u32 s10  }
0x36f: {  	s0 =	sadd.s32 $0x80, s0;
	s3 =	sadd.s32 $0x10, s3;
	v16 =	vld [tilespmem:s23+$0x7380]  }
0x370: {  	v17 =	vld [tilespmem:s23+$0x7400]  }
0x371: {  	v18 =	vld [tilespmem:s23+$0x7480];
	_ =	sdelay $0x1  }
0x372: {  	v3 =	vadd.f32 v3, v9;
	v4 =	vadd.f32 v5, v4  }
0x373: {  	v5 =	vadd.f32 v7, v6;
	v6 =	vadd.f32 v11, v8  }
0x374: {  	v7 =	vadd.f32 v12, v10;
	v8 =	vadd.f32 v15, v13  }
0x375: {  	v9 =	vadd.f32 v16, v14;
	v10 =	vadd.f32 v18, v17  }
0x376: {  	v3 =	vadd.f32 v4, v3;
	v4 =	vadd.f32 v6, v5  }
0x377: {  	v5 =	vadd.f32 v8, v7;
	v6 =	vadd.f32 v10, v9;
	_ =	sdelay $0x1  }
0x378: {  	v3 =	vadd.f32 v4, v3;
	v4 =	vadd.f32 v6, v5;
	_ =	sdelay $0x1  }
0x379: {  	v3 =	vadd.f32 v4, v3;
	_ =	sdelay $0x1  }
0x37a: {  	[tilespmem:s23+$0x15280] =	vst v3  }
0x37b: {  	s0 =	simm.s32 $0x0;
	_ =	swait.ge [sflag:s22], $0x8000  }
0x37c: {  	s3 =	sand.u32 $0x70, s0;
	s10 =	sand.u32 $0xC00, s0;
	[sflag:s22] =	ssyncset.done $0x0  }
0x37d: {  	s23 =	sor.u32 s3, s10;
	[sflag:s22] =	ssyncadd.s32 $0xFFFF8000  }
0x37e: {  	v4 =	vld [tilespmem:s23+$0x9480]  }
0x37f: {  	v5 =	vld [tilespmem:s23+$0x9400]  }
0x380: {  	v6 =	vld [tilespmem:s23+$0x9380]  }
0x381: {  	v9 =	vld [tilespmem:s23+$0x9300]  }
0x382: {  	v12 =	vld [tilespmem:s23+$0x9280]  }
0x383: {  	v13 =	vld [tilespmem:s23+$0x9200]  }
0x384: {  	v14 =	vld [tilespmem:s23+$0x9180]  }
0x385: {  	v15 =	vld [tilespmem:s23+$0x9100]  }
0x386: {  	v7 =	vld [tilespmem:s23+$0x8380]  }
0x387: {  	v3 =	vld [tilespmem:s23+$0x8280]  }
0x388: {  	v8 =	vld [tilespmem:s23+$0x8400]  }
0x389: {  	s0 =	sor.u32 s0, s0;
	v11 =	vld [tilespmem:s23+$0x8300]  }
0x38a: {  	s0 =	sor.u32 $0x380, s0;
	v10 =	vld [tilespmem:s23+$0x8180];
	v4 =	vadd.f32 v4, v5;
	v5 =	vadd.f32 v6, v9  }
0x38b: {  	s3 =	simm.s32 $0x10;
	s24 =	smov.u32 s23;
	v6 =	vadd.f32 v12, v13;
	v9 =	vadd.f32 v14, v15;
	v12 =	vld [tilespmem:s0+$0x8100];
	s0 =	simm.s32 $0x80  }
.LBB2_31:
0x38c: {  	s10 =	sand.u32 $0x70, s3  }
0x38d: {  	s25 =	sand.u32 $0xC00, s0;
	s26 =	sor.u32 s0, s3;
	v13 =	vld [tilespmem:s24+$0x8100];
	s28 =	smov.u32 s3  }
0x38e: {  	s10 =	sor.u32 s10, s25;
	s25 =	sor.u32 $0x380, s26;
	s26 =	sadd.s32 $0x10, s3;
	v14 =	vld [tilespmem:s24+$0x8200]  }
0x38f: {  	p0 =	sne.s32 s3, $0x1F0;
	v15 =	vld [tilespmem:s10+$0x9480];
	v7 =	vadd.f32 v7, v11  }
0x390: {  	v11 =	vld [tilespmem:s10+$0x9400]  }
0x391: {  	v16 =	vld [tilespmem:s10+$0x9380];
	v8 =	vadd.f32 v12, v8  }
0x392: {  	v4 =	vadd.f32 v4, v5;
	v12 =	vld [tilespmem:s10+$0x9300];
	v10 =	vadd.f32 v10, v13  }
0x393: {  	v5 =	vadd.f32 v6, v9;
	v13 =	vld [tilespmem:s10+$0x9280];
	v3 =	vadd.f32 v3, v14  }
0x394: {  	v8 =	vadd.f32 v8, v7;
	v6 =	vld [tilespmem:s10+$0x9200]  }
0x395: {  	v9 =	vld [tilespmem:s10+$0x9180];
	v3 =	vadd.f32 v3, v10;
	v10 =	vadd.f32 v4, v5  }
0x396: {  	v4 =	vadd.f32 v15, v11;
	v14 =	vld [tilespmem:s10+$0x9100]  }
0x397: {  	v7 =	vld [tilespmem:s10+$0x8380];
	v5 =	vadd.f32 v16, v12;
	v11 =	vadd.f32 v8, v3  }
.Ltmp14:
0x398: {  	v3 =	vld [tilespmem:s10+$0x8280];
	(pc) =	sbr.rel @p0 .LBB2_31-.Ltmp14, $4  }
0x399: {  	v8 =	vld [tilespmem:s10+$0x8400];
	v6 =	vadd.f32 v13, v6;
	v12 =	vadd.f32 v10, v11  }
0x39a: {  	v11 =	vld [tilespmem:s10+$0x8300]  }
0x39b: {  	v10 =	vld [tilespmem:s10+$0x8180];
	v9 =	vadd.f32 v9, v14;
	[tilespmem:s24+$0x15300] =	vst v12;
	s24 =	smov.u32 s10  }
0x39c: {  	s0 =	sadd.s32 $0x80, s0;
	s3 =	smov.u32 s26;
	v12 =	vld [tilespmem:s25+$0x8100]  }
0x39d: {  	v13 =	vld [tilespmem:s24+$0x8100]  }
0x39e: {  	v14 =	vld [tilespmem:s24+$0x8200];
	_ =	sdelay $0x3  }
0x39f: {  	v7 =	vadd.f32 v7, v11;
	v8 =	vadd.f32 v12, v8  }
0x3a0: {  	v10 =	vadd.f32 v10, v13;
	v3 =	vadd.f32 v3, v14  }
0x3a1: {  	v4 =	vadd.f32 v4, v5;
	v5 =	vadd.f32 v6, v9  }
0x3a2: {  	v6 =	vadd.f32 v8, v7;
	v3 =	vadd.f32 v3, v10;
	_ =	sdelay $0x1  }
0x3a3: {  	v4 =	vadd.f32 v4, v5;
	v3 =	vadd.f32 v6, v3;
	_ =	sdelay $0x1  }
0x3a4: {  	v3 =	vadd.f32 v4, v3;
	_ =	sdelay $0x1  }
0x3a5: {  	[tilespmem:s24+$0x15300] =	vst v3  }
0x3a6: {  	v9 =	vld [tilespmem:s23+$0xA100]  }
0x3a7: {  	v3 =	vld [tilespmem:s23+$0xA180]  }
0x3a8: {  	v4 =	vld [tilespmem:s23+$0xA200]  }
0x3a9: {  	v5 =	vld [tilespmem:s23+$0xA280]  }
0x3aa: {  	v6 =	vld [tilespmem:s23+$0xA300]  }
0x3ab: {  	v7 =	vld [tilespmem:s23+$0xA380]  }
0x3ac: {  	v8 =	vld [tilespmem:s23+$0xA400]  }
0x3ad: {  	v11 =	vld [tilespmem:s23+$0xA480]  }
0x3ae: {  	v10 =	vld [tilespmem:s23+$0xB100]  }
0x3af: {  	v12 =	vld [tilespmem:s23+$0xB180]  }
0x3b0: {  	v13 =	vld [tilespmem:s23+$0xB200]  }
0x3b1: {  	v15 =	vld [tilespmem:s23+$0xB280]  }
0x3b2: {  	v14 =	vld [tilespmem:s23+$0xB300]  }
0x3b3: {  	s0 =	simm.s32 $0x80;
	s3 =	simm.s32 $0x10;
	v16 =	vld [tilespmem:s23+$0xB380]  }
.LBB2_33:
0x3b4: {  	s10 =	sand.u32 $0x70, s3;
	s24 =	sand.u32 $0xC00, s0;
	p0 =	sne.s32 s3, $0x1F0;
	v17 =	vld [tilespmem:s23+$0xB400]  }
0x3b5: {  	s10 =	sor.u32 s10, s24;
	v18 =	vld [tilespmem:s23+$0xB480]  }
0x3b6: {  	v19 =	vld [tilespmem:s10+$0xA100]  }
0x3b7: {  	v9 =	vadd.f32 v3, v9;
	v20 =	vadd.f32 v5, v4;
	v3 =	vld [tilespmem:s10+$0xA180]  }
0x3b8: {  	v21 =	vadd.f32 v7, v6;
	v8 =	vadd.f32 v11, v8;
	v4 =	vld [tilespmem:s10+$0xA200]  }
0x3b9: {  	v10 =	vadd.f32 v12, v10;
	v11 =	vadd.f32 v15, v13;
	v5 =	vld [tilespmem:s10+$0xA280]  }
0x3ba: {  	v12 =	vadd.f32 v16, v14;
	v6 =	vld [tilespmem:s10+$0xA300];
	v13 =	vadd.f32 v18, v17  }
0x3bb: {  	v15 =	vadd.f32 v8, v21;
	v14 =	vadd.f32 v20, v9;
	v7 =	vld [tilespmem:s10+$0xA380];
	v9 =	vmov v19  }
0x3bc: {  	v16 =	vadd.f32 v11, v10;
	v8 =	vld [tilespmem:s10+$0xA400];
	v12 =	vadd.f32 v13, v12  }
0x3bd: {  	v11 =	vld [tilespmem:s10+$0xA480]  }
0x3be: {  	v14 =	vadd.f32 v15, v14;
	v10 =	vld [tilespmem:s10+$0xB100];
	v15 =	vadd.f32 v12, v16  }
.Ltmp15:
0x3bf: {  	v12 =	vld [tilespmem:s10+$0xB180];
	(pc) =	sbr.rel @p0 .LBB2_33-.Ltmp15, $4  }
0x3c0: {  	v13 =	vld [tilespmem:s10+$0xB200];
	v16 =	vadd.f32 v15, v14  }
0x3c1: {  	v15 =	vld [tilespmem:s10+$0xB280]  }
0x3c2: {  	v14 =	vld [tilespmem:s10+$0xB300];
	[tilespmem:s23+$0x15380] =	vst v16;
	s23 =	smov.u32 s10  }
0x3c3: {  	s0 =	sadd.s32 $0x80, s0;
	s3 =	sadd.s32 $0x10, s3;
	v16 =	vld [tilespmem:s23+$0xB380]  }
0x3c4: {  	v17 =	vld [tilespmem:s23+$0xB400]  }
0x3c5: {  	v18 =	vld [tilespmem:s23+$0xB480];
	_ =	sdelay $0x1  }
0x3c6: {  	v3 =	vadd.f32 v3, v9;
	v4 =	vadd.f32 v5, v4  }
0x3c7: {  	v5 =	vadd.f32 v7, v6;
	v6 =	vadd.f32 v11, v8  }
0x3c8: {  	v7 =	vadd.f32 v12, v10;
	v8 =	vadd.f32 v15, v13  }
0x3c9: {  	v9 =	vadd.f32 v16, v14;
	v10 =	vadd.f32 v18, v17  }
0x3ca: {  	v3 =	vadd.f32 v4, v3;
	v4 =	vadd.f32 v6, v5  }
0x3cb: {  	v5 =	vadd.f32 v8, v7;
	v6 =	vadd.f32 v10, v9;
	_ =	sdelay $0x1  }
0x3cc: {  	v3 =	vadd.f32 v4, v3;
	v4 =	vadd.f32 v6, v5;
	_ =	sdelay $0x1  }
0x3cd: {  	s0 =	simm.s32 $0x0;
	v3 =	vadd.f32 v4, v3  }
0x3ce: {  	s3 =	sand.u32 $0x70, s0;
	s0 =	sand.u32 $0xC00, s0  }
0x3cf: {  	[tilespmem:s23+$0x15380] =	vst v3;
	s23 =	sor.u32 s3, s0  }
0x3d0: {  	v9 =	vld [tilespmem:s23+$0xC100]  }
0x3d1: {  	v3 =	vld [tilespmem:s23+$0xC180]  }
0x3d2: {  	v4 =	vld [tilespmem:s23+$0xC200]  }
0x3d3: {  	v5 =	vld [tilespmem:s23+$0xC280]  }
0x3d4: {  	v6 =	vld [tilespmem:s23+$0xC300]  }
0x3d5: {  	v7 =	vld [tilespmem:s23+$0xC380]  }
0x3d6: {  	v8 =	vld [tilespmem:s23+$0xC400]  }
0x3d7: {  	v11 =	vld [tilespmem:s23+$0xC480]  }
0x3d8: {  	v10 =	vld [tilespmem:s23+$0xD100]  }
0x3d9: {  	v12 =	vld [tilespmem:s23+$0xD180]  }
0x3da: {  	v13 =	vld [tilespmem:s23+$0xD200]  }
0x3db: {  	v15 =	vld [tilespmem:s23+$0xD280]  }
0x3dc: {  	v14 =	vld [tilespmem:s23+$0xD300]  }
0x3dd: {  	s0 =	simm.s32 $0x80;
	s3 =	simm.s32 $0x10;
	v16 =	vld [tilespmem:s23+$0xD380];
	s24 =	smov.u32 s23  }
.LBB2_35:
0x3de: {  	s10 =	sand.u32 $0x70, s3;
	s25 =	sand.u32 $0xC00, s0;
	p0 =	sne.s32 s3, $0x1F0;
	v17 =	vld [tilespmem:s24+$0xD400]  }
0x3df: {  	s10 =	sor.u32 s10, s25;
	v18 =	vld [tilespmem:s24+$0xD480]  }
0x3e0: {  	v19 =	vld [tilespmem:s10+$0xC100]  }
0x3e1: {  	v9 =	vadd.f32 v3, v9;
	v20 =	vadd.f32 v5, v4;
	v3 =	vld [tilespmem:s10+$0xC180]  }
0x3e2: {  	v21 =	vadd.f32 v7, v6;
	v8 =	vadd.f32 v11, v8;
	v4 =	vld [tilespmem:s10+$0xC200]  }
0x3e3: {  	v10 =	vadd.f32 v12, v10;
	v11 =	vadd.f32 v15, v13;
	v5 =	vld [tilespmem:s10+$0xC280]  }
0x3e4: {  	v12 =	vadd.f32 v16, v14;
	v6 =	vld [tilespmem:s10+$0xC300];
	v13 =	vadd.f32 v18, v17  }
0x3e5: {  	v15 =	vadd.f32 v8, v21;
	v14 =	vadd.f32 v20, v9;
	v7 =	vld [tilespmem:s10+$0xC380];
	v9 =	vmov v19  }
0x3e6: {  	v16 =	vadd.f32 v11, v10;
	v8 =	vld [tilespmem:s10+$0xC400];
	v12 =	vadd.f32 v13, v12  }
0x3e7: {  	v11 =	vld [tilespmem:s10+$0xC480]  }
0x3e8: {  	v14 =	vadd.f32 v15, v14;
	v10 =	vld [tilespmem:s10+$0xD100];
	v15 =	vadd.f32 v12, v16  }
.Ltmp16:
0x3e9: {  	v12 =	vld [tilespmem:s10+$0xD180];
	(pc) =	sbr.rel @p0 .LBB2_35-.Ltmp16, $4  }
0x3ea: {  	v13 =	vld [tilespmem:s10+$0xD200];
	v16 =	vadd.f32 v15, v14  }
0x3eb: {  	v15 =	vld [tilespmem:s10+$0xD280]  }
0x3ec: {  	v14 =	vld [tilespmem:s10+$0xD300];
	[tilespmem:s24+$0x15400] =	vst v16;
	s24 =	smov.u32 s10  }
0x3ed: {  	s0 =	sadd.s32 $0x80, s0;
	s3 =	sadd.s32 $0x10, s3;
	v16 =	vld [tilespmem:s24+$0xD380]  }
0x3ee: {  	v17 =	vld [tilespmem:s24+$0xD400]  }
0x3ef: {  	v18 =	vld [tilespmem:s24+$0xD480];
	_ =	sdelay $0x1  }
0x3f0: {  	v3 =	vadd.f32 v3, v9;
	v4 =	vadd.f32 v5, v4  }
0x3f1: {  	v5 =	vadd.f32 v7, v6;
	v6 =	vadd.f32 v11, v8  }
0x3f2: {  	v7 =	vadd.f32 v12, v10;
	v8 =	vadd.f32 v15, v13  }
0x3f3: {  	v9 =	vadd.f32 v16, v14;
	v10 =	vadd.f32 v18, v17  }
0x3f4: {  	v3 =	vadd.f32 v4, v3;
	v4 =	vadd.f32 v6, v5  }
0x3f5: {  	v5 =	vadd.f32 v8, v7;
	v6 =	vadd.f32 v10, v9;
	_ =	sdelay $0x1  }
0x3f6: {  	v3 =	vadd.f32 v4, v3;
	v4 =	vadd.f32 v6, v5;
	_ =	sdelay $0x1  }
0x3f7: {  	v3 =	vadd.f32 v4, v3;
	_ =	sdelay $0x1  }
0x3f8: {  	[tilespmem:s24+$0x15400] =	vst v3  }
0x3f9: {  	v9 =	vld [tilespmem:s23+$0xE100]  }
0x3fa: {  	v3 =	vld [tilespmem:s23+$0xE180]  }
0x3fb: {  	v4 =	vld [tilespmem:s23+$0xE200]  }
0x3fc: {  	v5 =	vld [tilespmem:s23+$0xE280]  }
0x3fd: {  	v6 =	vld [tilespmem:s23+$0xE300]  }
0x3fe: {  	v7 =	vld [tilespmem:s23+$0xE380]  }
0x3ff: {  	v8 =	vld [tilespmem:s23+$0xE400]  }
0x400: {  	v11 =	vld [tilespmem:s23+$0xE480]  }
0x401: {  	v10 =	vld [tilespmem:s23+$0xF100]  }
0x402: {  	v12 =	vld [tilespmem:s23+$0xF180]  }
0x403: {  	v13 =	vld [tilespmem:s23+$0xF200]  }
0x404: {  	v15 =	vld [tilespmem:s23+$0xF280]  }
0x405: {  	v14 =	vld [tilespmem:s23+$0xF300]  }
0x406: {  	s0 =	simm.s32 $0x80;
	s3 =	simm.s32 $0x10;
	v16 =	vld [tilespmem:s23+$0xF380]  }
.LBB2_37:
0x407: {  	s10 =	sand.u32 $0x70, s3;
	s24 =	sand.u32 $0xC00, s0;
	p0 =	sne.s32 s3, $0x1F0;
	v17 =	vld [tilespmem:s23+$0xF400]  }
0x408: {  	s10 =	sor.u32 s10, s24;
	v18 =	vld [tilespmem:s23+$0xF480]  }
0x409: {  	v19 =	vld [tilespmem:s10+$0xE100]  }
0x40a: {  	v9 =	vadd.f32 v3, v9;
	v20 =	vadd.f32 v5, v4;
	v3 =	vld [tilespmem:s10+$0xE180]  }
0x40b: {  	v21 =	vadd.f32 v7, v6;
	v8 =	vadd.f32 v11, v8;
	v4 =	vld [tilespmem:s10+$0xE200]  }
0x40c: {  	v10 =	vadd.f32 v12, v10;
	v11 =	vadd.f32 v15, v13;
	v5 =	vld [tilespmem:s10+$0xE280]  }
0x40d: {  	v12 =	vadd.f32 v16, v14;
	v6 =	vld [tilespmem:s10+$0xE300];
	v13 =	vadd.f32 v18, v17  }
0x40e: {  	v15 =	vadd.f32 v8, v21;
	v14 =	vadd.f32 v20, v9;
	v7 =	vld [tilespmem:s10+$0xE380];
	v9 =	vmov v19  }
0x40f: {  	v16 =	vadd.f32 v11, v10;
	v8 =	vld [tilespmem:s10+$0xE400];
	v12 =	vadd.f32 v13, v12  }
0x410: {  	v11 =	vld [tilespmem:s10+$0xE480]  }
0x411: {  	v14 =	vadd.f32 v15, v14;
	v10 =	vld [tilespmem:s10+$0xF100];
	v15 =	vadd.f32 v12, v16  }
.Ltmp17:
0x412: {  	v12 =	vld [tilespmem:s10+$0xF180];
	(pc) =	sbr.rel @p0 .LBB2_37-.Ltmp17, $4  }
0x413: {  	v13 =	vld [tilespmem:s10+$0xF200];
	v16 =	vadd.f32 v15, v14  }
0x414: {  	v15 =	vld [tilespmem:s10+$0xF280]  }
0x415: {  	v14 =	vld [tilespmem:s10+$0xF300];
	[tilespmem:s23+$0x15480] =	vst v16;
	s23 =	smov.u32 s10  }
0x416: {  	s0 =	sadd.s32 $0x80, s0;
	s3 =	sadd.s32 $0x10, s3;
	v16 =	vld [tilespmem:s23+$0xF380]  }
0x417: {  	v17 =	vld [tilespmem:s23+$0xF400]  }
0x418: {  	v18 =	vld [tilespmem:s23+$0xF480];
	_ =	sdelay $0x1  }
0x419: {  	v3 =	vadd.f32 v3, v9;
	v4 =	vadd.f32 v5, v4  }
0x41a: {  	v54 =	vadd.f32 v7, v6;
	v55 =	vadd.f32 v11, v8  }
0x41b: {  	v56 =	vadd.f32 v12, v10;
	v57 =	vadd.f32 v15, v13  }
0x41c: {  	v58 =	vadd.f32 v16, v14;
	v59 =	vadd.f32 v18, v17  }
0x41d: {  	v3 =	vadd.f32 v4, v3;
	v60 =	vadd.f32 v55, v54  }
0x41e: {  	v61 =	vadd.f32 v57, v56;
	v62 =	vadd.f32 v59, v58;
	_ =	sdelay $0x1  }
0x41f: {  	v3 =	vadd.f32 v60, v3;
	v63 =	vadd.f32 v62, v61;
	_ =	sdelay $0x1  }
0x420: {  	s0 =	rddreg [dreg:$0xb];
	v3 =	vadd.f32 v63, v3  }
0x421: {  	s3 =	rddreg [dreg:$0x5];
	s0 =	sshll.u32 s0, $0x6  }
0x422: {  	s30 =	simm.s32 $0x10100;
	s24 =	simm.s32 $0x3;
	s0 =	sadd.s32 s3, s0;
	[tilespmem:s23+$0x15480] =	vst v3  }
0x423: {  	[hbm4b:s0+s2] =	stream.linear.scatter [tilespmem:s30], [sflag:$0x3], $0x6000, $0x38;
	[tilespmem:$0x19180] =	vst v63  }
0x424: {  	_ =	swait.ge [sflag:s24], $0x6000  }
0x425: {  	s31 =	rddreg [dreg:$0xa]  }
0x426: {  	s0 =	sadd.s32 $0x1, s31  }
0x427: {  	p0 =	sne.s32 s0, $0x4  }
.Ltmp18:
0x428: {  	_ = 	snop;
	(pc) =	sbr.rel @p0 .LBB2_2-.Ltmp18, $3  }
0x429: {  	_ =	sdelay $0x1  }
0x42a: {  	[sflag:s24] =	ssyncset.done $0x0  }
0x42b: {  	[sflag:s24] =	ssyncadd.s32 $0xFFFFA000  }
0x42c: {  	s3 =	rddreg [dreg:$0x9]  }
0x42d: {  	s0 =	rddreg [dreg:$0x8];
	s3 =	sadd.s32 $0x1, s3  }
0x42e: {  	p0 =	sne.s32 s3, s0  }
.Ltmp19:
0x42f: {  	_ = 	snop;
	(pc) =	sbr.rel @p0 .LBB2_1-.Ltmp19, $1  }
0x430: {  	_ =	sdelay $0x3  }
0x431: {  	_ =	sfence.sel $0x180000  }
0x432: {  	[bflag:$0x0] =	sbarrier.arrive $0xFFFF  }
0x433: {  	_ =	strace $0x90000047  }
0x434: {  	s0 =	stileid.u32;
	[bflag:$0x2] =	sbarrier.arrive $0xFFFF  }
0x435: {  	p0 =	sne.s32 s0, $0x0;
	s0 =	rddreg [dreg:$0x2]  }
0x436: {  	s0 =	sadd.s32 @!p0 $0x100000, s0  }
0x437: {  	[sflag:s0] =	ssyncadd.tile.s32 @!p0 $0x1;
	_ =	shalt  }
.Lfunc_end2:
_tile_overlayer_lowered:
.L_overlay_start_2:
0x438: {  	(tag) =	ssettag $0x2  }
0x439: {  	s0 =	rddreg [dreg:$0x0];
	s2 =	stileid.u32  }
0x43a: {  	s1 =	rddreg [dreg:$0x1];
	p0 =	sne.s32 s2, $0x0  }
0x43b: {  	s3 =	rddreg [dreg:$0x2];
	[bflag:$0x3] =	sbarrier.arrive $0xFFFF;
	s2 =	simm.s32 @!p0 $0x1C03  }
0x43c: {  	[timem:s3], [sflag:s2] =	dma.local @!p0 [hbm:s0], s1  }
0x43d: {  	s0 =	simm.s32 @!p0 $0x3  }
0x43e: {  	_ =	swait.ge @!p0 [sflag:s0], s1  }
0x43f: {  	s1 =	ssub.s32 @!p0 $0x0, s1;
	[sflag:s0] =	ssyncset.done @!p0 $0x0  }
0x440: {  	[sflag:s0] =	ssyncadd.s32 @!p0 s1  }
0x441: {  	[bflag:$0x3] =	sbarrier.arrive $0xFFFF  }
0x442: {  	_ =	shalt  }

// kernel: kernel.9.cloned.1.call-start
scs
__scs_entry_jumppad:
0x0: {  	(pc) =	sbr.rel $0x88, $3  }
0x1: {  	(tag) =	ssettag $0x0;
	lr =	simm.s32 $0x1  }
0x2: {  	[smem:$0x3F95] =	sst lr;
	_ =	strace $0xD0000000  }
0x3: {  	_ = 	snop  }
0x4: {  	_ = 	snop  }
0x5: {  	_ = 	snop  }
0x6: {  	_ = 	snop  }
0x7: {  	_ = 	snop  }
__scs_overlays_trampoline_lowered:
0x8: {  	[smem:$0x3FA4] =	sst s0  }
0x9: {  	[smem:$0x3FA5] =	sst s1  }
0xa: {  	[smem:$0x3FA6] =	sst s2  }
0xb: {  	[smem:$0x3FA7] =	sst s3  }
0xc: {  	[smem:$0x3FA8] =	sst s4  }
0xd: {  	[smem:$0x3FA9] =	sst s5  }
0xe: {  	[smem:$0x3FAA] =	sst s6  }
0xf: {  	[smem:$0x3FAB] =	sst s7  }
0x10: {  	[smem:$0x3FAC] =	sst s8  }
0x11: {  	[smem:$0x3FAD] =	sst s9;
	s0 =	simm.s32 @!p0 $0x0  }
0x12: {  	s1 =	sld [smem:$0x3F93];
	s0 =	simm.s32 @p0 $0x1  }
0x13: {  	[smem:$0x3FAE] =	sst s0;
	s0 =	simm.s32 @!p1 $0x0  }
0x14: {  	s2 =	sld [smem:$0x3F92];
	s0 =	simm.s32 @p1 $0x1  }
0x15: {  	[smem:$0x3FAF] =	sst s0;
	s0 =	simm.s32 @!p2 $0x0  }
0x16: {  	s3 =	sld [smem:$0x3FDB];
	s0 =	simm.s32 @p2 $0x1  }
0x17: {  	s4 =	simm.s32 $0x1BF5;
	[smem:$0x3FB1] =	sst s0  }
0x18: {  	s0 =	sld [smem:$0x3F94];
	_ =	swait.ge [sflag:s4], $0x0  }
0x19: {  	s7 =	sld [smem:$0x3F95]  }
0x1a: {  	s8 =	sadd.s32 $0xFFFFE003, lr  }
0x1b: {  	s9 =	sadd.s32 $0xFFFFFEF7, lr;
	s5 =	simm.s32 $0xFFFFFFFF;
	p2 =	slt.u32 s8, $0xFFFFF086  }
0x1c: {  	p1 =	slt.u32 s9, $0xF7A;
	s5 =	simm.s32 @!p2 $0x0  }
0x1d: {  	s5 =	simm.s32 @p1 $0x1;
	p0 =	seq.s32 s7, s2  }
0x1e: {  	s7 =	smul.u32 @!p0 $0xF7A, s2;
	p2 =	seq.s32 @!p0 s5, $0x0  }
0x1f: {  	s9 =	smul.u32 $0xF7A, s1;
	s8 =	simm.s32 @!p0 $0x1BF5;
	p2 =	por !p2, p0  }
0x20: {  	[sflag:s8] =	ssyncset.s32 @!p0 $0xFFFFF086;
	s6 =	sadd.s32 @!p0 s3, s7;
	s7 =	simm.s32 @!p0 $0x108  }
0x21: {  	s3 =	sadd.s32 s3, s9;
	s6 =	sadd.s32 @!p0 $0x88, s6;
	s7 =	simm.s32 @p2 $0x1082  }
0x22: {  	[simem:s7], [sflag:s8] =	dma.local @!p0 [hbm:s6], $0xF7A  }
0x23: {  	s9 =	sor.u32 $0xD0000000, s2;
	s6 =	simm.s32 $0x108;
	_ =	swait.ge @!p0 [sflag:s8], $0x0  }
0x24: {  	s3 =	sadd.s32 $0x88, s3;
	s6 =	simm.s32 @!p1 $0x1082;
	[sflag:s4] =	ssyncset.s32 $0xFFFFF086  }
0x25: {  	[simem:s6], [sflag:s4] =	dma.local [hbm:s3], $0xF7A  }
0x26: {  	[smem:$0x3F95] =	sst s1;
	(tag) =	ssettag s2;
	_ =	strace s9  }
0x27: {  	s1 =	sld [smem:$0x3FA5]  }
0x28: {  	s2 =	sld [smem:$0x3FA6]  }
0x29: {  	s4 =	sld [smem:$0x3FA8]  }
0x2a: {  	p0 =	seq.s32 s5, $0x0;
	s5 =	sld [smem:$0x3FA9]  }
0x2b: {  	s6 =	sld [smem:$0x3FAA]  }
0x2c: {  	s7 =	sld [smem:$0x3FAB]  }
0x2d: {  	s3 =	simm.s32 $0x108;
	s8 =	sld [smem:$0x3FAC]  }
0x2e: {  	s3 =	simm.s32 @!p0 $0x1082;
	s9 =	sld [smem:$0x3FAD]  }
0x2f: {  	lr =	sadd.s32 s0, s3;
	s0 =	sld [smem:$0x3FA4]  }
0x30: {  	s3 =	sld [smem:$0x3FA7]  }
0x31: {  	[smem:$0x3FB0] =	sst s10  }
0x32: {  	s10 =	sld [smem:$0x3FAE];
	_ =	sdelay $0x3  }
0x33: {  	p0 =	seq.s32 s10, $0x1;
	s10 =	sld [smem:$0x3FB0];
	_ =	sdelay $0x3  }
0x34: {  	[smem:$0x3FB0] =	sst s10  }
0x35: {  	s10 =	sld [smem:$0x3FAF];
	_ =	sdelay $0x3  }
0x36: {  	p1 =	seq.s32 s10, $0x1;
	s10 =	sld [smem:$0x3FB0];
	_ =	sdelay $0x3  }
0x37: {  	[smem:$0x3FB0] =	sst s10  }
0x38: {  	s10 =	sld [smem:$0x3FB1]  }
0x39: {  	_ = 	snop;
	(pc) =	sbr.ind lr, $3  }
0x3a: {  	_ = 	snop  }
0x3b: {  	_ = 	snop  }
0x3c: {  	p2 =	seq.s32 s10, $0x1;
	s10 =	sld [smem:$0x3FB0]  }
0x3d: {  	_ =	shalt  }
0x3e: {  	_ =	shalt  }
0x3f: {  	_ =	shalt  }
0x40: {  	_ =	shalt  }
0x41: {  	_ =	shalt  }
0x42: {  	_ =	shalt  }
0x43: {  	_ =	shalt  }
0x44: {  	_ =	shalt  }
0x45: {  	_ =	shalt  }
0x46: {  	_ =	shalt  }
0x47: {  	_ =	shalt  }
0x48: {  	_ =	shalt  }
0x49: {  	_ =	shalt  }
0x4a: {  	_ =	shalt  }
0x4b: {  	_ =	shalt  }
0x4c: {  	_ =	shalt  }
0x4d: {  	_ =	shalt  }
0x4e: {  	_ =	shalt  }
0x4f: {  	_ =	shalt  }
0x50: {  	_ =	shalt  }
0x51: {  	_ =	shalt  }
0x52: {  	_ =	shalt  }
0x53: {  	_ =	shalt  }
0x54: {  	_ =	shalt  }
0x55: {  	_ =	shalt  }
0x56: {  	_ =	shalt  }
0x57: {  	_ =	shalt  }
0x58: {  	_ =	shalt  }
0x59: {  	_ =	shalt  }
0x5a: {  	_ =	shalt  }
0x5b: {  	_ =	shalt  }
0x5c: {  	_ =	shalt  }
0x5d: {  	_ =	shalt  }
0x5e: {  	_ =	shalt  }
0x5f: {  	_ =	shalt  }
0x60: {  	_ =	shalt  }
0x61: {  	_ =	shalt  }
0x62: {  	_ =	shalt  }
0x63: {  	_ =	shalt  }
0x64: {  	_ =	shalt  }
0x65: {  	_ =	shalt  }
0x66: {  	_ =	shalt  }
0x67: {  	_ =	shalt  }
0x68: {  	_ =	shalt  }
0x69: {  	_ =	shalt  }
0x6a: {  	_ =	shalt  }
0x6b: {  	_ =	shalt  }
0x6c: {  	_ =	shalt  }
0x6d: {  	_ =	shalt  }
0x6e: {  	_ =	shalt  }
0x6f: {  	_ =	shalt  }
0x70: {  	_ =	shalt  }
0x71: {  	_ =	shalt  }
0x72: {  	_ =	shalt  }
0x73: {  	_ =	shalt  }
0x74: {  	_ =	shalt  }
0x75: {  	_ =	shalt  }
0x76: {  	_ =	shalt  }
0x77: {  	_ =	shalt  }
0x78: {  	_ =	shalt  }
0x79: {  	_ =	shalt  }
0x7a: {  	_ =	shalt  }
0x7b: {  	_ =	shalt  }
0x7c: {  	_ =	shalt  }
0x7d: {  	_ =	shalt  }
0x7e: {  	_ =	shalt  }
0x7f: {  	_ =	shalt  }
0x80: {  	_ =	shalt  }
0x81: {  	_ =	shalt  }
0x82: {  	_ =	shalt  }
0x83: {  	_ =	shalt  }
0x84: {  	_ =	shalt  }
0x85: {  	_ =	shalt  }
0x86: {  	_ =	shalt  }
0x87: {  	_ =	shalt  }
.Lfunc_end0:
.L_simem_size_0:
called_computation.1_lowered:
.L_overlay_start_0:
0x88: {  	s2 =	sld [smem:$0x3FD9]  }
0x89: {  	s3 =	sld [smem:$0x3FFE];
	_ =	sdelay $0x1  }
0x8a: {  	s1 =	srdreg.scid  }
0x8b: {  	s0 =	sand.u32 $0x1, s1  }
0x8c: {  	s17 =	sshll.u32 s0, $0xA;
	s2 =	sadd.s32 s3, s2  }
0x8d: {  	s2 =	sadd.s32 s2, s17  }
0x8e: {  	[smem:$0x3FBC] =	sst s2  }
0x8f: {  	_ = 	snop  }
0x90: {  	s18 =	sld [smem:$0x3FC3]  }
0x91: {  	s4 =	sld [smem:$0x3FC2];
	(tm) =	ssettm $0x1  }
0x92: {  	s19 =	sld [smem:$0x3FFB];
	_ =	sdelay $0x3  }
0x93: {  	_ =	strace s19  }
0x94: {  	s2 =	sld [smem:$0x3FFC];
	_ =	sdelay $0x3  }
0x95: {  	_ =	strace s2  }
0x96: {  	s2 =	sld [smem:$0x3FFD];
	_ =	sdelay $0x3  }
0x97: {  	_ =	strace s2  }
0x98: {  	_ =	strace $0x8FFFFFFF  }
0x99: {  	s20 =	sld [smem:$0x3FDB];
	_ =	sdelay $0x1  }
0x9a: {  	s5 =	simm.s32 $_scs_section_size  }
0x9b: {  	s6 =	simm.s32 $_size__tile_overlayer_lowered;
	s7 =	simm.s32 $_tile_overlayer_lowered  }
0x9c: {  	s8 =	simm.s32 $0x1BFF;
	s21 =	sshll.u32 s7, $0x1;
	s5 =	sadd.s32 s5, s20  }
0x9d: {  	s22 =	simm.s32 $0x0;
	s6 =	sshll.u32 s6, $0x1;
	s7 =	sadd.s32 s21, s5  }
0x9e: {  	[timem:s22], [sflag:s8] =	dma.local [hbm:s7], s6  }
0x9f: {  	_ =	swait.ge [sflag:s8], s6  }
0xa0: {  	s6 =	ssub.s32 $0x0, s6;
	[sflag:s8] =	ssyncset.done $0x0  }
0xa1: {  	[sflag:s8] =	ssyncadd.s32 s6;
	_ =	sdelay $0x1  }
0xa2: {  	s23 =	simm.s32 $0x1B8B  }
0xa3: {  	_ =	swait.ge [sflag:s23], $0x1  }
0xa4: {  	[sflag:s23] =	ssyncset.done $0x0  }
0xa5: {  	[sflag:s23] =	ssyncadd.s32 $0xFFFFFFFF  }
0xa6: {  	s6 =	sld [smem:$0x0]  }
0xa7: {  	s7 =	sand.u32 $0xFFFFFFFE, s1  }
0xa8: {  	p0 =	sne.s32 s1, s7  }
0xa9: {  	s7 =	sshll.u32 @p0 s7, $0xE  }
0xaa: {  	s7 =	sadd.s32 @p0 $0x11B8D, s7;
	s8 =	sshll.u32 @p0 s6, $0x11  }
0xab: {  	s7 =	sor.u32 @p0 s8, s7  }
0xac: {  	[sflag:s7] =	ssyncadd.remote.s32 @p0 $0x1;
	_ =	sdelay $0x1  }
0xad: {  	s7 =	simm.s32 @p0 $0x1B8D  }
0xae: {  	_ =	swait.eq @p0 [sflag:s7], $0x1  }
0xaf: {  	[sflag:s7] =	ssyncadd.s32 @p0 $0xFFFFFFFF  }
0xb0: {  	s8 =	sshll.u32 @!p0 s1, $0xE  }
0xb1: {  	s8 =	sor.u32 @!p0 $0x4000, s8;
	s7 =	simm.s32 @!p0 $0x1B8D  }
0xb2: {  	s6 =	sshll.u32 @!p0 s6, $0x11;
	s8 =	sadd.s32 @!p0 $0x11B8D, s8;
	_ =	swait.eq @!p0 [sflag:s7], $0x1  }
0xb3: {  	s6 =	sor.u32 @!p0 s6, s8;
	[sflag:s7] =	ssyncadd.s32 @!p0 $0xFFFFFFFF  }
0xb4: {  	s25 =	simm.s32 $0x1B8E;
	s24 =	sld [smem:$0x3FFE];
	[sflag:s6] =	ssyncadd.remote.s32 @!p0 $0x1  }
0xb5: {  	s26 =	simm.s32 $execute0_lowered;
	[smem:$0x3FD2] =	sst s25  }
0xb6: {  	s7 =	sshll.u32 s26, $0x1;
	_ =	strace $0x80000049;
	[dreg:$0x1] =	wrdreg $0xFFFFFFFF  }
0xb7: {  	s28 =	simm.s32 $_size_execute0_lowered;
	s5 =	sadd.s32 s5, s7;
	[dreg:$0x0] =	wrdreg $0x0  }
0xb8: {  	s7 =	sshll.u32 s28, $0x1;
	[dreg:$0x2] =	wrdreg s5  }
0xb9: {  	[dreg:$0x3] =	wrdreg s7  }
0xba: {  	[dreg:$0x4] =	wrdreg $0xC0  }
0xbb: {  	_ =	task [dreg:s22], $0x5FFFF  }
0xbc: {  	[dreg:$0x1] =	wrdreg $0xFFFFFFFF  }
0xbd: {  	[dreg:$0x0] =	wrdreg $0x60  }
0xbe: {  	[dreg:$0x2] =	wrdreg s24  }
0xbf: {  	[dreg:$0x3] =	wrdreg s18  }
0xc0: {  	[dreg:$0x4] =	wrdreg s4  }
0xc1: {  	[dreg:$0x5] =	wrdreg $0xA  }
0xc2: {  	_ =	task.clear_ibuf [dreg:s22], $0x6FFFF;
	_ =	strace $0x90000049  }
0xc3: {  	s29 =	simm.s32 $0xA;
	_ =	strace $0x8000004B  }
0xc4: {  	_ =	swait.ge [sflag:s29], $0x1  }
0xc5: {  	[sflag:s29] =	ssyncadd.s32 $0xFFFFFFFF  }
0xc6: {  	_ =	strace $0x9000004B  }
0xc7: {  	_ =	sfence  }
0xc8: {  	s30 =	sld [smem:$0x0];
	_ =	sdelay $0x2  }
0xc9: {  	s31 =	sshll.u32 s1, $0xD;
	s1 =	sshrl.u32 s1, $0x2  }
0xca: {  	s4 =	sand.u32 $0x4000, s31;
	s1 =	sadd.s32 s1, s30  }
0xcb: {  	s0 =	sor.u32 s4, s0;
	s1 =	sshll.u32 s1, $0x11  }
0xcc: {  	s0 =	sor.u32 s1, s0  }
0xcd: {  	s0 =	sadd.s32 $0x8F2B, s0  }
0xce: {  	[sflag:s0] =	ssyncadd.remote.s32 $0x1  }
0xcf: {  	_ =	sfence.sel $0xFFFF  }
0xd0: {  	[dreg:$0x0] =	wrdreg $0xFFFFFFFF;
	(pc) =	sbr.abs _section_cstart, $3  }
0xd1: {  	[dreg:$0x1] =	wrdreg $0xFFFFFFFF  }
0xd2: {  	_ =	task.clear_ibuf [dreg:s22], $0x2FFFF;
	_ =	strace $0x9FFFFFFF  }
0xd3: {  	(tm) =	ssettm $0x7FFFFFFF  }
tec
execute0_lowered:
.L_overlay_start_1:
0x0: {  	(tag) =	ssettag $0x1  }
0x1: {  	s0 =	rddreg [dreg:$0x0]  }
0x2: {  	s1 =	rddreg [dreg:$0x1]  }
0x3: {  	s3 =	rddreg [dreg:$0x2];
	s4 =	simm.s32 $0x0;
	s2 =	srdreg.scid  }
0x4: {  	s5 =	stileid.u32;
	[smem:$0x7FF] =	sst s4  }
0x5: {  	s2 =	sand.u32 $0x1, s2;
	s5 =	sshll.u32 s5, $0x1;
	s6 =	sadd.s32 $0xC6C00, s0  }
0x6: {  	s7 =	sadd.s32 $0x13F200, s0;
	s9 =	sadd.s32 $0x16F400, s0;
	s5 =	sor.u32 s2, s5  }
0x7: {  	s0 =	sadd.s32 $0x13F400, s0;
	s2 =	ssub.s32 $0x2, s2;
	s8 =	smul.u32 $0x120, s5  }
0x8: {  	_ =	strace $0x8000004A;
	s10 =	sshrl.u32 s2, $0x1;
	s11 =	smul.u32 $0x60, s5  }
0x9: {  	s18 =	smul.u32 $0x4800, s5;
	s2 =	ssub.s32 s2, s10;
	s12 =	sadd.s32 $0x30, s8  }
0xa: {  	s13 =	sadd.s32 $0x60, s8;
	s14 =	sadd.s32 $0x90, s8;
	s15 =	sadd.s32 $0xC0, s8  }
0xb: {  	s16 =	sshrl.u32 s8, $0x3;
	s8 =	sadd.s32 $0xF0, s8;
	s24 =	sadd.s32 s9, s18  }
0xc: {  	s22 =	sshrl.u32 s11, $0x3;
	s16 =	sadd.s32 s6, s16;
	s17 =	sshrl.u32 s12, $0x3  }
0xd: {  	s25 =	sshrl.u32 s13, $0x3;
	[dreg:$0x6] =	wrdreg s24;
	s12 =	sshll.u32 s12, $0x6  }
0xe: {  	s28 =	sshrl.u32 s14, $0x3;
	s13 =	sshll.u32 s13, $0x6;
	s31 =	sshrl.u32 s15, $0x3  }
0xf: {  	s19 =	sshrl.u32 s8, $0x3;
	[dreg:$0x4] =	wrdreg s16;
	s23 =	sadd.s32 s6, s17  }
0x10: {  	s20 =	sshll.u32 s15, $0x6;
	s26 =	sadd.s32 s6, s25;
	[dreg:$0x5] =	wrdreg s23  }
0x11: {  	s24 =	sadd.s32 $0x30, s11;
	s12 =	sadd.s32 s9, s12;
	[dreg:$0x7] =	wrdreg s26  }
0x12: {  	s11 =	simm.s32 $0x1;
	s29 =	sadd.s32 s6, s28;
	[dreg:$0x8] =	wrdreg s12  }
0x13: {  	s30 =	sadd.s32 s9, s13;
	s16 =	sadd.s32 s6, s31;
	[dreg:$0x9] =	wrdreg s29  }
0x14: {  	s17 =	sshll.u32 s14, $0x6;
	s6 =	sadd.s32 s6, s19;
	[dreg:$0xa] =	wrdreg s30  }
0x15: {  	s21 =	sadd.s32 s9, s20;
	s25 =	sshll.u32 s8, $0x6;
	[dreg:$0xb] =	wrdreg s16  }
0x16: {  	s28 =	smul.u32 $0x1800, s5;
	s5 =	sadd.s32 $0x100, s1;
	[dreg:$0xd] =	wrdreg s6  }
0x17: {  	s31 =	sshll.u32 s24, $0x6;
	s18 =	sadd.s32 s9, s17;
	[dreg:$0xe] =	wrdreg s21  }
0x18: {  	s8 =	simm.s32 $0x3;
	s23 =	sadd.s32 s7, s22;
	[dreg:$0xc] =	wrdreg s18  }
0x19: {  	s6 =	sadd.s32 s9, s25;
	s26 =	sshrl.u32 s24, $0x3;
	[dreg:$0xf] =	wrdreg s23  }
0x1a: {  	s22 =	simm.s32 $0x6100;
	[dreg:$0x10] =	wrdreg s6;
	s29 =	sadd.s32 s7, s26  }
0x1b: {  	v2 =	vlaneseq.u32;
	s12 =	simm.s32 $0x2;
	s30 =	sadd.s32 s0, s28;
	[dreg:$0x11] =	wrdreg s29  }
0x1c: {  	vm0 =	vmmov $0xffff;
	v1 =	vshrl.u32 v2, $0x3;
	s6 =	sadd.s32 $0x100, s3;
	s0 =	sadd.s32 s0, s31;
	[dreg:$0x12] =	wrdreg s30  }
0x1d: {  	v0 =	vand.u32 $0x7, v2;
	v2 =	vor.u32 $0x8, v2;
	v1 =	vmul.u32 $0x8, v1;
	s7 =	smax.u32 s2, $0x1;
	s26 =	simm.s32 $0x100;
	[dreg:$0x13] =	wrdreg s0  }
.LBB2_1:
0x1e: {  	s13 =	rddreg [dreg:$0x4]  }
0x1f: {  	[tilespmem:s4], [sflag:$0x3] =	stream.linear.gather [hbm4b:s13+s4], $0x30, $0x38;
	[tilespmem:$0xC100] =	vst v63  }
0x20: {  	_ =	swait.ge [sflag:s8], $0x30  }
0x21: {  	[sflag:s8] =	ssyncset.done $0x0  }
0x22: {  	[sflag:s8] =	ssyncadd.s32 $0xFFFFFFD0  }
0x23: {  	v3 =	vld [tilespmem:$0x0];
	_ =	sdelay $0x4  }
0x24: {  	v4 =	vshll.u32 v3, $0x2  }
0x25: {  	v3 =	vand.u32 $0x7, v3;
	v4 =	vand.u32 $0xFFFFFFE0, v4  }
0x26: {  	v3 =	vor.u32 v3, v4  }
0x27: {  	v4 =	vperm.xlane v3, v0;
	_ =	sdelay $0x1  }
0x28: {  	v4 =	vadd.s32 v1, v4;
	_ =	sdelay $0x1  }
0x29: {  	v3 =	vperm.xlane v3, v2;
	_ =	sdelay $0x1  }
0x2a: {  	v3 =	vadd.s32 v1, v3  }
0x2b: {  	[tilespmem:s26], [sflag:$0x1] =	stream.indirect_vreg.gather [hbm4b:s1+s4], $0x80, v4, vm0, $0xb8;
	[tilespmem:$0xC100] =	vst v63  }
0x2c: {  	s0 =	simm.s32 $0x900  }
0x2d: {  	[tilespmem:s0], [sflag:$0x1] =	stream.indirect_vreg.gather [hbm4b:s5+s4], $0x80, v4, vm0, $0xb8;
	[tilespmem:$0xC100] =	vst v63  }
0x2e: {  	s23 =	simm.s32 $0x1100  }
0x2f: {  	[tilespmem:s23], [sflag:$0x1] =	stream.indirect_vreg.gather [hbm4b:s1+s4], $0x80, v3, vm0, $0xb8;
	[tilespmem:$0xC100] =	vst v63  }
0x30: {  	s24 =	simm.s32 $0x1900  }
0x31: {  	[tilespmem:s24], [sflag:$0x1] =	stream.indirect_vreg.gather [hbm4b:s5+s4], $0x80, v3, vm0, $0xb8;
	[tilespmem:$0xC100] =	vst v63  }
0x32: {  	v3 =	vld [tilespmem:$0x10];
	_ =	sdelay $0x4  }
0x33: {  	v41 =	vshll.u32 v3, $0x2  }
0x34: {  	v3 =	vand.u32 $0x7, v3;
	v4 =	vand.u32 $0xFFFFFFE0, v41  }
0x35: {  	v3 =	vor.u32 v3, v4  }
0x36: {  	v4 =	vperm.xlane v3, v0;
	_ =	sdelay $0x1  }
0x37: {  	v4 =	vadd.s32 v1, v4;
	_ =	sdelay $0x1  }
0x38: {  	v3 =	vperm.xlane v3, v2;
	_ =	sdelay $0x1  }
0x39: {  	s25 =	simm.s32 $0x2100;
	v3 =	vadd.s32 v1, v3  }
0x3a: {  	[tilespmem:s25], [sflag:$0x1] =	stream.indirect_vreg.gather [hbm4b:s1+s4], $0x80, v4, vm0, $0xb8;
	[tilespmem:$0xC100] =	vst v63  }
0x3b: {  	s28 =	simm.s32 $0x2900  }
0x3c: {  	[tilespmem:s28], [sflag:$0x1] =	stream.indirect_vreg.gather [hbm4b:s5+s4], $0x80, v4, vm0, $0xb8;
	[tilespmem:$0xC100] =	vst v63  }
0x3d: {  	s29 =	simm.s32 $0x3100  }
0x3e: {  	[tilespmem:s29], [sflag:$0x1] =	stream.indirect_vreg.gather [hbm4b:s1+s4], $0x80, v3, vm0, $0xb8;
	[tilespmem:$0xC100] =	vst v63  }
0x3f: {  	s30 =	simm.s32 $0x3900  }
0x40: {  	[tilespmem:s30], [sflag:$0x1] =	stream.indirect_vreg.gather [hbm4b:s5+s4], $0x80, v3, vm0, $0xb8;
	[tilespmem:$0xC100] =	vst v63  }
0x41: {  	v3 =	vld [tilespmem:$0x20];
	_ =	sdelay $0x4  }
0x42: {  	v42 =	vshll.u32 v3, $0x2  }
0x43: {  	v3 =	vand.u32 $0x7, v3;
	v4 =	vand.u32 $0xFFFFFFE0, v42  }
0x44: {  	v3 =	vor.u32 v3, v4  }
0x45: {  	v4 =	vperm.xlane v3, v0;
	_ =	sdelay $0x1  }
0x46: {  	v4 =	vadd.s32 v1, v4;
	_ =	sdelay $0x1  }
0x47: {  	v3 =	vperm.xlane v3, v2;
	_ =	sdelay $0x1  }
0x48: {  	s31 =	simm.s32 $0x4100;
	v3 =	vadd.s32 v1, v3  }
0x49: {  	[tilespmem:s31], [sflag:$0x1] =	stream.indirect_vreg.gather [hbm4b:s1+s4], $0x80, v4, vm0, $0xb8;
	[tilespmem:$0xC100] =	vst v63  }
0x4a: {  	s2 =	simm.s32 $0x4900  }
0x4b: {  	[tilespmem:s2], [sflag:$0x1] =	stream.indirect_vreg.gather [hbm4b:s5+s4], $0x80, v4, vm0, $0xb8;
	[tilespmem:$0xC100] =	vst v63  }
0x4c: {  	s9 =	simm.s32 $0x5100  }
0x4d: {  	[tilespmem:s9], [sflag:$0x1] =	stream.indirect_vreg.gather [hbm4b:s1+s4], $0x80, v3, vm0, $0xb8;
	[tilespmem:$0xC100] =	vst v63  }
0x4e: {  	s14 =	simm.s32 $0x5900  }
0x4f: {  	[tilespmem:s14], [sflag:$0x1] =	stream.indirect_vreg.gather [hbm4b:s5+s4], $0x80, v3, vm0, $0xb8;
	[tilespmem:$0xC100] =	vst v63  }
0x50: {  	s15 =	simm.s32 $0x80;
	s10 =	rddreg [dreg:$0x5]  }
0x51: {  	[tilespmem:s15], [sflag:$0x3] =	stream.linear.gather [hbm4b:s10+s4], $0x30, $0x38;
	[tilespmem:$0xC100] =	vst v63  }
0x52: {  	_ =	swait.ge [sflag:s8], $0x30  }
0x53: {  	[sflag:s8] =	ssyncset.done $0x0  }
0x54: {  	[sflag:s8] =	ssyncadd.s32 $0xFFFFFFD0  }
0x55: {  	v3 =	vld [tilespmem:$0x80];
	_ =	sdelay $0x4  }
0x56: {  	v43 =	vshll.u32 v3, $0x2  }
0x57: {  	v3 =	vand.u32 $0x7, v3;
	v4 =	vand.u32 $0xFFFFFFE0, v43  }
0x58: {  	v3 =	vor.u32 v3, v4  }
0x59: {  	v4 =	vperm.xlane v3, v0;
	_ =	sdelay $0x1  }
0x5a: {  	v4 =	vadd.s32 v1, v4;
	_ =	sdelay $0x1  }
0x5b: {  	v3 =	vperm.xlane v3, v2;
	_ =	sdelay $0x1  }
0x5c: {  	v3 =	vadd.s32 v1, v3  }
0x5d: {  	[tilespmem:s22], [sflag:$0x2] =	stream.indirect_vreg.gather [hbm4b:s1+s4], $0x80, v4, vm0, $0xb8;
	[tilespmem:$0xC100] =	vst v63  }
0x5e: {  	s16 =	simm.s32 $0x6900  }
0x5f: {  	[tilespmem:s16], [sflag:$0x2] =	stream.indirect_vreg.gather [hbm4b:s5+s4], $0x80, v4, vm0, $0xb8;
	[tilespmem:$0xC100] =	vst v63  }
0x60: {  	s17 =	simm.s32 $0x7100  }
0x61: {  	[tilespmem:s17], [sflag:$0x2] =	stream.indirect_vreg.gather [hbm4b:s1+s4], $0x80, v3, vm0, $0xb8;
	[tilespmem:$0xC100] =	vst v63  }
0x62: {  	s23 =	simm.s32 $0x7900  }
0x63: {  	[tilespmem:s23], [sflag:$0x2] =	stream.indirect_vreg.gather [hbm4b:s5+s4], $0x80, v3, vm0, $0xb8;
	[tilespmem:$0xC100] =	vst v63  }
0x64: {  	v3 =	vld [tilespmem:$0x90];
	_ =	sdelay $0x4  }
0x65: {  	v44 =	vshll.u32 v3, $0x2  }
0x66: {  	v3 =	vand.u32 $0x7, v3;
	v4 =	vand.u32 $0xFFFFFFE0, v44  }
0x67: {  	v3 =	vor.u32 v3, v4  }
0x68: {  	v4 =	vperm.xlane v3, v0;
	_ =	sdelay $0x1  }
0x69: {  	v4 =	vadd.s32 v1, v4;
	_ =	sdelay $0x1  }
0x6a: {  	v3 =	vperm.xlane v3, v2;
	_ =	sdelay $0x1  }
0x6b: {  	s24 =	simm.s32 $0x8100;
	v3 =	vadd.s32 v1, v3  }
0x6c: {  	[tilespmem:s24], [sflag:$0x2] =	stream.indirect_vreg.gather [hbm4b:s1+s4], $0x80, v4, vm0, $0xb8;
	[tilespmem:$0xC100] =	vst v63  }
0x6d: {  	s28 =	simm.s32 $0x8900  }
0x6e: {  	[tilespmem:s28], [sflag:$0x2] =	stream.indirect_vreg.gather [hbm4b:s5+s4], $0x80, v4, vm0, $0xb8;
	[tilespmem:$0xC100] =	vst v63  }
0x6f: {  	s29 =	simm.s32 $0x9100  }
0x70: {  	[tilespmem:s29], [sflag:$0x2] =	stream.indirect_vreg.gather [hbm4b:s1+s4], $0x80, v3, vm0, $0xb8;
	[tilespmem:$0xC100] =	vst v63  }
0x71: {  	s31 =	simm.s32 $0x9900  }
0x72: {  	[tilespmem:s31], [sflag:$0x2] =	stream.indirect_vreg.gather [hbm4b:s5+s4], $0x80, v3, vm0, $0xb8;
	[tilespmem:$0xC100] =	vst v63  }
0x73: {  	v3 =	vld [tilespmem:$0xA0];
	_ =	sdelay $0x4  }
0x74: {  	v45 =	vshll.u32 v3, $0x2  }
0x75: {  	v3 =	vand.u32 $0x7, v3;
	v4 =	vand.u32 $0xFFFFFFE0, v45  }
0x76: {  	v3 =	vor.u32 v3, v4  }
0x77: {  	v4 =	vperm.xlane v3, v0;
	_ =	sdelay $0x1  }
0x78: {  	v4 =	vadd.s32 v1, v4;
	_ =	sdelay $0x1  }
0x79: {  	v3 =	vperm.xlane v3, v2;
	_ =	sdelay $0x1  }
0x7a: {  	s10 =	simm.s32 $0xA100;
	v3 =	vadd.s32 v1, v3  }
0x7b: {  	[tilespmem:s10], [sflag:$0x2] =	stream.indirect_vreg.gather [hbm4b:s1+s4], $0x80, v4, vm0, $0xb8;
	[tilespmem:$0xC100] =	vst v63  }
0x7c: {  	s15 =	simm.s32 $0xA900  }
0x7d: {  	[tilespmem:s15], [sflag:$0x2] =	stream.indirect_vreg.gather [hbm4b:s5+s4], $0x80, v4, vm0, $0xb8;
	[tilespmem:$0xC100] =	vst v63  }
0x7e: {  	s16 =	simm.s32 $0xB100  }
0x7f: {  	[tilespmem:s16], [sflag:$0x2] =	stream.indirect_vreg.gather [hbm4b:s1+s4], $0x80, v3, vm0, $0xb8;
	[tilespmem:$0xC100] =	vst v63  }
0x80: {  	s17 =	simm.s32 $0xB900  }
0x81: {  	[tilespmem:s17], [sflag:$0x2] =	stream.indirect_vreg.gather [hbm4b:s5+s4], $0x80, v3, vm0, $0xb8;
	[tilespmem:$0xC100] =	vst v63  }
0x82: {  	_ =	swait.ge [sflag:s11], $0x6000  }
0x83: {  	[sflag:s11] =	ssyncset.done $0x0  }
0x84: {  	s23 =	rddreg [dreg:$0x6];
	[sflag:s11] =	ssyncadd.s32 $0xFFFFA000  }
0x85: {  	[hbm4b:s23+s4] =	stream.linear.scatter [tilespmem:s26], [sflag:$0x3], $0x6000, $0x38;
	[tilespmem:$0xC100] =	vst v63  }
0x86: {  	_ =	swait.ge [sflag:s8], $0x6000  }
0x87: {  	[sflag:s8] =	ssyncset.done $0x0  }
0x88: {  	s24 =	rddreg [dreg:$0x7];
	[sflag:s8] =	ssyncadd.s32 $0xFFFFA000  }
0x89: {  	[tilespmem:s4], [sflag:$0x3] =	stream.linear.gather [hbm4b:s24+s4], $0x30, $0x38;
	[tilespmem:$0xC100] =	vst v63  }
0x8a: {  	_ =	swait.ge [sflag:s8], $0x30  }
0x8b: {  	[sflag:s8] =	ssyncset.done $0x0  }
0x8c: {  	[sflag:s8] =	ssyncadd.s32 $0xFFFFFFD0  }
0x8d: {  	v3 =	vld [tilespmem:$0x0];
	_ =	sdelay $0x4  }
0x8e: {  	v46 =	vshll.u32 v3, $0x2  }
0x8f: {  	v3 =	vand.u32 $0x7, v3;
	v4 =	vand.u32 $0xFFFFFFE0, v46  }
0x90: {  	v3 =	vor.u32 v3, v4  }
0x91: {  	v4 =	vperm.xlane v3, v0;
	_ =	sdelay $0x1  }
0x92: {  	v4 =	vadd.s32 v1, v4;
	_ =	sdelay $0x1  }
0x93: {  	v3 =	vperm.xlane v3, v2;
	_ =	sdelay $0x1  }
0x94: {  	v3 =	vadd.s32 v1, v3  }
0x95: {  	[tilespmem:s26], [sflag:$0x1] =	stream.indirect_vreg.gather [hbm4b:s1+s4], $0x80, v4, vm0, $0xb8;
	[tilespmem:$0xC100] =	vst v63  }
0x96: {  	s18 =	simm.s32 $0x900  }
0x97: {  	[tilespmem:s18], [sflag:$0x1] =	stream.indirect_vreg.gather [hbm4b:s5+s4], $0x80, v4, vm0, $0xb8;
	[tilespmem:$0xC100] =	vst v63  }
0x98: {  	s19 =	simm.s32 $0x1100  }
0x99: {  	[tilespmem:s19], [sflag:$0x1] =	stream.indirect_vreg.gather [hbm4b:s1+s4], $0x80, v3, vm0, $0xb8;
	[tilespmem:$0xC100] =	vst v63  }
0x9a: {  	s20 =	simm.s32 $0x1900  }
0x9b: {  	[tilespmem:s20], [sflag:$0x1] =	stream.indirect_vreg.gather [hbm4b:s5+s4], $0x80, v3, vm0, $0xb8;
	[tilespmem:$0xC100] =	vst v63  }
0x9c: {  	v3 =	vld [tilespmem:$0x10];
	_ =	sdelay $0x4  }
0x9d: {  	v47 =	vshll.u32 v3, $0x2  }
0x9e: {  	v3 =	vand.u32 $0x7, v3;
	v4 =	vand.u32 $0xFFFFFFE0, v47  }
0x9f: {  	v3 =	vor.u32 v3, v4  }
0xa0: {  	v4 =	vperm.xlane v3, v0;
	_ =	sdelay $0x1  }
0xa1: {  	v4 =	vadd.s32 v1, v4;
	_ =	sdelay $0x1  }
0xa2: {  	v3 =	vperm.xlane v3, v2;
	_ =	sdelay $0x1  }
0xa3: {  	s21 =	simm.s32 $0x2100;
	v3 =	vadd.s32 v1, v3  }
0xa4: {  	[tilespmem:s21], [sflag:$0x1] =	stream.indirect_vreg.gather [hbm4b:s1+s4], $0x80, v4, vm0, $0xb8;
	[tilespmem:$0xC100] =	vst v63  }
0xa5: {  	s18 =	simm.s32 $0x2900  }
0xa6: {  	[tilespmem:s18], [sflag:$0x1] =	stream.indirect_vreg.gather [hbm4b:s5+s4], $0x80, v4, vm0, $0xb8;
	[tilespmem:$0xC100] =	vst v63  }
0xa7: {  	s19 =	simm.s32 $0x3100  }
0xa8: {  	[tilespmem:s19], [sflag:$0x1] =	stream.indirect_vreg.gather [hbm4b:s1+s4], $0x80, v3, vm0, $0xb8;
	[tilespmem:$0xC100] =	vst v63  }
0xa9: {  	s20 =	simm.s32 $0x3900  }
0xaa: {  	[tilespmem:s20], [sflag:$0x1] =	stream.indirect_vreg.gather [hbm4b:s5+s4], $0x80, v3, vm0, $0xb8;
	[tilespmem:$0xC100] =	vst v63  }
0xab: {  	v3 =	vld [tilespmem:$0x20];
	_ =	sdelay $0x4  }
0xac: {  	v48 =	vshll.u32 v3, $0x2  }
0xad: {  	v3 =	vand.u32 $0x7, v3;
	v4 =	vand.u32 $0xFFFFFFE0, v48  }
0xae: {  	v3 =	vor.u32 v3, v4  }
0xaf: {  	v4 =	vperm.xlane v3, v0;
	_ =	sdelay $0x1  }
0xb0: {  	v4 =	vadd.s32 v1, v4;
	_ =	sdelay $0x1  }
0xb1: {  	v3 =	vperm.xlane v3, v2;
	_ =	sdelay $0x1  }
0xb2: {  	s21 =	simm.s32 $0x4100;
	v3 =	vadd.s32 v1, v3  }
0xb3: {  	[tilespmem:s21], [sflag:$0x1] =	stream.indirect_vreg.gather [hbm4b:s1+s4], $0x80, v4, vm0, $0xb8;
	[tilespmem:$0xC100] =	vst v63  }
0xb4: {  	s23 =	simm.s32 $0x4900  }
0xb5: {  	[tilespmem:s23], [sflag:$0x1] =	stream.indirect_vreg.gather [hbm4b:s5+s4], $0x80, v4, vm0, $0xb8;
	[tilespmem:$0xC100] =	vst v63  }
0xb6: {  	s24 =	simm.s32 $0x5100  }
0xb7: {  	[tilespmem:s24], [sflag:$0x1] =	stream.indirect_vreg.gather [hbm4b:s1+s4], $0x80, v3, vm0, $0xb8;
	[tilespmem:$0xC100] =	vst v63  }
0xb8: {  	s25 =	simm.s32 $0x5900  }
0xb9: {  	[tilespmem:s25], [sflag:$0x1] =	stream.indirect_vreg.gather [hbm4b:s5+s4], $0x80, v3, vm0, $0xb8;
	[tilespmem:$0xC100] =	vst v63  }
0xba: {  	_ =	swait.ge [sflag:s12], $0x6000  }
0xbb: {  	[sflag:s12] =	ssyncset.done $0x0  }
0xbc: {  	s28 =	rddreg [dreg:$0x8];
	[sflag:s12] =	ssyncadd.s32 $0xFFFFA000  }
0xbd: {  	[hbm4b:s28+s4] =	stream.linear.scatter [tilespmem:s22], [sflag:$0x3], $0x6000, $0x38;
	[tilespmem:$0xC100] =	vst v63  }
0xbe: {  	_ =	swait.ge [sflag:s8], $0x6000  }
0xbf: {  	[sflag:s8] =	ssyncset.done $0x0  }
0xc0: {  	s9 =	simm.s32 $0x80;
	s0 =	rddreg [dreg:$0x9];
	[sflag:s8] =	ssyncadd.s32 $0xFFFFA000  }
0xc1: {  	[tilespmem:s9], [sflag:$0x3] =	stream.linear.gather [hbm4b:s0+s4], $0x30, $0x38;
	[tilespmem:$0xC100] =	vst v63  }
0xc2: {  	_ =	swait.ge [sflag:s8], $0x30  }
0xc3: {  	[sflag:s8] =	ssyncset.done $0x0  }
0xc4: {  	[sflag:s8] =	ssyncadd.s32 $0xFFFFFFD0  }
0xc5: {  	v3 =	vld [tilespmem:$0x80];
	_ =	sdelay $0x4  }
0xc6: {  	v49 =	vshll.u32 v3, $0x2  }
0xc7: {  	v3 =	vand.u32 $0x7, v3;
	v4 =	vand.u32 $0xFFFFFFE0, v49  }
0xc8: {  	v3 =	vor.u32 v3, v4  }
0xc9: {  	v4 =	vperm.xlane v3, v0;
	_ =	sdelay $0x1  }
0xca: {  	v4 =	vadd.s32 v1, v4;
	_ =	sdelay $0x1  }
0xcb: {  	v3 =	vperm.xlane v3, v2;
	_ =	sdelay $0x1  }
0xcc: {  	v3 =	vadd.s32 v1, v3  }
0xcd: {  	[tilespmem:s22], [sflag:$0x2] =	stream.indirect_vreg.gather [hbm4b:s1+s4], $0x80, v4, vm0, $0xb8;
	[tilespmem:$0xC100] =	vst v63  }
0xce: {  	s2 =	simm.s32 $0x6900  }
0xcf: {  	[tilespmem:s2], [sflag:$0x2] =	stream.indirect_vreg.gather [hbm4b:s5+s4], $0x80, v4, vm0, $0xb8;
	[tilespmem:$0xC100] =	vst v63  }
0xd0: {  	s9 =	simm.s32 $0x7100  }
0xd1: {  	[tilespmem:s9], [sflag:$0x2] =	stream.indirect_vreg.gather [hbm4b:s1+s4], $0x80, v3, vm0, $0xb8;
	[tilespmem:$0xC100] =	vst v63  }
0xd2: {  	s30 =	simm.s32 $0x7900  }
0xd3: {  	[tilespmem:s30], [sflag:$0x2] =	stream.indirect_vreg.gather [hbm4b:s5+s4], $0x80, v3, vm0, $0xb8;
	[tilespmem:$0xC100] =	vst v63  }
0xd4: {  	v3 =	vld [tilespmem:$0x90];
	_ =	sdelay $0x4  }
0xd5: {  	v50 =	vshll.u32 v3, $0x2  }
0xd6: {  	v3 =	vand.u32 $0x7, v3;
	v4 =	vand.u32 $0xFFFFFFE0, v50  }
0xd7: {  	v3 =	vor.u32 v3, v4  }
0xd8: {  	v4 =	vperm.xlane v3, v0;
	_ =	sdelay $0x1  }
0xd9: {  	v4 =	vadd.s32 v1, v4;
	_ =	sdelay $0x1  }
0xda: {  	v3 =	vperm.xlane v3, v2;
	_ =	sdelay $0x1  }
0xdb: {  	s30 =	simm.s32 $0x8100;
	v3 =	vadd.s32 v1, v3  }
0xdc: {  	[tilespmem:s30], [sflag:$0x2] =	stream.indirect_vreg.gather [hbm4b:s1+s4], $0x80, v4, vm0, $0xb8;
	[tilespmem:$0xC100] =	vst v63  }
0xdd: {  	s0 =	simm.s32 $0x8900  }
0xde: {  	[tilespmem:s0], [sflag:$0x2] =	stream.indirect_vreg.gather [hbm4b:s5+s4], $0x80, v4, vm0, $0xb8;
	[tilespmem:$0xC100] =	vst v63  }
0xdf: {  	s2 =	simm.s32 $0x9100  }
0xe0: {  	[tilespmem:s2], [sflag:$0x2] =	stream.indirect_vreg.gather [hbm4b:s1+s4], $0x80, v3, vm0, $0xb8;
	[tilespmem:$0xC100] =	vst v63  }
0xe1: {  	s14 =	simm.s32 $0x9900  }
0xe2: {  	[tilespmem:s14], [sflag:$0x2] =	stream.indirect_vreg.gather [hbm4b:s5+s4], $0x80, v3, vm0, $0xb8;
	[tilespmem:$0xC100] =	vst v63  }
0xe3: {  	v3 =	vld [tilespmem:$0xA0];
	_ =	sdelay $0x4  }
0xe4: {  	v51 =	vshll.u32 v3, $0x2  }
0xe5: {  	v3 =	vand.u32 $0x7, v3;
	v4 =	vand.u32 $0xFFFFFFE0, v51  }
0xe6: {  	v3 =	vor.u32 v3, v4  }
0xe7: {  	v4 =	vperm.xlane v3, v0;
	_ =	sdelay $0x1  }
0xe8: {  	v4 =	vadd.s32 v1, v4;
	_ =	sdelay $0x1  }
0xe9: {  	v3 =	vperm.xlane v3, v2;
	_ =	sdelay $0x1  }
0xea: {  	s25 =	simm.s32 $0xA100;
	v3 =	vadd.s32 v1, v3  }
0xeb: {  	[tilespmem:s25], [sflag:$0x2] =	stream.indirect_vreg.gather [hbm4b:s1+s4], $0x80, v4, vm0, $0xb8;
	[tilespmem:$0xC100] =	vst v63  }
0xec: {  	s15 =	simm.s32 $0xA900  }
0xed: {  	[tilespmem:s15], [sflag:$0x2] =	stream.indirect_vreg.gather [hbm4b:s5+s4], $0x80, v4, vm0, $0xb8;
	[tilespmem:$0xC100] =	vst v63  }
0xee: {  	s29 =	simm.s32 $0xB100  }
0xef: {  	[tilespmem:s29], [sflag:$0x2] =	stream.indirect_vreg.gather [hbm4b:s1+s4], $0x80, v3, vm0, $0xb8;
	[tilespmem:$0xC100] =	vst v63  }
0xf0: {  	s10 =	simm.s32 $0xB900  }
0xf1: {  	[tilespmem:s10], [sflag:$0x2] =	stream.indirect_vreg.gather [hbm4b:s5+s4], $0x80, v3, vm0, $0xb8;
	[tilespmem:$0xC100] =	vst v63  }
0xf2: {  	_ =	swait.ge [sflag:s11], $0x6000  }
0xf3: {  	[sflag:s11] =	ssyncset.done $0x0  }
0xf4: {  	s10 =	rddreg [dreg:$0xa];
	[sflag:s11] =	ssyncadd.s32 $0xFFFFA000  }
0xf5: {  	[hbm4b:s10+s4] =	stream.linear.scatter [tilespmem:s26], [sflag:$0x3], $0x6000, $0x38;
	[tilespmem:$0xC100] =	vst v63  }
0xf6: {  	_ =	swait.ge [sflag:s8], $0x6000  }
0xf7: {  	[sflag:s8] =	ssyncset.done $0x0  }
0xf8: {  	s10 =	rddreg [dreg:$0xb];
	[sflag:s8] =	ssyncadd.s32 $0xFFFFA000  }
0xf9: {  	[tilespmem:s4], [sflag:$0x3] =	stream.linear.gather [hbm4b:s10+s4], $0x30, $0x38;
	[tilespmem:$0xC100] =	vst v63  }
0xfa: {  	_ =	swait.ge [sflag:s8], $0x30  }
0xfb: {  	[sflag:s8] =	ssyncset.done $0x0  }
0xfc: {  	[sflag:s8] =	ssyncadd.s32 $0xFFFFFFD0  }
0xfd: {  	v3 =	vld [tilespmem:$0x0];
	_ =	sdelay $0x4  }
0xfe: {  	v52 =	vshll.u32 v3, $0x2  }
0xff: {  	v3 =	vand.u32 $0x7, v3;
	v4 =	vand.u32 $0xFFFFFFE0, v52  }
0x100: {  	v3 =	vor.u32 v3, v4  }
0x101: {  	v4 =	vperm.xlane v3, v0;
	_ =	sdelay $0x1  }
0x102: {  	v4 =	vadd.s32 v1, v4;
	_ =	sdelay $0x1  }
0x103: {  	v3 =	vperm.xlane v3, v2;
	_ =	sdelay $0x1  }
0x104: {  	v3 =	vadd.s32 v1, v3  }
0x105: {  	[tilespmem:s26], [sflag:$0x1] =	stream.indirect_vreg.gather [hbm4b:s1+s4], $0x80, v4, vm0, $0xb8;
	[tilespmem:$0xC100] =	vst v63  }
0x106: {  	s16 =	simm.s32 $0x900  }
0x107: {  	[tilespmem:s16], [sflag:$0x1] =	stream.indirect_vreg.gather [hbm4b:s5+s4], $0x80, v4, vm0, $0xb8;
	[tilespmem:$0xC100] =	vst v63  }
0x108: {  	s17 =	simm.s32 $0x1100  }
0x109: {  	[tilespmem:s17], [sflag:$0x1] =	stream.indirect_vreg.gather [hbm4b:s1+s4], $0x80, v3, vm0, $0xb8;
	[tilespmem:$0xC100] =	vst v63  }
0x10a: {  	s31 =	simm.s32 $0x1900  }
0x10b: {  	[tilespmem:s31], [sflag:$0x1] =	stream.indirect_vreg.gather [hbm4b:s5+s4], $0x80, v3, vm0, $0xb8;
	[tilespmem:$0xC100] =	vst v63  }
0x10c: {  	v3 =	vld [tilespmem:$0x10];
	_ =	sdelay $0x4  }
0x10d: {  	v53 =	vshll.u32 v3, $0x2  }
0x10e: {  	v3 =	vand.u32 $0x7, v3;
	v4 =	vand.u32 $0xFFFFFFE0, v53  }
0x10f: {  	v3 =	vor.u32 v3, v4  }
0x110: {  	v4 =	vperm.xlane v3, v0;
	_ =	sdelay $0x1  }
0x111: {  	v4 =	vadd.s32 v1, v4;
	_ =	sdelay $0x1  }
0x112: {  	v3 =	vperm.xlane v3, v2;
	_ =	sdelay $0x1  }
0x113: {  	s17 =	simm.s32 $0x2100;
	v3 =	vadd.s32 v1, v3  }
0x114: {  	[tilespmem:s17], [sflag:$0x1] =	stream.indirect_vreg.gather [hbm4b:s1+s4], $0x80, v4, vm0, $0xb8;
	[tilespmem:$0xC100] =	vst v63  }
0x115: {  	_ = 	snop  }
0x116: {  	[tilespmem:s18], [sflag:$0x1] =	stream.indirect_vreg.gather [hbm4b:s5+s4], $0x80, v4, vm0, $0xb8;
	[tilespmem:$0xC100] =	vst v63  }
0x117: {  	_ = 	snop  }
0x118: {  	[tilespmem:s19], [sflag:$0x1] =	stream.indirect_vreg.gather [hbm4b:s1+s4], $0x80, v3, vm0, $0xb8;
	[tilespmem:$0xC100] =	vst v63  }
0x119: {  	_ = 	snop  }
0x11a: {  	[tilespmem:s20], [sflag:$0x1] =	stream.indirect_vreg.gather [hbm4b:s5+s4], $0x80, v3, vm0, $0xb8;
	[tilespmem:$0xC100] =	vst v63  }
0x11b: {  	v3 =	vld [tilespmem:$0x20];
	_ =	sdelay $0x4  }
0x11c: {  	v54 =	vshll.u32 v3, $0x2  }
0x11d: {  	v3 =	vand.u32 $0x7, v3;
	v4 =	vand.u32 $0xFFFFFFE0, v54  }
0x11e: {  	v3 =	vor.u32 v3, v4  }
0x11f: {  	v4 =	vperm.xlane v3, v0;
	_ =	sdelay $0x1  }
0x120: {  	v4 =	vadd.s32 v1, v4;
	_ =	sdelay $0x1  }
0x121: {  	v3 =	vperm.xlane v3, v2;
	_ =	sdelay $0x1  }
0x122: {  	v3 =	vadd.s32 v1, v3  }
0x123: {  	[tilespmem:s21], [sflag:$0x1] =	stream.indirect_vreg.gather [hbm4b:s1+s4], $0x80, v4, vm0, $0xb8;
	[tilespmem:$0xC100] =	vst v63  }
0x124: {  	_ = 	snop  }
0x125: {  	[tilespmem:s23], [sflag:$0x1] =	stream.indirect_vreg.gather [hbm4b:s5+s4], $0x80, v4, vm0, $0xb8;
	[tilespmem:$0xC100] =	vst v63  }
0x126: {  	_ = 	snop  }
0x127: {  	[tilespmem:s24], [sflag:$0x1] =	stream.indirect_vreg.gather [hbm4b:s1+s4], $0x80, v3, vm0, $0xb8;
	[tilespmem:$0xC100] =	vst v63  }
0x128: {  	s24 =	simm.s32 $0x5900  }
0x129: {  	[tilespmem:s24], [sflag:$0x1] =	stream.indirect_vreg.gather [hbm4b:s5+s4], $0x80, v3, vm0, $0xb8;
	[tilespmem:$0xC100] =	vst v63  }
0x12a: {  	_ =	swait.ge [sflag:s12], $0x6000  }
0x12b: {  	[sflag:s12] =	ssyncset.done $0x0  }
0x12c: {  	s10 =	rddreg [dreg:$0xc];
	[sflag:s12] =	ssyncadd.s32 $0xFFFFA000  }
0x12d: {  	[hbm4b:s10+s4] =	stream.linear.scatter [tilespmem:s22], [sflag:$0x3], $0x6000, $0x38;
	[tilespmem:$0xC100] =	vst v63  }
0x12e: {  	_ =	swait.ge [sflag:s8], $0x6000  }
0x12f: {  	[sflag:s8] =	ssyncset.done $0x0  }
0x130: {  	s24 =	simm.s32 $0x80;
	s23 =	rddreg [dreg:$0xd];
	[sflag:s8] =	ssyncadd.s32 $0xFFFFA000  }
0x131: {  	[tilespmem:s24], [sflag:$0x3] =	stream.linear.gather [hbm4b:s23+s4], $0x30, $0x38;
	[tilespmem:$0xC100] =	vst v63  }
0x132: {  	_ =	swait.ge [sflag:s8], $0x30  }
0x133: {  	[sflag:s8] =	ssyncset.done $0x0  }
0x134: {  	[sflag:s8] =	ssyncadd.s32 $0xFFFFFFD0  }
0x135: {  	v3 =	vld [tilespmem:$0x80];
	_ =	sdelay $0x4  }
0x136: {  	v55 =	vshll.u32 v3, $0x2  }
0x137: {  	v3 =	vand.u32 $0x7, v3;
	v4 =	vand.u32 $0xFFFFFFE0, v55  }
0x138: {  	v3 =	vor.u32 v3, v4  }
0x139: {  	v4 =	vperm.xlane v3, v0;
	_ =	sdelay $0x1  }
0x13a: {  	v4 =	vadd.s32 v1, v4;
	_ =	sdelay $0x1  }
0x13b: {  	v3 =	vperm.xlane v3, v2;
	_ =	sdelay $0x1  }
0x13c: {  	v3 =	vadd.s32 v1, v3  }
0x13d: {  	[tilespmem:s22], [sflag:$0x2] =	stream.indirect_vreg.gather [hbm4b:s1+s4], $0x80, v4, vm0, $0xb8;
	[tilespmem:$0xC100] =	vst v63  }
0x13e: {  	s28 =	simm.s32 $0x6900  }
0x13f: {  	[tilespmem:s28], [sflag:$0x2] =	stream.indirect_vreg.gather [hbm4b:s5+s4], $0x80, v4, vm0, $0xb8;
	[tilespmem:$0xC100] =	vst v63  }
0x140: {  	_ = 	snop  }
0x141: {  	[tilespmem:s9], [sflag:$0x2] =	stream.indirect_vreg.gather [hbm4b:s1+s4], $0x80, v3, vm0, $0xb8;
	[tilespmem:$0xC100] =	vst v63  }
0x142: {  	s23 =	simm.s32 $0x7900  }
0x143: {  	[tilespmem:s23], [sflag:$0x2] =	stream.indirect_vreg.gather [hbm4b:s5+s4], $0x80, v3, vm0, $0xb8;
	[tilespmem:$0xC100] =	vst v63  }
0x144: {  	v3 =	vld [tilespmem:$0x90];
	_ =	sdelay $0x4  }
0x145: {  	v56 =	vshll.u32 v3, $0x2  }
0x146: {  	v3 =	vand.u32 $0x7, v3;
	v4 =	vand.u32 $0xFFFFFFE0, v56  }
0x147: {  	v3 =	vor.u32 v3, v4  }
0x148: {  	v4 =	vperm.xlane v3, v0;
	_ =	sdelay $0x1  }
0x149: {  	v4 =	vadd.s32 v1, v4;
	_ =	sdelay $0x1  }
0x14a: {  	v3 =	vperm.xlane v3, v2;
	_ =	sdelay $0x1  }
0x14b: {  	v3 =	vadd.s32 v1, v3  }
0x14c: {  	[tilespmem:s30], [sflag:$0x2] =	stream.indirect_vreg.gather [hbm4b:s1+s4], $0x80, v4, vm0, $0xb8;
	[tilespmem:$0xC100] =	vst v63  }
0x14d: {  	_ = 	snop  }
0x14e: {  	[tilespmem:s0], [sflag:$0x2] =	stream.indirect_vreg.gather [hbm4b:s5+s4], $0x80, v4, vm0, $0xb8;
	[tilespmem:$0xC100] =	vst v63  }
0x14f: {  	_ = 	snop  }
0x150: {  	[tilespmem:s2], [sflag:$0x2] =	stream.indirect_vreg.gather [hbm4b:s1+s4], $0x80, v3, vm0, $0xb8;
	[tilespmem:$0xC100] =	vst v63  }
0x151: {  	s28 =	simm.s32 $0x9900  }
0x152: {  	[tilespmem:s28], [sflag:$0x2] =	stream.indirect_vreg.gather [hbm4b:s5+s4], $0x80, v3, vm0, $0xb8;
	[tilespmem:$0xC100] =	vst v63  }
0x153: {  	v3 =	vld [tilespmem:$0xA0];
	_ =	sdelay $0x4  }
0x154: {  	v57 =	vshll.u32 v3, $0x2  }
0x155: {  	v3 =	vand.u32 $0x7, v3;
	v4 =	vand.u32 $0xFFFFFFE0, v57  }
0x156: {  	v3 =	vor.u32 v3, v4  }
0x157: {  	v4 =	vperm.xlane v3, v0;
	_ =	sdelay $0x1  }
0x158: {  	v4 =	vadd.s32 v1, v4;
	_ =	sdelay $0x1  }
0x159: {  	v3 =	vperm.xlane v3, v2;
	_ =	sdelay $0x1  }
0x15a: {  	s14 =	simm.s32 $0xA100;
	v3 =	vadd.s32 v1, v3  }
0x15b: {  	[tilespmem:s14], [sflag:$0x2] =	stream.indirect_vreg.gather [hbm4b:s1+s4], $0x80, v4, vm0, $0xb8;
	[tilespmem:$0xC100] =	vst v63  }
0x15c: {  	s15 =	simm.s32 $0xA900  }
0x15d: {  	[tilespmem:s15], [sflag:$0x2] =	stream.indirect_vreg.gather [hbm4b:s5+s4], $0x80, v4, vm0, $0xb8;
	[tilespmem:$0xC100] =	vst v63  }
0x15e: {  	s25 =	simm.s32 $0xB100  }
0x15f: {  	[tilespmem:s25], [sflag:$0x2] =	stream.indirect_vreg.gather [hbm4b:s1+s4], $0x80, v3, vm0, $0xb8;
	[tilespmem:$0xC100] =	vst v63  }
0x160: {  	s29 =	simm.s32 $0xB900  }
0x161: {  	[tilespmem:s29], [sflag:$0x2] =	stream.indirect_vreg.gather [hbm4b:s5+s4], $0x80, v3, vm0, $0xb8;
	[tilespmem:$0xC100] =	vst v63  }
0x162: {  	_ =	swait.ge [sflag:s11], $0x6000  }
0x163: {  	[sflag:s11] =	ssyncset.done $0x0  }
0x164: {  	s30 =	rddreg [dreg:$0xe];
	[sflag:s11] =	ssyncadd.s32 $0xFFFFA000  }
0x165: {  	[hbm4b:s30+s4] =	stream.linear.scatter [tilespmem:s26], [sflag:$0x3], $0x6000, $0x38;
	[tilespmem:$0xC100] =	vst v63  }
0x166: {  	_ =	swait.ge [sflag:s8], $0x6000  }
0x167: {  	[sflag:s8] =	ssyncset.done $0x0  }
0x168: {  	s29 =	rddreg [dreg:$0xf];
	[sflag:s8] =	ssyncadd.s32 $0xFFFFA000  }
0x169: {  	[tilespmem:s4], [sflag:$0x3] =	stream.linear.gather [hbm4b:s29+s4], $0x30, $0x38;
	[tilespmem:$0xC100] =	vst v63  }
0x16a: {  	_ =	swait.ge [sflag:s8], $0x30  }
0x16b: {  	[sflag:s8] =	ssyncset.done $0x0  }
0x16c: {  	[sflag:s8] =	ssyncadd.s32 $0xFFFFFFD0  }
0x16d: {  	v3 =	vld [tilespmem:$0x0];
	_ =	sdelay $0x4  }
0x16e: {  	v58 =	vshll.u32 v3, $0x2  }
0x16f: {  	v3 =	vand.u32 $0x7, v3;
	v4 =	vand.u32 $0xFFFFFFE0, v58  }
0x170: {  	v3 =	vor.u32 v3, v4  }
0x171: {  	v4 =	vperm.xlane v3, v0;
	_ =	sdelay $0x1  }
0x172: {  	v4 =	vadd.s32 v1, v4;
	_ =	sdelay $0x1  }
0x173: {  	v3 =	vperm.xlane v3, v2;
	_ =	sdelay $0x1  }
0x174: {  	v3 =	vadd.s32 v1, v3  }
0x175: {  	[tilespmem:s26], [sflag:$0x1] =	stream.indirect_vreg.gather [hbm4b:s3+s4], $0x80, v4, vm0, $0xb8;
	[tilespmem:$0xC100] =	vst v63  }
0x176: {  	s30 =	simm.s32 $0x900  }
0x177: {  	[tilespmem:s30], [sflag:$0x1] =	stream.indirect_vreg.gather [hbm4b:s6+s4], $0x80, v4, vm0, $0xb8;
	[tilespmem:$0xC100] =	vst v63  }
0x178: {  	s29 =	simm.s32 $0x1100  }
0x179: {  	[tilespmem:s29], [sflag:$0x1] =	stream.indirect_vreg.gather [hbm4b:s3+s4], $0x80, v3, vm0, $0xb8;
	[tilespmem:$0xC100] =	vst v63  }
0x17a: {  	s30 =	simm.s32 $0x1900  }
0x17b: {  	[tilespmem:s30], [sflag:$0x1] =	stream.indirect_vreg.gather [hbm4b:s6+s4], $0x80, v3, vm0, $0xb8;
	[tilespmem:$0xC100] =	vst v63  }
0x17c: {  	v3 =	vld [tilespmem:$0x10];
	_ =	sdelay $0x4  }
0x17d: {  	v59 =	vshll.u32 v3, $0x2  }
0x17e: {  	v3 =	vand.u32 $0x7, v3;
	v4 =	vand.u32 $0xFFFFFFE0, v59  }
0x17f: {  	v3 =	vor.u32 v3, v4  }
0x180: {  	v4 =	vperm.xlane v3, v0;
	_ =	sdelay $0x1  }
0x181: {  	v4 =	vadd.s32 v1, v4;
	_ =	sdelay $0x1  }
0x182: {  	v3 =	vperm.xlane v3, v2;
	_ =	sdelay $0x1  }
0x183: {  	s31 =	simm.s32 $0x2100;
	v3 =	vadd.s32 v1, v3  }
0x184: {  	[tilespmem:s31], [sflag:$0x1] =	stream.indirect_vreg.gather [hbm4b:s3+s4], $0x80, v4, vm0, $0xb8;
	[tilespmem:$0xC100] =	vst v63  }
0x185: {  	s16 =	simm.s32 $0x2900  }
0x186: {  	[tilespmem:s16], [sflag:$0x1] =	stream.indirect_vreg.gather [hbm4b:s6+s4], $0x80, v4, vm0, $0xb8;
	[tilespmem:$0xC100] =	vst v63  }
0x187: {  	s17 =	simm.s32 $0x3100  }
0x188: {  	[tilespmem:s17], [sflag:$0x1] =	stream.indirect_vreg.gather [hbm4b:s3+s4], $0x80, v3, vm0, $0xb8;
	[tilespmem:$0xC100] =	vst v63  }
0x189: {  	s18 =	simm.s32 $0x3900  }
0x18a: {  	[tilespmem:s18], [sflag:$0x1] =	stream.indirect_vreg.gather [hbm4b:s6+s4], $0x80, v3, vm0, $0xb8;
	[tilespmem:$0xC100] =	vst v63  }
0x18b: {  	v3 =	vld [tilespmem:$0x20];
	_ =	sdelay $0x4  }
0x18c: {  	v60 =	vshll.u32 v3, $0x2  }
0x18d: {  	v3 =	vand.u32 $0x7, v3;
	v4 =	vand.u32 $0xFFFFFFE0, v60  }
0x18e: {  	v3 =	vor.u32 v3, v4  }
0x18f: {  	v4 =	vperm.xlane v3, v0;
	_ =	sdelay $0x1  }
0x190: {  	v4 =	vadd.s32 v1, v4;
	_ =	sdelay $0x1  }
0x191: {  	v3 =	vperm.xlane v3, v2;
	_ =	sdelay $0x1  }
0x192: {  	s19 =	simm.s32 $0x4100;
	v3 =	vadd.s32 v1, v3  }
0x193: {  	[tilespmem:s19], [sflag:$0x1] =	stream.indirect_vreg.gather [hbm4b:s3+s4], $0x80, v4, vm0, $0xb8;
	[tilespmem:$0xC100] =	vst v63  }
0x194: {  	s20 =	simm.s32 $0x4900  }
0x195: {  	[tilespmem:s20], [sflag:$0x1] =	stream.indirect_vreg.gather [hbm4b:s6+s4], $0x80, v4, vm0, $0xb8;
	[tilespmem:$0xC100] =	vst v63  }
0x196: {  	s21 =	simm.s32 $0x5100  }
0x197: {  	[tilespmem:s21], [sflag:$0x1] =	stream.indirect_vreg.gather [hbm4b:s3+s4], $0x80, v3, vm0, $0xb8;
	[tilespmem:$0xC100] =	vst v63  }
0x198: {  	s18 =	simm.s32 $0x5900  }
0x199: {  	[tilespmem:s18], [sflag:$0x1] =	stream.indirect_vreg.gather [hbm4b:s6+s4], $0x80, v3, vm0, $0xb8;
	[tilespmem:$0xC100] =	vst v63  }
0x19a: {  	_ =	swait.ge [sflag:s12], $0x6000  }
0x19b: {  	[sflag:s12] =	ssyncset.done $0x0  }
0x19c: {  	s19 =	rddreg [dreg:$0x10];
	[sflag:s12] =	ssyncadd.s32 $0xFFFFA000  }
0x19d: {  	[hbm4b:s19+s4] =	stream.linear.scatter [tilespmem:s22], [sflag:$0x3], $0x6000, $0x38;
	[tilespmem:$0xC100] =	vst v63  }
0x19e: {  	_ =	swait.ge [sflag:s8], $0x6000  }
0x19f: {  	[sflag:s8] =	ssyncset.done $0x0  }
0x1a0: {  	s21 =	simm.s32 $0x80;
	s20 =	rddreg [dreg:$0x11];
	[sflag:s8] =	ssyncadd.s32 $0xFFFFA000  }
0x1a1: {  	[tilespmem:s21], [sflag:$0x3] =	stream.linear.gather [hbm4b:s20+s4], $0x30, $0x38;
	[tilespmem:$0xC100] =	vst v63  }
0x1a2: {  	_ =	swait.ge [sflag:s8], $0x30  }
0x1a3: {  	[sflag:s8] =	ssyncset.done $0x0  }
0x1a4: {  	[sflag:s8] =	ssyncadd.s32 $0xFFFFFFD0  }
0x1a5: {  	v3 =	vld [tilespmem:$0x80];
	_ =	sdelay $0x4  }
0x1a6: {  	v61 =	vshll.u32 v3, $0x2  }
0x1a7: {  	v3 =	vand.u32 $0x7, v3;
	v4 =	vand.u32 $0xFFFFFFE0, v61  }
0x1a8: {  	v3 =	vor.u32 v3, v4  }
0x1a9: {  	v4 =	vperm.xlane v3, v0;
	_ =	sdelay $0x1  }
0x1aa: {  	v4 =	vadd.s32 v1, v4;
	_ =	sdelay $0x1  }
0x1ab: {  	v3 =	vperm.xlane v3, v2;
	_ =	sdelay $0x1  }
0x1ac: {  	v3 =	vadd.s32 v1, v3  }
0x1ad: {  	[tilespmem:s22], [sflag:$0x2] =	stream.indirect_vreg.gather [hbm4b:s3+s4], $0x80, v4, vm0, $0xb8;
	[tilespmem:$0xC100] =	vst v63  }
0x1ae: {  	s24 =	simm.s32 $0x6900  }
0x1af: {  	[tilespmem:s24], [sflag:$0x2] =	stream.indirect_vreg.gather [hbm4b:s6+s4], $0x80, v4, vm0, $0xb8;
	[tilespmem:$0xC100] =	vst v63  }
0x1b0: {  	s9 =	simm.s32 $0x7100  }
0x1b1: {  	[tilespmem:s9], [sflag:$0x2] =	stream.indirect_vreg.gather [hbm4b:s3+s4], $0x80, v3, vm0, $0xb8;
	[tilespmem:$0xC100] =	vst v63  }
0x1b2: {  	s29 =	simm.s32 $0x7900  }
0x1b3: {  	[tilespmem:s29], [sflag:$0x2] =	stream.indirect_vreg.gather [hbm4b:s6+s4], $0x80, v3, vm0, $0xb8;
	[tilespmem:$0xC100] =	vst v63  }
0x1b4: {  	v3 =	vld [tilespmem:$0x90];
	_ =	sdelay $0x4  }
0x1b5: {  	v62 =	vshll.u32 v3, $0x2  }
0x1b6: {  	v3 =	vand.u32 $0x7, v3;
	v4 =	vand.u32 $0xFFFFFFE0, v62  }
0x1b7: {  	v3 =	vor.u32 v3, v4  }
0x1b8: {  	v4 =	vperm.xlane v3, v0;
	_ =	sdelay $0x1  }
0x1b9: {  	v4 =	vadd.s32 v1, v4;
	_ =	sdelay $0x1  }
0x1ba: {  	v3 =	vperm.xlane v3, v2;
	_ =	sdelay $0x1  }
0x1bb: {  	s10 =	simm.s32 $0x8100;
	v3 =	vadd.s32 v1, v3  }
0x1bc: {  	[tilespmem:s10], [sflag:$0x2] =	stream.indirect_vreg.gather [hbm4b:s3+s4], $0x80, v4, vm0, $0xb8;
	[tilespmem:$0xC100] =	vst v63  }
0x1bd: {  	s0 =	simm.s32 $0x8900  }
0x1be: {  	[tilespmem:s0], [sflag:$0x2] =	stream.indirect_vreg.gather [hbm4b:s6+s4], $0x80, v4, vm0, $0xb8;
	[tilespmem:$0xC100] =	vst v63  }
0x1bf: {  	s2 =	simm.s32 $0x9100  }
0x1c0: {  	[tilespmem:s2], [sflag:$0x2] =	stream.indirect_vreg.gather [hbm4b:s3+s4], $0x80, v3, vm0, $0xb8;
	[tilespmem:$0xC100] =	vst v63  }
0x1c1: {  	s28 =	simm.s32 $0x9900  }
0x1c2: {  	[tilespmem:s28], [sflag:$0x2] =	stream.indirect_vreg.gather [hbm4b:s6+s4], $0x80, v3, vm0, $0xb8;
	[tilespmem:$0xC100] =	vst v63  }
0x1c3: {  	v3 =	vld [tilespmem:$0xA0];
	_ =	sdelay $0x4  }
0x1c4: {  	v63 =	vshll.u32 v3, $0x2  }
0x1c5: {  	v3 =	vand.u32 $0x7, v3;
	v4 =	vand.u32 $0xFFFFFFE0, v63  }
0x1c6: {  	v3 =	vor.u32 v3, v4  }
0x1c7: {  	v4 =	vperm.xlane v3, v0;
	_ =	sdelay $0x1  }
0x1c8: {  	v4 =	vadd.s32 v1, v4;
	_ =	sdelay $0x1  }
0x1c9: {  	v3 =	vperm.xlane v3, v2;
	_ =	sdelay $0x1  }
0x1ca: {  	s23 =	simm.s32 $0xA100;
	v3 =	vadd.s32 v1, v3  }
0x1cb: {  	[tilespmem:s23], [sflag:$0x2] =	stream.indirect_vreg.gather [hbm4b:s3+s4], $0x80, v4, vm0, $0xb8;
	[tilespmem:$0xC100] =	vst v63  }
0x1cc: {  	s14 =	simm.s32 $0xA900  }
0x1cd: {  	[tilespmem:s14], [sflag:$0x2] =	stream.indirect_vreg.gather [hbm4b:s6+s4], $0x80, v4, vm0, $0xb8;
	[tilespmem:$0xC100] =	vst v63  }
0x1ce: {  	s15 =	simm.s32 $0xB100  }
0x1cf: {  	[tilespmem:s15], [sflag:$0x2] =	stream.indirect_vreg.gather [hbm4b:s3+s4], $0x80, v3, vm0, $0xb8;
	[tilespmem:$0xC100] =	vst v63  }
0x1d0: {  	s25 =	simm.s32 $0xB900  }
0x1d1: {  	[tilespmem:s25], [sflag:$0x2] =	stream.indirect_vreg.gather [hbm4b:s6+s4], $0x80, v3, vm0, $0xb8;
	[tilespmem:$0xC100] =	vst v63  }
0x1d2: {  	_ =	swait.ge [sflag:s11], $0x6000  }
0x1d3: {  	[sflag:s11] =	ssyncset.done $0x0  }
0x1d4: {  	s30 =	rddreg [dreg:$0x12];
	[sflag:s11] =	ssyncadd.s32 $0xFFFFA000  }
0x1d5: {  	[hbm4b:s30+s4] =	stream.linear.scatter [tilespmem:s26], [sflag:$0x3], $0x6000, $0x38;
	[tilespmem:$0xC100] =	vst v63  }
0x1d6: {  	_ =	swait.ge [sflag:s8], $0x6000  }
0x1d7: {  	[sflag:s8] =	ssyncset.done $0x0  }
0x1d8: {  	[sflag:s8] =	ssyncadd.s32 $0xFFFFA000  }
0x1d9: {  	_ =	swait.ge [sflag:s12], $0x6000  }
0x1da: {  	p0 =	sne.s32 s7, $0x1;
	[sflag:s12] =	ssyncset.done $0x0  }
.Ltmp0:
0x1db: {  	s31 =	rddreg [dreg:$0x13];
	[sflag:s12] =	ssyncadd.s32 $0xFFFFA000;
	(pc) =	sbr.rel @p0 .LBB2_1-.Ltmp0, $4  }
0x1dc: {  	[hbm4b:s31+s4] =	stream.linear.scatter [tilespmem:s22], [sflag:$0x3], $0x6000, $0x38;
	[tilespmem:$0xC100] =	vst v63  }
0x1dd: {  	_ =	swait.ge [sflag:s8], $0x6000  }
0x1de: {  	[sflag:s8] =	ssyncset.done $0x0  }
0x1df: {  	s7 =	sadd.s32 $0xFFFFFFFF, s7;
	[sflag:s8] =	ssyncadd.s32 $0xFFFFA000  }
0x1e0: {  	_ =	sfence.sel $0x180000  }
0x1e1: {  	[bflag:$0x0] =	sbarrier.arrive $0xFFFF  }
0x1e2: {  	_ =	strace $0x9000004A  }
0x1e3: {  	s0 =	stileid.u32;
	[bflag:$0x2] =	sbarrier.arrive $0xFFFF  }
0x1e4: {  	p0 =	sne.s32 s0, $0x0;
	s0 =	rddreg [dreg:$0x3]  }
0x1e5: {  	s0 =	sadd.s32 @!p0 $0x100000, s0  }
0x1e6: {  	[sflag:s0] =	ssyncadd.tile.s32 @!p0 $0x1;
	_ =	shalt  }
.Lfunc_end2:
_tile_overlayer_lowered:
.L_overlay_start_2:
0x1e7: {  	(tag) =	ssettag $0x2  }
0x1e8: {  	s0 =	rddreg [dreg:$0x0];
	s2 =	stileid.u32  }
0x1e9: {  	s1 =	rddreg [dreg:$0x1];
	p0 =	sne.s32 s2, $0x0  }
0x1ea: {  	s3 =	rddreg [dreg:$0x2];
	[bflag:$0x3] =	sbarrier.arrive $0xFFFF;
	s2 =	simm.s32 @!p0 $0x1C03  }
0x1eb: {  	[timem:s3], [sflag:s2] =	dma.local @!p0 [hbm:s0], s1  }
0x1ec: {  	s0 =	simm.s32 @!p0 $0x3  }
0x1ed: {  	_ =	swait.ge @!p0 [sflag:s0], s1  }
0x1ee: {  	s1 =	ssub.s32 @!p0 $0x0, s1;
	[sflag:s0] =	ssyncset.done @!p0 $0x0  }
0x1ef: {  	[sflag:s0] =	ssyncadd.s32 @!p0 s1  }
0x1f0: {  	[bflag:$0x3] =	sbarrier.arrive $0xFFFF  }
0x1f1: {  	_ =	shalt  }

</sc_bundles>
